<compile_context>
chip_gen: v7x
topology: tpu7x:2x2x1
jax: 0.10.2.dev20260603
libtpu: 0.0.44.dev20260713+nightly
codegen_flags: <defaults>
</compile_context>

<pallas_src>
import jax
import jax.numpy as jnp
from jax import lax
from jax.experimental import pallas as pl
from jax.experimental.pallas import tpu as pltpu
from jax.experimental.pallas import tpu_sc as plsc

NUM_USERS = 5000
N_NODES = 10000
D = 128
DB = D // 16

NC = 2
NS = 16
NW = NC * NS

E_TOTAL = 320000
CH = 80
EDGES_PER_TILE = E_TOTAL // NW
N_CHUNKS = EDGES_PER_TILE // CH

N_RCH = N_NODES // CH
N_RCH_PER_TILE = (N_RCH + NS - 1) // NS

B = 16384
B_PER_TILE = B // NW
BCH = 64
NBCH = B_PER_TILE // BCH

_mesh = plsc.VectorSubcoreMesh(
    core_axis_name="c", subcore_axis_name="s", num_cores=NC, num_subcores=NS
)

_f32 = jnp.float32
_i32 = jnp.int32


def _splat(x):
    return jnp.full((16,), x, _i32)


def _propagate_body(full_h, row_h, col_h, val_h, p0_h, p1_h,
                    acc, colbuf, rowbuf, valbuf, inb, outb,
                    lsem, gsem, ssem, isem):
    c = lax.axis_index("c")
    s = lax.axis_index("s")
    wid = c * NS + s
    ebase = wid * EDGES_PER_TILE

    @pl.when(c == 1)
    def _zero_staging():
        @plsc.parallel_loop(0, CH, unroll=4)
        def _z(r):
            for j in range(DB):
                inb[0, r, pl.ds(16 * j, 16)] = jnp.zeros((16,), _f32)

    def init_issue(k):
        idx = s + k * NS

        @pl.when(idx < N_RCH)
        def _():
            base = idx * CH

            @pl.when(c == 0)
            def _c0():
                pltpu.async_copy(full_h.at[pl.ds(base, CH)],
                                 acc.at[pl.ds(base, CH)], isem)

            @pl.when(c == 1)
            def _c1():
                pltpu.async_copy(inb.at[0], acc.at[pl.ds(base, CH)], isem)

    def init_wait(k):
        idx = s + k * NS

        @pl.when(idx < N_RCH)
        def _():
            base = idx * CH

            @pl.when(c == 0)
            def _c0():
                pltpu.make_async_copy(full_h.at[pl.ds(base, CH)],
                                      acc.at[pl.ds(base, CH)], isem).wait()

            @pl.when(c == 1)
            def _c1():
                pltpu.make_async_copy(inb.at[0], acc.at[pl.ds(base, CH)],
                                      isem).wait()

    init_issue(0)

    def init_step(k, carry):
        init_issue(k)
        init_wait(k - 1)
        return carry

    lax.fori_loop(1, N_RCH_PER_TILE, init_step, 0)
    init_wait(N_RCH_PER_TILE - 1)
    plsc.subcore_barrier()


    def edge_slice(k):
        return pl.ds(ebase + k * CH, CH)

    def start_idx(k, b4, bb):
        pltpu.async_copy(col_h.at[edge_slice(k)], colbuf.at[b4], lsem.at[bb])
        pltpu.async_copy(row_h.at[edge_slice(k)], rowbuf.at[b4], lsem.at[bb])
        pltpu.async_copy(val_h.at[edge_slice(k)], valbuf.at[b4], lsem.at[bb])

    def wait_idx(k, b4, bb):
        pltpu.make_async_copy(col_h.at[edge_slice(k)], colbuf.at[b4],
                              lsem.at[bb]).wait()
        pltpu.make_async_copy(row_h.at[edge_slice(k)], rowbuf.at[b4],
                              lsem.at[bb]).wait()
        pltpu.make_async_copy(val_h.at[edge_slice(k)], valbuf.at[b4],
                              lsem.at[bb]).wait()

    def start_g(b4, bb):
        pltpu.async_copy(full_h.at[colbuf.at[b4]], inb.at[bb], gsem.at[bb])

    def wait_g(b4, bb):
        pltpu.make_async_copy(full_h.at[colbuf.at[b4]], inb.at[bb],
                              gsem.at[bb]).wait()

    def start_w(b4, bb):
        pltpu.async_copy(outb.at[bb], acc.at[rowbuf.at[b4]], ssem.at[bb],
                         add=True)

    def wait_w(bb):
        pltpu.make_async_copy(outb.at[bb], acc.at[pl.ds(0, CH)],
                              ssem.at[bb]).wait()

    def process(k, b4):
        bb = b4 % 2

        @pl.when(k + 1 < N_CHUNKS)
        def _():
            wait_idx(k + 1, (b4 + 1) % 4, 1 - bb)
            start_g((b4 + 1) % 4, 1 - bb)

        wait_g(b4, bb)

        @pl.when(k >= 2)
        def _():
            wait_w(bb)

        @pl.when(k + 2 < N_CHUNKS)
        def _():
            start_idx(k + 2, (b4 + 2) % 4, bb)

        @plsc.parallel_loop(0, CH, unroll=4)
        def _scale(r):
            vb = plsc.load_gather(valbuf, [_splat(b4), _splat(r)])
            for j in range(DB):
                outb[bb, r, pl.ds(16 * j, 16)] = inb[bb, r, pl.ds(16 * j, 16)] * vb

        start_w(b4, bb)

    start_idx(0, 0, 0)
    start_idx(1, 1, 1)
    wait_idx(0, 0, 0)
    start_g(0, 0)

    @pl.loop(0, N_CHUNKS - 1, step=4)
    def _quad(i):
        for j in range(4):
            process(i + j, j)

    process(N_CHUNKS - 1, 0)
    wait_w(0)
    wait_w(1)
    plsc.subcore_barrier()

    def wo_issue(k):
        idx = s + k * NS

        @pl.when(idx < N_RCH)
        def _():
            base = idx * CH

            @pl.when(c == 0)
            def _w0():
                pltpu.async_copy(acc.at[pl.ds(base, CH)],
                                 p0_h.at[pl.ds(base, CH)], isem)

            @pl.when(c == 1)
            def _w1():
                pltpu.async_copy(acc.at[pl.ds(base, CH)],
                                 p1_h.at[pl.ds(base, CH)], isem)

    def wo_wait(k):
        idx = s + k * NS

        @pl.when(idx < N_RCH)
        def _():
            base = idx * CH

            @pl.when(c == 0)
            def _w0():
                pltpu.make_async_copy(acc.at[pl.ds(base, CH)],
                                      p0_h.at[pl.ds(base, CH)], isem).wait()

            @pl.when(c == 1)
            def _w1():
                pltpu.make_async_copy(acc.at[pl.ds(base, CH)],
                                      p1_h.at[pl.ds(base, CH)], isem).wait()

    wo_issue(0)

    def wo_step(k, carry):
        wo_issue(k)
        wo_wait(k - 1)
        return carry

    lax.fori_loop(1, N_RCH_PER_TILE, wo_step, 0)
    wo_wait(N_RCH_PER_TILE - 1)


_propagate = pl.kernel(
    _propagate_body,
    out_type=(
        jax.ShapeDtypeStruct((N_NODES, D), _f32),
        jax.ShapeDtypeStruct((N_NODES, D), _f32),
    ),
    mesh=_mesh,
    compiler_params=pltpu.CompilerParams(needs_layout_passes=False),
    scratch_types=[
        pltpu.VMEM_SHARED((N_NODES, D), _f32),
        pltpu.VMEM((4, CH), _i32),
        pltpu.VMEM((4, CH), _i32),
        pltpu.VMEM((4, CH), _f32),
        pltpu.VMEM((2, CH, D), _f32),
        pltpu.VMEM((2, CH, D), _f32),
        pltpu.SemaphoreType.DMA((2,)),
        pltpu.SemaphoreType.DMA((2,)),
        pltpu.SemaphoreType.DMA((2,)),
        pltpu.SemaphoreType.DMA,
    ],
)


def _readout_body(uidx_h, iidx_h, p0_h, p1_h, out_h,
                  uix, iix, bu0, bu1, bi0, bi1, pbuf, outv, gsem):
    c = lax.axis_index("c")
    s = lax.axis_index("s")
    obase = (c * NS + s) * B_PER_TILE

    pltpu.sync_copy(uidx_h.at[pl.ds(obase, B_PER_TILE)], uix)
    pltpu.sync_copy(iidx_h.at[pl.ds(obase, B_PER_TILE)], iix)

    @plsc.parallel_loop(0, B_PER_TILE // 16, unroll=4)
    def _shift(k):
        iix[pl.ds(k * 16, 16)] = iix[pl.ds(k * 16, 16)] + NUM_USERS

    def start_gathers(cc, b):
        ui = uix.at[pl.ds(cc * BCH, BCH)]
        ii = iix.at[pl.ds(cc * BCH, BCH)]
        pltpu.async_copy(p0_h.at[ui], bu0.at[b], gsem.at[b])
        pltpu.async_copy(p1_h.at[ui], bu1.at[b], gsem.at[b])
        pltpu.async_copy(p0_h.at[ii], bi0.at[b], gsem.at[b])
        pltpu.async_copy(p1_h.at[ii], bi1.at[b], gsem.at[b])

    def wait_gathers(cc, b):
        ui = uix.at[pl.ds(cc * BCH, BCH)]
        ii = iix.at[pl.ds(cc * BCH, BCH)]
        pltpu.make_async_copy(p0_h.at[ui], bu0.at[b], gsem.at[b]).wait()
        pltpu.make_async_copy(p1_h.at[ui], bu1.at[b], gsem.at[b]).wait()
        pltpu.make_async_copy(p0_h.at[ii], bi0.at[b], gsem.at[b]).wait()
        pltpu.make_async_copy(p1_h.at[ii], bi1.at[b], gsem.at[b]).wait()

    def process(cc, b):
        wait_gathers(cc, b)

        def group(g, carry):
            def _el(e, carry2):
                r = g * 16 + e
                p = jnp.zeros((16,), _f32)
                for j in range(DB):
                    u = (bu0[b, r, pl.ds(16 * j, 16)]
                         + bu1[b, r, pl.ds(16 * j, 16)])
                    v = (bi0[b, r, pl.ds(16 * j, 16)]
                         + bi1[b, r, pl.ds(16 * j, 16)])
                    p = p + u * v
                pbuf[e, pl.ds(0, 16)] = p
                return carry2

            lax.fori_loop(0, 16, _el, 0)

            bvec = lax.iota(_i32, 16)

            def _red(j, a):
                return a + plsc.load_gather(pbuf, [bvec, _splat(j)])

            acc16 = lax.fori_loop(0, 16, _red, jnp.zeros((16,), _f32))
            outv[pl.ds(cc * BCH + g * 16, 16)] = acc16 * 0.25
            return carry

        lax.fori_loop(0, BCH // 16, group, 0)

        @pl.when(cc + 2 < NBCH)
        def _():
            start_gathers(cc + 2, b)

    start_gathers(0, 0)
    start_gathers(1, 1)

    @pl.loop(0, NBCH, step=2)
    def _pair(i):
        process(i, 0)
        process(i + 1, 1)

    pltpu.sync_copy(outv, out_h.at[pl.ds(obase, B_PER_TILE)])


_readout = pl.kernel(
    _readout_body,
    out_type=jax.ShapeDtypeStruct((B,), _f32),
    mesh=_mesh,
    compiler_params=pltpu.CompilerParams(needs_layout_passes=False),
    scratch_types=[
        pltpu.VMEM((B_PER_TILE,), _i32),
        pltpu.VMEM((B_PER_TILE,), _i32),
        pltpu.VMEM((2, BCH, D), _f32),
        pltpu.VMEM((2, BCH, D), _f32),
        pltpu.VMEM((2, BCH, D), _f32),
        pltpu.VMEM((2, BCH, D), _f32),
        pltpu.VMEM((16, 16), _f32),
        pltpu.VMEM((B_PER_TILE,), _f32),
        pltpu.SemaphoreType.DMA((2,)),
    ],
)


@jax.jit
def kernel(user_indices, item_indices, user_emb, item_emb, adj_row, adj_col, adj_val):
    full = jnp.concatenate([user_emb, item_emb], axis=0)
    p0, p1 = _propagate(full, adj_row, adj_col, adj_val)
    return _readout(user_indices, item_indices, p0, p1)

# --- scband reference (transcript-rebuilt; emitter-appended) ---
"""Pipeline reference for scband-light-gcn-61117384622812 (READ-ONLY COPY).

The authoritative reference and input builder live on the scoring server;
editing this copy changes nothing except your own understanding.
"""

import jax, jax.numpy as jnp
import numpy as np

USER_CNT = 5000
ITEM_CNT = 5000
N_NODES = USER_CNT + ITEM_CNT
N_EDGES = 320000
EMBED_DIM = 128
BATCH = 16384


def setup_inputs(seed: int = 0) -> dict:
    key = jax.random.key(seed)
    ks = jax.random.split(key, 7)
    user_indices = jax.random.randint(ks[0], (BATCH,), 0, USER_CNT, dtype=jnp.int32)
    item_indices = jax.random.randint(ks[1], (BATCH,), 0, ITEM_CNT, dtype=jnp.int32)
    # learned parameters: nn.Embedding weights initialized with std=0.1
    user_emb = 0.1 * jax.random.normal(ks[2], (USER_CNT, EMBED_DIM), dtype=jnp.float32)
    item_emb = 0.1 * jax.random.normal(ks[3], (ITEM_CNT, EMBED_DIM), dtype=jnp.float32)
    # sparse normalized adjacency (COO) over the full user+item node set
    adj_row = jax.random.randint(ks[4], (N_EDGES,), 0, N_NODES, dtype=jnp.int32)
    adj_col = jax.random.randint(ks[5], (N_EDGES,), 0, N_NODES, dtype=jnp.int32)
    adj_val = jax.random.uniform(ks[6], (N_EDGES,), dtype=jnp.float32) * 0.1
    return {
        "user_indices": user_indices,
        "item_indices": item_indices,
        "user_emb": user_emb,
        "item_emb": item_emb,
        "adj_row": adj_row,
        "adj_col": adj_col,
        "adj_val": adj_val,
    }


def reference(user_indices, item_indices, user_emb, item_emb, adj_row, adj_col, adj_val):
    # get_embeddings(): 1 layer of LightGCN propagation, then mean over [layer0, layer1]
    full = jnp.concatenate([user_emb, item_emb], axis=0)  # [N_NODES, D]
    # torch.sparse.mm(aggregator, full) == scatter-add of val * full[col] into row
    gathered = jnp.take(full, adj_col, axis=0)  # [E, D] gather
    msgs = adj_val[:, None] * gathered
    layer1 = jnp.zeros_like(full).at[adj_row].add(msgs)  # [N_NODES, D] scatter-add
    final = (full + layer1) * 0.5  # stack + mean over 2 layers
    final_user = final[:USER_CNT]
    final_item = final[USER_CNT:]
    u = jnp.take(final_user, user_indices, axis=0)  # [B, D]
    it = jnp.take(final_item, item_indices, axis=0)  # [B, D]
    return jnp.sum(u * it, axis=1)  # [B]

if __name__ == "__main__":
    import jax
    _d = setup_inputs()
    print(jax.jit(kernel)(*tuple(_d.values())))

</pallas_src>

<mosaic_0001>
#map = affine_map<(d0, d1) -> (0)>
#map1 = affine_map<(d0, d1) -> (0, 0)>
module attributes {stable_mosaic.version = 14 : i64} {
  func.func @_readout_body(%arg0: i32, %arg1: i32, %arg2: memref<16384xi32, #tpu.memory_space<hbm>>, %arg3: memref<16384xi32, #tpu.memory_space<hbm>>, %arg4: memref<10000x128xf32, #tpu.memory_space<hbm>>, %arg5: memref<10000x128xf32, #tpu.memory_space<hbm>>, %arg6: memref<16384xf32, #tpu.memory_space<hbm>>, %arg7: memref<512xi32, #tpu.memory_space<vmem>>, %arg8: memref<512xi32, #tpu.memory_space<vmem>>, %arg9: memref<2x64x128xf32, #tpu.memory_space<vmem>>, %arg10: memref<2x64x128xf32, #tpu.memory_space<vmem>>, %arg11: memref<2x64x128xf32, #tpu.memory_space<vmem>>, %arg12: memref<2x64x128xf32, #tpu.memory_space<vmem>>, %arg13: memref<16x16xf32, #tpu.memory_space<vmem>>, %arg14: memref<512xf32, #tpu.memory_space<vmem>>, %arg15: memref<2x!tpu.dma_semaphore, #tpu.memory_space<semaphore_mem>>) attributes {dimension_semantics = [#tpu.dimension_semantics<core_parallel>, #tpu.dimension_semantics<subcore_parallel>], iteration_bounds = array<i64: 2, 16>, scalar_prefetch = 0 : i64, scratch_operands = 9 : i64, tpu.core_type = #tpu.core_type<sc_vector_subcore>, window_params = [{transform_indices = #map}, {transform_indices = #map}, {transform_indices = #map1}, {transform_indices = #map1}, {transform_indices = #map}]} {
    %mul3A = arith.constant 16 : i32
    %mul3A_0 = arith.muli %arg0, %mul3A : i32
    %add3A = arith.addi %mul3A_0, %arg1 : i32
    %mul3A_1 = arith.constant 512 : i32
    %mul3A_2 = arith.muli %add3A, %mul3A_1 : i32
    "tpu.region"() ({
      %run_scoped3A = tpu.sem_alloc : memref<!tpu.dma_semaphore, #tpu.memory_space<semaphore_mem>>
      %dma_start3A_112 = tpu.memref_slice %arg2[%mul3A_2] : memref<16384xi32, #tpu.memory_space<hbm>> -> memref<512xi32, #tpu.memory_space<hbm>>
      %dma_start3A_113 = tpu.memref_slice %arg2[%mul3A_2] : memref<16384xi32, #tpu.memory_space<hbm>> -> memref<512xi32, #tpu.memory_space<hbm>>
      tpu.enqueue_dma source(%dma_start3A_113 : memref<512xi32, #tpu.memory_space<hbm>>) target(%arg7 : memref<512xi32, #tpu.memory_space<vmem>>) target_semaphore(%run_scoped3A : memref<!tpu.dma_semaphore, #tpu.memory_space<semaphore_mem>>)
      %dma_wait3A = tpu.memref_slice %arg2[%mul3A_2] : memref<16384xi32, #tpu.memory_space<hbm>> -> memref<512xi32, #tpu.memory_space<hbm>>
      %dma_wait3A_114 = tpu.memref_slice %arg2[%mul3A_2] : memref<16384xi32, #tpu.memory_space<hbm>> -> memref<512xi32, #tpu.memory_space<hbm>>
      tpu.wait_dma2 semaphore(%run_scoped3A : memref<!tpu.dma_semaphore, #tpu.memory_space<semaphore_mem>>) src(%dma_wait3A_114 : memref<512xi32, #tpu.memory_space<hbm>>) dst(%arg7 : memref<512xi32, #tpu.memory_space<vmem>>)
      tpu.yield
    }) : () -> ()
    "tpu.region"() ({
      %run_scoped3A = tpu.sem_alloc : memref<!tpu.dma_semaphore, #tpu.memory_space<semaphore_mem>>
      %dma_start3A_112 = tpu.memref_slice %arg3[%mul3A_2] : memref<16384xi32, #tpu.memory_space<hbm>> -> memref<512xi32, #tpu.memory_space<hbm>>
      %dma_start3A_113 = tpu.memref_slice %arg3[%mul3A_2] : memref<16384xi32, #tpu.memory_space<hbm>> -> memref<512xi32, #tpu.memory_space<hbm>>
      tpu.enqueue_dma source(%dma_start3A_113 : memref<512xi32, #tpu.memory_space<hbm>>) target(%arg8 : memref<512xi32, #tpu.memory_space<vmem>>) target_semaphore(%run_scoped3A : memref<!tpu.dma_semaphore, #tpu.memory_space<semaphore_mem>>)
      %dma_wait3A = tpu.memref_slice %arg3[%mul3A_2] : memref<16384xi32, #tpu.memory_space<hbm>> -> memref<512xi32, #tpu.memory_space<hbm>>
      %dma_wait3A_114 = tpu.memref_slice %arg3[%mul3A_2] : memref<16384xi32, #tpu.memory_space<hbm>> -> memref<512xi32, #tpu.memory_space<hbm>>
      tpu.wait_dma2 semaphore(%run_scoped3A : memref<!tpu.dma_semaphore, #tpu.memory_space<semaphore_mem>>) src(%dma_wait3A_114 : memref<512xi32, #tpu.memory_space<hbm>>) dst(%arg8 : memref<512xi32, #tpu.memory_space<vmem>>)
      tpu.yield
    }) : () -> ()
    %parallel_loop3A = arith.constant 0 : i32
    %parallel_loop3A_3 = arith.constant 32 : i32
    %parallel_loop3A_4 = arith.constant 1 : i32
    scf.for %parallel_loop3A_112 = %parallel_loop3A to %parallel_loop3A_3 step %parallel_loop3A_4  : i32 {
      %parallel_loop3A_113 = arith.constant 16 : i32
      %parallel_loop3A_114 = arith.muli %parallel_loop3A_112, %parallel_loop3A_113 : i32
      %parallel_loop3A_115 = arith.index_cast %parallel_loop3A_114 : i32 to index
      %parallel_loop3A_116 = tpu.vector_load %arg8[%parallel_loop3A_115] {strides = array<i32>} : memref<512xi32, #tpu.memory_space<vmem>>, vector<16xi32>,
      %parallel_loop3A_117 = arith.constant 5000 : i32
      %parallel_loop3A_118 = vector.broadcast %parallel_loop3A_117 : i32 to vector<16xi32>
      %parallel_loop3A_119 = arith.addi %parallel_loop3A_116, %parallel_loop3A_118 : vector<16xi32>
      %parallel_loop3A_120 = arith.constant 16 : i32
      %parallel_loop3A_121 = arith.muli %parallel_loop3A_112, %parallel_loop3A_120 : i32
      %parallel_loop3A_122 = arith.index_cast %parallel_loop3A_121 : i32 to index
      %parallel_loop3A_123 = tpu.vector_load %arg8[%parallel_loop3A_122] {strides = array<i32>} : memref<512xi32, #tpu.memory_space<vmem>>, vector<16xi32>,
      tpu.vector_store %arg8[%parallel_loop3A_122], %parallel_loop3A_119 {strides = array<i32>} : memref<512xi32, #tpu.memory_space<vmem>>, vector<16xi32>,
    } {sc.loop_unroll_factor = 4 : i64, sc.parallel_access}
    %dma_start3A = arith.constant 0 : i32
    %dma_start3A_5 = arith.constant 0 : i32
    %dma_start3A_6 = arith.constant 0 : i32
    %dma_start3A_7 = arith.constant 0 : i32
    %dma_start3A_8 = tpu.memref_slice %arg9[%dma_start3A, %dma_start3A_6, %dma_start3A_7] : memref<2x64x128xf32, #tpu.memory_space<vmem>> -> memref<1x64x128xf32, #tpu.memory_space<vmem>>
    %dma_start3A_9 = tpu.memref_squeeze %dma_start3A_8 : memref<1x64x128xf32, #tpu.memory_space<vmem>> -> memref<64x128xf32, #tpu.memory_space<vmem>>
    %dma_start3A_10 = arith.constant 0 : i32
    %dma_start3A_11 = tpu.memref_slice %arg7[%dma_start3A_10] : memref<512xi32, #tpu.memory_space<vmem>> -> memref<64xi32, #tpu.memory_space<vmem>>
    %dma_start3A_12 = arith.constant 0 : i32
    %dma_start3A_13 = arith.constant 0 : i32
    %dma_start3A_14 = tpu.memref_slice %arg4[%dma_start3A_12, %dma_start3A_13] : memref<10000x128xf32, #tpu.memory_space<hbm>> -> memref<10000x128xf32, #tpu.memory_space<hbm>>
    %dma_start3A_15 = tpu.memref_slice %arg15[%dma_start3A_5] : memref<2x!tpu.dma_semaphore, #tpu.memory_space<semaphore_mem>> -> memref<1x!tpu.dma_semaphore, #tpu.memory_space<semaphore_mem>>
    %dma_start3A_16 = tpu.memref_squeeze %dma_start3A_15 : memref<1x!tpu.dma_semaphore, #tpu.memory_space<semaphore_mem>> -> memref<!tpu.dma_semaphore, #tpu.memory_space<semaphore_mem>>
    tpu.enqueue_indirect_dma source(%dma_start3A_14 : memref<10000x128xf32, #tpu.memory_space<hbm>>) target(%dma_start3A_9 : memref<64x128xf32, #tpu.memory_space<vmem>>) offsets(%dma_start3A_11 : memref<64xi32, #tpu.memory_space<vmem>>) semaphore(%dma_start3A_16 : memref<!tpu.dma_semaphore, #tpu.memory_space<semaphore_mem>>)
    %dma_start3A_17 = arith.constant 0 : i32
    %dma_start3A_18 = arith.constant 0 : i32
    %dma_start3A_19 = arith.constant 0 : i32
    %dma_start3A_20 = arith.constant 0 : i32
    %dma_start3A_21 = tpu.memref_slice %arg10[%dma_start3A_17, %dma_start3A_19, %dma_start3A_20] : memref<2x64x128xf32, #tpu.memory_space<vmem>> -> memref<1x64x128xf32, #tpu.memory_space<vmem>>
    %dma_start3A_22 = tpu.memref_squeeze %dma_start3A_21 : memref<1x64x128xf32, #tpu.memory_space<vmem>> -> memref<64x128xf32, #tpu.memory_space<vmem>>
    %dma_start3A_23 = arith.constant 0 : i32
    %dma_start3A_24 = tpu.memref_slice %arg7[%dma_start3A_23] : memref<512xi32, #tpu.memory_space<vmem>> -> memref<64xi32, #tpu.memory_space<vmem>>
    %dma_start3A_25 = arith.constant 0 : i32
    %dma_start3A_26 = arith.constant 0 : i32
    %dma_start3A_27 = tpu.memref_slice %arg5[%dma_start3A_25, %dma_start3A_26] : memref<10000x128xf32, #tpu.memory_space<hbm>> -> memref<10000x128xf32, #tpu.memory_space<hbm>>
    %dma_start3A_28 = tpu.memref_slice %arg15[%dma_start3A_18] : memref<2x!tpu.dma_semaphore, #tpu.memory_space<semaphore_mem>> -> memref<1x!tpu.dma_semaphore, #tpu.memory_space<semaphore_mem>>
    %dma_start3A_29 = tpu.memref_squeeze %dma_start3A_28 : memref<1x!tpu.dma_semaphore, #tpu.memory_space<semaphore_mem>> -> memref<!tpu.dma_semaphore, #tpu.memory_space<semaphore_mem>>
    tpu.enqueue_indirect_dma source(%dma_start3A_27 : memref<10000x128xf32, #tpu.memory_space<hbm>>) target(%dma_start3A_22 : memref<64x128xf32, #tpu.memory_space<vmem>>) offsets(%dma_start3A_24 : memref<64xi32, #tpu.memory_space<vmem>>) semaphore(%dma_start3A_29 : memref<!tpu.dma_semaphore, #tpu.memory_space<semaphore_mem>>)
    %dma_start3A_30 = arith.constant 0 : i32
    %dma_start3A_31 = arith.constant 0 : i32
    %dma_start3A_32 = arith.constant 0 : i32
    %dma_start3A_33 = arith.constant 0 : i32
    %dma_start3A_34 = tpu.memref_slice %arg11[%dma_start3A_30, %dma_start3A_32, %dma_start3A_33] : memref<2x64x128xf32, #tpu.memory_space<vmem>> -> memref<1x64x128xf32, #tpu.memory_space<vmem>>
    %dma_start3A_35 = tpu.memref_squeeze %dma_start3A_34 : memref<1x64x128xf32, #tpu.memory_space<vmem>> -> memref<64x128xf32, #tpu.memory_space<vmem>>
    %dma_start3A_36 = arith.constant 0 : i32
    %dma_start3A_37 = tpu.memref_slice %arg8[%dma_start3A_36] : memref<512xi32, #tpu.memory_space<vmem>> -> memref<64xi32, #tpu.memory_space<vmem>>
    %dma_start3A_38 = arith.constant 0 : i32
    %dma_start3A_39 = arith.constant 0 : i32
    %dma_start3A_40 = tpu.memref_slice %arg4[%dma_start3A_38, %dma_start3A_39] : memref<10000x128xf32, #tpu.memory_space<hbm>> -> memref<10000x128xf32, #tpu.memory_space<hbm>>
    %dma_start3A_41 = tpu.memref_slice %arg15[%dma_start3A_31] : memref<2x!tpu.dma_semaphore, #tpu.memory_space<semaphore_mem>> -> memref<1x!tpu.dma_semaphore, #tpu.memory_space<semaphore_mem>>
    %dma_start3A_42 = tpu.memref_squeeze %dma_start3A_41 : memref<1x!tpu.dma_semaphore, #tpu.memory_space<semaphore_mem>> -> memref<!tpu.dma_semaphore, #tpu.memory_space<semaphore_mem>>
    tpu.enqueue_indirect_dma source(%dma_start3A_40 : memref<10000x128xf32, #tpu.memory_space<hbm>>) target(%dma_start3A_35 : memref<64x128xf32, #tpu.memory_space<vmem>>) offsets(%dma_start3A_37 : memref<64xi32, #tpu.memory_space<vmem>>) semaphore(%dma_start3A_42 : memref<!tpu.dma_semaphore, #tpu.memory_space<semaphore_mem>>)
    %dma_start3A_43 = arith.constant 0 : i32
    %dma_start3A_44 = arith.constant 0 : i32
    %dma_start3A_45 = arith.constant 0 : i32
    %dma_start3A_46 = arith.constant 0 : i32
    %dma_start3A_47 = tpu.memref_slice %arg12[%dma_start3A_43, %dma_start3A_45, %dma_start3A_46] : memref<2x64x128xf32, #tpu.memory_space<vmem>> -> memref<1x64x128xf32, #tpu.memory_space<vmem>>
    %dma_start3A_48 = tpu.memref_squeeze %dma_start3A_47 : memref<1x64x128xf32, #tpu.memory_space<vmem>> -> memref<64x128xf32, #tpu.memory_space<vmem>>
    %dma_start3A_49 = arith.constant 0 : i32
    %dma_start3A_50 = tpu.memref_slice %arg8[%dma_start3A_49] : memref<512xi32, #tpu.memory_space<vmem>> -> memref<64xi32, #tpu.memory_space<vmem>>
    %dma_start3A_51 = arith.constant 0 : i32
    %dma_start3A_52 = arith.constant 0 : i32
    %dma_start3A_53 = tpu.memref_slice %arg5[%dma_start3A_51, %dma_start3A_52] : memref<10000x128xf32, #tpu.memory_space<hbm>> -> memref<10000x128xf32, #tpu.memory_space<hbm>>
    %dma_start3A_54 = tpu.memref_slice %arg15[%dma_start3A_44] : memref<2x!tpu.dma_semaphore, #tpu.memory_space<semaphore_mem>> -> memref<1x!tpu.dma_semaphore, #tpu.memory_space<semaphore_mem>>
    %dma_start3A_55 = tpu.memref_squeeze %dma_start3A_54 : memref<1x!tpu.dma_semaphore, #tpu.memory_space<semaphore_mem>> -> memref<!tpu.dma_semaphore, #tpu.memory_space<semaphore_mem>>
    tpu.enqueue_indirect_dma source(%dma_start3A_53 : memref<10000x128xf32, #tpu.memory_space<hbm>>) target(%dma_start3A_48 : memref<64x128xf32, #tpu.memory_space<vmem>>) offsets(%dma_start3A_50 : memref<64xi32, #tpu.memory_space<vmem>>) semaphore(%dma_start3A_55 : memref<!tpu.dma_semaphore, #tpu.memory_space<semaphore_mem>>)
    %dma_start3A_56 = arith.constant 1 : i32
    %dma_start3A_57 = arith.constant 1 : i32
    %dma_start3A_58 = arith.constant 0 : i32
    %dma_start3A_59 = arith.constant 0 : i32
    %dma_start3A_60 = tpu.memref_slice %arg9[%dma_start3A_56, %dma_start3A_58, %dma_start3A_59] : memref<2x64x128xf32, #tpu.memory_space<vmem>> -> memref<1x64x128xf32, #tpu.memory_space<vmem>>
    %dma_start3A_61 = tpu.memref_squeeze %dma_start3A_60 : memref<1x64x128xf32, #tpu.memory_space<vmem>> -> memref<64x128xf32, #tpu.memory_space<vmem>>
    %dma_start3A_62 = arith.constant 64 : i32
    %dma_start3A_63 = tpu.memref_slice %arg7[%dma_start3A_62] : memref<512xi32, #tpu.memory_space<vmem>> -> memref<64xi32, #tpu.memory_space<vmem>>
    %dma_start3A_64 = arith.constant 0 : i32
    %dma_start3A_65 = arith.constant 0 : i32
    %dma_start3A_66 = tpu.memref_slice %arg4[%dma_start3A_64, %dma_start3A_65] : memref<10000x128xf32, #tpu.memory_space<hbm>> -> memref<10000x128xf32, #tpu.memory_space<hbm>>
    %dma_start3A_67 = tpu.memref_slice %arg15[%dma_start3A_57] : memref<2x!tpu.dma_semaphore, #tpu.memory_space<semaphore_mem>> -> memref<1x!tpu.dma_semaphore, #tpu.memory_space<semaphore_mem>>
    %dma_start3A_68 = tpu.memref_squeeze %dma_start3A_67 : memref<1x!tpu.dma_semaphore, #tpu.memory_space<semaphore_mem>> -> memref<!tpu.dma_semaphore, #tpu.memory_space<semaphore_mem>>
    tpu.enqueue_indirect_dma source(%dma_start3A_66 : memref<10000x128xf32, #tpu.memory_space<hbm>>) target(%dma_start3A_61 : memref<64x128xf32, #tpu.memory_space<vmem>>) offsets(%dma_start3A_63 : memref<64xi32, #tpu.memory_space<vmem>>) semaphore(%dma_start3A_68 : memref<!tpu.dma_semaphore, #tpu.memory_space<semaphore_mem>>)
    %dma_start3A_69 = arith.constant 1 : i32
    %dma_start3A_70 = arith.constant 1 : i32
    %dma_start3A_71 = arith.constant 0 : i32
    %dma_start3A_72 = arith.constant 0 : i32
    %dma_start3A_73 = tpu.memref_slice %arg10[%dma_start3A_69, %dma_start3A_71, %dma_start3A_72] : memref<2x64x128xf32, #tpu.memory_space<vmem>> -> memref<1x64x128xf32, #tpu.memory_space<vmem>>
    %dma_start3A_74 = tpu.memref_squeeze %dma_start3A_73 : memref<1x64x128xf32, #tpu.memory_space<vmem>> -> memref<64x128xf32, #tpu.memory_space<vmem>>
    %dma_start3A_75 = arith.constant 64 : i32
    %dma_start3A_76 = tpu.memref_slice %arg7[%dma_start3A_75] : memref<512xi32, #tpu.memory_space<vmem>> -> memref<64xi32, #tpu.memory_space<vmem>>
    %dma_start3A_77 = arith.constant 0 : i32
    %dma_start3A_78 = arith.constant 0 : i32
    %dma_start3A_79 = tpu.memref_slice %arg5[%dma_start3A_77, %dma_start3A_78] : memref<10000x128xf32, #tpu.memory_space<hbm>> -> memref<10000x128xf32, #tpu.memory_space<hbm>>
    %dma_start3A_80 = tpu.memref_slice %arg15[%dma_start3A_70] : memref<2x!tpu.dma_semaphore, #tpu.memory_space<semaphore_mem>> -> memref<1x!tpu.dma_semaphore, #tpu.memory_space<semaphore_mem>>
    %dma_start3A_81 = tpu.memref_squeeze %dma_start3A_80 : memref<1x!tpu.dma_semaphore, #tpu.memory_space<semaphore_mem>> -> memref<!tpu.dma_semaphore, #tpu.memory_space<semaphore_mem>>
    tpu.enqueue_indirect_dma source(%dma_start3A_79 : memref<10000x128xf32, #tpu.memory_space<hbm>>) target(%dma_start3A_74 : memref<64x128xf32, #tpu.memory_space<vmem>>) offsets(%dma_start3A_76 : memref<64xi32, #tpu.memory_space<vmem>>) semaphore(%dma_start3A_81 : memref<!tpu.dma_semaphore, #tpu.memory_space<semaphore_mem>>)
    %dma_start3A_82 = arith.constant 1 : i32
    %dma_start3A_83 = arith.constant 1 : i32
    %dma_start3A_84 = arith.constant 0 : i32
    %dma_start3A_85 = arith.constant 0 : i32
    %dma_start3A_86 = tpu.memref_slice %arg11[%dma_start3A_82, %dma_start3A_84, %dma_start3A_85] : memref<2x64x128xf32, #tpu.memory_space<vmem>> -> memref<1x64x128xf32, #tpu.memory_space<vmem>>
    %dma_start3A_87 = tpu.memref_squeeze %dma_start3A_86 : memref<1x64x128xf32, #tpu.memory_space<vmem>> -> memref<64x128xf32, #tpu.memory_space<vmem>>
    %dma_start3A_88 = arith.constant 64 : i32
    %dma_start3A_89 = tpu.memref_slice %arg8[%dma_start3A_88] : memref<512xi32, #tpu.memory_space<vmem>> -> memref<64xi32, #tpu.memory_space<vmem>>
    %dma_start3A_90 = arith.constant 0 : i32
    %dma_start3A_91 = arith.constant 0 : i32
    %dma_start3A_92 = tpu.memref_slice %arg4[%dma_start3A_90, %dma_start3A_91] : memref<10000x128xf32, #tpu.memory_space<hbm>> -> memref<10000x128xf32, #tpu.memory_space<hbm>>
    %dma_start3A_93 = tpu.memref_slice %arg15[%dma_start3A_83] : memref<2x!tpu.dma_semaphore, #tpu.memory_space<semaphore_mem>> -> memref<1x!tpu.dma_semaphore, #tpu.memory_space<semaphore_mem>>
    %dma_start3A_94 = tpu.memref_squeeze %dma_start3A_93 : memref<1x!tpu.dma_semaphore, #tpu.memory_space<semaphore_mem>> -> memref<!tpu.dma_semaphore, #tpu.memory_space<semaphore_mem>>
    tpu.enqueue_indirect_dma source(%dma_start3A_92 : memref<10000x128xf32, #tpu.memory_space<hbm>>) target(%dma_start3A_87 : memref<64x128xf32, #tpu.memory_space<vmem>>) offsets(%dma_start3A_89 : memref<64xi32, #tpu.memory_space<vmem>>) semaphore(%dma_start3A_94 : memref<!tpu.dma_semaphore, #tpu.memory_space<semaphore_mem>>)
    %dma_start3A_95 = arith.constant 1 : i32
    %dma_start3A_96 = arith.constant 1 : i32
    %dma_start3A_97 = arith.constant 0 : i32
    %dma_start3A_98 = arith.constant 0 : i32
    %dma_start3A_99 = tpu.memref_slice %arg12[%dma_start3A_95, %dma_start3A_97, %dma_start3A_98] : memref<2x64x128xf32, #tpu.memory_space<vmem>> -> memref<1x64x128xf32, #tpu.memory_space<vmem>>
    %dma_start3A_100 = tpu.memref_squeeze %dma_start3A_99 : memref<1x64x128xf32, #tpu.memory_space<vmem>> -> memref<64x128xf32, #tpu.memory_space<vmem>>
    %dma_start3A_101 = arith.constant 64 : i32
    %dma_start3A_102 = tpu.memref_slice %arg8[%dma_start3A_101] : memref<512xi32, #tpu.memory_space<vmem>> -> memref<64xi32, #tpu.memory_space<vmem>>
    %dma_start3A_103 = arith.constant 0 : i32
    %dma_start3A_104 = arith.constant 0 : i32
    %dma_start3A_105 = tpu.memref_slice %arg5[%dma_start3A_103, %dma_start3A_104] : memref<10000x128xf32, #tpu.memory_space<hbm>> -> memref<10000x128xf32, #tpu.memory_space<hbm>>
    %dma_start3A_106 = tpu.memref_slice %arg15[%dma_start3A_96] : memref<2x!tpu.dma_semaphore, #tpu.memory_space<semaphore_mem>> -> memref<1x!tpu.dma_semaphore, #tpu.memory_space<semaphore_mem>>
    %dma_start3A_107 = tpu.memref_squeeze %dma_start3A_106 : memref<1x!tpu.dma_semaphore, #tpu.memory_space<semaphore_mem>> -> memref<!tpu.dma_semaphore, #tpu.memory_space<semaphore_mem>>
    tpu.enqueue_indirect_dma source(%dma_start3A_105 : memref<10000x128xf32, #tpu.memory_space<hbm>>) target(%dma_start3A_100 : memref<64x128xf32, #tpu.memory_space<vmem>>) offsets(%dma_start3A_102 : memref<64xi32, #tpu.memory_space<vmem>>) semaphore(%dma_start3A_107 : memref<!tpu.dma_semaphore, #tpu.memory_space<semaphore_mem>>)
    %scan3A = arith.constant 0 : i32
    %scan3A_108 = arith.constant 4 : i32
    %scan3A_109 = arith.addi %scan3A, %scan3A_108 : i32
    %scan3A_110 = arith.constant 1 : i32
    scf.for %scan3A_112 = %scan3A to %scan3A_109 step %scan3A_110  : i32 {
      %mul3A_113 = arith.constant 2 : i32
      %mul3A_114 = arith.muli %scan3A_112, %mul3A_113 : i32
      %add3A_115 = arith.constant 0 : i32
      %add3A_116 = arith.addi %add3A_115, %mul3A_114 : i32
      %mul3A_117 = arith.constant 64 : i32
      %mul3A_118 = arith.muli %add3A_116, %mul3A_117 : i32
      %mul3A_119 = arith.constant 64 : i32
      %mul3A_120 = arith.muli %add3A_116, %mul3A_119 : i32
      %dma_wait3A = arith.constant 0 : i32
      %dma_wait3A_121 = arith.constant 0 : i32
      %dma_wait3A_122 = arith.constant 0 : i32
      %dma_wait3A_123 = arith.constant 0 : i32
      %dma_wait3A_124 = tpu.memref_slice %arg9[%dma_wait3A, %dma_wait3A_122, %dma_wait3A_123] : memref<2x64x128xf32, #tpu.memory_space<vmem>> -> memref<1x64x128xf32, #tpu.memory_space<vmem>>
      %dma_wait3A_125 = tpu.memref_squeeze %dma_wait3A_124 : memref<1x64x128xf32, #tpu.memory_space<vmem>> -> memref<64x128xf32, #tpu.memory_space<vmem>>
      %dma_wait3A_126 = tpu.memref_slice %arg7[%mul3A_118] : memref<512xi32, #tpu.memory_space<vmem>> -> memref<64xi32, #tpu.memory_space<vmem>>
      %dma_wait3A_127 = arith.constant 0 : i32
      %dma_wait3A_128 = arith.constant 0 : i32
      %dma_wait3A_129 = tpu.memref_slice %arg4[%dma_wait3A_127, %dma_wait3A_128] : memref<10000x128xf32, #tpu.memory_space<hbm>> -> memref<10000x128xf32, #tpu.memory_space<hbm>>
      %dma_wait3A_130 = tpu.memref_slice %arg15[%dma_wait3A_121] : memref<2x!tpu.dma_semaphore, #tpu.memory_space<semaphore_mem>> -> memref<1x!tpu.dma_semaphore, #tpu.memory_space<semaphore_mem>>
      %dma_wait3A_131 = tpu.memref_squeeze %dma_wait3A_130 : memref<1x!tpu.dma_semaphore, #tpu.memory_space<semaphore_mem>> -> memref<!tpu.dma_semaphore, #tpu.memory_space<semaphore_mem>>
      tpu.wait_indirect_dma semaphore(%dma_wait3A_131 : memref<!tpu.dma_semaphore, #tpu.memory_space<semaphore_mem>>) src(%dma_wait3A_129 : memref<10000x128xf32, #tpu.memory_space<hbm>>) dst(%dma_wait3A_125 : memref<64x128xf32, #tpu.memory_space<vmem>>)
      %dma_wait3A_132 = arith.constant 0 : i32
      %dma_wait3A_133 = arith.constant 0 : i32
      %dma_wait3A_134 = arith.constant 0 : i32
      %dma_wait3A_135 = arith.constant 0 : i32
      %dma_wait3A_136 = tpu.memref_slice %arg10[%dma_wait3A_132, %dma_wait3A_134, %dma_wait3A_135] : memref<2x64x128xf32, #tpu.memory_space<vmem>> -> memref<1x64x128xf32, #tpu.memory_space<vmem>>
      %dma_wait3A_137 = tpu.memref_squeeze %dma_wait3A_136 : memref<1x64x128xf32, #tpu.memory_space<vmem>> -> memref<64x128xf32, #tpu.memory_space<vmem>>
      %dma_wait3A_138 = tpu.memref_slice %arg7[%mul3A_118] : memref<512xi32, #tpu.memory_space<vmem>> -> memref<64xi32, #tpu.memory_space<vmem>>
      %dma_wait3A_139 = arith.constant 0 : i32
      %dma_wait3A_140 = arith.constant 0 : i32
      %dma_wait3A_141 = tpu.memref_slice %arg5[%dma_wait3A_139, %dma_wait3A_140] : memref<10000x128xf32, #tpu.memory_space<hbm>> -> memref<10000x128xf32, #tpu.memory_space<hbm>>
      %dma_wait3A_142 = tpu.memref_slice %arg15[%dma_wait3A_133] : memref<2x!tpu.dma_semaphore, #tpu.memory_space<semaphore_mem>> -> memref<1x!tpu.dma_semaphore, #tpu.memory_space<semaphore_mem>>
      %dma_wait3A_143 = tpu.memref_squeeze %dma_wait3A_142 : memref<1x!tpu.dma_semaphore, #tpu.memory_space<semaphore_mem>> -> memref<!tpu.dma_semaphore, #tpu.memory_space<semaphore_mem>>
      tpu.wait_indirect_dma semaphore(%dma_wait3A_143 : memref<!tpu.dma_semaphore, #tpu.memory_space<semaphore_mem>>) src(%dma_wait3A_141 : memref<10000x128xf32, #tpu.memory_space<hbm>>) dst(%dma_wait3A_137 : memref<64x128xf32, #tpu.memory_space<vmem>>)
      %dma_wait3A_144 = arith.constant 0 : i32
      %dma_wait3A_145 = arith.constant 0 : i32
      %dma_wait3A_146 = arith.constant 0 : i32
      %dma_wait3A_147 = arith.constant 0 : i32
      %dma_wait3A_148 = tpu.memref_slice %arg11[%dma_wait3A_144, %dma_wait3A_146, %dma_wait3A_147] : memref<2x64x128xf32, #tpu.memory_space<vmem>> -> memref<1x64x128xf32, #tpu.memory_space<vmem>>
      %dma_wait3A_149 = tpu.memref_squeeze %dma_wait3A_148 : memref<1x64x128xf32, #tpu.memory_space<vmem>> -> memref<64x128xf32, #tpu.memory_space<vmem>>
      %dma_wait3A_150 = tpu.memref_slice %arg8[%mul3A_120] : memref<512xi32, #tpu.memory_space<vmem>> -> memref<64xi32, #tpu.memory_space<vmem>>
      %dma_wait3A_151 = arith.constant 0 : i32
      %dma_wait3A_152 = arith.constant 0 : i32
      %dma_wait3A_153 = tpu.memref_slice %arg4[%dma_wait3A_151, %dma_wait3A_152] : memref<10000x128xf32, #tpu.memory_space<hbm>> -> memref<10000x128xf32, #tpu.memory_space<hbm>>
      %dma_wait3A_154 = tpu.memref_slice %arg15[%dma_wait3A_145] : memref<2x!tpu.dma_semaphore, #tpu.memory_space<semaphore_mem>> -> memref<1x!tpu.dma_semaphore, #tpu.memory_space<semaphore_mem>>
      %dma_wait3A_155 = tpu.memref_squeeze %dma_wait3A_154 : memref<1x!tpu.dma_semaphore, #tpu.memory_space<semaphore_mem>> -> memref<!tpu.dma_semaphore, #tpu.memory_space<semaphore_mem>>
      tpu.wait_indirect_dma semaphore(%dma_wait3A_155 : memref<!tpu.dma_semaphore, #tpu.memory_space<semaphore_mem>>) src(%dma_wait3A_153 : memref<10000x128xf32, #tpu.memory_space<hbm>>) dst(%dma_wait3A_149 : memref<64x128xf32, #tpu.memory_space<vmem>>)
      %dma_wait3A_156 = arith.constant 0 : i32
      %dma_wait3A_157 = arith.constant 0 : i32
      %dma_wait3A_158 = arith.constant 0 : i32
      %dma_wait3A_159 = arith.constant 0 : i32
      %dma_wait3A_160 = tpu.memref_slice %arg12[%dma_wait3A_156, %dma_wait3A_158, %dma_wait3A_159] : memref<2x64x128xf32, #tpu.memory_space<vmem>> -> memref<1x64x128xf32, #tpu.memory_space<vmem>>
      %dma_wait3A_161 = tpu.memref_squeeze %dma_wait3A_160 : memref<1x64x128xf32, #tpu.memory_space<vmem>> -> memref<64x128xf32, #tpu.memory_space<vmem>>
      %dma_wait3A_162 = tpu.memref_slice %arg8[%mul3A_120] : memref<512xi32, #tpu.memory_space<vmem>> -> memref<64xi32, #tpu.memory_space<vmem>>
      %dma_wait3A_163 = arith.constant 0 : i32
      %dma_wait3A_164 = arith.constant 0 : i32
      %dma_wait3A_165 = tpu.memref_slice %arg5[%dma_wait3A_163, %dma_wait3A_164] : memref<10000x128xf32, #tpu.memory_space<hbm>> -> memref<10000x128xf32, #tpu.memory_space<hbm>>
      %dma_wait3A_166 = tpu.memref_slice %arg15[%dma_wait3A_157] : memref<2x!tpu.dma_semaphore, #tpu.memory_space<semaphore_mem>> -> memref<1x!tpu.dma_semaphore, #tpu.memory_space<semaphore_mem>>
      %dma_wait3A_167 = tpu.memref_squeeze %dma_wait3A_166 : memref<1x!tpu.dma_semaphore, #tpu.memory_space<semaphore_mem>> -> memref<!tpu.dma_semaphore, #tpu.memory_space<semaphore_mem>>
      tpu.wait_indirect_dma semaphore(%dma_wait3A_167 : memref<!tpu.dma_semaphore, #tpu.memory_space<semaphore_mem>>) src(%dma_wait3A_165 : memref<10000x128xf32, #tpu.memory_space<hbm>>) dst(%dma_wait3A_161 : memref<64x128xf32, #tpu.memory_space<vmem>>)
      %scan3A_168 = arith.constant 0 : i32
      %scan3A_169 = arith.constant 0 : i32
      %scan3A_170 = arith.constant 4 : i32
      %scan3A_171 = arith.addi %scan3A_169, %scan3A_170 : i32
      %scan3A_172 = arith.constant 1 : i32
      scf.for %scan3A_245 = %scan3A_169 to %scan3A_171 step %scan3A_172  : i32 {
        %scan3A_246 = arith.constant 0 : i32
        %scan3A_247 = arith.constant 0 : i32
        %scan3A_248 = arith.constant 16 : i32
        %scan3A_249 = arith.addi %scan3A_247, %scan3A_248 : i32
        %scan3A_250 = arith.constant 1 : i32
        scf.for %scan3A_268 = %scan3A_247 to %scan3A_249 step %scan3A_250  : i32 {
          %mul3A_269 = arith.constant 16 : i32
          %mul3A_270 = arith.muli %scan3A_245, %mul3A_269 : i32
          %add3A_271 = arith.addi %mul3A_270, %scan3A_268 : i32
          %broadcast_in_dim3A_272 = arith.constant 0.000000e+00 : f32
          %broadcast_in_dim3A_273 = vector.broadcast %broadcast_in_dim3A_272 : f32 to vector<16xf32>
          %get3A = arith.constant 0 : i32
          %get3A_274 = arith.index_cast %get3A : i32 to index
          %get3A_275 = arith.index_cast %add3A_271 : i32 to index
          %get3A_276 = arith.constant 0 : index
          %get3A_277 = tpu.vector_load %arg9[%get3A_274, %get3A_275, %get3A_276] {strides = array<i32>} : memref<2x64x128xf32, #tpu.memory_space<vmem>>, vector<16xf32>,
          %get3A_278 = arith.constant 0 : i32
          %get3A_279 = arith.index_cast %get3A_278 : i32 to index
          %get3A_280 = arith.index_cast %add3A_271 : i32 to index
          %get3A_281 = arith.constant 0 : index
          %get3A_282 = tpu.vector_load %arg10[%get3A_279, %get3A_280, %get3A_281] {strides = array<i32>} : memref<2x64x128xf32, #tpu.memory_space<vmem>>, vector<16xf32>,
          %add3A_283 = arith.addf %get3A_277, %get3A_282 : vector<16xf32>
          %get3A_284 = arith.constant 0 : i32
          %get3A_285 = arith.index_cast %get3A_284 : i32 to index
          %get3A_286 = arith.index_cast %add3A_271 : i32 to index
          %get3A_287 = arith.constant 0 : index
          %get3A_288 = tpu.vector_load %arg11[%get3A_285, %get3A_286, %get3A_287] {strides = array<i32>} : memref<2x64x128xf32, #tpu.memory_space<vmem>>, vector<16xf32>,
          %get3A_289 = arith.constant 0 : i32
          %get3A_290 = arith.index_cast %get3A_289 : i32 to index
          %get3A_291 = arith.index_cast %add3A_271 : i32 to index
          %get3A_292 = arith.constant 0 : index
          %get3A_293 = tpu.vector_load %arg12[%get3A_290, %get3A_291, %get3A_292] {strides = array<i32>} : memref<2x64x128xf32, #tpu.memory_space<vmem>>, vector<16xf32>,
          %add3A_294 = arith.addf %get3A_288, %get3A_293 : vector<16xf32>
          %mul3A_295 = arith.mulf %add3A_283, %add3A_294 : vector<16xf32>
          %add3A_296 = arith.addf %broadcast_in_dim3A_273, %mul3A_295 : vector<16xf32>
          %get3A_297 = arith.constant 0 : i32
          %get3A_298 = arith.index_cast %get3A_297 : i32 to index
          %get3A_299 = arith.index_cast %add3A_271 : i32 to index
          %get3A_300 = arith.constant 16 : index
          %get3A_301 = tpu.vector_load %arg9[%get3A_298, %get3A_299, %get3A_300] {strides = array<i32>} : memref<2x64x128xf32, #tpu.memory_space<vmem>>, vector<16xf32>,
          %get3A_302 = arith.constant 0 : i32
          %get3A_303 = arith.index_cast %get3A_302 : i32 to index
          %get3A_304 = arith.index_cast %add3A_271 : i32 to index
          %get3A_305 = arith.constant 16 : index
          %get3A_306 = tpu.vector_load %arg10[%get3A_303, %get3A_304, %get3A_305] {strides = array<i32>} : memref<2x64x128xf32, #tpu.memory_space<vmem>>, vector<16xf32>,
          %add3A_307 = arith.addf %get3A_301, %get3A_306 : vector<16xf32>
          %get3A_308 = arith.constant 0 : i32
          %get3A_309 = arith.index_cast %get3A_308 : i32 to index
          %get3A_310 = arith.index_cast %add3A_271 : i32 to index
          %get3A_311 = arith.constant 16 : index
          %get3A_312 = tpu.vector_load %arg11[%get3A_309, %get3A_310, %get3A_311] {strides = array<i32>} : memref<2x64x128xf32, #tpu.memory_space<vmem>>, vector<16xf32>,
          %get3A_313 = arith.constant 0 : i32
          %get3A_314 = arith.index_cast %get3A_313 : i32 to index
          %get3A_315 = arith.index_cast %add3A_271 : i32 to index
          %get3A_316 = arith.constant 16 : index
          %get3A_317 = tpu.vector_load %arg12[%get3A_314, %get3A_315, %get3A_316] {strides = array<i32>} : memref<2x64x128xf32, #tpu.memory_space<vmem>>, vector<16xf32>,
          %add3A_318 = arith.addf %get3A_312, %get3A_317 : vector<16xf32>
          %mul3A_319 = arith.mulf %add3A_307, %add3A_318 : vector<16xf32>
          %add3A_320 = arith.addf %add3A_296, %mul3A_319 : vector<16xf32>
          %get3A_321 = arith.constant 0 : i32
          %get3A_322 = arith.index_cast %get3A_321 : i32 to index
          %get3A_323 = arith.index_cast %add3A_271 : i32 to index
          %get3A_324 = arith.constant 32 : index
          %get3A_325 = tpu.vector_load %arg9[%get3A_322, %get3A_323, %get3A_324] {strides = array<i32>} : memref<2x64x128xf32, #tpu.memory_space<vmem>>, vector<16xf32>,
          %get3A_326 = arith.constant 0 : i32
          %get3A_327 = arith.index_cast %get3A_326 : i32 to index
          %get3A_328 = arith.index_cast %add3A_271 : i32 to index
          %get3A_329 = arith.constant 32 : index
          %get3A_330 = tpu.vector_load %arg10[%get3A_327, %get3A_328, %get3A_329] {strides = array<i32>} : memref<2x64x128xf32, #tpu.memory_space<vmem>>, vector<16xf32>,
          %add3A_331 = arith.addf %get3A_325, %get3A_330 : vector<16xf32>
          %get3A_332 = arith.constant 0 : i32
          %get3A_333 = arith.index_cast %get3A_332 : i32 to index
          %get3A_334 = arith.index_cast %add3A_271 : i32 to index
          %get3A_335 = arith.constant 32 : index
          %get3A_336 = tpu.vector_load %arg11[%get3A_333, %get3A_334, %get3A_335] {strides = array<i32>} : memref<2x64x128xf32, #tpu.memory_space<vmem>>, vector<16xf32>,
          %get3A_337 = arith.constant 0 : i32
          %get3A_338 = arith.index_cast %get3A_337 : i32 to index
          %get3A_339 = arith.index_cast %add3A_271 : i32 to index
          %get3A_340 = arith.constant 32 : index
          %get3A_341 = tpu.vector_load %arg12[%get3A_338, %get3A_339, %get3A_340] {strides = array<i32>} : memref<2x64x128xf32, #tpu.memory_space<vmem>>, vector<16xf32>,
          %add3A_342 = arith.addf %get3A_336, %get3A_341 : vector<16xf32>
          %mul3A_343 = arith.mulf %add3A_331, %add3A_342 : vector<16xf32>
          %add3A_344 = arith.addf %add3A_320, %mul3A_343 : vector<16xf32>
          %get3A_345 = arith.constant 0 : i32
          %get3A_346 = arith.index_cast %get3A_345 : i32 to index
          %get3A_347 = arith.index_cast %add3A_271 : i32 to index
          %get3A_348 = arith.constant 48 : index
          %get3A_349 = tpu.vector_load %arg9[%get3A_346, %get3A_347, %get3A_348] {strides = array<i32>} : memref<2x64x128xf32, #tpu.memory_space<vmem>>, vector<16xf32>,
          %get3A_350 = arith.constant 0 : i32
          %get3A_351 = arith.index_cast %get3A_350 : i32 to index
          %get3A_352 = arith.index_cast %add3A_271 : i32 to index
          %get3A_353 = arith.constant 48 : index
          %get3A_354 = tpu.vector_load %arg10[%get3A_351, %get3A_352, %get3A_353] {strides = array<i32>} : memref<2x64x128xf32, #tpu.memory_space<vmem>>, vector<16xf32>,
          %add3A_355 = arith.addf %get3A_349, %get3A_354 : vector<16xf32>
          %get3A_356 = arith.constant 0 : i32
          %get3A_357 = arith.index_cast %get3A_356 : i32 to index
          %get3A_358 = arith.index_cast %add3A_271 : i32 to index
          %get3A_359 = arith.constant 48 : index
          %get3A_360 = tpu.vector_load %arg11[%get3A_357, %get3A_358, %get3A_359] {strides = array<i32>} : memref<2x64x128xf32, #tpu.memory_space<vmem>>, vector<16xf32>,
          %get3A_361 = arith.constant 0 : i32
          %get3A_362 = arith.index_cast %get3A_361 : i32 to index
          %get3A_363 = arith.index_cast %add3A_271 : i32 to index
          %get3A_364 = arith.constant 48 : index
          %get3A_365 = tpu.vector_load %arg12[%get3A_362, %get3A_363, %get3A_364] {strides = array<i32>} : memref<2x64x128xf32, #tpu.memory_space<vmem>>, vector<16xf32>,
          %add3A_366 = arith.addf %get3A_360, %get3A_365 : vector<16xf32>
          %mul3A_367 = arith.mulf %add3A_355, %add3A_366 : vector<16xf32>
          %add3A_368 = arith.addf %add3A_344, %mul3A_367 : vector<16xf32>
          %get3A_369 = arith.constant 0 : i32
          %get3A_370 = arith.index_cast %get3A_369 : i32 to index
          %get3A_371 = arith.index_cast %add3A_271 : i32 to index
          %get3A_372 = arith.constant 64 : index
          %get3A_373 = tpu.vector_load %arg9[%get3A_370, %get3A_371, %get3A_372] {strides = array<i32>} : memref<2x64x128xf32, #tpu.memory_space<vmem>>, vector<16xf32>,
          %get3A_374 = arith.constant 0 : i32
          %get3A_375 = arith.index_cast %get3A_374 : i32 to index
          %get3A_376 = arith.index_cast %add3A_271 : i32 to index
          %get3A_377 = arith.constant 64 : index
          %get3A_378 = tpu.vector_load %arg10[%get3A_375, %get3A_376, %get3A_377] {strides = array<i32>} : memref<2x64x128xf32, #tpu.memory_space<vmem>>, vector<16xf32>,
          %add3A_379 = arith.addf %get3A_373, %get3A_378 : vector<16xf32>
          %get3A_380 = arith.constant 0 : i32
          %get3A_381 = arith.index_cast %get3A_380 : i32 to index
          %get3A_382 = arith.index_cast %add3A_271 : i32 to index
          %get3A_383 = arith.constant 64 : index
          %get3A_384 = tpu.vector_load %arg11[%get3A_381, %get3A_382, %get3A_383] {strides = array<i32>} : memref<2x64x128xf32, #tpu.memory_space<vmem>>, vector<16xf32>,
          %get3A_385 = arith.constant 0 : i32
          %get3A_386 = arith.index_cast %get3A_385 : i32 to index
          %get3A_387 = arith.index_cast %add3A_271 : i32 to index
          %get3A_388 = arith.constant 64 : index
          %get3A_389 = tpu.vector_load %arg12[%get3A_386, %get3A_387, %get3A_388] {strides = array<i32>} : memref<2x64x128xf32, #tpu.memory_space<vmem>>, vector<16xf32>,
          %add3A_390 = arith.addf %get3A_384, %get3A_389 : vector<16xf32>
          %mul3A_391 = arith.mulf %add3A_379, %add3A_390 : vector<16xf32>
          %add3A_392 = arith.addf %add3A_368, %mul3A_391 : vector<16xf32>
          %get3A_393 = arith.constant 0 : i32
          %get3A_394 = arith.index_cast %get3A_393 : i32 to index
          %get3A_395 = arith.index_cast %add3A_271 : i32 to index
          %get3A_396 = arith.constant 80 : index
          %get3A_397 = tpu.vector_load %arg9[%get3A_394, %get3A_395, %get3A_396] {strides = array<i32>} : memref<2x64x128xf32, #tpu.memory_space<vmem>>, vector<16xf32>,
          %get3A_398 = arith.constant 0 : i32
          %get3A_399 = arith.index_cast %get3A_398 : i32 to index
          %get3A_400 = arith.index_cast %add3A_271 : i32 to index
          %get3A_401 = arith.constant 80 : index
          %get3A_402 = tpu.vector_load %arg10[%get3A_399, %get3A_400, %get3A_401] {strides = array<i32>} : memref<2x64x128xf32, #tpu.memory_space<vmem>>, vector<16xf32>,
          %add3A_403 = arith.addf %get3A_397, %get3A_402 : vector<16xf32>
          %get3A_404 = arith.constant 0 : i32
          %get3A_405 = arith.index_cast %get3A_404 : i32 to index
          %get3A_406 = arith.index_cast %add3A_271 : i32 to index
          %get3A_407 = arith.constant 80 : index
          %get3A_408 = tpu.vector_load %arg11[%get3A_405, %get3A_406, %get3A_407] {strides = array<i32>} : memref<2x64x128xf32, #tpu.memory_space<vmem>>, vector<16xf32>,
          %get3A_409 = arith.constant 0 : i32
          %get3A_410 = arith.index_cast %get3A_409 : i32 to index
          %get3A_411 = arith.index_cast %add3A_271 : i32 to index
          %get3A_412 = arith.constant 80 : index
          %get3A_413 = tpu.vector_load %arg12[%get3A_410, %get3A_411, %get3A_412] {strides = array<i32>} : memref<2x64x128xf32, #tpu.memory_space<vmem>>, vector<16xf32>,
          %add3A_414 = arith.addf %get3A_408, %get3A_413 : vector<16xf32>
          %mul3A_415 = arith.mulf %add3A_403, %add3A_414 : vector<16xf32>
          %add3A_416 = arith.addf %add3A_392, %mul3A_415 : vector<16xf32>
          %get3A_417 = arith.constant 0 : i32
          %get3A_418 = arith.index_cast %get3A_417 : i32 to index
          %get3A_419 = arith.index_cast %add3A_271 : i32 to index
          %get3A_420 = arith.constant 96 : index
          %get3A_421 = tpu.vector_load %arg9[%get3A_418, %get3A_419, %get3A_420] {strides = array<i32>} : memref<2x64x128xf32, #tpu.memory_space<vmem>>, vector<16xf32>,
          %get3A_422 = arith.constant 0 : i32
          %get3A_423 = arith.index_cast %get3A_422 : i32 to index
          %get3A_424 = arith.index_cast %add3A_271 : i32 to index
          %get3A_425 = arith.constant 96 : index
          %get3A_426 = tpu.vector_load %arg10[%get3A_423, %get3A_424, %get3A_425] {strides = array<i32>} : memref<2x64x128xf32, #tpu.memory_space<vmem>>, vector<16xf32>,
          %add3A_427 = arith.addf %get3A_421, %get3A_426 : vector<16xf32>
          %get3A_428 = arith.constant 0 : i32
          %get3A_429 = arith.index_cast %get3A_428 : i32 to index
          %get3A_430 = arith.index_cast %add3A_271 : i32 to index
          %get3A_431 = arith.constant 96 : index
          %get3A_432 = tpu.vector_load %arg11[%get3A_429, %get3A_430, %get3A_431] {strides = array<i32>} : memref<2x64x128xf32, #tpu.memory_space<vmem>>, vector<16xf32>,
          %get3A_433 = arith.constant 0 : i32
          %get3A_434 = arith.index_cast %get3A_433 : i32 to index
          %get3A_435 = arith.index_cast %add3A_271 : i32 to index
          %get3A_436 = arith.constant 96 : index
          %get3A_437 = tpu.vector_load %arg12[%get3A_434, %get3A_435, %get3A_436] {strides = array<i32>} : memref<2x64x128xf32, #tpu.memory_space<vmem>>, vector<16xf32>,
          %add3A_438 = arith.addf %get3A_432, %get3A_437 : vector<16xf32>
          %mul3A_439 = arith.mulf %add3A_427, %add3A_438 : vector<16xf32>
          %add3A_440 = arith.addf %add3A_416, %mul3A_439 : vector<16xf32>
          %get3A_441 = arith.constant 0 : i32
          %get3A_442 = arith.index_cast %get3A_441 : i32 to index
          %get3A_443 = arith.index_cast %add3A_271 : i32 to index
          %get3A_444 = arith.constant 112 : index
          %get3A_445 = tpu.vector_load %arg9[%get3A_442, %get3A_443, %get3A_444] {strides = array<i32>} : memref<2x64x128xf32, #tpu.memory_space<vmem>>, vector<16xf32>,
          %get3A_446 = arith.constant 0 : i32
          %get3A_447 = arith.index_cast %get3A_446 : i32 to index
          %get3A_448 = arith.index_cast %add3A_271 : i32 to index
          %get3A_449 = arith.constant 112 : index
          %get3A_450 = tpu.vector_load %arg10[%get3A_447, %get3A_448, %get3A_449] {strides = array<i32>} : memref<2x64x128xf32, #tpu.memory_space<vmem>>, vector<16xf32>,
          %add3A_451 = arith.addf %get3A_445, %get3A_450 : vector<16xf32>
          %get3A_452 = arith.constant 0 : i32
          %get3A_453 = arith.index_cast %get3A_452 : i32 to index
          %get3A_454 = arith.index_cast %add3A_271 : i32 to index
          %get3A_455 = arith.constant 112 : index
          %get3A_456 = tpu.vector_load %arg11[%get3A_453, %get3A_454, %get3A_455] {strides = array<i32>} : memref<2x64x128xf32, #tpu.memory_space<vmem>>, vector<16xf32>,
          %get3A_457 = arith.constant 0 : i32
          %get3A_458 = arith.index_cast %get3A_457 : i32 to index
          %get3A_459 = arith.index_cast %add3A_271 : i32 to index
          %get3A_460 = arith.constant 112 : index
          %get3A_461 = tpu.vector_load %arg12[%get3A_458, %get3A_459, %get3A_460] {strides = array<i32>} : memref<2x64x128xf32, #tpu.memory_space<vmem>>, vector<16xf32>,
          %add3A_462 = arith.addf %get3A_456, %get3A_461 : vector<16xf32>
          %mul3A_463 = arith.mulf %add3A_451, %add3A_462 : vector<16xf32>
          %add3A_464 = arith.addf %add3A_440, %mul3A_463 : vector<16xf32>
          %swap3A_465 = arith.index_cast %scan3A_268 : i32 to index
          %swap3A_466 = arith.constant 0 : index
          %swap3A_467 = tpu.vector_load %arg13[%swap3A_465, %swap3A_466] {strides = array<i32>} : memref<16x16xf32, #tpu.memory_space<vmem>>, vector<16xf32>,
          tpu.vector_store %arg13[%swap3A_465, %swap3A_466], %add3A_464 {strides = array<i32>} : memref<16x16xf32, #tpu.memory_space<vmem>>, vector<16xf32>,
        }
        %scan3A_251 = arith.constant 16 : i32
        %iota3A = tpu.iota {dimensions = array<i32: 0>} : vector<16xi32>
        %broadcast_in_dim3A = arith.constant 0.000000e+00 : f32
        %broadcast_in_dim3A_252 = vector.broadcast %broadcast_in_dim3A : f32 to vector<16xf32>
        %scan3A_253 = arith.constant 0 : i32
        %scan3A_254 = arith.constant 16 : i32
        %scan3A_255 = arith.addi %scan3A_253, %scan3A_254 : i32
        %scan3A_256 = arith.constant 1 : i32
        %scan3A_257 = scf.for %scan3A_268 = %scan3A_253 to %scan3A_255 step %scan3A_256 iter_args(%scan3A_269 = %broadcast_in_dim3A_252) -> (vector<16xf32>)  : i32 {
          %broadcast_in_dim3A_270 = vector.broadcast %scan3A_268 : i32 to vector<16xi32>
          %gather3A = tpu.vector_load_idx %arg13[%iota3A, %broadcast_in_dim3A_270] : memref<16x16xf32, #tpu.memory_space<vmem>>[vector<16xi32>, vector<16xi32>], vector<16xf32>,
          %add3A_271 = arith.addf %scan3A_269, %gather3A : vector<16xf32>
          scf.yield %add3A_271 : vector<16xf32>
        }
        %scan3A_258 = arith.constant 16 : i32
        %mul3A_259 = arith.constant 2.500000e-01 : f32
        %mul3A_260 = vector.broadcast %mul3A_259 : f32 to vector<16xf32>
        %mul3A_261 = arith.mulf %scan3A_257, %mul3A_260 : vector<16xf32>
        %mul3A_262 = arith.constant 64 : i32
        %mul3A_263 = arith.muli %add3A_116, %mul3A_262 : i32
        %mul3A_264 = arith.constant 16 : i32
        %mul3A_265 = arith.muli %scan3A_245, %mul3A_264 : i32
        %add3A_266 = arith.addi %mul3A_263, %mul3A_265 : i32
        %swap3A = arith.index_cast %add3A_266 : i32 to index
        %swap3A_267 = tpu.vector_load %arg14[%swap3A] {strides = array<i32>} : memref<512xf32, #tpu.memory_space<vmem>>, vector<16xf32>,
        tpu.vector_store %arg14[%swap3A], %mul3A_261 {strides = array<i32>} : memref<512xf32, #tpu.memory_space<vmem>>, vector<16xf32>,
      }
      %scan3A_173 = arith.constant 4 : i32
      %add3A_174 = arith.constant 2 : i32
      %add3A_175 = arith.addi %add3A_116, %add3A_174 : i32
      %lt3A = arith.constant 8 : i32
      %lt3A_176 = arith.cmpi slt, %add3A_175, %lt3A : i32
      %convert_element_type3A = arith.extui %lt3A_176 : i1 to i32
      %cond3A = arith.constant 0 : i32
      %cond3A_177 = arith.cmpi ne, %convert_element_type3A, %cond3A : i32
      scf.if %cond3A_177 {
        %add3A_245 = arith.constant 2 : i32
        %add3A_246 = arith.addi %add3A_116, %add3A_245 : i32
        %mul3A_247 = arith.constant 64 : i32
        %mul3A_248 = arith.muli %add3A_246, %mul3A_247 : i32
        %mul3A_249 = arith.constant 64 : i32
        %mul3A_250 = arith.muli %add3A_246, %mul3A_249 : i32
        %dma_start3A_251 = arith.constant 0 : i32
        %dma_start3A_252 = arith.constant 0 : i32
        %dma_start3A_253 = arith.constant 0 : i32
        %dma_start3A_254 = arith.constant 0 : i32
        %dma_start3A_255 = tpu.memref_slice %arg9[%dma_start3A_251, %dma_start3A_253, %dma_start3A_254] : memref<2x64x128xf32, #tpu.memory_space<vmem>> -> memref<1x64x128xf32, #tpu.memory_space<vmem>>
        %dma_start3A_256 = tpu.memref_squeeze %dma_start3A_255 : memref<1x64x128xf32, #tpu.memory_space<vmem>> -> memref<64x128xf32, #tpu.memory_space<vmem>>
        %dma_start3A_257 = tpu.memref_slice %arg7[%mul3A_248] : memref<512xi32, #tpu.memory_space<vmem>> -> memref<64xi32, #tpu.memory_space<vmem>>
        %dma_start3A_258 = arith.constant 0 : i32
        %dma_start3A_259 = arith.constant 0 : i32
        %dma_start3A_260 = tpu.memref_slice %arg4[%dma_start3A_258, %dma_start3A_259] : memref<10000x128xf32, #tpu.memory_space<hbm>> -> memref<10000x128xf32, #tpu.memory_space<hbm>>
        %dma_start3A_261 = tpu.memref_slice %arg15[%dma_start3A_252] : memref<2x!tpu.dma_semaphore, #tpu.memory_space<semaphore_mem>> -> memref<1x!tpu.dma_semaphore, #tpu.memory_space<semaphore_mem>>
        %dma_start3A_262 = tpu.memref_squeeze %dma_start3A_261 : memref<1x!tpu.dma_semaphore, #tpu.memory_space<semaphore_mem>> -> memref<!tpu.dma_semaphore, #tpu.memory_space<semaphore_mem>>
        tpu.enqueue_indirect_dma source(%dma_start3A_260 : memref<10000x128xf32, #tpu.memory_space<hbm>>) target(%dma_start3A_256 : memref<64x128xf32, #tpu.memory_space<vmem>>) offsets(%dma_start3A_257 : memref<64xi32, #tpu.memory_space<vmem>>) semaphore(%dma_start3A_262 : memref<!tpu.dma_semaphore, #tpu.memory_space<semaphore_mem>>)
        %dma_start3A_263 = arith.constant 0 : i32
        %dma_start3A_264 = arith.constant 0 : i32
        %dma_start3A_265 = arith.constant 0 : i32
        %dma_start3A_266 = arith.constant 0 : i32
        %dma_start3A_267 = tpu.memref_slice %arg10[%dma_start3A_263, %dma_start3A_265, %dma_start3A_266] : memref<2x64x128xf32, #tpu.memory_space<vmem>> -> memref<1x64x128xf32, #tpu.memory_space<vmem>>
        %dma_start3A_268 = tpu.memref_squeeze %dma_start3A_267 : memref<1x64x128xf32, #tpu.memory_space<vmem>> -> memref<64x128xf32, #tpu.memory_space<vmem>>
        %dma_start3A_269 = tpu.memref_slice %arg7[%mul3A_248] : memref<512xi32, #tpu.memory_space<vmem>> -> memref<64xi32, #tpu.memory_space<vmem>>
        %dma_start3A_270 = arith.constant 0 : i32
        %dma_start3A_271 = arith.constant 0 : i32
        %dma_start3A_272 = tpu.memref_slice %arg5[%dma_start3A_270, %dma_start3A_271] : memref<10000x128xf32, #tpu.memory_space<hbm>> -> memref<10000x128xf32, #tpu.memory_space<hbm>>
        %dma_start3A_273 = tpu.memref_slice %arg15[%dma_start3A_264] : memref<2x!tpu.dma_semaphore, #tpu.memory_space<semaphore_mem>> -> memref<1x!tpu.dma_semaphore, #tpu.memory_space<semaphore_mem>>
        %dma_start3A_274 = tpu.memref_squeeze %dma_start3A_273 : memref<1x!tpu.dma_semaphore, #tpu.memory_space<semaphore_mem>> -> memref<!tpu.dma_semaphore, #tpu.memory_space<semaphore_mem>>
        tpu.enqueue_indirect_dma source(%dma_start3A_272 : memref<10000x128xf32, #tpu.memory_space<hbm>>) target(%dma_start3A_268 : memref<64x128xf32, #tpu.memory_space<vmem>>) offsets(%dma_start3A_269 : memref<64xi32, #tpu.memory_space<vmem>>) semaphore(%dma_start3A_274 : memref<!tpu.dma_semaphore, #tpu.memory_space<semaphore_mem>>)
        %dma_start3A_275 = arith.constant 0 : i32
        %dma_start3A_276 = arith.constant 0 : i32
        %dma_start3A_277 = arith.constant 0 : i32
        %dma_start3A_278 = arith.constant 0 : i32
        %dma_start3A_279 = tpu.memref_slice %arg11[%dma_start3A_275, %dma_start3A_277, %dma_start3A_278] : memref<2x64x128xf32, #tpu.memory_space<vmem>> -> memref<1x64x128xf32, #tpu.memory_space<vmem>>
        %dma_start3A_280 = tpu.memref_squeeze %dma_start3A_279 : memref<1x64x128xf32, #tpu.memory_space<vmem>> -> memref<64x128xf32, #tpu.memory_space<vmem>>
        %dma_start3A_281 = tpu.memref_slice %arg8[%mul3A_250] : memref<512xi32, #tpu.memory_space<vmem>> -> memref<64xi32, #tpu.memory_space<vmem>>
        %dma_start3A_282 = arith.constant 0 : i32
        %dma_start3A_283 = arith.constant 0 : i32
        %dma_start3A_284 = tpu.memref_slice %arg4[%dma_start3A_282, %dma_start3A_283] : memref<10000x128xf32, #tpu.memory_space<hbm>> -> memref<10000x128xf32, #tpu.memory_space<hbm>>
        %dma_start3A_285 = tpu.memref_slice %arg15[%dma_start3A_276] : memref<2x!tpu.dma_semaphore, #tpu.memory_space<semaphore_mem>> -> memref<1x!tpu.dma_semaphore, #tpu.memory_space<semaphore_mem>>
        %dma_start3A_286 = tpu.memref_squeeze %dma_start3A_285 : memref<1x!tpu.dma_semaphore, #tpu.memory_space<semaphore_mem>> -> memref<!tpu.dma_semaphore, #tpu.memory_space<semaphore_mem>>
        tpu.enqueue_indirect_dma source(%dma_start3A_284 : memref<10000x128xf32, #tpu.memory_space<hbm>>) target(%dma_start3A_280 : memref<64x128xf32, #tpu.memory_space<vmem>>) offsets(%dma_start3A_281 : memref<64xi32, #tpu.memory_space<vmem>>) semaphore(%dma_start3A_286 : memref<!tpu.dma_semaphore, #tpu.memory_space<semaphore_mem>>)
        %dma_start3A_287 = arith.constant 0 : i32
        %dma_start3A_288 = arith.constant 0 : i32
        %dma_start3A_289 = arith.constant 0 : i32
        %dma_start3A_290 = arith.constant 0 : i32
        %dma_start3A_291 = tpu.memref_slice %arg12[%dma_start3A_287, %dma_start3A_289, %dma_start3A_290] : memref<2x64x128xf32, #tpu.memory_space<vmem>> -> memref<1x64x128xf32, #tpu.memory_space<vmem>>
        %dma_start3A_292 = tpu.memref_squeeze %dma_start3A_291 : memref<1x64x128xf32, #tpu.memory_space<vmem>> -> memref<64x128xf32, #tpu.memory_space<vmem>>
        %dma_start3A_293 = tpu.memref_slice %arg8[%mul3A_250] : memref<512xi32, #tpu.memory_space<vmem>> -> memref<64xi32, #tpu.memory_space<vmem>>
        %dma_start3A_294 = arith.constant 0 : i32
        %dma_start3A_295 = arith.constant 0 : i32
        %dma_start3A_296 = tpu.memref_slice %arg5[%dma_start3A_294, %dma_start3A_295] : memref<10000x128xf32, #tpu.memory_space<hbm>> -> memref<10000x128xf32, #tpu.memory_space<hbm>>
        %dma_start3A_297 = tpu.memref_slice %arg15[%dma_start3A_288] : memref<2x!tpu.dma_semaphore, #tpu.memory_space<semaphore_mem>> -> memref<1x!tpu.dma_semaphore, #tpu.memory_space<semaphore_mem>>
        %dma_start3A_298 = tpu.memref_squeeze %dma_start3A_297 : memref<1x!tpu.dma_semaphore, #tpu.memory_space<semaphore_mem>> -> memref<!tpu.dma_semaphore, #tpu.memory_space<semaphore_mem>>
        tpu.enqueue_indirect_dma source(%dma_start3A_296 : memref<10000x128xf32, #tpu.memory_space<hbm>>) target(%dma_start3A_292 : memref<64x128xf32, #tpu.memory_space<vmem>>) offsets(%dma_start3A_293 : memref<64xi32, #tpu.memory_space<vmem>>) semaphore(%dma_start3A_298 : memref<!tpu.dma_semaphore, #tpu.memory_space<semaphore_mem>>)
      } else {
      }
      %add3A_178 = arith.constant 1 : i32
      %add3A_179 = arith.addi %add3A_116, %add3A_178 : i32
      %mul3A_180 = arith.constant 64 : i32
      %mul3A_181 = arith.muli %add3A_179, %mul3A_180 : i32
      %mul3A_182 = arith.constant 64 : i32
      %mul3A_183 = arith.muli %add3A_179, %mul3A_182 : i32
      %dma_wait3A_184 = arith.constant 1 : i32
      %dma_wait3A_185 = arith.constant 1 : i32
      %dma_wait3A_186 = arith.constant 0 : i32
      %dma_wait3A_187 = arith.constant 0 : i32
      %dma_wait3A_188 = tpu.memref_slice %arg9[%dma_wait3A_184, %dma_wait3A_186, %dma_wait3A_187] : memref<2x64x128xf32, #tpu.memory_space<vmem>> -> memref<1x64x128xf32, #tpu.memory_space<vmem>>
      %dma_wait3A_189 = tpu.memref_squeeze %dma_wait3A_188 : memref<1x64x128xf32, #tpu.memory_space<vmem>> -> memref<64x128xf32, #tpu.memory_space<vmem>>
      %dma_wait3A_190 = tpu.memref_slice %arg7[%mul3A_181] : memref<512xi32, #tpu.memory_space<vmem>> -> memref<64xi32, #tpu.memory_space<vmem>>
      %dma_wait3A_191 = arith.constant 0 : i32
      %dma_wait3A_192 = arith.constant 0 : i32
      %dma_wait3A_193 = tpu.memref_slice %arg4[%dma_wait3A_191, %dma_wait3A_192] : memref<10000x128xf32, #tpu.memory_space<hbm>> -> memref<10000x128xf32, #tpu.memory_space<hbm>>
      %dma_wait3A_194 = tpu.memref_slice %arg15[%dma_wait3A_185] : memref<2x!tpu.dma_semaphore, #tpu.memory_space<semaphore_mem>> -> memref<1x!tpu.dma_semaphore, #tpu.memory_space<semaphore_mem>>
      %dma_wait3A_195 = tpu.memref_squeeze %dma_wait3A_194 : memref<1x!tpu.dma_semaphore, #tpu.memory_space<semaphore_mem>> -> memref<!tpu.dma_semaphore, #tpu.memory_space<semaphore_mem>>
      tpu.wait_indirect_dma semaphore(%dma_wait3A_195 : memref<!tpu.dma_semaphore, #tpu.memory_space<semaphore_mem>>) src(%dma_wait3A_193 : memref<10000x128xf32, #tpu.memory_space<hbm>>) dst(%dma_wait3A_189 : memref<64x128xf32, #tpu.memory_space<vmem>>)
      %dma_wait3A_196 = arith.constant 1 : i32
      %dma_wait3A_197 = arith.constant 1 : i32
      %dma_wait3A_198 = arith.constant 0 : i32
      %dma_wait3A_199 = arith.constant 0 : i32
      %dma_wait3A_200 = tpu.memref_slice %arg10[%dma_wait3A_196, %dma_wait3A_198, %dma_wait3A_199] : memref<2x64x128xf32, #tpu.memory_space<vmem>> -> memref<1x64x128xf32, #tpu.memory_space<vmem>>
      %dma_wait3A_201 = tpu.memref_squeeze %dma_wait3A_200 : memref<1x64x128xf32, #tpu.memory_space<vmem>> -> memref<64x128xf32, #tpu.memory_space<vmem>>
      %dma_wait3A_202 = tpu.memref_slice %arg7[%mul3A_181] : memref<512xi32, #tpu.memory_space<vmem>> -> memref<64xi32, #tpu.memory_space<vmem>>
      %dma_wait3A_203 = arith.constant 0 : i32
      %dma_wait3A_204 = arith.constant 0 : i32
      %dma_wait3A_205 = tpu.memref_slice %arg5[%dma_wait3A_203, %dma_wait3A_204] : memref<10000x128xf32, #tpu.memory_space<hbm>> -> memref<10000x128xf32, #tpu.memory_space<hbm>>
      %dma_wait3A_206 = tpu.memref_slice %arg15[%dma_wait3A_197] : memref<2x!tpu.dma_semaphore, #tpu.memory_space<semaphore_mem>> -> memref<1x!tpu.dma_semaphore, #tpu.memory_space<semaphore_mem>>
      %dma_wait3A_207 = tpu.memref_squeeze %dma_wait3A_206 : memref<1x!tpu.dma_semaphore, #tpu.memory_space<semaphore_mem>> -> memref<!tpu.dma_semaphore, #tpu.memory_space<semaphore_mem>>
      tpu.wait_indirect_dma semaphore(%dma_wait3A_207 : memref<!tpu.dma_semaphore, #tpu.memory_space<semaphore_mem>>) src(%dma_wait3A_205 : memref<10000x128xf32, #tpu.memory_space<hbm>>) dst(%dma_wait3A_201 : memref<64x128xf32, #tpu.memory_space<vmem>>)
      %dma_wait3A_208 = arith.constant 1 : i32
      %dma_wait3A_209 = arith.constant 1 : i32
      %dma_wait3A_210 = arith.constant 0 : i32
      %dma_wait3A_211 = arith.constant 0 : i32
      %dma_wait3A_212 = tpu.memref_slice %arg11[%dma_wait3A_208, %dma_wait3A_210, %dma_wait3A_211] : memref<2x64x128xf32, #tpu.memory_space<vmem>> -> memref<1x64x128xf32, #tpu.memory_space<vmem>>
      %dma_wait3A_213 = tpu.memref_squeeze %dma_wait3A_212 : memref<1x64x128xf32, #tpu.memory_space<vmem>> -> memref<64x128xf32, #tpu.memory_space<vmem>>
      %dma_wait3A_214 = tpu.memref_slice %arg8[%mul3A_183] : memref<512xi32, #tpu.memory_space<vmem>> -> memref<64xi32, #tpu.memory_space<vmem>>
      %dma_wait3A_215 = arith.constant 0 : i32
      %dma_wait3A_216 = arith.constant 0 : i32
      %dma_wait3A_217 = tpu.memref_slice %arg4[%dma_wait3A_215, %dma_wait3A_216] : memref<10000x128xf32, #tpu.memory_space<hbm>> -> memref<10000x128xf32, #tpu.memory_space<hbm>>
      %dma_wait3A_218 = tpu.memref_slice %arg15[%dma_wait3A_209] : memref<2x!tpu.dma_semaphore, #tpu.memory_space<semaphore_mem>> -> memref<1x!tpu.dma_semaphore, #tpu.memory_space<semaphore_mem>>
      %dma_wait3A_219 = tpu.memref_squeeze %dma_wait3A_218 : memref<1x!tpu.dma_semaphore, #tpu.memory_space<semaphore_mem>> -> memref<!tpu.dma_semaphore, #tpu.memory_space<semaphore_mem>>
      tpu.wait_indirect_dma semaphore(%dma_wait3A_219 : memref<!tpu.dma_semaphore, #tpu.memory_space<semaphore_mem>>) src(%dma_wait3A_217 : memref<10000x128xf32, #tpu.memory_space<hbm>>) dst(%dma_wait3A_213 : memref<64x128xf32, #tpu.memory_space<vmem>>)
      %dma_wait3A_220 = arith.constant 1 : i32
      %dma_wait3A_221 = arith.constant 1 : i32
      %dma_wait3A_222 = arith.constant 0 : i32
      %dma_wait3A_223 = arith.constant 0 : i32
      %dma_wait3A_224 = tpu.memref_slice %arg12[%dma_wait3A_220, %dma_wait3A_222, %dma_wait3A_223] : memref<2x64x128xf32, #tpu.memory_space<vmem>> -> memref<1x64x128xf32, #tpu.memory_space<vmem>>
      %dma_wait3A_225 = tpu.memref_squeeze %dma_wait3A_224 : memref<1x64x128xf32, #tpu.memory_space<vmem>> -> memref<64x128xf32, #tpu.memory_space<vmem>>
      %dma_wait3A_226 = tpu.memref_slice %arg8[%mul3A_183] : memref<512xi32, #tpu.memory_space<vmem>> -> memref<64xi32, #tpu.memory_space<vmem>>
      %dma_wait3A_227 = arith.constant 0 : i32
      %dma_wait3A_228 = arith.constant 0 : i32
      %dma_wait3A_229 = tpu.memref_slice %arg5[%dma_wait3A_227, %dma_wait3A_228] : memref<10000x128xf32, #tpu.memory_space<hbm>> -> memref<10000x128xf32, #tpu.memory_space<hbm>>
      %dma_wait3A_230 = tpu.memref_slice %arg15[%dma_wait3A_221] : memref<2x!tpu.dma_semaphore, #tpu.memory_space<semaphore_mem>> -> memref<1x!tpu.dma_semaphore, #tpu.memory_space<semaphore_mem>>
      %dma_wait3A_231 = tpu.memref_squeeze %dma_wait3A_230 : memref<1x!tpu.dma_semaphore, #tpu.memory_space<semaphore_mem>> -> memref<!tpu.dma_semaphore, #tpu.memory_space<semaphore_mem>>
      tpu.wait_indirect_dma semaphore(%dma_wait3A_231 : memref<!tpu.dma_semaphore, #tpu.memory_space<semaphore_mem>>) src(%dma_wait3A_229 : memref<10000x128xf32, #tpu.memory_space<hbm>>) dst(%dma_wait3A_225 : memref<64x128xf32, #tpu.memory_space<vmem>>)
      %scan3A_232 = arith.constant 0 : i32
      %scan3A_233 = arith.constant 0 : i32
      %scan3A_234 = arith.constant 4 : i32
      %scan3A_235 = arith.addi %scan3A_233, %scan3A_234 : i32
      %scan3A_236 = arith.constant 1 : i32
      scf.for %scan3A_245 = %scan3A_233 to %scan3A_235 step %scan3A_236  : i32 {
        %scan3A_246 = arith.constant 0 : i32
        %scan3A_247 = arith.constant 0 : i32
        %scan3A_248 = arith.constant 16 : i32
        %scan3A_249 = arith.addi %scan3A_247, %scan3A_248 : i32
        %scan3A_250 = arith.constant 1 : i32
        scf.for %scan3A_268 = %scan3A_247 to %scan3A_249 step %scan3A_250  : i32 {
          %mul3A_269 = arith.constant 16 : i32
          %mul3A_270 = arith.muli %scan3A_245, %mul3A_269 : i32
          %add3A_271 = arith.addi %mul3A_270, %scan3A_268 : i32
          %broadcast_in_dim3A_272 = arith.constant 0.000000e+00 : f32
          %broadcast_in_dim3A_273 = vector.broadcast %broadcast_in_dim3A_272 : f32 to vector<16xf32>
          %get3A = arith.constant 1 : i32
          %get3A_274 = arith.index_cast %get3A : i32 to index
          %get3A_275 = arith.index_cast %add3A_271 : i32 to index
          %get3A_276 = arith.constant 0 : index
          %get3A_277 = tpu.vector_load %arg9[%get3A_274, %get3A_275, %get3A_276] {strides = array<i32>} : memref<2x64x128xf32, #tpu.memory_space<vmem>>, vector<16xf32>,
          %get3A_278 = arith.constant 1 : i32
          %get3A_279 = arith.index_cast %get3A_278 : i32 to index
          %get3A_280 = arith.index_cast %add3A_271 : i32 to index
          %get3A_281 = arith.constant 0 : index
          %get3A_282 = tpu.vector_load %arg10[%get3A_279, %get3A_280, %get3A_281] {strides = array<i32>} : memref<2x64x128xf32, #tpu.memory_space<vmem>>, vector<16xf32>,
          %add3A_283 = arith.addf %get3A_277, %get3A_282 : vector<16xf32>
          %get3A_284 = arith.constant 1 : i32
          %get3A_285 = arith.index_cast %get3A_284 : i32 to index
          %get3A_286 = arith.index_cast %add3A_271 : i32 to index
          %get3A_287 = arith.constant 0 : index
          %get3A_288 = tpu.vector_load %arg11[%get3A_285, %get3A_286, %get3A_287] {strides = array<i32>} : memref<2x64x128xf32, #tpu.memory_space<vmem>>, vector<16xf32>,
          %get3A_289 = arith.constant 1 : i32
          %get3A_290 = arith.index_cast %get3A_289 : i32 to index
          %get3A_291 = arith.index_cast %add3A_271 : i32 to index
          %get3A_292 = arith.constant 0 : index
          %get3A_293 = tpu.vector_load %arg12[%get3A_290, %get3A_291, %get3A_292] {strides = array<i32>} : memref<2x64x128xf32, #tpu.memory_space<vmem>>, vector<16xf32>,
          %add3A_294 = arith.addf %get3A_288, %get3A_293 : vector<16xf32>
          %mul3A_295 = arith.mulf %add3A_283, %add3A_294 : vector<16xf32>
          %add3A_296 = arith.addf %broadcast_in_dim3A_273, %mul3A_295 : vector<16xf32>
          %get3A_297 = arith.constant 1 : i32
          %get3A_298 = arith.index_cast %get3A_297 : i32 to index
          %get3A_299 = arith.index_cast %add3A_271 : i32 to index
          %get3A_300 = arith.constant 16 : index
          %get3A_301 = tpu.vector_load %arg9[%get3A_298, %get3A_299, %get3A_300] {strides = array<i32>} : memref<2x64x128xf32, #tpu.memory_space<vmem>>, vector<16xf32>,
          %get3A_302 = arith.constant 1 : i32
          %get3A_303 = arith.index_cast %get3A_302 : i32 to index
          %get3A_304 = arith.index_cast %add3A_271 : i32 to index
          %get3A_305 = arith.constant 16 : index
          %get3A_306 = tpu.vector_load %arg10[%get3A_303, %get3A_304, %get3A_305] {strides = array<i32>} : memref<2x64x128xf32, #tpu.memory_space<vmem>>, vector<16xf32>,
          %add3A_307 = arith.addf %get3A_301, %get3A_306 : vector<16xf32>
          %get3A_308 = arith.constant 1 : i32
          %get3A_309 = arith.index_cast %get3A_308 : i32 to index
          %get3A_310 = arith.index_cast %add3A_271 : i32 to index
          %get3A_311 = arith.constant 16 : index
          %get3A_312 = tpu.vector_load %arg11[%get3A_309, %get3A_310, %get3A_311] {strides = array<i32>} : memref<2x64x128xf32, #tpu.memory_space<vmem>>, vector<16xf32>,
          %get3A_313 = arith.constant 1 : i32
          %get3A_314 = arith.index_cast %get3A_313 : i32 to index
          %get3A_315 = arith.index_cast %add3A_271 : i32 to index
          %get3A_316 = arith.constant 16 : index
          %get3A_317 = tpu.vector_load %arg12[%get3A_314, %get3A_315, %get3A_316] {strides = array<i32>} : memref<2x64x128xf32, #tpu.memory_space<vmem>>, vector<16xf32>,
          %add3A_318 = arith.addf %get3A_312, %get3A_317 : vector<16xf32>
          %mul3A_319 = arith.mulf %add3A_307, %add3A_318 : vector<16xf32>
          %add3A_320 = arith.addf %add3A_296, %mul3A_319 : vector<16xf32>
          %get3A_321 = arith.constant 1 : i32
          %get3A_322 = arith.index_cast %get3A_321 : i32 to index
          %get3A_323 = arith.index_cast %add3A_271 : i32 to index
          %get3A_324 = arith.constant 32 : index
          %get3A_325 = tpu.vector_load %arg9[%get3A_322, %get3A_323, %get3A_324] {strides = array<i32>} : memref<2x64x128xf32, #tpu.memory_space<vmem>>, vector<16xf32>,
          %get3A_326 = arith.constant 1 : i32
          %get3A_327 = arith.index_cast %get3A_326 : i32 to index
          %get3A_328 = arith.index_cast %add3A_271 : i32 to index
          %get3A_329 = arith.constant 32 : index
          %get3A_330 = tpu.vector_load %arg10[%get3A_327, %get3A_328, %get3A_329] {strides = array<i32>} : memref<2x64x128xf32, #tpu.memory_space<vmem>>, vector<16xf32>,
          %add3A_331 = arith.addf %get3A_325, %get3A_330 : vector<16xf32>
          %get3A_332 = arith.constant 1 : i32
          %get3A_333 = arith.index_cast %get3A_332 : i32 to index
          %get3A_334 = arith.index_cast %add3A_271 : i32 to index
          %get3A_335 = arith.constant 32 : index
          %get3A_336 = tpu.vector_load %arg11[%get3A_333, %get3A_334, %get3A_335] {strides = array<i32>} : memref<2x64x128xf32, #tpu.memory_space<vmem>>, vector<16xf32>,
          %get3A_337 = arith.constant 1 : i32
          %get3A_338 = arith.index_cast %get3A_337 : i32 to index
          %get3A_339 = arith.index_cast %add3A_271 : i32 to index
          %get3A_340 = arith.constant 32 : index
          %get3A_341 = tpu.vector_load %arg12[%get3A_338, %get3A_339, %get3A_340] {strides = array<i32>} : memref<2x64x128xf32, #tpu.memory_space<vmem>>, vector<16xf32>,
          %add3A_342 = arith.addf %get3A_336, %get3A_341 : vector<16xf32>
          %mul3A_343 = arith.mulf %add3A_331, %add3A_342 : vector<16xf32>
          %add3A_344 = arith.addf %add3A_320, %mul3A_343 : vector<16xf32>
          %get3A_345 = arith.constant 1 : i32
          %get3A_346 = arith.index_cast %get3A_345 : i32 to index
          %get3A_347 = arith.index_cast %add3A_271 : i32 to index
          %get3A_348 = arith.constant 48 : index
          %get3A_349 = tpu.vector_load %arg9[%get3A_346, %get3A_347, %get3A_348] {strides = array<i32>} : memref<2x64x128xf32, #tpu.memory_space<vmem>>, vector<16xf32>,
          %get3A_350 = arith.constant 1 : i32
          %get3A_351 = arith.index_cast %get3A_350 : i32 to index
          %get3A_352 = arith.index_cast %add3A_271 : i32 to index
          %get3A_353 = arith.constant 48 : index
          %get3A_354 = tpu.vector_load %arg10[%get3A_351, %get3A_352, %get3A_353] {strides = array<i32>} : memref<2x64x128xf32, #tpu.memory_space<vmem>>, vector<16xf32>,
          %add3A_355 = arith.addf %get3A_349, %get3A_354 : vector<16xf32>
          %get3A_356 = arith.constant 1 : i32
          %get3A_357 = arith.index_cast %get3A_356 : i32 to index
          %get3A_358 = arith.index_cast %add3A_271 : i32 to index
          %get3A_359 = arith.constant 48 : index
          %get3A_360 = tpu.vector_load %arg11[%get3A_357, %get3A_358, %get3A_359] {strides = array<i32>} : memref<2x64x128xf32, #tpu.memory_space<vmem>>, vector<16xf32>,
          %get3A_361 = arith.constant 1 : i32
          %get3A_362 = arith.index_cast %get3A_361 : i32 to index
          %get3A_363 = arith.index_cast %add3A_271 : i32 to index
          %get3A_364 = arith.constant 48 : index
          %get3A_365 = tpu.vector_load %arg12[%get3A_362, %get3A_363, %get3A_364] {strides = array<i32>} : memref<2x64x128xf32, #tpu.memory_space<vmem>>, vector<16xf32>,
          %add3A_366 = arith.addf %get3A_360, %get3A_365 : vector<16xf32>
          %mul3A_367 = arith.mulf %add3A_355, %add3A_366 : vector<16xf32>
          %add3A_368 = arith.addf %add3A_344, %mul3A_367 : vector<16xf32>
          %get3A_369 = arith.constant 1 : i32
          %get3A_370 = arith.index_cast %get3A_369 : i32 to index
          %get3A_371 = arith.index_cast %add3A_271 : i32 to index
          %get3A_372 = arith.constant 64 : index
          %get3A_373 = tpu.vector_load %arg9[%get3A_370, %get3A_371, %get3A_372] {strides = array<i32>} : memref<2x64x128xf32, #tpu.memory_space<vmem>>, vector<16xf32>,
          %get3A_374 = arith.constant 1 : i32
          %get3A_375 = arith.index_cast %get3A_374 : i32 to index
          %get3A_376 = arith.index_cast %add3A_271 : i32 to index
          %get3A_377 = arith.constant 64 : index
          %get3A_378 = tpu.vector_load %arg10[%get3A_375, %get3A_376, %get3A_377] {strides = array<i32>} : memref<2x64x128xf32, #tpu.memory_space<vmem>>, vector<16xf32>,
          %add3A_379 = arith.addf %get3A_373, %get3A_378 : vector<16xf32>
          %get3A_380 = arith.constant 1 : i32
          %get3A_381 = arith.index_cast %get3A_380 : i32 to index
          %get3A_382 = arith.index_cast %add3A_271 : i32 to index
          %get3A_383 = arith.constant 64 : index
          %get3A_384 = tpu.vector_load %arg11[%get3A_381, %get3A_382, %get3A_383] {strides = array<i32>} : memref<2x64x128xf32, #tpu.memory_space<vmem>>, vector<16xf32>,
          %get3A_385 = arith.constant 1 : i32
          %get3A_386 = arith.index_cast %get3A_385 : i32 to index
          %get3A_387 = arith.index_cast %add3A_271 : i32 to index
          %get3A_388 = arith.constant 64 : index
          %get3A_389 = tpu.vector_load %arg12[%get3A_386, %get3A_387, %get3A_388] {strides = array<i32>} : memref<2x64x128xf32, #tpu.memory_space<vmem>>, vector<16xf32>,
          %add3A_390 = arith.addf %get3A_384, %get3A_389 : vector<16xf32>
          %mul3A_391 = arith.mulf %add3A_379, %add3A_390 : vector<16xf32>
          %add3A_392 = arith.addf %add3A_368, %mul3A_391 : vector<16xf32>
          %get3A_393 = arith.constant 1 : i32
          %get3A_394 = arith.index_cast %get3A_393 : i32 to index
          %get3A_395 = arith.index_cast %add3A_271 : i32 to index
          %get3A_396 = arith.constant 80 : index
          %get3A_397 = tpu.vector_load %arg9[%get3A_394, %get3A_395, %get3A_396] {strides = array<i32>} : memref<2x64x128xf32, #tpu.memory_space<vmem>>, vector<16xf32>,
          %get3A_398 = arith.constant 1 : i32
          %get3A_399 = arith.index_cast %get3A_398 : i32 to index
          %get3A_400 = arith.index_cast %add3A_271 : i32 to index
          %get3A_401 = arith.constant 80 : index
          %get3A_402 = tpu.vector_load %arg10[%get3A_399, %get3A_400, %get3A_401] {strides = array<i32>} : memref<2x64x128xf32, #tpu.memory_space<vmem>>, vector<16xf32>,
          %add3A_403 = arith.addf %get3A_397, %get3A_402 : vector<16xf32>
          %get3A_404 = arith.constant 1 : i32
          %get3A_405 = arith.index_cast %get3A_404 : i32 to index
          %get3A_406 = arith.index_cast %add3A_271 : i32 to index
          %get3A_407 = arith.constant 80 : index
          %get3A_408 = tpu.vector_load %arg11[%get3A_405, %get3A_406, %get3A_407] {strides = array<i32>} : memref<2x64x128xf32, #tpu.memory_space<vmem>>, vector<16xf32>,
          %get3A_409 = arith.constant 1 : i32
          %get3A_410 = arith.index_cast %get3A_409 : i32 to index
          %get3A_411 = arith.index_cast %add3A_271 : i32 to index
          %get3A_412 = arith.constant 80 : index
          %get3A_413 = tpu.vector_load %arg12[%get3A_410, %get3A_411, %get3A_412] {strides = array<i32>} : memref<2x64x128xf32, #tpu.memory_space<vmem>>, vector<16xf32>,
          %add3A_414 = arith.addf %get3A_408, %get3A_413 : vector<16xf32>
          %mul3A_415 = arith.mulf %add3A_403, %add3A_414 : vector<16xf32>
          %add3A_416 = arith.addf %add3A_392, %mul3A_415 : vector<16xf32>
          %get3A_417 = arith.constant 1 : i32
          %get3A_418 = arith.index_cast %get3A_417 : i32 to index
          %get3A_419 = arith.index_cast %add3A_271 : i32 to index
          %get3A_420 = arith.constant 96 : index
          %get3A_421 = tpu.vector_load %arg9[%get3A_418, %get3A_419, %get3A_420] {strides = array<i32>} : memref<2x64x128xf32, #tpu.memory_space<vmem>>, vector<16xf32>,
          %get3A_422 = arith.constant 1 : i32
          %get3A_423 = arith.index_cast %get3A_422 : i32 to index
          %get3A_424 = arith.index_cast %add3A_271 : i32 to index
          %get3A_425 = arith.constant 96 : index
          %get3A_426 = tpu.vector_load %arg10[%get3A_423, %get3A_424, %get3A_425] {strides = array<i32>} : memref<2x64x128xf32, #tpu.memory_space<vmem>>, vector<16xf32>,
          %add3A_427 = arith.addf %get3A_421, %get3A_426 : vector<16xf32>
          %get3A_428 = arith.constant 1 : i32
          %get3A_429 = arith.index_cast %get3A_428 : i32 to index
          %get3A_430 = arith.index_cast %add3A_271 : i32 to index
          %get3A_431 = arith.constant 96 : index
          %get3A_432 = tpu.vector_load %arg11[%get3A_429, %get3A_430, %get3A_431] {strides = array<i32>} : memref<2x64x128xf32, #tpu.memory_space<vmem>>, vector<16xf32>,
          %get3A_433 = arith.constant 1 : i32
          %get3A_434 = arith.index_cast %get3A_433 : i32 to index
          %get3A_435 = arith.index_cast %add3A_271 : i32 to index
          %get3A_436 = arith.constant 96 : index
          %get3A_437 = tpu.vector_load %arg12[%get3A_434, %get3A_435, %get3A_436] {strides = array<i32>} : memref<2x64x128xf32, #tpu.memory_space<vmem>>, vector<16xf32>,
          %add3A_438 = arith.addf %get3A_432, %get3A_437 : vector<16xf32>
          %mul3A_439 = arith.mulf %add3A_427, %add3A_438 : vector<16xf32>
          %add3A_440 = arith.addf %add3A_416, %mul3A_439 : vector<16xf32>
          %get3A_441 = arith.constant 1 : i32
          %get3A_442 = arith.index_cast %get3A_441 : i32 to index
          %get3A_443 = arith.index_cast %add3A_271 : i32 to index
          %get3A_444 = arith.constant 112 : index
          %get3A_445 = tpu.vector_load %arg9[%get3A_442, %get3A_443, %get3A_444] {strides = array<i32>} : memref<2x64x128xf32, #tpu.memory_space<vmem>>, vector<16xf32>,
          %get3A_446 = arith.constant 1 : i32
          %get3A_447 = arith.index_cast %get3A_446 : i32 to index
          %get3A_448 = arith.index_cast %add3A_271 : i32 to index
          %get3A_449 = arith.constant 112 : index
          %get3A_450 = tpu.vector_load %arg10[%get3A_447, %get3A_448, %get3A_449] {strides = array<i32>} : memref<2x64x128xf32, #tpu.memory_space<vmem>>, vector<16xf32>,
          %add3A_451 = arith.addf %get3A_445, %get3A_450 : vector<16xf32>
          %get3A_452 = arith.constant 1 : i32
          %get3A_453 = arith.index_cast %get3A_452 : i32 to index
          %get3A_454 = arith.index_cast %add3A_271 : i32 to index
          %get3A_455 = arith.constant 112 : index
          %get3A_456 = tpu.vector_load %arg11[%get3A_453, %get3A_454, %get3A_455] {strides = array<i32>} : memref<2x64x128xf32, #tpu.memory_space<vmem>>, vector<16xf32>,
          %get3A_457 = arith.constant 1 : i32
          %get3A_458 = arith.index_cast %get3A_457 : i32 to index
          %get3A_459 = arith.index_cast %add3A_271 : i32 to index
          %get3A_460 = arith.constant 112 : index
          %get3A_461 = tpu.vector_load %arg12[%get3A_458, %get3A_459, %get3A_460] {strides = array<i32>} : memref<2x64x128xf32, #tpu.memory_space<vmem>>, vector<16xf32>,
          %add3A_462 = arith.addf %get3A_456, %get3A_461 : vector<16xf32>
          %mul3A_463 = arith.mulf %add3A_451, %add3A_462 : vector<16xf32>
          %add3A_464 = arith.addf %add3A_440, %mul3A_463 : vector<16xf32>
          %swap3A_465 = arith.index_cast %scan3A_268 : i32 to index
          %swap3A_466 = arith.constant 0 : index
          %swap3A_467 = tpu.vector_load %arg13[%swap3A_465, %swap3A_466] {strides = array<i32>} : memref<16x16xf32, #tpu.memory_space<vmem>>, vector<16xf32>,
          tpu.vector_store %arg13[%swap3A_465, %swap3A_466], %add3A_464 {strides = array<i32>} : memref<16x16xf32, #tpu.memory_space<vmem>>, vector<16xf32>,
        }
        %scan3A_251 = arith.constant 16 : i32
        %iota3A = tpu.iota {dimensions = array<i32: 0>} : vector<16xi32>
        %broadcast_in_dim3A = arith.constant 0.000000e+00 : f32
        %broadcast_in_dim3A_252 = vector.broadcast %broadcast_in_dim3A : f32 to vector<16xf32>
        %scan3A_253 = arith.constant 0 : i32
        %scan3A_254 = arith.constant 16 : i32
        %scan3A_255 = arith.addi %scan3A_253, %scan3A_254 : i32
        %scan3A_256 = arith.constant 1 : i32
        %scan3A_257 = scf.for %scan3A_268 = %scan3A_253 to %scan3A_255 step %scan3A_256 iter_args(%scan3A_269 = %broadcast_in_dim3A_252) -> (vector<16xf32>)  : i32 {
          %broadcast_in_dim3A_270 = vector.broadcast %scan3A_268 : i32 to vector<16xi32>
          %gather3A = tpu.vector_load_idx %arg13[%iota3A, %broadcast_in_dim3A_270] : memref<16x16xf32, #tpu.memory_space<vmem>>[vector<16xi32>, vector<16xi32>], vector<16xf32>,
          %add3A_271 = arith.addf %scan3A_269, %gather3A : vector<16xf32>
          scf.yield %add3A_271 : vector<16xf32>
        }
        %scan3A_258 = arith.constant 16 : i32
        %mul3A_259 = arith.constant 2.500000e-01 : f32
        %mul3A_260 = vector.broadcast %mul3A_259 : f32 to vector<16xf32>
        %mul3A_261 = arith.mulf %scan3A_257, %mul3A_260 : vector<16xf32>
        %mul3A_262 = arith.constant 64 : i32
        %mul3A_263 = arith.muli %add3A_179, %mul3A_262 : i32
        %mul3A_264 = arith.constant 16 : i32
        %mul3A_265 = arith.muli %scan3A_245, %mul3A_264 : i32
        %add3A_266 = arith.addi %mul3A_263, %mul3A_265 : i32
        %swap3A = arith.index_cast %add3A_266 : i32 to index
        %swap3A_267 = tpu.vector_load %arg14[%swap3A] {strides = array<i32>} : memref<512xf32, #tpu.memory_space<vmem>>, vector<16xf32>,
        tpu.vector_store %arg14[%swap3A], %mul3A_261 {strides = array<i32>} : memref<512xf32, #tpu.memory_space<vmem>>, vector<16xf32>,
      }
      %scan3A_237 = arith.constant 4 : i32
      %add3A_238 = arith.constant 2 : i32
      %add3A_239 = arith.addi %add3A_179, %add3A_238 : i32
      %lt3A_240 = arith.constant 8 : i32
      %lt3A_241 = arith.cmpi slt, %add3A_239, %lt3A_240 : i32
      %convert_element_type3A_242 = arith.extui %lt3A_241 : i1 to i32
      %cond3A_243 = arith.constant 0 : i32
      %cond3A_244 = arith.cmpi ne, %convert_element_type3A_242, %cond3A_243 : i32
      scf.if %cond3A_244 {
        %add3A_245 = arith.constant 2 : i32
        %add3A_246 = arith.addi %add3A_179, %add3A_245 : i32
        %mul3A_247 = arith.constant 64 : i32
        %mul3A_248 = arith.muli %add3A_246, %mul3A_247 : i32
        %mul3A_249 = arith.constant 64 : i32
        %mul3A_250 = arith.muli %add3A_246, %mul3A_249 : i32
        %dma_start3A_251 = arith.constant 1 : i32
        %dma_start3A_252 = arith.constant 1 : i32
        %dma_start3A_253 = arith.constant 0 : i32
        %dma_start3A_254 = arith.constant 0 : i32
        %dma_start3A_255 = tpu.memref_slice %arg9[%dma_start3A_251, %dma_start3A_253, %dma_start3A_254] : memref<2x64x128xf32, #tpu.memory_space<vmem>> -> memref<1x64x128xf32, #tpu.memory_space<vmem>>
        %dma_start3A_256 = tpu.memref_squeeze %dma_start3A_255 : memref<1x64x128xf32, #tpu.memory_space<vmem>> -> memref<64x128xf32, #tpu.memory_space<vmem>>
        %dma_start3A_257 = tpu.memref_slice %arg7[%mul3A_248] : memref<512xi32, #tpu.memory_space<vmem>> -> memref<64xi32, #tpu.memory_space<vmem>>
        %dma_start3A_258 = arith.constant 0 : i32
        %dma_start3A_259 = arith.constant 0 : i32
        %dma_start3A_260 = tpu.memref_slice %arg4[%dma_start3A_258, %dma_start3A_259] : memref<10000x128xf32, #tpu.memory_space<hbm>> -> memref<10000x128xf32, #tpu.memory_space<hbm>>
        %dma_start3A_261 = tpu.memref_slice %arg15[%dma_start3A_252] : memref<2x!tpu.dma_semaphore, #tpu.memory_space<semaphore_mem>> -> memref<1x!tpu.dma_semaphore, #tpu.memory_space<semaphore_mem>>
        %dma_start3A_262 = tpu.memref_squeeze %dma_start3A_261 : memref<1x!tpu.dma_semaphore, #tpu.memory_space<semaphore_mem>> -> memref<!tpu.dma_semaphore, #tpu.memory_space<semaphore_mem>>
        tpu.enqueue_indirect_dma source(%dma_start3A_260 : memref<10000x128xf32, #tpu.memory_space<hbm>>) target(%dma_start3A_256 : memref<64x128xf32, #tpu.memory_space<vmem>>) offsets(%dma_start3A_257 : memref<64xi32, #tpu.memory_space<vmem>>) semaphore(%dma_start3A_262 : memref<!tpu.dma_semaphore, #tpu.memory_space<semaphore_mem>>)
        %dma_start3A_263 = arith.constant 1 : i32
        %dma_start3A_264 = arith.constant 1 : i32
        %dma_start3A_265 = arith.constant 0 : i32
        %dma_start3A_266 = arith.constant 0 : i32
        %dma_start3A_267 = tpu.memref_slice %arg10[%dma_start3A_263, %dma_start3A_265, %dma_start3A_266] : memref<2x64x128xf32, #tpu.memory_space<vmem>> -> memref<1x64x128xf32, #tpu.memory_space<vmem>>
        %dma_start3A_268 = tpu.memref_squeeze %dma_start3A_267 : memref<1x64x128xf32, #tpu.memory_space<vmem>> -> memref<64x128xf32, #tpu.memory_space<vmem>>
        %dma_start3A_269 = tpu.memref_slice %arg7[%mul3A_248] : memref<512xi32, #tpu.memory_space<vmem>> -> memref<64xi32, #tpu.memory_space<vmem>>
        %dma_start3A_270 = arith.constant 0 : i32
        %dma_start3A_271 = arith.constant 0 : i32
        %dma_start3A_272 = tpu.memref_slice %arg5[%dma_start3A_270, %dma_start3A_271] : memref<10000x128xf32, #tpu.memory_space<hbm>> -> memref<10000x128xf32, #tpu.memory_space<hbm>>
        %dma_start3A_273 = tpu.memref_slice %arg15[%dma_start3A_264] : memref<2x!tpu.dma_semaphore, #tpu.memory_space<semaphore_mem>> -> memref<1x!tpu.dma_semaphore, #tpu.memory_space<semaphore_mem>>
        %dma_start3A_274 = tpu.memref_squeeze %dma_start3A_273 : memref<1x!tpu.dma_semaphore, #tpu.memory_space<semaphore_mem>> -> memref<!tpu.dma_semaphore, #tpu.memory_space<semaphore_mem>>
        tpu.enqueue_indirect_dma source(%dma_start3A_272 : memref<10000x128xf32, #tpu.memory_space<hbm>>) target(%dma_start3A_268 : memref<64x128xf32, #tpu.memory_space<vmem>>) offsets(%dma_start3A_269 : memref<64xi32, #tpu.memory_space<vmem>>) semaphore(%dma_start3A_274 : memref<!tpu.dma_semaphore, #tpu.memory_space<semaphore_mem>>)
        %dma_start3A_275 = arith.constant 1 : i32
        %dma_start3A_276 = arith.constant 1 : i32
        %dma_start3A_277 = arith.constant 0 : i32
        %dma_start3A_278 = arith.constant 0 : i32
        %dma_start3A_279 = tpu.memref_slice %arg11[%dma_start3A_275, %dma_start3A_277, %dma_start3A_278] : memref<2x64x128xf32, #tpu.memory_space<vmem>> -> memref<1x64x128xf32, #tpu.memory_space<vmem>>
        %dma_start3A_280 = tpu.memref_squeeze %dma_start3A_279 : memref<1x64x128xf32, #tpu.memory_space<vmem>> -> memref<64x128xf32, #tpu.memory_space<vmem>>
        %dma_start3A_281 = tpu.memref_slice %arg8[%mul3A_250] : memref<512xi32, #tpu.memory_space<vmem>> -> memref<64xi32, #tpu.memory_space<vmem>>
        %dma_start3A_282 = arith.constant 0 : i32
        %dma_start3A_283 = arith.constant 0 : i32
        %dma_start3A_284 = tpu.memref_slice %arg4[%dma_start3A_282, %dma_start3A_283] : memref<10000x128xf32, #tpu.memory_space<hbm>> -> memref<10000x128xf32, #tpu.memory_space<hbm>>
        %dma_start3A_285 = tpu.memref_slice %arg15[%dma_start3A_276] : memref<2x!tpu.dma_semaphore, #tpu.memory_space<semaphore_mem>> -> memref<1x!tpu.dma_semaphore, #tpu.memory_space<semaphore_mem>>
        %dma_start3A_286 = tpu.memref_squeeze %dma_start3A_285 : memref<1x!tpu.dma_semaphore, #tpu.memory_space<semaphore_mem>> -> memref<!tpu.dma_semaphore, #tpu.memory_space<semaphore_mem>>
        tpu.enqueue_indirect_dma source(%dma_start3A_284 : memref<10000x128xf32, #tpu.memory_space<hbm>>) target(%dma_start3A_280 : memref<64x128xf32, #tpu.memory_space<vmem>>) offsets(%dma_start3A_281 : memref<64xi32, #tpu.memory_space<vmem>>) semaphore(%dma_start3A_286 : memref<!tpu.dma_semaphore, #tpu.memory_space<semaphore_mem>>)
        %dma_start3A_287 = arith.constant 1 : i32
        %dma_start3A_288 = arith.constant 1 : i32
        %dma_start3A_289 = arith.constant 0 : i32
        %dma_start3A_290 = arith.constant 0 : i32
        %dma_start3A_291 = tpu.memref_slice %arg12[%dma_start3A_287, %dma_start3A_289, %dma_start3A_290] : memref<2x64x128xf32, #tpu.memory_space<vmem>> -> memref<1x64x128xf32, #tpu.memory_space<vmem>>
        %dma_start3A_292 = tpu.memref_squeeze %dma_start3A_291 : memref<1x64x128xf32, #tpu.memory_space<vmem>> -> memref<64x128xf32, #tpu.memory_space<vmem>>
        %dma_start3A_293 = tpu.memref_slice %arg8[%mul3A_250] : memref<512xi32, #tpu.memory_space<vmem>> -> memref<64xi32, #tpu.memory_space<vmem>>
        %dma_start3A_294 = arith.constant 0 : i32
        %dma_start3A_295 = arith.constant 0 : i32
        %dma_start3A_296 = tpu.memref_slice %arg5[%dma_start3A_294, %dma_start3A_295] : memref<10000x128xf32, #tpu.memory_space<hbm>> -> memref<10000x128xf32, #tpu.memory_space<hbm>>
        %dma_start3A_297 = tpu.memref_slice %arg15[%dma_start3A_288] : memref<2x!tpu.dma_semaphore, #tpu.memory_space<semaphore_mem>> -> memref<1x!tpu.dma_semaphore, #tpu.memory_space<semaphore_mem>>
        %dma_start3A_298 = tpu.memref_squeeze %dma_start3A_297 : memref<1x!tpu.dma_semaphore, #tpu.memory_space<semaphore_mem>> -> memref<!tpu.dma_semaphore, #tpu.memory_space<semaphore_mem>>
        tpu.enqueue_indirect_dma source(%dma_start3A_296 : memref<10000x128xf32, #tpu.memory_space<hbm>>) target(%dma_start3A_292 : memref<64x128xf32, #tpu.memory_space<vmem>>) offsets(%dma_start3A_293 : memref<64xi32, #tpu.memory_space<vmem>>) semaphore(%dma_start3A_298 : memref<!tpu.dma_semaphore, #tpu.memory_space<semaphore_mem>>)
      } else {
      }
    }
    %scan3A_111 = arith.constant 4 : i32
    "tpu.region"() ({
      %run_scoped3A = tpu.sem_alloc : memref<!tpu.dma_semaphore, #tpu.memory_space<semaphore_mem>>
      %dma_start3A_112 = tpu.memref_slice %arg6[%mul3A_2] : memref<16384xf32, #tpu.memory_space<hbm>> -> memref<512xf32, #tpu.memory_space<hbm>>
      %dma_start3A_113 = tpu.memref_slice %arg6[%mul3A_2] : memref<16384xf32, #tpu.memory_space<hbm>> -> memref<512xf32, #tpu.memory_space<hbm>>
      tpu.enqueue_dma source(%arg14 : memref<512xf32, #tpu.memory_space<vmem>>) target(%dma_start3A_113 : memref<512xf32, #tpu.memory_space<hbm>>) target_semaphore(%run_scoped3A : memref<!tpu.dma_semaphore, #tpu.memory_space<semaphore_mem>>)
      %dma_wait3A = tpu.memref_slice %arg6[%mul3A_2] : memref<16384xf32, #tpu.memory_space<hbm>> -> memref<512xf32, #tpu.memory_space<hbm>>
      %dma_wait3A_114 = tpu.memref_slice %arg6[%mul3A_2] : memref<16384xf32, #tpu.memory_space<hbm>> -> memref<512xf32, #tpu.memory_space<hbm>>
      tpu.wait_dma2 semaphore(%run_scoped3A : memref<!tpu.dma_semaphore, #tpu.memory_space<semaphore_mem>>) src(%arg14 : memref<512xf32, #tpu.memory_space<vmem>>) dst(%dma_wait3A_114 : memref<512xf32, #tpu.memory_space<hbm>>)
      tpu.yield
    }) : () -> ()
    return
  }
}

#map = affine_map<(d0, d1) -> (0, 0)>
#map1 = affine_map<(d0, d1) -> (0)>
module attributes {stable_mosaic.version = 14 : i64} {
  func.func @_propagate_body(%arg0: i32, %arg1: i32, %arg2: memref<10000x128xf32, #tpu.memory_space<hbm>>, %arg3: memref<320000xi32, #tpu.memory_space<hbm>>, %arg4: memref<320000xi32, #tpu.memory_space<hbm>>, %arg5: memref<320000xf32, #tpu.memory_space<hbm>>, %arg6: memref<10000x128xf32, #tpu.memory_space<hbm>>, %arg7: memref<10000x128xf32, #tpu.memory_space<hbm>>, %arg8: memref<10000x128xf32, #tpu.memory_space<vmem_shared>>, %arg9: memref<4x80xi32, #tpu.memory_space<vmem>>, %arg10: memref<4x80xi32, #tpu.memory_space<vmem>>, %arg11: memref<4x80xf32, #tpu.memory_space<vmem>>, %arg12: memref<2x80x128xf32, #tpu.memory_space<vmem>>, %arg13: memref<2x80x128xf32, #tpu.memory_space<vmem>>, %arg14: memref<2x!tpu.dma_semaphore, #tpu.memory_space<semaphore_mem>>, %arg15: memref<2x!tpu.dma_semaphore, #tpu.memory_space<semaphore_mem>>, %arg16: memref<2x!tpu.dma_semaphore, #tpu.memory_space<semaphore_mem>>, %arg17: memref<!tpu.dma_semaphore, #tpu.memory_space<semaphore_mem>>) attributes {dimension_semantics = [#tpu.dimension_semantics<core_parallel>, #tpu.dimension_semantics<subcore_parallel>], iteration_bounds = array<i64: 2, 16>, scalar_prefetch = 0 : i64, scratch_operands = 10 : i64, tpu.core_type = #tpu.core_type<sc_vector_subcore>, window_params = [{transform_indices = #map}, {transform_indices = #map1}, {transform_indices = #map1}, {transform_indices = #map1}, {transform_indices = #map}, {transform_indices = #map}]} {
    %mul3A = arith.constant 16 : i32
    %mul3A_0 = arith.muli %arg0, %mul3A : i32
    %add3A = arith.addi %mul3A_0, %arg1 : i32
    %mul3A_1 = arith.constant 10000 : i32
    %mul3A_2 = arith.muli %add3A, %mul3A_1 : i32
    %eq3A = arith.constant 1 : i32
    %eq3A_3 = arith.cmpi eq, %arg0, %eq3A : i32
    %convert_element_type3A = arith.extui %eq3A_3 : i1 to i32
    %cond3A = arith.constant 0 : i32
    %cond3A_4 = arith.cmpi ne, %convert_element_type3A, %cond3A : i32
    scf.if %cond3A_4 {
      %parallel_loop3A_274 = arith.constant 0 : i32
      %parallel_loop3A_275 = arith.constant 80 : i32
      %parallel_loop3A_276 = arith.constant 1 : i32
      scf.for %parallel_loop3A_277 = %parallel_loop3A_274 to %parallel_loop3A_275 step %parallel_loop3A_276  : i32 {
        %parallel_loop3A_278 = arith.constant 0.000000e+00 : f32
        %parallel_loop3A_279 = vector.broadcast %parallel_loop3A_278 : f32 to vector<16xf32>
        %parallel_loop3A_280 = arith.constant 0 : i32
        %parallel_loop3A_281 = arith.index_cast %parallel_loop3A_280 : i32 to index
        %parallel_loop3A_282 = arith.index_cast %parallel_loop3A_277 : i32 to index
        %parallel_loop3A_283 = arith.constant 0 : index
        %parallel_loop3A_284 = tpu.vector_load %arg12[%parallel_loop3A_281, %parallel_loop3A_282, %parallel_loop3A_283] {strides = array<i32>} : memref<2x80x128xf32, #tpu.memory_space<vmem>>, vector<16xf32>,
        tpu.vector_store %arg12[%parallel_loop3A_281, %parallel_loop3A_282, %parallel_loop3A_283], %parallel_loop3A_279 {strides = array<i32>} : memref<2x80x128xf32, #tpu.memory_space<vmem>>, vector<16xf32>,
        %parallel_loop3A_285 = arith.constant 0.000000e+00 : f32
        %parallel_loop3A_286 = vector.broadcast %parallel_loop3A_285 : f32 to vector<16xf32>
        %parallel_loop3A_287 = arith.constant 0 : i32
        %parallel_loop3A_288 = arith.index_cast %parallel_loop3A_287 : i32 to index
        %parallel_loop3A_289 = arith.index_cast %parallel_loop3A_277 : i32 to index
        %parallel_loop3A_290 = arith.constant 16 : index
        %parallel_loop3A_291 = tpu.vector_load %arg12[%parallel_loop3A_288, %parallel_loop3A_289, %parallel_loop3A_290] {strides = array<i32>} : memref<2x80x128xf32, #tpu.memory_space<vmem>>, vector<16xf32>,
        tpu.vector_store %arg12[%parallel_loop3A_288, %parallel_loop3A_289, %parallel_loop3A_290], %parallel_loop3A_286 {strides = array<i32>} : memref<2x80x128xf32, #tpu.memory_space<vmem>>, vector<16xf32>,
        %parallel_loop3A_292 = arith.constant 0.000000e+00 : f32
        %parallel_loop3A_293 = vector.broadcast %parallel_loop3A_292 : f32 to vector<16xf32>
        %parallel_loop3A_294 = arith.constant 0 : i32
        %parallel_loop3A_295 = arith.index_cast %parallel_loop3A_294 : i32 to index
        %parallel_loop3A_296 = arith.index_cast %parallel_loop3A_277 : i32 to index
        %parallel_loop3A_297 = arith.constant 32 : index
        %parallel_loop3A_298 = tpu.vector_load %arg12[%parallel_loop3A_295, %parallel_loop3A_296, %parallel_loop3A_297] {strides = array<i32>} : memref<2x80x128xf32, #tpu.memory_space<vmem>>, vector<16xf32>,
        tpu.vector_store %arg12[%parallel_loop3A_295, %parallel_loop3A_296, %parallel_loop3A_297], %parallel_loop3A_293 {strides = array<i32>} : memref<2x80x128xf32, #tpu.memory_space<vmem>>, vector<16xf32>,
        %parallel_loop3A_299 = arith.constant 0.000000e+00 : f32
        %parallel_loop3A_300 = vector.broadcast %parallel_loop3A_299 : f32 to vector<16xf32>
        %parallel_loop3A_301 = arith.constant 0 : i32
        %parallel_loop3A_302 = arith.index_cast %parallel_loop3A_301 : i32 to index
        %parallel_loop3A_303 = arith.index_cast %parallel_loop3A_277 : i32 to index
        %parallel_loop3A_304 = arith.constant 48 : index
        %parallel_loop3A_305 = tpu.vector_load %arg12[%parallel_loop3A_302, %parallel_loop3A_303, %parallel_loop3A_304] {strides = array<i32>} : memref<2x80x128xf32, #tpu.memory_space<vmem>>, vector<16xf32>,
        tpu.vector_store %arg12[%parallel_loop3A_302, %parallel_loop3A_303, %parallel_loop3A_304], %parallel_loop3A_300 {strides = array<i32>} : memref<2x80x128xf32, #tpu.memory_space<vmem>>, vector<16xf32>,
        %parallel_loop3A_306 = arith.constant 0.000000e+00 : f32
        %parallel_loop3A_307 = vector.broadcast %parallel_loop3A_306 : f32 to vector<16xf32>
        %parallel_loop3A_308 = arith.constant 0 : i32
        %parallel_loop3A_309 = arith.index_cast %parallel_loop3A_308 : i32 to index
        %parallel_loop3A_310 = arith.index_cast %parallel_loop3A_277 : i32 to index
        %parallel_loop3A_311 = arith.constant 64 : index
        %parallel_loop3A_312 = tpu.vector_load %arg12[%parallel_loop3A_309, %parallel_loop3A_310, %parallel_loop3A_311] {strides = array<i32>} : memref<2x80x128xf32, #tpu.memory_space<vmem>>, vector<16xf32>,
        tpu.vector_store %arg12[%parallel_loop3A_309, %parallel_loop3A_310, %parallel_loop3A_311], %parallel_loop3A_307 {strides = array<i32>} : memref<2x80x128xf32, #tpu.memory_space<vmem>>, vector<16xf32>,
        %parallel_loop3A_313 = arith.constant 0.000000e+00 : f32
        %parallel_loop3A_314 = vector.broadcast %parallel_loop3A_313 : f32 to vector<16xf32>
        %parallel_loop3A_315 = arith.constant 0 : i32
        %parallel_loop3A_316 = arith.index_cast %parallel_loop3A_315 : i32 to index
        %parallel_loop3A_317 = arith.index_cast %parallel_loop3A_277 : i32 to index
        %parallel_loop3A_318 = arith.constant 80 : index
        %parallel_loop3A_319 = tpu.vector_load %arg12[%parallel_loop3A_316, %parallel_loop3A_317, %parallel_loop3A_318] {strides = array<i32>} : memref<2x80x128xf32, #tpu.memory_space<vmem>>, vector<16xf32>,
        tpu.vector_store %arg12[%parallel_loop3A_316, %parallel_loop3A_317, %parallel_loop3A_318], %parallel_loop3A_314 {strides = array<i32>} : memref<2x80x128xf32, #tpu.memory_space<vmem>>, vector<16xf32>,
        %parallel_loop3A_320 = arith.constant 0.000000e+00 : f32
        %parallel_loop3A_321 = vector.broadcast %parallel_loop3A_320 : f32 to vector<16xf32>
        %parallel_loop3A_322 = arith.constant 0 : i32
        %parallel_loop3A_323 = arith.index_cast %parallel_loop3A_322 : i32 to index
        %parallel_loop3A_324 = arith.index_cast %parallel_loop3A_277 : i32 to index
        %parallel_loop3A_325 = arith.constant 96 : index
        %parallel_loop3A_326 = tpu.vector_load %arg12[%parallel_loop3A_323, %parallel_loop3A_324, %parallel_loop3A_325] {strides = array<i32>} : memref<2x80x128xf32, #tpu.memory_space<vmem>>, vector<16xf32>,
        tpu.vector_store %arg12[%parallel_loop3A_323, %parallel_loop3A_324, %parallel_loop3A_325], %parallel_loop3A_321 {strides = array<i32>} : memref<2x80x128xf32, #tpu.memory_space<vmem>>, vector<16xf32>,
        %parallel_loop3A_327 = arith.constant 0.000000e+00 : f32
        %parallel_loop3A_328 = vector.broadcast %parallel_loop3A_327 : f32 to vector<16xf32>
        %parallel_loop3A_329 = arith.constant 0 : i32
        %parallel_loop3A_330 = arith.index_cast %parallel_loop3A_329 : i32 to index
        %parallel_loop3A_331 = arith.index_cast %parallel_loop3A_277 : i32 to index
        %parallel_loop3A_332 = arith.constant 112 : index
        %parallel_loop3A_333 = tpu.vector_load %arg12[%parallel_loop3A_330, %parallel_loop3A_331, %parallel_loop3A_332] {strides = array<i32>} : memref<2x80x128xf32, #tpu.memory_space<vmem>>, vector<16xf32>,
        tpu.vector_store %arg12[%parallel_loop3A_330, %parallel_loop3A_331, %parallel_loop3A_332], %parallel_loop3A_328 {strides = array<i32>} : memref<2x80x128xf32, #tpu.memory_space<vmem>>, vector<16xf32>,
      } {sc.loop_unroll_factor = 4 : i64, sc.parallel_access}
    } else {
    }
    %add3A_5 = arith.constant 0 : i32
    %add3A_6 = arith.addi %arg1, %add3A_5 : i32
    %lt3A = arith.constant 125 : i32
    %lt3A_7 = arith.cmpi slt, %add3A_6, %lt3A : i32
    %convert_element_type3A_8 = arith.extui %lt3A_7 : i1 to i32
    %cond3A_9 = arith.constant 0 : i32
    %cond3A_10 = arith.cmpi ne, %convert_element_type3A_8, %cond3A_9 : i32
    scf.if %cond3A_10 {
      %mul3A_274 = arith.constant 80 : i32
      %mul3A_275 = arith.muli %add3A_6, %mul3A_274 : i32
      %eq3A_276 = arith.constant 0 : i32
      %eq3A_277 = arith.cmpi eq, %arg0, %eq3A_276 : i32
      %convert_element_type3A_278 = arith.extui %eq3A_277 : i1 to i32
      %cond3A_279 = arith.constant 0 : i32
      %cond3A_280 = arith.cmpi ne, %convert_element_type3A_278, %cond3A_279 : i32
      scf.if %cond3A_280 {
        %dma_start3A_286 = arith.constant 0 : i32
        %dma_start3A_287 = tpu.memref_slice %arg8[%mul3A_275, %dma_start3A_286] : memref<10000x128xf32, #tpu.memory_space<vmem_shared>> -> memref<80x128xf32, #tpu.memory_space<vmem_shared>>
        %dma_start3A_288 = arith.constant 0 : i32
        %dma_start3A_289 = tpu.memref_slice %arg2[%mul3A_275, %dma_start3A_288] : memref<10000x128xf32, #tpu.memory_space<hbm>> -> memref<80x128xf32, #tpu.memory_space<hbm>>
        tpu.enqueue_dma source(%dma_start3A_289 : memref<80x128xf32, #tpu.memory_space<hbm>>) target(%dma_start3A_287 : memref<80x128xf32, #tpu.memory_space<vmem_shared>>) target_semaphore(%arg17 : memref<!tpu.dma_semaphore, #tpu.memory_space<semaphore_mem>>)
      } else {
      }
      %eq3A_281 = arith.constant 1 : i32
      %eq3A_282 = arith.cmpi eq, %arg0, %eq3A_281 : i32
      %convert_element_type3A_283 = arith.extui %eq3A_282 : i1 to i32
      %cond3A_284 = arith.constant 0 : i32
      %cond3A_285 = arith.cmpi ne, %convert_element_type3A_283, %cond3A_284 : i32
      scf.if %cond3A_285 {
        %dma_start3A_286 = arith.constant 0 : i32
        %dma_start3A_287 = arith.constant 0 : i32
        %dma_start3A_288 = arith.constant 0 : i32
        %dma_start3A_289 = tpu.memref_slice %arg12[%dma_start3A_286, %dma_start3A_287, %dma_start3A_288] : memref<2x80x128xf32, #tpu.memory_space<vmem>> -> memref<1x80x128xf32, #tpu.memory_space<vmem>>
        %dma_start3A_290 = tpu.memref_squeeze %dma_start3A_289 : memref<1x80x128xf32, #tpu.memory_space<vmem>> -> memref<80x128xf32, #tpu.memory_space<vmem>>
        %dma_start3A_291 = arith.constant 0 : i32
        %dma_start3A_292 = tpu.memref_slice %arg8[%mul3A_275, %dma_start3A_291] : memref<10000x128xf32, #tpu.memory_space<vmem_shared>> -> memref<80x128xf32, #tpu.memory_space<vmem_shared>>
        %dma_start3A_293 = arith.constant 0 : i32
        %dma_start3A_294 = tpu.memref_slice %arg8[%mul3A_275, %dma_start3A_293] : memref<10000x128xf32, #tpu.memory_space<vmem_shared>> -> memref<80x128xf32, #tpu.memory_space<vmem_shared>>
        %dma_start3A_295 = arith.constant 0 : i32
        %dma_start3A_296 = arith.constant 0 : i32
        %dma_start3A_297 = tpu.memref_slice %arg12[%dma_start3A_286, %dma_start3A_295, %dma_start3A_296] : memref<2x80x128xf32, #tpu.memory_space<vmem>> -> memref<1x80x128xf32, #tpu.memory_space<vmem>>
        %dma_start3A_298 = tpu.memref_squeeze %dma_start3A_297 : memref<1x80x128xf32, #tpu.memory_space<vmem>> -> memref<80x128xf32, #tpu.memory_space<vmem>>
        tpu.enqueue_dma source(%dma_start3A_298 : memref<80x128xf32, #tpu.memory_space<vmem>>) target(%dma_start3A_294 : memref<80x128xf32, #tpu.memory_space<vmem_shared>>) target_semaphore(%arg17 : memref<!tpu.dma_semaphore, #tpu.memory_space<semaphore_mem>>)
      } else {
      }
    } else {
    }
    %scan3A = arith.constant 0 : i32
    %scan3A_11 = arith.constant 1 : i32
    %scan3A_12 = arith.constant 7 : i32
    %scan3A_13 = arith.addi %scan3A_11, %scan3A_12 : i32
    %scan3A_14 = arith.constant 1 : i32
    scf.for %scan3A_274 = %scan3A_11 to %scan3A_13 step %scan3A_14  : i32 {
      %mul3A_275 = arith.constant 16 : i32
      %mul3A_276 = arith.muli %scan3A_274, %mul3A_275 : i32
      %add3A_277 = arith.addi %arg1, %mul3A_276 : i32
      %lt3A_278 = arith.constant 125 : i32
      %lt3A_279 = arith.cmpi slt, %add3A_277, %lt3A_278 : i32
      %convert_element_type3A_280 = arith.extui %lt3A_279 : i1 to i32
      %cond3A_281 = arith.constant 0 : i32
      %cond3A_282 = arith.cmpi ne, %convert_element_type3A_280, %cond3A_281 : i32
      scf.if %cond3A_282 {
        %mul3A_292 = arith.constant 80 : i32
        %mul3A_293 = arith.muli %add3A_277, %mul3A_292 : i32
        %eq3A_294 = arith.constant 0 : i32
        %eq3A_295 = arith.cmpi eq, %arg0, %eq3A_294 : i32
        %convert_element_type3A_296 = arith.extui %eq3A_295 : i1 to i32
        %cond3A_297 = arith.constant 0 : i32
        %cond3A_298 = arith.cmpi ne, %convert_element_type3A_296, %cond3A_297 : i32
        scf.if %cond3A_298 {
          %dma_start3A_304 = arith.constant 0 : i32
          %dma_start3A_305 = tpu.memref_slice %arg8[%mul3A_293, %dma_start3A_304] : memref<10000x128xf32, #tpu.memory_space<vmem_shared>> -> memref<80x128xf32, #tpu.memory_space<vmem_shared>>
          %dma_start3A_306 = arith.constant 0 : i32
          %dma_start3A_307 = tpu.memref_slice %arg2[%mul3A_293, %dma_start3A_306] : memref<10000x128xf32, #tpu.memory_space<hbm>> -> memref<80x128xf32, #tpu.memory_space<hbm>>
          tpu.enqueue_dma source(%dma_start3A_307 : memref<80x128xf32, #tpu.memory_space<hbm>>) target(%dma_start3A_305 : memref<80x128xf32, #tpu.memory_space<vmem_shared>>) target_semaphore(%arg17 : memref<!tpu.dma_semaphore, #tpu.memory_space<semaphore_mem>>)
        } else {
        }
        %eq3A_299 = arith.constant 1 : i32
        %eq3A_300 = arith.cmpi eq, %arg0, %eq3A_299 : i32
        %convert_element_type3A_301 = arith.extui %eq3A_300 : i1 to i32
        %cond3A_302 = arith.constant 0 : i32
        %cond3A_303 = arith.cmpi ne, %convert_element_type3A_301, %cond3A_302 : i32
        scf.if %cond3A_303 {
          %dma_start3A_304 = arith.constant 0 : i32
          %dma_start3A_305 = arith.constant 0 : i32
          %dma_start3A_306 = arith.constant 0 : i32
          %dma_start3A_307 = tpu.memref_slice %arg12[%dma_start3A_304, %dma_start3A_305, %dma_start3A_306] : memref<2x80x128xf32, #tpu.memory_space<vmem>> -> memref<1x80x128xf32, #tpu.memory_space<vmem>>
          %dma_start3A_308 = tpu.memref_squeeze %dma_start3A_307 : memref<1x80x128xf32, #tpu.memory_space<vmem>> -> memref<80x128xf32, #tpu.memory_space<vmem>>
          %dma_start3A_309 = arith.constant 0 : i32
          %dma_start3A_310 = tpu.memref_slice %arg8[%mul3A_293, %dma_start3A_309] : memref<10000x128xf32, #tpu.memory_space<vmem_shared>> -> memref<80x128xf32, #tpu.memory_space<vmem_shared>>
          %dma_start3A_311 = arith.constant 0 : i32
          %dma_start3A_312 = tpu.memref_slice %arg8[%mul3A_293, %dma_start3A_311] : memref<10000x128xf32, #tpu.memory_space<vmem_shared>> -> memref<80x128xf32, #tpu.memory_space<vmem_shared>>
          %dma_start3A_313 = arith.constant 0 : i32
          %dma_start3A_314 = arith.constant 0 : i32
          %dma_start3A_315 = tpu.memref_slice %arg12[%dma_start3A_304, %dma_start3A_313, %dma_start3A_314] : memref<2x80x128xf32, #tpu.memory_space<vmem>> -> memref<1x80x128xf32, #tpu.memory_space<vmem>>
          %dma_start3A_316 = tpu.memref_squeeze %dma_start3A_315 : memref<1x80x128xf32, #tpu.memory_space<vmem>> -> memref<80x128xf32, #tpu.memory_space<vmem>>
          tpu.enqueue_dma source(%dma_start3A_316 : memref<80x128xf32, #tpu.memory_space<vmem>>) target(%dma_start3A_312 : memref<80x128xf32, #tpu.memory_space<vmem_shared>>) target_semaphore(%arg17 : memref<!tpu.dma_semaphore, #tpu.memory_space<semaphore_mem>>)
        } else {
        }
      } else {
      }
      %sub3A = arith.constant 1 : i32
      %sub3A_283 = arith.subi %scan3A_274, %sub3A : i32
      %mul3A_284 = arith.constant 16 : i32
      %mul3A_285 = arith.muli %sub3A_283, %mul3A_284 : i32
      %add3A_286 = arith.addi %arg1, %mul3A_285 : i32
      %lt3A_287 = arith.constant 125 : i32
      %lt3A_288 = arith.cmpi slt, %add3A_286, %lt3A_287 : i32
      %convert_element_type3A_289 = arith.extui %lt3A_288 : i1 to i32
      %cond3A_290 = arith.constant 0 : i32
      %cond3A_291 = arith.cmpi ne, %convert_element_type3A_289, %cond3A_290 : i32
      scf.if %cond3A_291 {
        %mul3A_292 = arith.constant 80 : i32
        %mul3A_293 = arith.muli %add3A_286, %mul3A_292 : i32
        %eq3A_294 = arith.constant 0 : i32
        %eq3A_295 = arith.cmpi eq, %arg0, %eq3A_294 : i32
        %convert_element_type3A_296 = arith.extui %eq3A_295 : i1 to i32
        %cond3A_297 = arith.constant 0 : i32
        %cond3A_298 = arith.cmpi ne, %convert_element_type3A_296, %cond3A_297 : i32
        scf.if %cond3A_298 {
          %dma_wait3A_304 = arith.constant 0 : i32
          %dma_wait3A_305 = tpu.memref_slice %arg8[%mul3A_293, %dma_wait3A_304] : memref<10000x128xf32, #tpu.memory_space<vmem_shared>> -> memref<80x128xf32, #tpu.memory_space<vmem_shared>>
          %dma_wait3A_306 = arith.constant 0 : i32
          %dma_wait3A_307 = tpu.memref_slice %arg2[%mul3A_293, %dma_wait3A_306] : memref<10000x128xf32, #tpu.memory_space<hbm>> -> memref<80x128xf32, #tpu.memory_space<hbm>>
          tpu.wait_dma2 semaphore(%arg17 : memref<!tpu.dma_semaphore, #tpu.memory_space<semaphore_mem>>) src(%dma_wait3A_307 : memref<80x128xf32, #tpu.memory_space<hbm>>) dst(%dma_wait3A_305 : memref<80x128xf32, #tpu.memory_space<vmem_shared>>)
        } else {
        }
        %eq3A_299 = arith.constant 1 : i32
        %eq3A_300 = arith.cmpi eq, %arg0, %eq3A_299 : i32
        %convert_element_type3A_301 = arith.extui %eq3A_300 : i1 to i32
        %cond3A_302 = arith.constant 0 : i32
        %cond3A_303 = arith.cmpi ne, %convert_element_type3A_301, %cond3A_302 : i32
        scf.if %cond3A_303 {
          %dma_wait3A_304 = arith.constant 0 : i32
          %dma_wait3A_305 = arith.constant 0 : i32
          %dma_wait3A_306 = arith.constant 0 : i32
          %dma_wait3A_307 = tpu.memref_slice %arg12[%dma_wait3A_304, %dma_wait3A_305, %dma_wait3A_306] : memref<2x80x128xf32, #tpu.memory_space<vmem>> -> memref<1x80x128xf32, #tpu.memory_space<vmem>>
          %dma_wait3A_308 = tpu.memref_squeeze %dma_wait3A_307 : memref<1x80x128xf32, #tpu.memory_space<vmem>> -> memref<80x128xf32, #tpu.memory_space<vmem>>
          %dma_wait3A_309 = arith.constant 0 : i32
          %dma_wait3A_310 = tpu.memref_slice %arg8[%mul3A_293, %dma_wait3A_309] : memref<10000x128xf32, #tpu.memory_space<vmem_shared>> -> memref<80x128xf32, #tpu.memory_space<vmem_shared>>
          %dma_wait3A_311 = arith.constant 0 : i32
          %dma_wait3A_312 = tpu.memref_slice %arg8[%mul3A_293, %dma_wait3A_311] : memref<10000x128xf32, #tpu.memory_space<vmem_shared>> -> memref<80x128xf32, #tpu.memory_space<vmem_shared>>
          %dma_wait3A_313 = arith.constant 0 : i32
          %dma_wait3A_314 = arith.constant 0 : i32
          %dma_wait3A_315 = tpu.memref_slice %arg12[%dma_wait3A_304, %dma_wait3A_313, %dma_wait3A_314] : memref<2x80x128xf32, #tpu.memory_space<vmem>> -> memref<1x80x128xf32, #tpu.memory_space<vmem>>
          %dma_wait3A_316 = tpu.memref_squeeze %dma_wait3A_315 : memref<1x80x128xf32, #tpu.memory_space<vmem>> -> memref<80x128xf32, #tpu.memory_space<vmem>>
          tpu.wait_dma2 semaphore(%arg17 : memref<!tpu.dma_semaphore, #tpu.memory_space<semaphore_mem>>) src(%dma_wait3A_316 : memref<80x128xf32, #tpu.memory_space<vmem>>) dst(%dma_wait3A_312 : memref<80x128xf32, #tpu.memory_space<vmem_shared>>)
        } else {
        }
      } else {
      }
    }
    %scan3A_15 = arith.constant 7 : i32
    %add3A_16 = arith.constant 112 : i32
    %add3A_17 = arith.addi %arg1, %add3A_16 : i32
    %lt3A_18 = arith.constant 125 : i32
    %lt3A_19 = arith.cmpi slt, %add3A_17, %lt3A_18 : i32
    %convert_element_type3A_20 = arith.extui %lt3A_19 : i1 to i32
    %cond3A_21 = arith.constant 0 : i32
    %cond3A_22 = arith.cmpi ne, %convert_element_type3A_20, %cond3A_21 : i32
    scf.if %cond3A_22 {
      %mul3A_274 = arith.constant 80 : i32
      %mul3A_275 = arith.muli %add3A_17, %mul3A_274 : i32
      %eq3A_276 = arith.constant 0 : i32
      %eq3A_277 = arith.cmpi eq, %arg0, %eq3A_276 : i32
      %convert_element_type3A_278 = arith.extui %eq3A_277 : i1 to i32
      %cond3A_279 = arith.constant 0 : i32
      %cond3A_280 = arith.cmpi ne, %convert_element_type3A_278, %cond3A_279 : i32
      scf.if %cond3A_280 {
        %dma_wait3A_286 = arith.constant 0 : i32
        %dma_wait3A_287 = tpu.memref_slice %arg8[%mul3A_275, %dma_wait3A_286] : memref<10000x128xf32, #tpu.memory_space<vmem_shared>> -> memref<80x128xf32, #tpu.memory_space<vmem_shared>>
        %dma_wait3A_288 = arith.constant 0 : i32
        %dma_wait3A_289 = tpu.memref_slice %arg2[%mul3A_275, %dma_wait3A_288] : memref<10000x128xf32, #tpu.memory_space<hbm>> -> memref<80x128xf32, #tpu.memory_space<hbm>>
        tpu.wait_dma2 semaphore(%arg17 : memref<!tpu.dma_semaphore, #tpu.memory_space<semaphore_mem>>) src(%dma_wait3A_289 : memref<80x128xf32, #tpu.memory_space<hbm>>) dst(%dma_wait3A_287 : memref<80x128xf32, #tpu.memory_space<vmem_shared>>)
      } else {
      }
      %eq3A_281 = arith.constant 1 : i32
      %eq3A_282 = arith.cmpi eq, %arg0, %eq3A_281 : i32
      %convert_element_type3A_283 = arith.extui %eq3A_282 : i1 to i32
      %cond3A_284 = arith.constant 0 : i32
      %cond3A_285 = arith.cmpi ne, %convert_element_type3A_283, %cond3A_284 : i32
      scf.if %cond3A_285 {
        %dma_wait3A_286 = arith.constant 0 : i32
        %dma_wait3A_287 = arith.constant 0 : i32
        %dma_wait3A_288 = arith.constant 0 : i32
        %dma_wait3A_289 = tpu.memref_slice %arg12[%dma_wait3A_286, %dma_wait3A_287, %dma_wait3A_288] : memref<2x80x128xf32, #tpu.memory_space<vmem>> -> memref<1x80x128xf32, #tpu.memory_space<vmem>>
        %dma_wait3A_290 = tpu.memref_squeeze %dma_wait3A_289 : memref<1x80x128xf32, #tpu.memory_space<vmem>> -> memref<80x128xf32, #tpu.memory_space<vmem>>
        %dma_wait3A_291 = arith.constant 0 : i32
        %dma_wait3A_292 = tpu.memref_slice %arg8[%mul3A_275, %dma_wait3A_291] : memref<10000x128xf32, #tpu.memory_space<vmem_shared>> -> memref<80x128xf32, #tpu.memory_space<vmem_shared>>
        %dma_wait3A_293 = arith.constant 0 : i32
        %dma_wait3A_294 = tpu.memref_slice %arg8[%mul3A_275, %dma_wait3A_293] : memref<10000x128xf32, #tpu.memory_space<vmem_shared>> -> memref<80x128xf32, #tpu.memory_space<vmem_shared>>
        %dma_wait3A_295 = arith.constant 0 : i32
        %dma_wait3A_296 = arith.constant 0 : i32
        %dma_wait3A_297 = tpu.memref_slice %arg12[%dma_wait3A_286, %dma_wait3A_295, %dma_wait3A_296] : memref<2x80x128xf32, #tpu.memory_space<vmem>> -> memref<1x80x128xf32, #tpu.memory_space<vmem>>
        %dma_wait3A_298 = tpu.memref_squeeze %dma_wait3A_297 : memref<1x80x128xf32, #tpu.memory_space<vmem>> -> memref<80x128xf32, #tpu.memory_space<vmem>>
        tpu.wait_dma2 semaphore(%arg17 : memref<!tpu.dma_semaphore, #tpu.memory_space<semaphore_mem>>) src(%dma_wait3A_298 : memref<80x128xf32, #tpu.memory_space<vmem>>) dst(%dma_wait3A_294 : memref<80x128xf32, #tpu.memory_space<vmem_shared>>)
      } else {
      }
    } else {
    }
    %barrier3A = arith.constant 0 : index
    tpu.barrier barrier_id(%barrier3A)
    %add3A_23 = arith.constant 0 : i32
    %add3A_24 = arith.addi %mul3A_2, %add3A_23 : i32
    %dma_start3A = arith.constant 0 : i32
    %dma_start3A_25 = arith.constant 0 : i32
    %dma_start3A_26 = arith.constant 0 : i32
    %dma_start3A_27 = tpu.memref_slice %arg9[%dma_start3A, %dma_start3A_26] : memref<4x80xi32, #tpu.memory_space<vmem>> -> memref<1x80xi32, #tpu.memory_space<vmem>>
    %dma_start3A_28 = tpu.memref_squeeze %dma_start3A_27 : memref<1x80xi32, #tpu.memory_space<vmem>> -> memref<80xi32, #tpu.memory_space<vmem>>
    %dma_start3A_29 = tpu.memref_slice %arg4[%add3A_24] : memref<320000xi32, #tpu.memory_space<hbm>> -> memref<80xi32, #tpu.memory_space<hbm>>
    %dma_start3A_30 = tpu.memref_slice %arg14[%dma_start3A_25] : memref<2x!tpu.dma_semaphore, #tpu.memory_space<semaphore_mem>> -> memref<1x!tpu.dma_semaphore, #tpu.memory_space<semaphore_mem>>
    %dma_start3A_31 = tpu.memref_squeeze %dma_start3A_30 : memref<1x!tpu.dma_semaphore, #tpu.memory_space<semaphore_mem>> -> memref<!tpu.dma_semaphore, #tpu.memory_space<semaphore_mem>>
    %dma_start3A_32 = arith.constant 0 : i32
    %dma_start3A_33 = tpu.memref_slice %arg9[%dma_start3A, %dma_start3A_32] : memref<4x80xi32, #tpu.memory_space<vmem>> -> memref<1x80xi32, #tpu.memory_space<vmem>>
    %dma_start3A_34 = tpu.memref_squeeze %dma_start3A_33 : memref<1x80xi32, #tpu.memory_space<vmem>> -> memref<80xi32, #tpu.memory_space<vmem>>
    %dma_start3A_35 = tpu.memref_slice %arg4[%add3A_24] : memref<320000xi32, #tpu.memory_space<hbm>> -> memref<80xi32, #tpu.memory_space<hbm>>
    tpu.enqueue_dma source(%dma_start3A_35 : memref<80xi32, #tpu.memory_space<hbm>>) target(%dma_start3A_34 : memref<80xi32, #tpu.memory_space<vmem>>) target_semaphore(%dma_start3A_31 : memref<!tpu.dma_semaphore, #tpu.memory_space<semaphore_mem>>)
    %add3A_36 = arith.constant 0 : i32
    %add3A_37 = arith.addi %mul3A_2, %add3A_36 : i32
    %dma_start3A_38 = arith.constant 0 : i32
    %dma_start3A_39 = arith.constant 0 : i32
    %dma_start3A_40 = arith.constant 0 : i32
    %dma_start3A_41 = tpu.memref_slice %arg10[%dma_start3A_38, %dma_start3A_40] : memref<4x80xi32, #tpu.memory_space<vmem>> -> memref<1x80xi32, #tpu.memory_space<vmem>>
    %dma_start3A_42 = tpu.memref_squeeze %dma_start3A_41 : memref<1x80xi32, #tpu.memory_space<vmem>> -> memref<80xi32, #tpu.memory_space<vmem>>
    %dma_start3A_43 = tpu.memref_slice %arg3[%add3A_37] : memref<320000xi32, #tpu.memory_space<hbm>> -> memref<80xi32, #tpu.memory_space<hbm>>
    %dma_start3A_44 = tpu.memref_slice %arg14[%dma_start3A_39] : memref<2x!tpu.dma_semaphore, #tpu.memory_space<semaphore_mem>> -> memref<1x!tpu.dma_semaphore, #tpu.memory_space<semaphore_mem>>
    %dma_start3A_45 = tpu.memref_squeeze %dma_start3A_44 : memref<1x!tpu.dma_semaphore, #tpu.memory_space<semaphore_mem>> -> memref<!tpu.dma_semaphore, #tpu.memory_space<semaphore_mem>>
    %dma_start3A_46 = arith.constant 0 : i32
    %dma_start3A_47 = tpu.memref_slice %arg10[%dma_start3A_38, %dma_start3A_46] : memref<4x80xi32, #tpu.memory_space<vmem>> -> memref<1x80xi32, #tpu.memory_space<vmem>>
    %dma_start3A_48 = tpu.memref_squeeze %dma_start3A_47 : memref<1x80xi32, #tpu.memory_space<vmem>> -> memref<80xi32, #tpu.memory_space<vmem>>
    %dma_start3A_49 = tpu.memref_slice %arg3[%add3A_37] : memref<320000xi32, #tpu.memory_space<hbm>> -> memref<80xi32, #tpu.memory_space<hbm>>
    tpu.enqueue_dma source(%dma_start3A_49 : memref<80xi32, #tpu.memory_space<hbm>>) target(%dma_start3A_48 : memref<80xi32, #tpu.memory_space<vmem>>) target_semaphore(%dma_start3A_45 : memref<!tpu.dma_semaphore, #tpu.memory_space<semaphore_mem>>)
    %add3A_50 = arith.constant 0 : i32
    %add3A_51 = arith.addi %mul3A_2, %add3A_50 : i32
    %dma_start3A_52 = arith.constant 0 : i32
    %dma_start3A_53 = arith.constant 0 : i32
    %dma_start3A_54 = arith.constant 0 : i32
    %dma_start3A_55 = tpu.memref_slice %arg11[%dma_start3A_52, %dma_start3A_54] : memref<4x80xf32, #tpu.memory_space<vmem>> -> memref<1x80xf32, #tpu.memory_space<vmem>>
    %dma_start3A_56 = tpu.memref_squeeze %dma_start3A_55 : memref<1x80xf32, #tpu.memory_space<vmem>> -> memref<80xf32, #tpu.memory_space<vmem>>
    %dma_start3A_57 = tpu.memref_slice %arg5[%add3A_51] : memref<320000xf32, #tpu.memory_space<hbm>> -> memref<80xf32, #tpu.memory_space<hbm>>
    %dma_start3A_58 = tpu.memref_slice %arg14[%dma_start3A_53] : memref<2x!tpu.dma_semaphore, #tpu.memory_space<semaphore_mem>> -> memref<1x!tpu.dma_semaphore, #tpu.memory_space<semaphore_mem>>
    %dma_start3A_59 = tpu.memref_squeeze %dma_start3A_58 : memref<1x!tpu.dma_semaphore, #tpu.memory_space<semaphore_mem>> -> memref<!tpu.dma_semaphore, #tpu.memory_space<semaphore_mem>>
    %dma_start3A_60 = arith.constant 0 : i32
    %dma_start3A_61 = tpu.memref_slice %arg11[%dma_start3A_52, %dma_start3A_60] : memref<4x80xf32, #tpu.memory_space<vmem>> -> memref<1x80xf32, #tpu.memory_space<vmem>>
    %dma_start3A_62 = tpu.memref_squeeze %dma_start3A_61 : memref<1x80xf32, #tpu.memory_space<vmem>> -> memref<80xf32, #tpu.memory_space<vmem>>
    %dma_start3A_63 = tpu.memref_slice %arg5[%add3A_51] : memref<320000xf32, #tpu.memory_space<hbm>> -> memref<80xf32, #tpu.memory_space<hbm>>
    tpu.enqueue_dma source(%dma_start3A_63 : memref<80xf32, #tpu.memory_space<hbm>>) target(%dma_start3A_62 : memref<80xf32, #tpu.memory_space<vmem>>) target_semaphore(%dma_start3A_59 : memref<!tpu.dma_semaphore, #tpu.memory_space<semaphore_mem>>)
    %add3A_64 = arith.constant 80 : i32
    %add3A_65 = arith.addi %mul3A_2, %add3A_64 : i32
    %dma_start3A_66 = arith.constant 1 : i32
    %dma_start3A_67 = arith.constant 1 : i32
    %dma_start3A_68 = arith.constant 0 : i32
    %dma_start3A_69 = tpu.memref_slice %arg9[%dma_start3A_66, %dma_start3A_68] : memref<4x80xi32, #tpu.memory_space<vmem>> -> memref<1x80xi32, #tpu.memory_space<vmem>>
    %dma_start3A_70 = tpu.memref_squeeze %dma_start3A_69 : memref<1x80xi32, #tpu.memory_space<vmem>> -> memref<80xi32, #tpu.memory_space<vmem>>
    %dma_start3A_71 = tpu.memref_slice %arg4[%add3A_65] : memref<320000xi32, #tpu.memory_space<hbm>> -> memref<80xi32, #tpu.memory_space<hbm>>
    %dma_start3A_72 = tpu.memref_slice %arg14[%dma_start3A_67] : memref<2x!tpu.dma_semaphore, #tpu.memory_space<semaphore_mem>> -> memref<1x!tpu.dma_semaphore, #tpu.memory_space<semaphore_mem>>
    %dma_start3A_73 = tpu.memref_squeeze %dma_start3A_72 : memref<1x!tpu.dma_semaphore, #tpu.memory_space<semaphore_mem>> -> memref<!tpu.dma_semaphore, #tpu.memory_space<semaphore_mem>>
    %dma_start3A_74 = arith.constant 0 : i32
    %dma_start3A_75 = tpu.memref_slice %arg9[%dma_start3A_66, %dma_start3A_74] : memref<4x80xi32, #tpu.memory_space<vmem>> -> memref<1x80xi32, #tpu.memory_space<vmem>>
    %dma_start3A_76 = tpu.memref_squeeze %dma_start3A_75 : memref<1x80xi32, #tpu.memory_space<vmem>> -> memref<80xi32, #tpu.memory_space<vmem>>
    %dma_start3A_77 = tpu.memref_slice %arg4[%add3A_65] : memref<320000xi32, #tpu.memory_space<hbm>> -> memref<80xi32, #tpu.memory_space<hbm>>
    tpu.enqueue_dma source(%dma_start3A_77 : memref<80xi32, #tpu.memory_space<hbm>>) target(%dma_start3A_76 : memref<80xi32, #tpu.memory_space<vmem>>) target_semaphore(%dma_start3A_73 : memref<!tpu.dma_semaphore, #tpu.memory_space<semaphore_mem>>)
    %add3A_78 = arith.constant 80 : i32
    %add3A_79 = arith.addi %mul3A_2, %add3A_78 : i32
    %dma_start3A_80 = arith.constant 1 : i32
    %dma_start3A_81 = arith.constant 1 : i32
    %dma_start3A_82 = arith.constant 0 : i32
    %dma_start3A_83 = tpu.memref_slice %arg10[%dma_start3A_80, %dma_start3A_82] : memref<4x80xi32, #tpu.memory_space<vmem>> -> memref<1x80xi32, #tpu.memory_space<vmem>>
    %dma_start3A_84 = tpu.memref_squeeze %dma_start3A_83 : memref<1x80xi32, #tpu.memory_space<vmem>> -> memref<80xi32, #tpu.memory_space<vmem>>
    %dma_start3A_85 = tpu.memref_slice %arg3[%add3A_79] : memref<320000xi32, #tpu.memory_space<hbm>> -> memref<80xi32, #tpu.memory_space<hbm>>
    %dma_start3A_86 = tpu.memref_slice %arg14[%dma_start3A_81] : memref<2x!tpu.dma_semaphore, #tpu.memory_space<semaphore_mem>> -> memref<1x!tpu.dma_semaphore, #tpu.memory_space<semaphore_mem>>
    %dma_start3A_87 = tpu.memref_squeeze %dma_start3A_86 : memref<1x!tpu.dma_semaphore, #tpu.memory_space<semaphore_mem>> -> memref<!tpu.dma_semaphore, #tpu.memory_space<semaphore_mem>>
    %dma_start3A_88 = arith.constant 0 : i32
    %dma_start3A_89 = tpu.memref_slice %arg10[%dma_start3A_80, %dma_start3A_88] : memref<4x80xi32, #tpu.memory_space<vmem>> -> memref<1x80xi32, #tpu.memory_space<vmem>>
    %dma_start3A_90 = tpu.memref_squeeze %dma_start3A_89 : memref<1x80xi32, #tpu.memory_space<vmem>> -> memref<80xi32, #tpu.memory_space<vmem>>
    %dma_start3A_91 = tpu.memref_slice %arg3[%add3A_79] : memref<320000xi32, #tpu.memory_space<hbm>> -> memref<80xi32, #tpu.memory_space<hbm>>
    tpu.enqueue_dma source(%dma_start3A_91 : memref<80xi32, #tpu.memory_space<hbm>>) target(%dma_start3A_90 : memref<80xi32, #tpu.memory_space<vmem>>) target_semaphore(%dma_start3A_87 : memref<!tpu.dma_semaphore, #tpu.memory_space<semaphore_mem>>)
    %add3A_92 = arith.constant 80 : i32
    %add3A_93 = arith.addi %mul3A_2, %add3A_92 : i32
    %dma_start3A_94 = arith.constant 1 : i32
    %dma_start3A_95 = arith.constant 1 : i32
    %dma_start3A_96 = arith.constant 0 : i32
    %dma_start3A_97 = tpu.memref_slice %arg11[%dma_start3A_94, %dma_start3A_96] : memref<4x80xf32, #tpu.memory_space<vmem>> -> memref<1x80xf32, #tpu.memory_space<vmem>>
    %dma_start3A_98 = tpu.memref_squeeze %dma_start3A_97 : memref<1x80xf32, #tpu.memory_space<vmem>> -> memref<80xf32, #tpu.memory_space<vmem>>
    %dma_start3A_99 = tpu.memref_slice %arg5[%add3A_93] : memref<320000xf32, #tpu.memory_space<hbm>> -> memref<80xf32, #tpu.memory_space<hbm>>
    %dma_start3A_100 = tpu.memref_slice %arg14[%dma_start3A_95] : memref<2x!tpu.dma_semaphore, #tpu.memory_space<semaphore_mem>> -> memref<1x!tpu.dma_semaphore, #tpu.memory_space<semaphore_mem>>
    %dma_start3A_101 = tpu.memref_squeeze %dma_start3A_100 : memref<1x!tpu.dma_semaphore, #tpu.memory_space<semaphore_mem>> -> memref<!tpu.dma_semaphore, #tpu.memory_space<semaphore_mem>>
    %dma_start3A_102 = arith.constant 0 : i32
    %dma_start3A_103 = tpu.memref_slice %arg11[%dma_start3A_94, %dma_start3A_102] : memref<4x80xf32, #tpu.memory_space<vmem>> -> memref<1x80xf32, #tpu.memory_space<vmem>>
    %dma_start3A_104 = tpu.memref_squeeze %dma_start3A_103 : memref<1x80xf32, #tpu.memory_space<vmem>> -> memref<80xf32, #tpu.memory_space<vmem>>
    %dma_start3A_105 = tpu.memref_slice %arg5[%add3A_93] : memref<320000xf32, #tpu.memory_space<hbm>> -> memref<80xf32, #tpu.memory_space<hbm>>
    tpu.enqueue_dma source(%dma_start3A_105 : memref<80xf32, #tpu.memory_space<hbm>>) target(%dma_start3A_104 : memref<80xf32, #tpu.memory_space<vmem>>) target_semaphore(%dma_start3A_101 : memref<!tpu.dma_semaphore, #tpu.memory_space<semaphore_mem>>)
    %add3A_106 = arith.constant 0 : i32
    %add3A_107 = arith.addi %mul3A_2, %add3A_106 : i32
    %dma_wait3A = arith.constant 0 : i32
    %dma_wait3A_108 = arith.constant 0 : i32
    %dma_wait3A_109 = arith.constant 0 : i32
    %dma_wait3A_110 = tpu.memref_slice %arg9[%dma_wait3A, %dma_wait3A_109] : memref<4x80xi32, #tpu.memory_space<vmem>> -> memref<1x80xi32, #tpu.memory_space<vmem>>
    %dma_wait3A_111 = tpu.memref_squeeze %dma_wait3A_110 : memref<1x80xi32, #tpu.memory_space<vmem>> -> memref<80xi32, #tpu.memory_space<vmem>>
    %dma_wait3A_112 = tpu.memref_slice %arg4[%add3A_107] : memref<320000xi32, #tpu.memory_space<hbm>> -> memref<80xi32, #tpu.memory_space<hbm>>
    %dma_wait3A_113 = tpu.memref_slice %arg14[%dma_wait3A_108] : memref<2x!tpu.dma_semaphore, #tpu.memory_space<semaphore_mem>> -> memref<1x!tpu.dma_semaphore, #tpu.memory_space<semaphore_mem>>
    %dma_wait3A_114 = tpu.memref_squeeze %dma_wait3A_113 : memref<1x!tpu.dma_semaphore, #tpu.memory_space<semaphore_mem>> -> memref<!tpu.dma_semaphore, #tpu.memory_space<semaphore_mem>>
    %dma_wait3A_115 = arith.constant 0 : i32
    %dma_wait3A_116 = tpu.memref_slice %arg9[%dma_wait3A, %dma_wait3A_115] : memref<4x80xi32, #tpu.memory_space<vmem>> -> memref<1x80xi32, #tpu.memory_space<vmem>>
    %dma_wait3A_117 = tpu.memref_squeeze %dma_wait3A_116 : memref<1x80xi32, #tpu.memory_space<vmem>> -> memref<80xi32, #tpu.memory_space<vmem>>
    %dma_wait3A_118 = tpu.memref_slice %arg4[%add3A_107] : memref<320000xi32, #tpu.memory_space<hbm>> -> memref<80xi32, #tpu.memory_space<hbm>>
    tpu.wait_dma2 semaphore(%dma_wait3A_114 : memref<!tpu.dma_semaphore, #tpu.memory_space<semaphore_mem>>) src(%dma_wait3A_118 : memref<80xi32, #tpu.memory_space<hbm>>) dst(%dma_wait3A_117 : memref<80xi32, #tpu.memory_space<vmem>>)
    %add3A_119 = arith.constant 0 : i32
    %add3A_120 = arith.addi %mul3A_2, %add3A_119 : i32
    %dma_wait3A_121 = arith.constant 0 : i32
    %dma_wait3A_122 = arith.constant 0 : i32
    %dma_wait3A_123 = arith.constant 0 : i32
    %dma_wait3A_124 = tpu.memref_slice %arg10[%dma_wait3A_121, %dma_wait3A_123] : memref<4x80xi32, #tpu.memory_space<vmem>> -> memref<1x80xi32, #tpu.memory_space<vmem>>
    %dma_wait3A_125 = tpu.memref_squeeze %dma_wait3A_124 : memref<1x80xi32, #tpu.memory_space<vmem>> -> memref<80xi32, #tpu.memory_space<vmem>>
    %dma_wait3A_126 = tpu.memref_slice %arg3[%add3A_120] : memref<320000xi32, #tpu.memory_space<hbm>> -> memref<80xi32, #tpu.memory_space<hbm>>
    %dma_wait3A_127 = tpu.memref_slice %arg14[%dma_wait3A_122] : memref<2x!tpu.dma_semaphore, #tpu.memory_space<semaphore_mem>> -> memref<1x!tpu.dma_semaphore, #tpu.memory_space<semaphore_mem>>
    %dma_wait3A_128 = tpu.memref_squeeze %dma_wait3A_127 : memref<1x!tpu.dma_semaphore, #tpu.memory_space<semaphore_mem>> -> memref<!tpu.dma_semaphore, #tpu.memory_space<semaphore_mem>>
    %dma_wait3A_129 = arith.constant 0 : i32
    %dma_wait3A_130 = tpu.memref_slice %arg10[%dma_wait3A_121, %dma_wait3A_129] : memref<4x80xi32, #tpu.memory_space<vmem>> -> memref<1x80xi32, #tpu.memory_space<vmem>>
    %dma_wait3A_131 = tpu.memref_squeeze %dma_wait3A_130 : memref<1x80xi32, #tpu.memory_space<vmem>> -> memref<80xi32, #tpu.memory_space<vmem>>
    %dma_wait3A_132 = tpu.memref_slice %arg3[%add3A_120] : memref<320000xi32, #tpu.memory_space<hbm>> -> memref<80xi32, #tpu.memory_space<hbm>>
    tpu.wait_dma2 semaphore(%dma_wait3A_128 : memref<!tpu.dma_semaphore, #tpu.memory_space<semaphore_mem>>) src(%dma_wait3A_132 : memref<80xi32, #tpu.memory_space<hbm>>) dst(%dma_wait3A_131 : memref<80xi32, #tpu.memory_space<vmem>>)
    %add3A_133 = arith.constant 0 : i32
    %add3A_134 = arith.addi %mul3A_2, %add3A_133 : i32
    %dma_wait3A_135 = arith.constant 0 : i32
    %dma_wait3A_136 = arith.constant 0 : i32
    %dma_wait3A_137 = arith.constant 0 : i32
    %dma_wait3A_138 = tpu.memref_slice %arg11[%dma_wait3A_135, %dma_wait3A_137] : memref<4x80xf32, #tpu.memory_space<vmem>> -> memref<1x80xf32, #tpu.memory_space<vmem>>
    %dma_wait3A_139 = tpu.memref_squeeze %dma_wait3A_138 : memref<1x80xf32, #tpu.memory_space<vmem>> -> memref<80xf32, #tpu.memory_space<vmem>>
    %dma_wait3A_140 = tpu.memref_slice %arg5[%add3A_134] : memref<320000xf32, #tpu.memory_space<hbm>> -> memref<80xf32, #tpu.memory_space<hbm>>
    %dma_wait3A_141 = tpu.memref_slice %arg14[%dma_wait3A_136] : memref<2x!tpu.dma_semaphore, #tpu.memory_space<semaphore_mem>> -> memref<1x!tpu.dma_semaphore, #tpu.memory_space<semaphore_mem>>
    %dma_wait3A_142 = tpu.memref_squeeze %dma_wait3A_141 : memref<1x!tpu.dma_semaphore, #tpu.memory_space<semaphore_mem>> -> memref<!tpu.dma_semaphore, #tpu.memory_space<semaphore_mem>>
    %dma_wait3A_143 = arith.constant 0 : i32
    %dma_wait3A_144 = tpu.memref_slice %arg11[%dma_wait3A_135, %dma_wait3A_143] : memref<4x80xf32, #tpu.memory_space<vmem>> -> memref<1x80xf32, #tpu.memory_space<vmem>>
    %dma_wait3A_145 = tpu.memref_squeeze %dma_wait3A_144 : memref<1x80xf32, #tpu.memory_space<vmem>> -> memref<80xf32, #tpu.memory_space<vmem>>
    %dma_wait3A_146 = tpu.memref_slice %arg5[%add3A_134] : memref<320000xf32, #tpu.memory_space<hbm>> -> memref<80xf32, #tpu.memory_space<hbm>>
    tpu.wait_dma2 semaphore(%dma_wait3A_142 : memref<!tpu.dma_semaphore, #tpu.memory_space<semaphore_mem>>) src(%dma_wait3A_146 : memref<80xf32, #tpu.memory_space<hbm>>) dst(%dma_wait3A_145 : memref<80xf32, #tpu.memory_space<vmem>>)
    %dma_start3A_147 = arith.constant 0 : i32
    %dma_start3A_148 = arith.constant 0 : i32
    %dma_start3A_149 = arith.constant 0 : i32
    %dma_start3A_150 = arith.constant 0 : i32
    %dma_start3A_151 = arith.constant 0 : i32
    %dma_start3A_152 = tpu.memref_slice %arg12[%dma_start3A_148, %dma_start3A_150, %dma_start3A_151] : memref<2x80x128xf32, #tpu.memory_space<vmem>> -> memref<1x80x128xf32, #tpu.memory_space<vmem>>
    %dma_start3A_153 = tpu.memref_squeeze %dma_start3A_152 : memref<1x80x128xf32, #tpu.memory_space<vmem>> -> memref<80x128xf32, #tpu.memory_space<vmem>>
    %dma_start3A_154 = arith.constant 0 : i32
    %dma_start3A_155 = tpu.memref_slice %arg9[%dma_start3A_147, %dma_start3A_154] : memref<4x80xi32, #tpu.memory_space<vmem>> -> memref<1x80xi32, #tpu.memory_space<vmem>>
    %dma_start3A_156 = tpu.memref_squeeze %dma_start3A_155 : memref<1x80xi32, #tpu.memory_space<vmem>> -> memref<80xi32, #tpu.memory_space<vmem>>
    %dma_start3A_157 = arith.constant 0 : i32
    %dma_start3A_158 = arith.constant 0 : i32
    %dma_start3A_159 = tpu.memref_slice %arg2[%dma_start3A_157, %dma_start3A_158] : memref<10000x128xf32, #tpu.memory_space<hbm>> -> memref<10000x128xf32, #tpu.memory_space<hbm>>
    %dma_start3A_160 = tpu.memref_slice %arg15[%dma_start3A_149] : memref<2x!tpu.dma_semaphore, #tpu.memory_space<semaphore_mem>> -> memref<1x!tpu.dma_semaphore, #tpu.memory_space<semaphore_mem>>
    %dma_start3A_161 = tpu.memref_squeeze %dma_start3A_160 : memref<1x!tpu.dma_semaphore, #tpu.memory_space<semaphore_mem>> -> memref<!tpu.dma_semaphore, #tpu.memory_space<semaphore_mem>>
    tpu.enqueue_indirect_dma source(%dma_start3A_159 : memref<10000x128xf32, #tpu.memory_space<hbm>>) target(%dma_start3A_153 : memref<80x128xf32, #tpu.memory_space<vmem>>) offsets(%dma_start3A_156 : memref<80xi32, #tpu.memory_space<vmem>>) semaphore(%dma_start3A_161 : memref<!tpu.dma_semaphore, #tpu.memory_space<semaphore_mem>>)
    %scan3A_162 = arith.constant 0 : i32
    %scan3A_163 = arith.constant 31 : i32
    %scan3A_164 = arith.addi %scan3A_162, %scan3A_163 : i32
    %scan3A_165 = arith.constant 1 : i32
    scf.for %scan3A_274 = %scan3A_162 to %scan3A_164 step %scan3A_165  : i32 {
      %mul3A_275 = arith.constant 4 : i32
      %mul3A_276 = arith.muli %scan3A_274, %mul3A_275 : i32
      %add3A_277 = arith.constant 0 : i32
      %add3A_278 = arith.addi %add3A_277, %mul3A_276 : i32
      %add3A_279 = arith.constant 0 : i32
      %add3A_280 = arith.addi %add3A_278, %add3A_279 : i32
      %add3A_281 = arith.constant 1 : i32
      %add3A_282 = arith.addi %add3A_280, %add3A_281 : i32
      %lt3A_283 = arith.constant 125 : i32
      %lt3A_284 = arith.cmpi slt, %add3A_282, %lt3A_283 : i32
      %convert_element_type3A_285 = arith.extui %lt3A_284 : i1 to i32
      %cond3A_286 = arith.constant 0 : i32
      %cond3A_287 = arith.cmpi ne, %convert_element_type3A_285, %cond3A_286 : i32
      scf.if %cond3A_287 {
        %add3A_494 = arith.constant 1 : i32
        %add3A_495 = arith.addi %add3A_280, %add3A_494 : i32
        %mul3A_496 = arith.constant 80 : i32
        %mul3A_497 = arith.muli %add3A_495, %mul3A_496 : i32
        %add3A_498 = arith.addi %mul3A_2, %mul3A_497 : i32
        %dma_wait3A_499 = arith.constant 1 : i32
        %dma_wait3A_500 = arith.constant 1 : i32
        %dma_wait3A_501 = arith.constant 0 : i32
        %dma_wait3A_502 = tpu.memref_slice %arg9[%dma_wait3A_499, %dma_wait3A_501] : memref<4x80xi32, #tpu.memory_space<vmem>> -> memref<1x80xi32, #tpu.memory_space<vmem>>
        %dma_wait3A_503 = tpu.memref_squeeze %dma_wait3A_502 : memref<1x80xi32, #tpu.memory_space<vmem>> -> memref<80xi32, #tpu.memory_space<vmem>>
        %dma_wait3A_504 = tpu.memref_slice %arg4[%add3A_498] : memref<320000xi32, #tpu.memory_space<hbm>> -> memref<80xi32, #tpu.memory_space<hbm>>
        %dma_wait3A_505 = tpu.memref_slice %arg14[%dma_wait3A_500] : memref<2x!tpu.dma_semaphore, #tpu.memory_space<semaphore_mem>> -> memref<1x!tpu.dma_semaphore, #tpu.memory_space<semaphore_mem>>
        %dma_wait3A_506 = tpu.memref_squeeze %dma_wait3A_505 : memref<1x!tpu.dma_semaphore, #tpu.memory_space<semaphore_mem>> -> memref<!tpu.dma_semaphore, #tpu.memory_space<semaphore_mem>>
        %dma_wait3A_507 = arith.constant 0 : i32
        %dma_wait3A_508 = tpu.memref_slice %arg9[%dma_wait3A_499, %dma_wait3A_507] : memref<4x80xi32, #tpu.memory_space<vmem>> -> memref<1x80xi32, #tpu.memory_space<vmem>>
        %dma_wait3A_509 = tpu.memref_squeeze %dma_wait3A_508 : memref<1x80xi32, #tpu.memory_space<vmem>> -> memref<80xi32, #tpu.memory_space<vmem>>
        %dma_wait3A_510 = tpu.memref_slice %arg4[%add3A_498] : memref<320000xi32, #tpu.memory_space<hbm>> -> memref<80xi32, #tpu.memory_space<hbm>>
        tpu.wait_dma2 semaphore(%dma_wait3A_506 : memref<!tpu.dma_semaphore, #tpu.memory_space<semaphore_mem>>) src(%dma_wait3A_510 : memref<80xi32, #tpu.memory_space<hbm>>) dst(%dma_wait3A_509 : memref<80xi32, #tpu.memory_space<vmem>>)
        %mul3A_511 = arith.constant 80 : i32
        %mul3A_512 = arith.muli %add3A_495, %mul3A_511 : i32
        %add3A_513 = arith.addi %mul3A_2, %mul3A_512 : i32
        %dma_wait3A_514 = arith.constant 1 : i32
        %dma_wait3A_515 = arith.constant 1 : i32
        %dma_wait3A_516 = arith.constant 0 : i32
        %dma_wait3A_517 = tpu.memref_slice %arg10[%dma_wait3A_514, %dma_wait3A_516] : memref<4x80xi32, #tpu.memory_space<vmem>> -> memref<1x80xi32, #tpu.memory_space<vmem>>
        %dma_wait3A_518 = tpu.memref_squeeze %dma_wait3A_517 : memref<1x80xi32, #tpu.memory_space<vmem>> -> memref<80xi32, #tpu.memory_space<vmem>>
        %dma_wait3A_519 = tpu.memref_slice %arg3[%add3A_513] : memref<320000xi32, #tpu.memory_space<hbm>> -> memref<80xi32, #tpu.memory_space<hbm>>
        %dma_wait3A_520 = tpu.memref_slice %arg14[%dma_wait3A_515] : memref<2x!tpu.dma_semaphore, #tpu.memory_space<semaphore_mem>> -> memref<1x!tpu.dma_semaphore, #tpu.memory_space<semaphore_mem>>
        %dma_wait3A_521 = tpu.memref_squeeze %dma_wait3A_520 : memref<1x!tpu.dma_semaphore, #tpu.memory_space<semaphore_mem>> -> memref<!tpu.dma_semaphore, #tpu.memory_space<semaphore_mem>>
        %dma_wait3A_522 = arith.constant 0 : i32
        %dma_wait3A_523 = tpu.memref_slice %arg10[%dma_wait3A_514, %dma_wait3A_522] : memref<4x80xi32, #tpu.memory_space<vmem>> -> memref<1x80xi32, #tpu.memory_space<vmem>>
        %dma_wait3A_524 = tpu.memref_squeeze %dma_wait3A_523 : memref<1x80xi32, #tpu.memory_space<vmem>> -> memref<80xi32, #tpu.memory_space<vmem>>
        %dma_wait3A_525 = tpu.memref_slice %arg3[%add3A_513] : memref<320000xi32, #tpu.memory_space<hbm>> -> memref<80xi32, #tpu.memory_space<hbm>>
        tpu.wait_dma2 semaphore(%dma_wait3A_521 : memref<!tpu.dma_semaphore, #tpu.memory_space<semaphore_mem>>) src(%dma_wait3A_525 : memref<80xi32, #tpu.memory_space<hbm>>) dst(%dma_wait3A_524 : memref<80xi32, #tpu.memory_space<vmem>>)
        %mul3A_526 = arith.constant 80 : i32
        %mul3A_527 = arith.muli %add3A_495, %mul3A_526 : i32
        %add3A_528 = arith.addi %mul3A_2, %mul3A_527 : i32
        %dma_wait3A_529 = arith.constant 1 : i32
        %dma_wait3A_530 = arith.constant 1 : i32
        %dma_wait3A_531 = arith.constant 0 : i32
        %dma_wait3A_532 = tpu.memref_slice %arg11[%dma_wait3A_529, %dma_wait3A_531] : memref<4x80xf32, #tpu.memory_space<vmem>> -> memref<1x80xf32, #tpu.memory_space<vmem>>
        %dma_wait3A_533 = tpu.memref_squeeze %dma_wait3A_532 : memref<1x80xf32, #tpu.memory_space<vmem>> -> memref<80xf32, #tpu.memory_space<vmem>>
        %dma_wait3A_534 = tpu.memref_slice %arg5[%add3A_528] : memref<320000xf32, #tpu.memory_space<hbm>> -> memref<80xf32, #tpu.memory_space<hbm>>
        %dma_wait3A_535 = tpu.memref_slice %arg14[%dma_wait3A_530] : memref<2x!tpu.dma_semaphore, #tpu.memory_space<semaphore_mem>> -> memref<1x!tpu.dma_semaphore, #tpu.memory_space<semaphore_mem>>
        %dma_wait3A_536 = tpu.memref_squeeze %dma_wait3A_535 : memref<1x!tpu.dma_semaphore, #tpu.memory_space<semaphore_mem>> -> memref<!tpu.dma_semaphore, #tpu.memory_space<semaphore_mem>>
        %dma_wait3A_537 = arith.constant 0 : i32
        %dma_wait3A_538 = tpu.memref_slice %arg11[%dma_wait3A_529, %dma_wait3A_537] : memref<4x80xf32, #tpu.memory_space<vmem>> -> memref<1x80xf32, #tpu.memory_space<vmem>>
        %dma_wait3A_539 = tpu.memref_squeeze %dma_wait3A_538 : memref<1x80xf32, #tpu.memory_space<vmem>> -> memref<80xf32, #tpu.memory_space<vmem>>
        %dma_wait3A_540 = tpu.memref_slice %arg5[%add3A_528] : memref<320000xf32, #tpu.memory_space<hbm>> -> memref<80xf32, #tpu.memory_space<hbm>>
        tpu.wait_dma2 semaphore(%dma_wait3A_536 : memref<!tpu.dma_semaphore, #tpu.memory_space<semaphore_mem>>) src(%dma_wait3A_540 : memref<80xf32, #tpu.memory_space<hbm>>) dst(%dma_wait3A_539 : memref<80xf32, #tpu.memory_space<vmem>>)
        %dma_start3A_541 = arith.constant 1 : i32
        %dma_start3A_542 = arith.constant 1 : i32
        %dma_start3A_543 = arith.constant 1 : i32
        %dma_start3A_544 = arith.constant 0 : i32
        %dma_start3A_545 = arith.constant 0 : i32
        %dma_start3A_546 = tpu.memref_slice %arg12[%dma_start3A_542, %dma_start3A_544, %dma_start3A_545] : memref<2x80x128xf32, #tpu.memory_space<vmem>> -> memref<1x80x128xf32, #tpu.memory_space<vmem>>
        %dma_start3A_547 = tpu.memref_squeeze %dma_start3A_546 : memref<1x80x128xf32, #tpu.memory_space<vmem>> -> memref<80x128xf32, #tpu.memory_space<vmem>>
        %dma_start3A_548 = arith.constant 0 : i32
        %dma_start3A_549 = tpu.memref_slice %arg9[%dma_start3A_541, %dma_start3A_548] : memref<4x80xi32, #tpu.memory_space<vmem>> -> memref<1x80xi32, #tpu.memory_space<vmem>>
        %dma_start3A_550 = tpu.memref_squeeze %dma_start3A_549 : memref<1x80xi32, #tpu.memory_space<vmem>> -> memref<80xi32, #tpu.memory_space<vmem>>
        %dma_start3A_551 = arith.constant 0 : i32
        %dma_start3A_552 = arith.constant 0 : i32
        %dma_start3A_553 = tpu.memref_slice %arg2[%dma_start3A_551, %dma_start3A_552] : memref<10000x128xf32, #tpu.memory_space<hbm>> -> memref<10000x128xf32, #tpu.memory_space<hbm>>
        %dma_start3A_554 = tpu.memref_slice %arg15[%dma_start3A_543] : memref<2x!tpu.dma_semaphore, #tpu.memory_space<semaphore_mem>> -> memref<1x!tpu.dma_semaphore, #tpu.memory_space<semaphore_mem>>
        %dma_start3A_555 = tpu.memref_squeeze %dma_start3A_554 : memref<1x!tpu.dma_semaphore, #tpu.memory_space<semaphore_mem>> -> memref<!tpu.dma_semaphore, #tpu.memory_space<semaphore_mem>>
        tpu.enqueue_indirect_dma source(%dma_start3A_553 : memref<10000x128xf32, #tpu.memory_space<hbm>>) target(%dma_start3A_547 : memref<80x128xf32, #tpu.memory_space<vmem>>) offsets(%dma_start3A_550 : memref<80xi32, #tpu.memory_space<vmem>>) semaphore(%dma_start3A_555 : memref<!tpu.dma_semaphore, #tpu.memory_space<semaphore_mem>>)
      } else {
      }
      %dma_wait3A_288 = arith.constant 0 : i32
      %dma_wait3A_289 = arith.constant 0 : i32
      %dma_wait3A_290 = arith.constant 0 : i32
      %dma_wait3A_291 = arith.constant 0 : i32
      %dma_wait3A_292 = arith.constant 0 : i32
      %dma_wait3A_293 = tpu.memref_slice %arg12[%dma_wait3A_289, %dma_wait3A_291, %dma_wait3A_292] : memref<2x80x128xf32, #tpu.memory_space<vmem>> -> memref<1x80x128xf32, #tpu.memory_space<vmem>>
      %dma_wait3A_294 = tpu.memref_squeeze %dma_wait3A_293 : memref<1x80x128xf32, #tpu.memory_space<vmem>> -> memref<80x128xf32, #tpu.memory_space<vmem>>
      %dma_wait3A_295 = arith.constant 0 : i32
      %dma_wait3A_296 = tpu.memref_slice %arg9[%dma_wait3A_288, %dma_wait3A_295] : memref<4x80xi32, #tpu.memory_space<vmem>> -> memref<1x80xi32, #tpu.memory_space<vmem>>
      %dma_wait3A_297 = tpu.memref_squeeze %dma_wait3A_296 : memref<1x80xi32, #tpu.memory_space<vmem>> -> memref<80xi32, #tpu.memory_space<vmem>>
      %dma_wait3A_298 = arith.constant 0 : i32
      %dma_wait3A_299 = arith.constant 0 : i32
      %dma_wait3A_300 = tpu.memref_slice %arg2[%dma_wait3A_298, %dma_wait3A_299] : memref<10000x128xf32, #tpu.memory_space<hbm>> -> memref<10000x128xf32, #tpu.memory_space<hbm>>
      %dma_wait3A_301 = tpu.memref_slice %arg15[%dma_wait3A_290] : memref<2x!tpu.dma_semaphore, #tpu.memory_space<semaphore_mem>> -> memref<1x!tpu.dma_semaphore, #tpu.memory_space<semaphore_mem>>
      %dma_wait3A_302 = tpu.memref_squeeze %dma_wait3A_301 : memref<1x!tpu.dma_semaphore, #tpu.memory_space<semaphore_mem>> -> memref<!tpu.dma_semaphore, #tpu.memory_space<semaphore_mem>>
      tpu.wait_indirect_dma semaphore(%dma_wait3A_302 : memref<!tpu.dma_semaphore, #tpu.memory_space<semaphore_mem>>) src(%dma_wait3A_300 : memref<10000x128xf32, #tpu.memory_space<hbm>>) dst(%dma_wait3A_294 : memref<80x128xf32, #tpu.memory_space<vmem>>)
      %ge3A = arith.constant 2 : i32
      %ge3A_303 = arith.cmpi sge, %add3A_280, %ge3A : i32
      %convert_element_type3A_304 = arith.extui %ge3A_303 : i1 to i32
      %cond3A_305 = arith.constant 0 : i32
      %cond3A_306 = arith.cmpi ne, %convert_element_type3A_304, %cond3A_305 : i32
      scf.if %cond3A_306 {
        %dma_wait3A_494 = arith.constant 0 : i32
        %dma_wait3A_495 = arith.constant 0 : i32
        %dma_wait3A_496 = arith.constant 0 : i32
        %dma_wait3A_497 = arith.constant 0 : i32
        %dma_wait3A_498 = tpu.memref_slice %arg13[%dma_wait3A_494, %dma_wait3A_496, %dma_wait3A_497] : memref<2x80x128xf32, #tpu.memory_space<vmem>> -> memref<1x80x128xf32, #tpu.memory_space<vmem>>
        %dma_wait3A_499 = tpu.memref_squeeze %dma_wait3A_498 : memref<1x80x128xf32, #tpu.memory_space<vmem>> -> memref<80x128xf32, #tpu.memory_space<vmem>>
        %dma_wait3A_500 = arith.constant 0 : i32
        %dma_wait3A_501 = arith.constant 0 : i32
        %dma_wait3A_502 = tpu.memref_slice %arg8[%dma_wait3A_500, %dma_wait3A_501] : memref<10000x128xf32, #tpu.memory_space<vmem_shared>> -> memref<80x128xf32, #tpu.memory_space<vmem_shared>>
        %dma_wait3A_503 = tpu.memref_slice %arg16[%dma_wait3A_495] : memref<2x!tpu.dma_semaphore, #tpu.memory_space<semaphore_mem>> -> memref<1x!tpu.dma_semaphore, #tpu.memory_space<semaphore_mem>>
        %dma_wait3A_504 = tpu.memref_squeeze %dma_wait3A_503 : memref<1x!tpu.dma_semaphore, #tpu.memory_space<semaphore_mem>> -> memref<!tpu.dma_semaphore, #tpu.memory_space<semaphore_mem>>
        %dma_wait3A_505 = arith.constant 0 : i32
        %dma_wait3A_506 = arith.constant 0 : i32
        %dma_wait3A_507 = tpu.memref_slice %arg8[%dma_wait3A_505, %dma_wait3A_506] : memref<10000x128xf32, #tpu.memory_space<vmem_shared>> -> memref<80x128xf32, #tpu.memory_space<vmem_shared>>
        %dma_wait3A_508 = arith.constant 0 : i32
        %dma_wait3A_509 = arith.constant 0 : i32
        %dma_wait3A_510 = tpu.memref_slice %arg13[%dma_wait3A_494, %dma_wait3A_508, %dma_wait3A_509] : memref<2x80x128xf32, #tpu.memory_space<vmem>> -> memref<1x80x128xf32, #tpu.memory_space<vmem>>
        %dma_wait3A_511 = tpu.memref_squeeze %dma_wait3A_510 : memref<1x80x128xf32, #tpu.memory_space<vmem>> -> memref<80x128xf32, #tpu.memory_space<vmem>>
        tpu.wait_dma2 semaphore(%dma_wait3A_504 : memref<!tpu.dma_semaphore, #tpu.memory_space<semaphore_mem>>) src(%dma_wait3A_511 : memref<80x128xf32, #tpu.memory_space<vmem>>) dst(%dma_wait3A_507 : memref<80x128xf32, #tpu.memory_space<vmem_shared>>)
      } else {
      }
      %add3A_307 = arith.constant 2 : i32
      %add3A_308 = arith.addi %add3A_280, %add3A_307 : i32
      %lt3A_309 = arith.constant 125 : i32
      %lt3A_310 = arith.cmpi slt, %add3A_308, %lt3A_309 : i32
      %convert_element_type3A_311 = arith.extui %lt3A_310 : i1 to i32
      %cond3A_312 = arith.constant 0 : i32
      %cond3A_313 = arith.cmpi ne, %convert_element_type3A_311, %cond3A_312 : i32
      scf.if %cond3A_313 {
        %add3A_494 = arith.constant 2 : i32
        %add3A_495 = arith.addi %add3A_280, %add3A_494 : i32
        %mul3A_496 = arith.constant 80 : i32
        %mul3A_497 = arith.muli %add3A_495, %mul3A_496 : i32
        %add3A_498 = arith.addi %mul3A_2, %mul3A_497 : i32
        %dma_start3A_499 = arith.constant 2 : i32
        %dma_start3A_500 = arith.constant 0 : i32
        %dma_start3A_501 = arith.constant 0 : i32
        %dma_start3A_502 = tpu.memref_slice %arg9[%dma_start3A_499, %dma_start3A_501] : memref<4x80xi32, #tpu.memory_space<vmem>> -> memref<1x80xi32, #tpu.memory_space<vmem>>
        %dma_start3A_503 = tpu.memref_squeeze %dma_start3A_502 : memref<1x80xi32, #tpu.memory_space<vmem>> -> memref<80xi32, #tpu.memory_space<vmem>>
        %dma_start3A_504 = tpu.memref_slice %arg4[%add3A_498] : memref<320000xi32, #tpu.memory_space<hbm>> -> memref<80xi32, #tpu.memory_space<hbm>>
        %dma_start3A_505 = tpu.memref_slice %arg14[%dma_start3A_500] : memref<2x!tpu.dma_semaphore, #tpu.memory_space<semaphore_mem>> -> memref<1x!tpu.dma_semaphore, #tpu.memory_space<semaphore_mem>>
        %dma_start3A_506 = tpu.memref_squeeze %dma_start3A_505 : memref<1x!tpu.dma_semaphore, #tpu.memory_space<semaphore_mem>> -> memref<!tpu.dma_semaphore, #tpu.memory_space<semaphore_mem>>
        %dma_start3A_507 = arith.constant 0 : i32
        %dma_start3A_508 = tpu.memref_slice %arg9[%dma_start3A_499, %dma_start3A_507] : memref<4x80xi32, #tpu.memory_space<vmem>> -> memref<1x80xi32, #tpu.memory_space<vmem>>
        %dma_start3A_509 = tpu.memref_squeeze %dma_start3A_508 : memref<1x80xi32, #tpu.memory_space<vmem>> -> memref<80xi32, #tpu.memory_space<vmem>>
        %dma_start3A_510 = tpu.memref_slice %arg4[%add3A_498] : memref<320000xi32, #tpu.memory_space<hbm>> -> memref<80xi32, #tpu.memory_space<hbm>>
        tpu.enqueue_dma source(%dma_start3A_510 : memref<80xi32, #tpu.memory_space<hbm>>) target(%dma_start3A_509 : memref<80xi32, #tpu.memory_space<vmem>>) target_semaphore(%dma_start3A_506 : memref<!tpu.dma_semaphore, #tpu.memory_space<semaphore_mem>>)
        %mul3A_511 = arith.constant 80 : i32
        %mul3A_512 = arith.muli %add3A_495, %mul3A_511 : i32
        %add3A_513 = arith.addi %mul3A_2, %mul3A_512 : i32
        %dma_start3A_514 = arith.constant 2 : i32
        %dma_start3A_515 = arith.constant 0 : i32
        %dma_start3A_516 = arith.constant 0 : i32
        %dma_start3A_517 = tpu.memref_slice %arg10[%dma_start3A_514, %dma_start3A_516] : memref<4x80xi32, #tpu.memory_space<vmem>> -> memref<1x80xi32, #tpu.memory_space<vmem>>
        %dma_start3A_518 = tpu.memref_squeeze %dma_start3A_517 : memref<1x80xi32, #tpu.memory_space<vmem>> -> memref<80xi32, #tpu.memory_space<vmem>>
        %dma_start3A_519 = tpu.memref_slice %arg3[%add3A_513] : memref<320000xi32, #tpu.memory_space<hbm>> -> memref<80xi32, #tpu.memory_space<hbm>>
        %dma_start3A_520 = tpu.memref_slice %arg14[%dma_start3A_515] : memref<2x!tpu.dma_semaphore, #tpu.memory_space<semaphore_mem>> -> memref<1x!tpu.dma_semaphore, #tpu.memory_space<semaphore_mem>>
        %dma_start3A_521 = tpu.memref_squeeze %dma_start3A_520 : memref<1x!tpu.dma_semaphore, #tpu.memory_space<semaphore_mem>> -> memref<!tpu.dma_semaphore, #tpu.memory_space<semaphore_mem>>
        %dma_start3A_522 = arith.constant 0 : i32
        %dma_start3A_523 = tpu.memref_slice %arg10[%dma_start3A_514, %dma_start3A_522] : memref<4x80xi32, #tpu.memory_space<vmem>> -> memref<1x80xi32, #tpu.memory_space<vmem>>
        %dma_start3A_524 = tpu.memref_squeeze %dma_start3A_523 : memref<1x80xi32, #tpu.memory_space<vmem>> -> memref<80xi32, #tpu.memory_space<vmem>>
        %dma_start3A_525 = tpu.memref_slice %arg3[%add3A_513] : memref<320000xi32, #tpu.memory_space<hbm>> -> memref<80xi32, #tpu.memory_space<hbm>>
        tpu.enqueue_dma source(%dma_start3A_525 : memref<80xi32, #tpu.memory_space<hbm>>) target(%dma_start3A_524 : memref<80xi32, #tpu.memory_space<vmem>>) target_semaphore(%dma_start3A_521 : memref<!tpu.dma_semaphore, #tpu.memory_space<semaphore_mem>>)
        %mul3A_526 = arith.constant 80 : i32
        %mul3A_527 = arith.muli %add3A_495, %mul3A_526 : i32
        %add3A_528 = arith.addi %mul3A_2, %mul3A_527 : i32
        %dma_start3A_529 = arith.constant 2 : i32
        %dma_start3A_530 = arith.constant 0 : i32
        %dma_start3A_531 = arith.constant 0 : i32
        %dma_start3A_532 = tpu.memref_slice %arg11[%dma_start3A_529, %dma_start3A_531] : memref<4x80xf32, #tpu.memory_space<vmem>> -> memref<1x80xf32, #tpu.memory_space<vmem>>
        %dma_start3A_533 = tpu.memref_squeeze %dma_start3A_532 : memref<1x80xf32, #tpu.memory_space<vmem>> -> memref<80xf32, #tpu.memory_space<vmem>>
        %dma_start3A_534 = tpu.memref_slice %arg5[%add3A_528] : memref<320000xf32, #tpu.memory_space<hbm>> -> memref<80xf32, #tpu.memory_space<hbm>>
        %dma_start3A_535 = tpu.memref_slice %arg14[%dma_start3A_530] : memref<2x!tpu.dma_semaphore, #tpu.memory_space<semaphore_mem>> -> memref<1x!tpu.dma_semaphore, #tpu.memory_space<semaphore_mem>>
        %dma_start3A_536 = tpu.memref_squeeze %dma_start3A_535 : memref<1x!tpu.dma_semaphore, #tpu.memory_space<semaphore_mem>> -> memref<!tpu.dma_semaphore, #tpu.memory_space<semaphore_mem>>
        %dma_start3A_537 = arith.constant 0 : i32
        %dma_start3A_538 = tpu.memref_slice %arg11[%dma_start3A_529, %dma_start3A_537] : memref<4x80xf32, #tpu.memory_space<vmem>> -> memref<1x80xf32, #tpu.memory_space<vmem>>
        %dma_start3A_539 = tpu.memref_squeeze %dma_start3A_538 : memref<1x80xf32, #tpu.memory_space<vmem>> -> memref<80xf32, #tpu.memory_space<vmem>>
        %dma_start3A_540 = tpu.memref_slice %arg5[%add3A_528] : memref<320000xf32, #tpu.memory_space<hbm>> -> memref<80xf32, #tpu.memory_space<hbm>>
        tpu.enqueue_dma source(%dma_start3A_540 : memref<80xf32, #tpu.memory_space<hbm>>) target(%dma_start3A_539 : memref<80xf32, #tpu.memory_space<vmem>>) target_semaphore(%dma_start3A_536 : memref<!tpu.dma_semaphore, #tpu.memory_space<semaphore_mem>>)
      } else {
      }
      %parallel_loop3A_314 = arith.constant 0 : i32
      %parallel_loop3A_315 = arith.constant 80 : i32
      %parallel_loop3A_316 = arith.constant 1 : i32
      scf.for %parallel_loop3A_494 = %parallel_loop3A_314 to %parallel_loop3A_315 step %parallel_loop3A_316  : i32 {
        %parallel_loop3A_495 = arith.constant 0 : i32
        %parallel_loop3A_496 = vector.broadcast %parallel_loop3A_495 : i32 to vector<16xi32>
        %parallel_loop3A_497 = vector.broadcast %parallel_loop3A_494 : i32 to vector<16xi32>
        %parallel_loop3A_498 = tpu.vector_load_idx %arg11[%parallel_loop3A_496, %parallel_loop3A_497] : memref<4x80xf32, #tpu.memory_space<vmem>>[vector<16xi32>, vector<16xi32>], vector<16xf32>,
        %parallel_loop3A_499 = arith.constant 0 : i32
        %parallel_loop3A_500 = arith.index_cast %parallel_loop3A_499 : i32 to index
        %parallel_loop3A_501 = arith.index_cast %parallel_loop3A_494 : i32 to index
        %parallel_loop3A_502 = arith.constant 0 : index
        %parallel_loop3A_503 = tpu.vector_load %arg12[%parallel_loop3A_500, %parallel_loop3A_501, %parallel_loop3A_502] {strides = array<i32>} : memref<2x80x128xf32, #tpu.memory_space<vmem>>, vector<16xf32>,
        %parallel_loop3A_504 = arith.mulf %parallel_loop3A_503, %parallel_loop3A_498 : vector<16xf32>
        %parallel_loop3A_505 = arith.constant 0 : i32
        %parallel_loop3A_506 = arith.index_cast %parallel_loop3A_505 : i32 to index
        %parallel_loop3A_507 = arith.index_cast %parallel_loop3A_494 : i32 to index
        %parallel_loop3A_508 = arith.constant 0 : index
        %parallel_loop3A_509 = tpu.vector_load %arg13[%parallel_loop3A_506, %parallel_loop3A_507, %parallel_loop3A_508] {strides = array<i32>} : memref<2x80x128xf32, #tpu.memory_space<vmem>>, vector<16xf32>,
        tpu.vector_store %arg13[%parallel_loop3A_506, %parallel_loop3A_507, %parallel_loop3A_508], %parallel_loop3A_504 {strides = array<i32>} : memref<2x80x128xf32, #tpu.memory_space<vmem>>, vector<16xf32>,
        %parallel_loop3A_510 = arith.constant 0 : i32
        %parallel_loop3A_511 = arith.index_cast %parallel_loop3A_510 : i32 to index
        %parallel_loop3A_512 = arith.index_cast %parallel_loop3A_494 : i32 to index
        %parallel_loop3A_513 = arith.constant 16 : index
        %parallel_loop3A_514 = tpu.vector_load %arg12[%parallel_loop3A_511, %parallel_loop3A_512, %parallel_loop3A_513] {strides = array<i32>} : memref<2x80x128xf32, #tpu.memory_space<vmem>>, vector<16xf32>,
        %parallel_loop3A_515 = arith.mulf %parallel_loop3A_514, %parallel_loop3A_498 : vector<16xf32>
        %parallel_loop3A_516 = arith.constant 0 : i32
        %parallel_loop3A_517 = arith.index_cast %parallel_loop3A_516 : i32 to index
        %parallel_loop3A_518 = arith.index_cast %parallel_loop3A_494 : i32 to index
        %parallel_loop3A_519 = arith.constant 16 : index
        %parallel_loop3A_520 = tpu.vector_load %arg13[%parallel_loop3A_517, %parallel_loop3A_518, %parallel_loop3A_519] {strides = array<i32>} : memref<2x80x128xf32, #tpu.memory_space<vmem>>, vector<16xf32>,
        tpu.vector_store %arg13[%parallel_loop3A_517, %parallel_loop3A_518, %parallel_loop3A_519], %parallel_loop3A_515 {strides = array<i32>} : memref<2x80x128xf32, #tpu.memory_space<vmem>>, vector<16xf32>,
        %parallel_loop3A_521 = arith.constant 0 : i32
        %parallel_loop3A_522 = arith.index_cast %parallel_loop3A_521 : i32 to index
        %parallel_loop3A_523 = arith.index_cast %parallel_loop3A_494 : i32 to index
        %parallel_loop3A_524 = arith.constant 32 : index
        %parallel_loop3A_525 = tpu.vector_load %arg12[%parallel_loop3A_522, %parallel_loop3A_523, %parallel_loop3A_524] {strides = array<i32>} : memref<2x80x128xf32, #tpu.memory_space<vmem>>, vector<16xf32>,
        %parallel_loop3A_526 = arith.mulf %parallel_loop3A_525, %parallel_loop3A_498 : vector<16xf32>
        %parallel_loop3A_527 = arith.constant 0 : i32
        %parallel_loop3A_528 = arith.index_cast %parallel_loop3A_527 : i32 to index
        %parallel_loop3A_529 = arith.index_cast %parallel_loop3A_494 : i32 to index
        %parallel_loop3A_530 = arith.constant 32 : index
        %parallel_loop3A_531 = tpu.vector_load %arg13[%parallel_loop3A_528, %parallel_loop3A_529, %parallel_loop3A_530] {strides = array<i32>} : memref<2x80x128xf32, #tpu.memory_space<vmem>>, vector<16xf32>,
        tpu.vector_store %arg13[%parallel_loop3A_528, %parallel_loop3A_529, %parallel_loop3A_530], %parallel_loop3A_526 {strides = array<i32>} : memref<2x80x128xf32, #tpu.memory_space<vmem>>, vector<16xf32>,
        %parallel_loop3A_532 = arith.constant 0 : i32
        %parallel_loop3A_533 = arith.index_cast %parallel_loop3A_532 : i32 to index
        %parallel_loop3A_534 = arith.index_cast %parallel_loop3A_494 : i32 to index
        %parallel_loop3A_535 = arith.constant 48 : index
        %parallel_loop3A_536 = tpu.vector_load %arg12[%parallel_loop3A_533, %parallel_loop3A_534, %parallel_loop3A_535] {strides = array<i32>} : memref<2x80x128xf32, #tpu.memory_space<vmem>>, vector<16xf32>,
        %parallel_loop3A_537 = arith.mulf %parallel_loop3A_536, %parallel_loop3A_498 : vector<16xf32>
        %parallel_loop3A_538 = arith.constant 0 : i32
        %parallel_loop3A_539 = arith.index_cast %parallel_loop3A_538 : i32 to index
        %parallel_loop3A_540 = arith.index_cast %parallel_loop3A_494 : i32 to index
        %parallel_loop3A_541 = arith.constant 48 : index
        %parallel_loop3A_542 = tpu.vector_load %arg13[%parallel_loop3A_539, %parallel_loop3A_540, %parallel_loop3A_541] {strides = array<i32>} : memref<2x80x128xf32, #tpu.memory_space<vmem>>, vector<16xf32>,
        tpu.vector_store %arg13[%parallel_loop3A_539, %parallel_loop3A_540, %parallel_loop3A_541], %parallel_loop3A_537 {strides = array<i32>} : memref<2x80x128xf32, #tpu.memory_space<vmem>>, vector<16xf32>,
        %parallel_loop3A_543 = arith.constant 0 : i32
        %parallel_loop3A_544 = arith.index_cast %parallel_loop3A_543 : i32 to index
        %parallel_loop3A_545 = arith.index_cast %parallel_loop3A_494 : i32 to index
        %parallel_loop3A_546 = arith.constant 64 : index
        %parallel_loop3A_547 = tpu.vector_load %arg12[%parallel_loop3A_544, %parallel_loop3A_545, %parallel_loop3A_546] {strides = array<i32>} : memref<2x80x128xf32, #tpu.memory_space<vmem>>, vector<16xf32>,
        %parallel_loop3A_548 = arith.mulf %parallel_loop3A_547, %parallel_loop3A_498 : vector<16xf32>
        %parallel_loop3A_549 = arith.constant 0 : i32
        %parallel_loop3A_550 = arith.index_cast %parallel_loop3A_549 : i32 to index
        %parallel_loop3A_551 = arith.index_cast %parallel_loop3A_494 : i32 to index
        %parallel_loop3A_552 = arith.constant 64 : index
        %parallel_loop3A_553 = tpu.vector_load %arg13[%parallel_loop3A_550, %parallel_loop3A_551, %parallel_loop3A_552] {strides = array<i32>} : memref<2x80x128xf32, #tpu.memory_space<vmem>>, vector<16xf32>,
        tpu.vector_store %arg13[%parallel_loop3A_550, %parallel_loop3A_551, %parallel_loop3A_552], %parallel_loop3A_548 {strides = array<i32>} : memref<2x80x128xf32, #tpu.memory_space<vmem>>, vector<16xf32>,
        %parallel_loop3A_554 = arith.constant 0 : i32
        %parallel_loop3A_555 = arith.index_cast %parallel_loop3A_554 : i32 to index
        %parallel_loop3A_556 = arith.index_cast %parallel_loop3A_494 : i32 to index
        %parallel_loop3A_557 = arith.constant 80 : index
        %parallel_loop3A_558 = tpu.vector_load %arg12[%parallel_loop3A_555, %parallel_loop3A_556, %parallel_loop3A_557] {strides = array<i32>} : memref<2x80x128xf32, #tpu.memory_space<vmem>>, vector<16xf32>,
        %parallel_loop3A_559 = arith.mulf %parallel_loop3A_558, %parallel_loop3A_498 : vector<16xf32>
        %parallel_loop3A_560 = arith.constant 0 : i32
        %parallel_loop3A_561 = arith.index_cast %parallel_loop3A_560 : i32 to index
        %parallel_loop3A_562 = arith.index_cast %parallel_loop3A_494 : i32 to index
        %parallel_loop3A_563 = arith.constant 80 : index
        %parallel_loop3A_564 = tpu.vector_load %arg13[%parallel_loop3A_561, %parallel_loop3A_562, %parallel_loop3A_563] {strides = array<i32>} : memref<2x80x128xf32, #tpu.memory_space<vmem>>, vector<16xf32>,
        tpu.vector_store %arg13[%parallel_loop3A_561, %parallel_loop3A_562, %parallel_loop3A_563], %parallel_loop3A_559 {strides = array<i32>} : memref<2x80x128xf32, #tpu.memory_space<vmem>>, vector<16xf32>,
        %parallel_loop3A_565 = arith.constant 0 : i32
        %parallel_loop3A_566 = arith.index_cast %parallel_loop3A_565 : i32 to index
        %parallel_loop3A_567 = arith.index_cast %parallel_loop3A_494 : i32 to index
        %parallel_loop3A_568 = arith.constant 96 : index
        %parallel_loop3A_569 = tpu.vector_load %arg12[%parallel_loop3A_566, %parallel_loop3A_567, %parallel_loop3A_568] {strides = array<i32>} : memref<2x80x128xf32, #tpu.memory_space<vmem>>, vector<16xf32>,
        %parallel_loop3A_570 = arith.mulf %parallel_loop3A_569, %parallel_loop3A_498 : vector<16xf32>
        %parallel_loop3A_571 = arith.constant 0 : i32
        %parallel_loop3A_572 = arith.index_cast %parallel_loop3A_571 : i32 to index
        %parallel_loop3A_573 = arith.index_cast %parallel_loop3A_494 : i32 to index
        %parallel_loop3A_574 = arith.constant 96 : index
        %parallel_loop3A_575 = tpu.vector_load %arg13[%parallel_loop3A_572, %parallel_loop3A_573, %parallel_loop3A_574] {strides = array<i32>} : memref<2x80x128xf32, #tpu.memory_space<vmem>>, vector<16xf32>,
        tpu.vector_store %arg13[%parallel_loop3A_572, %parallel_loop3A_573, %parallel_loop3A_574], %parallel_loop3A_570 {strides = array<i32>} : memref<2x80x128xf32, #tpu.memory_space<vmem>>, vector<16xf32>,
        %parallel_loop3A_576 = arith.constant 0 : i32
        %parallel_loop3A_577 = arith.index_cast %parallel_loop3A_576 : i32 to index
        %parallel_loop3A_578 = arith.index_cast %parallel_loop3A_494 : i32 to index
        %parallel_loop3A_579 = arith.constant 112 : index
        %parallel_loop3A_580 = tpu.vector_load %arg12[%parallel_loop3A_577, %parallel_loop3A_578, %parallel_loop3A_579] {strides = array<i32>} : memref<2x80x128xf32, #tpu.memory_space<vmem>>, vector<16xf32>,
        %parallel_loop3A_581 = arith.mulf %parallel_loop3A_580, %parallel_loop3A_498 : vector<16xf32>
        %parallel_loop3A_582 = arith.constant 0 : i32
        %parallel_loop3A_583 = arith.index_cast %parallel_loop3A_582 : i32 to index
        %parallel_loop3A_584 = arith.index_cast %parallel_loop3A_494 : i32 to index
        %parallel_loop3A_585 = arith.constant 112 : index
        %parallel_loop3A_586 = tpu.vector_load %arg13[%parallel_loop3A_583, %parallel_loop3A_584, %parallel_loop3A_585] {strides = array<i32>} : memref<2x80x128xf32, #tpu.memory_space<vmem>>, vector<16xf32>,
        tpu.vector_store %arg13[%parallel_loop3A_583, %parallel_loop3A_584, %parallel_loop3A_585], %parallel_loop3A_581 {strides = array<i32>} : memref<2x80x128xf32, #tpu.memory_space<vmem>>, vector<16xf32>,
      } {sc.loop_unroll_factor = 4 : i64, sc.parallel_access}
      %dma_start3A_317 = arith.constant 0 : i32
      %dma_start3A_318 = arith.constant 0 : i32
      %dma_start3A_319 = arith.constant 0 : i32
      %dma_start3A_320 = arith.constant 0 : i32
      %dma_start3A_321 = arith.constant 0 : i32
      %dma_start3A_322 = tpu.memref_slice %arg13[%dma_start3A_317, %dma_start3A_320, %dma_start3A_321] : memref<2x80x128xf32, #tpu.memory_space<vmem>> -> memref<1x80x128xf32, #tpu.memory_space<vmem>>
      %dma_start3A_323 = tpu.memref_squeeze %dma_start3A_322 : memref<1x80x128xf32, #tpu.memory_space<vmem>> -> memref<80x128xf32, #tpu.memory_space<vmem>>
      %dma_start3A_324 = arith.constant 0 : i32
      %dma_start3A_325 = tpu.memref_slice %arg10[%dma_start3A_318, %dma_start3A_324] : memref<4x80xi32, #tpu.memory_space<vmem>> -> memref<1x80xi32, #tpu.memory_space<vmem>>
      %dma_start3A_326 = tpu.memref_squeeze %dma_start3A_325 : memref<1x80xi32, #tpu.memory_space<vmem>> -> memref<80xi32, #tpu.memory_space<vmem>>
      %dma_start3A_327 = arith.constant 0 : i32
      %dma_start3A_328 = arith.constant 0 : i32
      %dma_start3A_329 = tpu.memref_slice %arg8[%dma_start3A_327, %dma_start3A_328] : memref<10000x128xf32, #tpu.memory_space<vmem_shared>> -> memref<10000x128xf32, #tpu.memory_space<vmem_shared>>
      %dma_start3A_330 = tpu.memref_slice %arg16[%dma_start3A_319] : memref<2x!tpu.dma_semaphore, #tpu.memory_space<semaphore_mem>> -> memref<1x!tpu.dma_semaphore, #tpu.memory_space<semaphore_mem>>
      %dma_start3A_331 = tpu.memref_squeeze %dma_start3A_330 : memref<1x!tpu.dma_semaphore, #tpu.memory_space<semaphore_mem>> -> memref<!tpu.dma_semaphore, #tpu.memory_space<semaphore_mem>>
      tpu.enqueue_indirect_dma source(%dma_start3A_323 : memref<80x128xf32, #tpu.memory_space<vmem>>) target(%dma_start3A_329 : memref<10000x128xf32, #tpu.memory_space<vmem_shared>>) offsets(%dma_start3A_326 : memref<80xi32, #tpu.memory_space<vmem>>) semaphore(%dma_start3A_331 : memref<!tpu.dma_semaphore, #tpu.memory_space<semaphore_mem>>) {add = true}
      %add3A_332 = arith.constant 1 : i32
      %add3A_333 = arith.addi %add3A_278, %add3A_332 : i32
      %add3A_334 = arith.constant 1 : i32
      %add3A_335 = arith.addi %add3A_333, %add3A_334 : i32
      %lt3A_336 = arith.constant 125 : i32
      %lt3A_337 = arith.cmpi slt, %add3A_335, %lt3A_336 : i32
      %convert_element_type3A_338 = arith.extui %lt3A_337 : i1 to i32
      %cond3A_339 = arith.constant 0 : i32
      %cond3A_340 = arith.cmpi ne, %convert_element_type3A_338, %cond3A_339 : i32
      scf.if %cond3A_340 {
        %add3A_494 = arith.constant 1 : i32
        %add3A_495 = arith.addi %add3A_333, %add3A_494 : i32
        %mul3A_496 = arith.constant 80 : i32
        %mul3A_497 = arith.muli %add3A_495, %mul3A_496 : i32
        %add3A_498 = arith.addi %mul3A_2, %mul3A_497 : i32
        %dma_wait3A_499 = arith.constant 2 : i32
        %dma_wait3A_500 = arith.constant 0 : i32
        %dma_wait3A_501 = arith.constant 0 : i32
        %dma_wait3A_502 = tpu.memref_slice %arg9[%dma_wait3A_499, %dma_wait3A_501] : memref<4x80xi32, #tpu.memory_space<vmem>> -> memref<1x80xi32, #tpu.memory_space<vmem>>
        %dma_wait3A_503 = tpu.memref_squeeze %dma_wait3A_502 : memref<1x80xi32, #tpu.memory_space<vmem>> -> memref<80xi32, #tpu.memory_space<vmem>>
        %dma_wait3A_504 = tpu.memref_slice %arg4[%add3A_498] : memref<320000xi32, #tpu.memory_space<hbm>> -> memref<80xi32, #tpu.memory_space<hbm>>
        %dma_wait3A_505 = tpu.memref_slice %arg14[%dma_wait3A_500] : memref<2x!tpu.dma_semaphore, #tpu.memory_space<semaphore_mem>> -> memref<1x!tpu.dma_semaphore, #tpu.memory_space<semaphore_mem>>
        %dma_wait3A_506 = tpu.memref_squeeze %dma_wait3A_505 : memref<1x!tpu.dma_semaphore, #tpu.memory_space<semaphore_mem>> -> memref<!tpu.dma_semaphore, #tpu.memory_space<semaphore_mem>>
        %dma_wait3A_507 = arith.constant 0 : i32
        %dma_wait3A_508 = tpu.memref_slice %arg9[%dma_wait3A_499, %dma_wait3A_507] : memref<4x80xi32, #tpu.memory_space<vmem>> -> memref<1x80xi32, #tpu.memory_space<vmem>>
        %dma_wait3A_509 = tpu.memref_squeeze %dma_wait3A_508 : memref<1x80xi32, #tpu.memory_space<vmem>> -> memref<80xi32, #tpu.memory_space<vmem>>
        %dma_wait3A_510 = tpu.memref_slice %arg4[%add3A_498] : memref<320000xi32, #tpu.memory_space<hbm>> -> memref<80xi32, #tpu.memory_space<hbm>>
        tpu.wait_dma2 semaphore(%dma_wait3A_506 : memref<!tpu.dma_semaphore, #tpu.memory_space<semaphore_mem>>) src(%dma_wait3A_510 : memref<80xi32, #tpu.memory_space<hbm>>) dst(%dma_wait3A_509 : memref<80xi32, #tpu.memory_space<vmem>>)
        %mul3A_511 = arith.constant 80 : i32
        %mul3A_512 = arith.muli %add3A_495, %mul3A_511 : i32
        %add3A_513 = arith.addi %mul3A_2, %mul3A_512 : i32
        %dma_wait3A_514 = arith.constant 2 : i32
        %dma_wait3A_515 = arith.constant 0 : i32
        %dma_wait3A_516 = arith.constant 0 : i32
        %dma_wait3A_517 = tpu.memref_slice %arg10[%dma_wait3A_514, %dma_wait3A_516] : memref<4x80xi32, #tpu.memory_space<vmem>> -> memref<1x80xi32, #tpu.memory_space<vmem>>
        %dma_wait3A_518 = tpu.memref_squeeze %dma_wait3A_517 : memref<1x80xi32, #tpu.memory_space<vmem>> -> memref<80xi32, #tpu.memory_space<vmem>>
        %dma_wait3A_519 = tpu.memref_slice %arg3[%add3A_513] : memref<320000xi32, #tpu.memory_space<hbm>> -> memref<80xi32, #tpu.memory_space<hbm>>
        %dma_wait3A_520 = tpu.memref_slice %arg14[%dma_wait3A_515] : memref<2x!tpu.dma_semaphore, #tpu.memory_space<semaphore_mem>> -> memref<1x!tpu.dma_semaphore, #tpu.memory_space<semaphore_mem>>
        %dma_wait3A_521 = tpu.memref_squeeze %dma_wait3A_520 : memref<1x!tpu.dma_semaphore, #tpu.memory_space<semaphore_mem>> -> memref<!tpu.dma_semaphore, #tpu.memory_space<semaphore_mem>>
        %dma_wait3A_522 = arith.constant 0 : i32
        %dma_wait3A_523 = tpu.memref_slice %arg10[%dma_wait3A_514, %dma_wait3A_522] : memref<4x80xi32, #tpu.memory_space<vmem>> -> memref<1x80xi32, #tpu.memory_space<vmem>>
        %dma_wait3A_524 = tpu.memref_squeeze %dma_wait3A_523 : memref<1x80xi32, #tpu.memory_space<vmem>> -> memref<80xi32, #tpu.memory_space<vmem>>
        %dma_wait3A_525 = tpu.memref_slice %arg3[%add3A_513] : memref<320000xi32, #tpu.memory_space<hbm>> -> memref<80xi32, #tpu.memory_space<hbm>>
        tpu.wait_dma2 semaphore(%dma_wait3A_521 : memref<!tpu.dma_semaphore, #tpu.memory_space<semaphore_mem>>) src(%dma_wait3A_525 : memref<80xi32, #tpu.memory_space<hbm>>) dst(%dma_wait3A_524 : memref<80xi32, #tpu.memory_space<vmem>>)
        %mul3A_526 = arith.constant 80 : i32
        %mul3A_527 = arith.muli %add3A_495, %mul3A_526 : i32
        %add3A_528 = arith.addi %mul3A_2, %mul3A_527 : i32
        %dma_wait3A_529 = arith.constant 2 : i32
        %dma_wait3A_530 = arith.constant 0 : i32
        %dma_wait3A_531 = arith.constant 0 : i32
        %dma_wait3A_532 = tpu.memref_slice %arg11[%dma_wait3A_529, %dma_wait3A_531] : memref<4x80xf32, #tpu.memory_space<vmem>> -> memref<1x80xf32, #tpu.memory_space<vmem>>
        %dma_wait3A_533 = tpu.memref_squeeze %dma_wait3A_532 : memref<1x80xf32, #tpu.memory_space<vmem>> -> memref<80xf32, #tpu.memory_space<vmem>>
        %dma_wait3A_534 = tpu.memref_slice %arg5[%add3A_528] : memref<320000xf32, #tpu.memory_space<hbm>> -> memref<80xf32, #tpu.memory_space<hbm>>
        %dma_wait3A_535 = tpu.memref_slice %arg14[%dma_wait3A_530] : memref<2x!tpu.dma_semaphore, #tpu.memory_space<semaphore_mem>> -> memref<1x!tpu.dma_semaphore, #tpu.memory_space<semaphore_mem>>
        %dma_wait3A_536 = tpu.memref_squeeze %dma_wait3A_535 : memref<1x!tpu.dma_semaphore, #tpu.memory_space<semaphore_mem>> -> memref<!tpu.dma_semaphore, #tpu.memory_space<semaphore_mem>>
        %dma_wait3A_537 = arith.constant 0 : i32
        %dma_wait3A_538 = tpu.memref_slice %arg11[%dma_wait3A_529, %dma_wait3A_537] : memref<4x80xf32, #tpu.memory_space<vmem>> -> memref<1x80xf32, #tpu.memory_space<vmem>>
        %dma_wait3A_539 = tpu.memref_squeeze %dma_wait3A_538 : memref<1x80xf32, #tpu.memory_space<vmem>> -> memref<80xf32, #tpu.memory_space<vmem>>
        %dma_wait3A_540 = tpu.memref_slice %arg5[%add3A_528] : memref<320000xf32, #tpu.memory_space<hbm>> -> memref<80xf32, #tpu.memory_space<hbm>>
        tpu.wait_dma2 semaphore(%dma_wait3A_536 : memref<!tpu.dma_semaphore, #tpu.memory_space<semaphore_mem>>) src(%dma_wait3A_540 : memref<80xf32, #tpu.memory_space<hbm>>) dst(%dma_wait3A_539 : memref<80xf32, #tpu.memory_space<vmem>>)
        %dma_start3A_541 = arith.constant 2 : i32
        %dma_start3A_542 = arith.constant 0 : i32
        %dma_start3A_543 = arith.constant 0 : i32
        %dma_start3A_544 = arith.constant 0 : i32
        %dma_start3A_545 = arith.constant 0 : i32
        %dma_start3A_546 = tpu.memref_slice %arg12[%dma_start3A_542, %dma_start3A_544, %dma_start3A_545] : memref<2x80x128xf32, #tpu.memory_space<vmem>> -> memref<1x80x128xf32, #tpu.memory_space<vmem>>
        %dma_start3A_547 = tpu.memref_squeeze %dma_start3A_546 : memref<1x80x128xf32, #tpu.memory_space<vmem>> -> memref<80x128xf32, #tpu.memory_space<vmem>>
        %dma_start3A_548 = arith.constant 0 : i32
        %dma_start3A_549 = tpu.memref_slice %arg9[%dma_start3A_541, %dma_start3A_548] : memref<4x80xi32, #tpu.memory_space<vmem>> -> memref<1x80xi32, #tpu.memory_space<vmem>>
        %dma_start3A_550 = tpu.memref_squeeze %dma_start3A_549 : memref<1x80xi32, #tpu.memory_space<vmem>> -> memref<80xi32, #tpu.memory_space<vmem>>
        %dma_start3A_551 = arith.constant 0 : i32
        %dma_start3A_552 = arith.constant 0 : i32
        %dma_start3A_553 = tpu.memref_slice %arg2[%dma_start3A_551, %dma_start3A_552] : memref<10000x128xf32, #tpu.memory_space<hbm>> -> memref<10000x128xf32, #tpu.memory_space<hbm>>
        %dma_start3A_554 = tpu.memref_slice %arg15[%dma_start3A_543] : memref<2x!tpu.dma_semaphore, #tpu.memory_space<semaphore_mem>> -> memref<1x!tpu.dma_semaphore, #tpu.memory_space<semaphore_mem>>
        %dma_start3A_555 = tpu.memref_squeeze %dma_start3A_554 : memref<1x!tpu.dma_semaphore, #tpu.memory_space<semaphore_mem>> -> memref<!tpu.dma_semaphore, #tpu.memory_space<semaphore_mem>>
        tpu.enqueue_indirect_dma source(%dma_start3A_553 : memref<10000x128xf32, #tpu.memory_space<hbm>>) target(%dma_start3A_547 : memref<80x128xf32, #tpu.memory_space<vmem>>) offsets(%dma_start3A_550 : memref<80xi32, #tpu.memory_space<vmem>>) semaphore(%dma_start3A_555 : memref<!tpu.dma_semaphore, #tpu.memory_space<semaphore_mem>>)
      } else {
      }
      %dma_wait3A_341 = arith.constant 1 : i32
      %dma_wait3A_342 = arith.constant 1 : i32
      %dma_wait3A_343 = arith.constant 1 : i32
      %dma_wait3A_344 = arith.constant 0 : i32
      %dma_wait3A_345 = arith.constant 0 : i32
      %dma_wait3A_346 = tpu.memref_slice %arg12[%dma_wait3A_342, %dma_wait3A_344, %dma_wait3A_345] : memref<2x80x128xf32, #tpu.memory_space<vmem>> -> memref<1x80x128xf32, #tpu.memory_space<vmem>>
      %dma_wait3A_347 = tpu.memref_squeeze %dma_wait3A_346 : memref<1x80x128xf32, #tpu.memory_space<vmem>> -> memref<80x128xf32, #tpu.memory_space<vmem>>
      %dma_wait3A_348 = arith.constant 0 : i32
      %dma_wait3A_349 = tpu.memref_slice %arg9[%dma_wait3A_341, %dma_wait3A_348] : memref<4x80xi32, #tpu.memory_space<vmem>> -> memref<1x80xi32, #tpu.memory_space<vmem>>
      %dma_wait3A_350 = tpu.memref_squeeze %dma_wait3A_349 : memref<1x80xi32, #tpu.memory_space<vmem>> -> memref<80xi32, #tpu.memory_space<vmem>>
      %dma_wait3A_351 = arith.constant 0 : i32
      %dma_wait3A_352 = arith.constant 0 : i32
      %dma_wait3A_353 = tpu.memref_slice %arg2[%dma_wait3A_351, %dma_wait3A_352] : memref<10000x128xf32, #tpu.memory_space<hbm>> -> memref<10000x128xf32, #tpu.memory_space<hbm>>
      %dma_wait3A_354 = tpu.memref_slice %arg15[%dma_wait3A_343] : memref<2x!tpu.dma_semaphore, #tpu.memory_space<semaphore_mem>> -> memref<1x!tpu.dma_semaphore, #tpu.memory_space<semaphore_mem>>
      %dma_wait3A_355 = tpu.memref_squeeze %dma_wait3A_354 : memref<1x!tpu.dma_semaphore, #tpu.memory_space<semaphore_mem>> -> memref<!tpu.dma_semaphore, #tpu.memory_space<semaphore_mem>>
      tpu.wait_indirect_dma semaphore(%dma_wait3A_355 : memref<!tpu.dma_semaphore, #tpu.memory_space<semaphore_mem>>) src(%dma_wait3A_353 : memref<10000x128xf32, #tpu.memory_space<hbm>>) dst(%dma_wait3A_347 : memref<80x128xf32, #tpu.memory_space<vmem>>)
      %ge3A_356 = arith.constant 2 : i32
      %ge3A_357 = arith.cmpi sge, %add3A_333, %ge3A_356 : i32
      %convert_element_type3A_358 = arith.extui %ge3A_357 : i1 to i32
      %cond3A_359 = arith.constant 0 : i32
      %cond3A_360 = arith.cmpi ne, %convert_element_type3A_358, %cond3A_359 : i32
      scf.if %cond3A_360 {
        %dma_wait3A_494 = arith.constant 1 : i32
        %dma_wait3A_495 = arith.constant 1 : i32
        %dma_wait3A_496 = arith.constant 0 : i32
        %dma_wait3A_497 = arith.constant 0 : i32
        %dma_wait3A_498 = tpu.memref_slice %arg13[%dma_wait3A_494, %dma_wait3A_496, %dma_wait3A_497] : memref<2x80x128xf32, #tpu.memory_space<vmem>> -> memref<1x80x128xf32, #tpu.memory_space<vmem>>
        %dma_wait3A_499 = tpu.memref_squeeze %dma_wait3A_498 : memref<1x80x128xf32, #tpu.memory_space<vmem>> -> memref<80x128xf32, #tpu.memory_space<vmem>>
        %dma_wait3A_500 = arith.constant 0 : i32
        %dma_wait3A_501 = arith.constant 0 : i32
        %dma_wait3A_502 = tpu.memref_slice %arg8[%dma_wait3A_500, %dma_wait3A_501] : memref<10000x128xf32, #tpu.memory_space<vmem_shared>> -> memref<80x128xf32, #tpu.memory_space<vmem_shared>>
        %dma_wait3A_503 = tpu.memref_slice %arg16[%dma_wait3A_495] : memref<2x!tpu.dma_semaphore, #tpu.memory_space<semaphore_mem>> -> memref<1x!tpu.dma_semaphore, #tpu.memory_space<semaphore_mem>>
        %dma_wait3A_504 = tpu.memref_squeeze %dma_wait3A_503 : memref<1x!tpu.dma_semaphore, #tpu.memory_space<semaphore_mem>> -> memref<!tpu.dma_semaphore, #tpu.memory_space<semaphore_mem>>
        %dma_wait3A_505 = arith.constant 0 : i32
        %dma_wait3A_506 = arith.constant 0 : i32
        %dma_wait3A_507 = tpu.memref_slice %arg8[%dma_wait3A_505, %dma_wait3A_506] : memref<10000x128xf32, #tpu.memory_space<vmem_shared>> -> memref<80x128xf32, #tpu.memory_space<vmem_shared>>
        %dma_wait3A_508 = arith.constant 0 : i32
        %dma_wait3A_509 = arith.constant 0 : i32
        %dma_wait3A_510 = tpu.memref_slice %arg13[%dma_wait3A_494, %dma_wait3A_508, %dma_wait3A_509] : memref<2x80x128xf32, #tpu.memory_space<vmem>> -> memref<1x80x128xf32, #tpu.memory_space<vmem>>
        %dma_wait3A_511 = tpu.memref_squeeze %dma_wait3A_510 : memref<1x80x128xf32, #tpu.memory_space<vmem>> -> memref<80x128xf32, #tpu.memory_space<vmem>>
        tpu.wait_dma2 semaphore(%dma_wait3A_504 : memref<!tpu.dma_semaphore, #tpu.memory_space<semaphore_mem>>) src(%dma_wait3A_511 : memref<80x128xf32, #tpu.memory_space<vmem>>) dst(%dma_wait3A_507 : memref<80x128xf32, #tpu.memory_space<vmem_shared>>)
      } else {
      }
      %add3A_361 = arith.constant 2 : i32
      %add3A_362 = arith.addi %add3A_333, %add3A_361 : i32
      %lt3A_363 = arith.constant 125 : i32
      %lt3A_364 = arith.cmpi slt, %add3A_362, %lt3A_363 : i32
      %convert_element_type3A_365 = arith.extui %lt3A_364 : i1 to i32
      %cond3A_366 = arith.constant 0 : i32
      %cond3A_367 = arith.cmpi ne, %convert_element_type3A_365, %cond3A_366 : i32
      scf.if %cond3A_367 {
        %add3A_494 = arith.constant 2 : i32
        %add3A_495 = arith.addi %add3A_333, %add3A_494 : i32
        %mul3A_496 = arith.constant 80 : i32
        %mul3A_497 = arith.muli %add3A_495, %mul3A_496 : i32
        %add3A_498 = arith.addi %mul3A_2, %mul3A_497 : i32
        %dma_start3A_499 = arith.constant 3 : i32
        %dma_start3A_500 = arith.constant 1 : i32
        %dma_start3A_501 = arith.constant 0 : i32
        %dma_start3A_502 = tpu.memref_slice %arg9[%dma_start3A_499, %dma_start3A_501] : memref<4x80xi32, #tpu.memory_space<vmem>> -> memref<1x80xi32, #tpu.memory_space<vmem>>
        %dma_start3A_503 = tpu.memref_squeeze %dma_start3A_502 : memref<1x80xi32, #tpu.memory_space<vmem>> -> memref<80xi32, #tpu.memory_space<vmem>>
        %dma_start3A_504 = tpu.memref_slice %arg4[%add3A_498] : memref<320000xi32, #tpu.memory_space<hbm>> -> memref<80xi32, #tpu.memory_space<hbm>>
        %dma_start3A_505 = tpu.memref_slice %arg14[%dma_start3A_500] : memref<2x!tpu.dma_semaphore, #tpu.memory_space<semaphore_mem>> -> memref<1x!tpu.dma_semaphore, #tpu.memory_space<semaphore_mem>>
        %dma_start3A_506 = tpu.memref_squeeze %dma_start3A_505 : memref<1x!tpu.dma_semaphore, #tpu.memory_space<semaphore_mem>> -> memref<!tpu.dma_semaphore, #tpu.memory_space<semaphore_mem>>
        %dma_start3A_507 = arith.constant 0 : i32
        %dma_start3A_508 = tpu.memref_slice %arg9[%dma_start3A_499, %dma_start3A_507] : memref<4x80xi32, #tpu.memory_space<vmem>> -> memref<1x80xi32, #tpu.memory_space<vmem>>
        %dma_start3A_509 = tpu.memref_squeeze %dma_start3A_508 : memref<1x80xi32, #tpu.memory_space<vmem>> -> memref<80xi32, #tpu.memory_space<vmem>>
        %dma_start3A_510 = tpu.memref_slice %arg4[%add3A_498] : memref<320000xi32, #tpu.memory_space<hbm>> -> memref<80xi32, #tpu.memory_space<hbm>>
        tpu.enqueue_dma source(%dma_start3A_510 : memref<80xi32, #tpu.memory_space<hbm>>) target(%dma_start3A_509 : memref<80xi32, #tpu.memory_space<vmem>>) target_semaphore(%dma_start3A_506 : memref<!tpu.dma_semaphore, #tpu.memory_space<semaphore_mem>>)
        %mul3A_511 = arith.constant 80 : i32
        %mul3A_512 = arith.muli %add3A_495, %mul3A_511 : i32
        %add3A_513 = arith.addi %mul3A_2, %mul3A_512 : i32
        %dma_start3A_514 = arith.constant 3 : i32
        %dma_start3A_515 = arith.constant 1 : i32
        %dma_start3A_516 = arith.constant 0 : i32
        %dma_start3A_517 = tpu.memref_slice %arg10[%dma_start3A_514, %dma_start3A_516] : memref<4x80xi32, #tpu.memory_space<vmem>> -> memref<1x80xi32, #tpu.memory_space<vmem>>
        %dma_start3A_518 = tpu.memref_squeeze %dma_start3A_517 : memref<1x80xi32, #tpu.memory_space<vmem>> -> memref<80xi32, #tpu.memory_space<vmem>>
        %dma_start3A_519 = tpu.memref_slice %arg3[%add3A_513] : memref<320000xi32, #tpu.memory_space<hbm>> -> memref<80xi32, #tpu.memory_space<hbm>>
        %dma_start3A_520 = tpu.memref_slice %arg14[%dma_start3A_515] : memref<2x!tpu.dma_semaphore, #tpu.memory_space<semaphore_mem>> -> memref<1x!tpu.dma_semaphore, #tpu.memory_space<semaphore_mem>>
        %dma_start3A_521 = tpu.memref_squeeze %dma_start3A_520 : memref<1x!tpu.dma_semaphore, #tpu.memory_space<semaphore_mem>> -> memref<!tpu.dma_semaphore, #tpu.memory_space<semaphore_mem>>
        %dma_start3A_522 = arith.constant 0 : i32
        %dma_start3A_523 = tpu.memref_slice %arg10[%dma_start3A_514, %dma_start3A_522] : memref<4x80xi32, #tpu.memory_space<vmem>> -> memref<1x80xi32, #tpu.memory_space<vmem>>
        %dma_start3A_524 = tpu.memref_squeeze %dma_start3A_523 : memref<1x80xi32, #tpu.memory_space<vmem>> -> memref<80xi32, #tpu.memory_space<vmem>>
        %dma_start3A_525 = tpu.memref_slice %arg3[%add3A_513] : memref<320000xi32, #tpu.memory_space<hbm>> -> memref<80xi32, #tpu.memory_space<hbm>>
        tpu.enqueue_dma source(%dma_start3A_525 : memref<80xi32, #tpu.memory_space<hbm>>) target(%dma_start3A_524 : memref<80xi32, #tpu.memory_space<vmem>>) target_semaphore(%dma_start3A_521 : memref<!tpu.dma_semaphore, #tpu.memory_space<semaphore_mem>>)
        %mul3A_526 = arith.constant 80 : i32
        %mul3A_527 = arith.muli %add3A_495, %mul3A_526 : i32
        %add3A_528 = arith.addi %mul3A_2, %mul3A_527 : i32
        %dma_start3A_529 = arith.constant 3 : i32
        %dma_start3A_530 = arith.constant 1 : i32
        %dma_start3A_531 = arith.constant 0 : i32
        %dma_start3A_532 = tpu.memref_slice %arg11[%dma_start3A_529, %dma_start3A_531] : memref<4x80xf32, #tpu.memory_space<vmem>> -> memref<1x80xf32, #tpu.memory_space<vmem>>
        %dma_start3A_533 = tpu.memref_squeeze %dma_start3A_532 : memref<1x80xf32, #tpu.memory_space<vmem>> -> memref<80xf32, #tpu.memory_space<vmem>>
        %dma_start3A_534 = tpu.memref_slice %arg5[%add3A_528] : memref<320000xf32, #tpu.memory_space<hbm>> -> memref<80xf32, #tpu.memory_space<hbm>>
        %dma_start3A_535 = tpu.memref_slice %arg14[%dma_start3A_530] : memref<2x!tpu.dma_semaphore, #tpu.memory_space<semaphore_mem>> -> memref<1x!tpu.dma_semaphore, #tpu.memory_space<semaphore_mem>>
        %dma_start3A_536 = tpu.memref_squeeze %dma_start3A_535 : memref<1x!tpu.dma_semaphore, #tpu.memory_space<semaphore_mem>> -> memref<!tpu.dma_semaphore, #tpu.memory_space<semaphore_mem>>
        %dma_start3A_537 = arith.constant 0 : i32
        %dma_start3A_538 = tpu.memref_slice %arg11[%dma_start3A_529, %dma_start3A_537] : memref<4x80xf32, #tpu.memory_space<vmem>> -> memref<1x80xf32, #tpu.memory_space<vmem>>
        %dma_start3A_539 = tpu.memref_squeeze %dma_start3A_538 : memref<1x80xf32, #tpu.memory_space<vmem>> -> memref<80xf32, #tpu.memory_space<vmem>>
        %dma_start3A_540 = tpu.memref_slice %arg5[%add3A_528] : memref<320000xf32, #tpu.memory_space<hbm>> -> memref<80xf32, #tpu.memory_space<hbm>>
        tpu.enqueue_dma source(%dma_start3A_540 : memref<80xf32, #tpu.memory_space<hbm>>) target(%dma_start3A_539 : memref<80xf32, #tpu.memory_space<vmem>>) target_semaphore(%dma_start3A_536 : memref<!tpu.dma_semaphore, #tpu.memory_space<semaphore_mem>>)
      } else {
      }
      %parallel_loop3A_368 = arith.constant 0 : i32
      %parallel_loop3A_369 = arith.constant 80 : i32
      %parallel_loop3A_370 = arith.constant 1 : i32
      scf.for %parallel_loop3A_494 = %parallel_loop3A_368 to %parallel_loop3A_369 step %parallel_loop3A_370  : i32 {
        %parallel_loop3A_495 = arith.constant 1 : i32
        %parallel_loop3A_496 = vector.broadcast %parallel_loop3A_495 : i32 to vector<16xi32>
        %parallel_loop3A_497 = vector.broadcast %parallel_loop3A_494 : i32 to vector<16xi32>
        %parallel_loop3A_498 = tpu.vector_load_idx %arg11[%parallel_loop3A_496, %parallel_loop3A_497] : memref<4x80xf32, #tpu.memory_space<vmem>>[vector<16xi32>, vector<16xi32>], vector<16xf32>,
        %parallel_loop3A_499 = arith.constant 1 : i32
        %parallel_loop3A_500 = arith.index_cast %parallel_loop3A_499 : i32 to index
        %parallel_loop3A_501 = arith.index_cast %parallel_loop3A_494 : i32 to index
        %parallel_loop3A_502 = arith.constant 0 : index
        %parallel_loop3A_503 = tpu.vector_load %arg12[%parallel_loop3A_500, %parallel_loop3A_501, %parallel_loop3A_502] {strides = array<i32>} : memref<2x80x128xf32, #tpu.memory_space<vmem>>, vector<16xf32>,
        %parallel_loop3A_504 = arith.mulf %parallel_loop3A_503, %parallel_loop3A_498 : vector<16xf32>
        %parallel_loop3A_505 = arith.constant 1 : i32
        %parallel_loop3A_506 = arith.index_cast %parallel_loop3A_505 : i32 to index
        %parallel_loop3A_507 = arith.index_cast %parallel_loop3A_494 : i32 to index
        %parallel_loop3A_508 = arith.constant 0 : index
        %parallel_loop3A_509 = tpu.vector_load %arg13[%parallel_loop3A_506, %parallel_loop3A_507, %parallel_loop3A_508] {strides = array<i32>} : memref<2x80x128xf32, #tpu.memory_space<vmem>>, vector<16xf32>,
        tpu.vector_store %arg13[%parallel_loop3A_506, %parallel_loop3A_507, %parallel_loop3A_508], %parallel_loop3A_504 {strides = array<i32>} : memref<2x80x128xf32, #tpu.memory_space<vmem>>, vector<16xf32>,
        %parallel_loop3A_510 = arith.constant 1 : i32
        %parallel_loop3A_511 = arith.index_cast %parallel_loop3A_510 : i32 to index
        %parallel_loop3A_512 = arith.index_cast %parallel_loop3A_494 : i32 to index
        %parallel_loop3A_513 = arith.constant 16 : index
        %parallel_loop3A_514 = tpu.vector_load %arg12[%parallel_loop3A_511, %parallel_loop3A_512, %parallel_loop3A_513] {strides = array<i32>} : memref<2x80x128xf32, #tpu.memory_space<vmem>>, vector<16xf32>,
        %parallel_loop3A_515 = arith.mulf %parallel_loop3A_514, %parallel_loop3A_498 : vector<16xf32>
        %parallel_loop3A_516 = arith.constant 1 : i32
        %parallel_loop3A_517 = arith.index_cast %parallel_loop3A_516 : i32 to index
        %parallel_loop3A_518 = arith.index_cast %parallel_loop3A_494 : i32 to index
        %parallel_loop3A_519 = arith.constant 16 : index
        %parallel_loop3A_520 = tpu.vector_load %arg13[%parallel_loop3A_517, %parallel_loop3A_518, %parallel_loop3A_519] {strides = array<i32>} : memref<2x80x128xf32, #tpu.memory_space<vmem>>, vector<16xf32>,
        tpu.vector_store %arg13[%parallel_loop3A_517, %parallel_loop3A_518, %parallel_loop3A_519], %parallel_loop3A_515 {strides = array<i32>} : memref<2x80x128xf32, #tpu.memory_space<vmem>>, vector<16xf32>,
        %parallel_loop3A_521 = arith.constant 1 : i32
        %parallel_loop3A_522 = arith.index_cast %parallel_loop3A_521 : i32 to index
        %parallel_loop3A_523 = arith.index_cast %parallel_loop3A_494 : i32 to index
        %parallel_loop3A_524 = arith.constant 32 : index
        %parallel_loop3A_525 = tpu.vector_load %arg12[%parallel_loop3A_522, %parallel_loop3A_523, %parallel_loop3A_524] {strides = array<i32>} : memref<2x80x128xf32, #tpu.memory_space<vmem>>, vector<16xf32>,
        %parallel_loop3A_526 = arith.mulf %parallel_loop3A_525, %parallel_loop3A_498 : vector<16xf32>
        %parallel_loop3A_527 = arith.constant 1 : i32
        %parallel_loop3A_528 = arith.index_cast %parallel_loop3A_527 : i32 to index
        %parallel_loop3A_529 = arith.index_cast %parallel_loop3A_494 : i32 to index
        %parallel_loop3A_530 = arith.constant 32 : index
        %parallel_loop3A_531 = tpu.vector_load %arg13[%parallel_loop3A_528, %parallel_loop3A_529, %parallel_loop3A_530] {strides = array<i32>} : memref<2x80x128xf32, #tpu.memory_space<vmem>>, vector<16xf32>,
        tpu.vector_store %arg13[%parallel_loop3A_528, %parallel_loop3A_529, %parallel_loop3A_530], %parallel_loop3A_526 {strides = array<i32>} : memref<2x80x128xf32, #tpu.memory_space<vmem>>, vector<16xf32>,
        %parallel_loop3A_532 = arith.constant 1 : i32
        %parallel_loop3A_533 = arith.index_cast %parallel_loop3A_532 : i32 to index
        %parallel_loop3A_534 = arith.index_cast %parallel_loop3A_494 : i32 to index
        %parallel_loop3A_535 = arith.constant 48 : index
        %parallel_loop3A_536 = tpu.vector_load %arg12[%parallel_loop3A_533, %parallel_loop3A_534, %parallel_loop3A_535] {strides = array<i32>} : memref<2x80x128xf32, #tpu.memory_space<vmem>>, vector<16xf32>,
        %parallel_loop3A_537 = arith.mulf %parallel_loop3A_536, %parallel_loop3A_498 : vector<16xf32>
        %parallel_loop3A_538 = arith.constant 1 : i32
        %parallel_loop3A_539 = arith.index_cast %parallel_loop3A_538 : i32 to index
        %parallel_loop3A_540 = arith.index_cast %parallel_loop3A_494 : i32 to index
        %parallel_loop3A_541 = arith.constant 48 : index
        %parallel_loop3A_542 = tpu.vector_load %arg13[%parallel_loop3A_539, %parallel_loop3A_540, %parallel_loop3A_541] {strides = array<i32>} : memref<2x80x128xf32, #tpu.memory_space<vmem>>, vector<16xf32>,
        tpu.vector_store %arg13[%parallel_loop3A_539, %parallel_loop3A_540, %parallel_loop3A_541], %parallel_loop3A_537 {strides = array<i32>} : memref<2x80x128xf32, #tpu.memory_space<vmem>>, vector<16xf32>,
        %parallel_loop3A_543 = arith.constant 1 : i32
        %parallel_loop3A_544 = arith.index_cast %parallel_loop3A_543 : i32 to index
        %parallel_loop3A_545 = arith.index_cast %parallel_loop3A_494 : i32 to index
        %parallel_loop3A_546 = arith.constant 64 : index
        %parallel_loop3A_547 = tpu.vector_load %arg12[%parallel_loop3A_544, %parallel_loop3A_545, %parallel_loop3A_546] {strides = array<i32>} : memref<2x80x128xf32, #tpu.memory_space<vmem>>, vector<16xf32>,
        %parallel_loop3A_548 = arith.mulf %parallel_loop3A_547, %parallel_loop3A_498 : vector<16xf32>
        %parallel_loop3A_549 = arith.constant 1 : i32
        %parallel_loop3A_550 = arith.index_cast %parallel_loop3A_549 : i32 to index
        %parallel_loop3A_551 = arith.index_cast %parallel_loop3A_494 : i32 to index
        %parallel_loop3A_552 = arith.constant 64 : index
        %parallel_loop3A_553 = tpu.vector_load %arg13[%parallel_loop3A_550, %parallel_loop3A_551, %parallel_loop3A_552] {strides = array<i32>} : memref<2x80x128xf32, #tpu.memory_space<vmem>>, vector<16xf32>,
        tpu.vector_store %arg13[%parallel_loop3A_550, %parallel_loop3A_551, %parallel_loop3A_552], %parallel_loop3A_548 {strides = array<i32>} : memref<2x80x128xf32, #tpu.memory_space<vmem>>, vector<16xf32>,
        %parallel_loop3A_554 = arith.constant 1 : i32
        %parallel_loop3A_555 = arith.index_cast %parallel_loop3A_554 : i32 to index
        %parallel_loop3A_556 = arith.index_cast %parallel_loop3A_494 : i32 to index
        %parallel_loop3A_557 = arith.constant 80 : index
        %parallel_loop3A_558 = tpu.vector_load %arg12[%parallel_loop3A_555, %parallel_loop3A_556, %parallel_loop3A_557] {strides = array<i32>} : memref<2x80x128xf32, #tpu.memory_space<vmem>>, vector<16xf32>,
        %parallel_loop3A_559 = arith.mulf %parallel_loop3A_558, %parallel_loop3A_498 : vector<16xf32>
        %parallel_loop3A_560 = arith.constant 1 : i32
        %parallel_loop3A_561 = arith.index_cast %parallel_loop3A_560 : i32 to index
        %parallel_loop3A_562 = arith.index_cast %parallel_loop3A_494 : i32 to index
        %parallel_loop3A_563 = arith.constant 80 : index
        %parallel_loop3A_564 = tpu.vector_load %arg13[%parallel_loop3A_561, %parallel_loop3A_562, %parallel_loop3A_563] {strides = array<i32>} : memref<2x80x128xf32, #tpu.memory_space<vmem>>, vector<16xf32>,
        tpu.vector_store %arg13[%parallel_loop3A_561, %parallel_loop3A_562, %parallel_loop3A_563], %parallel_loop3A_559 {strides = array<i32>} : memref<2x80x128xf32, #tpu.memory_space<vmem>>, vector<16xf32>,
        %parallel_loop3A_565 = arith.constant 1 : i32
        %parallel_loop3A_566 = arith.index_cast %parallel_loop3A_565 : i32 to index
        %parallel_loop3A_567 = arith.index_cast %parallel_loop3A_494 : i32 to index
        %parallel_loop3A_568 = arith.constant 96 : index
        %parallel_loop3A_569 = tpu.vector_load %arg12[%parallel_loop3A_566, %parallel_loop3A_567, %parallel_loop3A_568] {strides = array<i32>} : memref<2x80x128xf32, #tpu.memory_space<vmem>>, vector<16xf32>,
        %parallel_loop3A_570 = arith.mulf %parallel_loop3A_569, %parallel_loop3A_498 : vector<16xf32>
        %parallel_loop3A_571 = arith.constant 1 : i32
        %parallel_loop3A_572 = arith.index_cast %parallel_loop3A_571 : i32 to index
        %parallel_loop3A_573 = arith.index_cast %parallel_loop3A_494 : i32 to index
        %parallel_loop3A_574 = arith.constant 96 : index
        %parallel_loop3A_575 = tpu.vector_load %arg13[%parallel_loop3A_572, %parallel_loop3A_573, %parallel_loop3A_574] {strides = array<i32>} : memref<2x80x128xf32, #tpu.memory_space<vmem>>, vector<16xf32>,
        tpu.vector_store %arg13[%parallel_loop3A_572, %parallel_loop3A_573, %parallel_loop3A_574], %parallel_loop3A_570 {strides = array<i32>} : memref<2x80x128xf32, #tpu.memory_space<vmem>>, vector<16xf32>,
        %parallel_loop3A_576 = arith.constant 1 : i32
        %parallel_loop3A_577 = arith.index_cast %parallel_loop3A_576 : i32 to index
        %parallel_loop3A_578 = arith.index_cast %parallel_loop3A_494 : i32 to index
        %parallel_loop3A_579 = arith.constant 112 : index
        %parallel_loop3A_580 = tpu.vector_load %arg12[%parallel_loop3A_577, %parallel_loop3A_578, %parallel_loop3A_579] {strides = array<i32>} : memref<2x80x128xf32, #tpu.memory_space<vmem>>, vector<16xf32>,
        %parallel_loop3A_581 = arith.mulf %parallel_loop3A_580, %parallel_loop3A_498 : vector<16xf32>
        %parallel_loop3A_582 = arith.constant 1 : i32
        %parallel_loop3A_583 = arith.index_cast %parallel_loop3A_582 : i32 to index
        %parallel_loop3A_584 = arith.index_cast %parallel_loop3A_494 : i32 to index
        %parallel_loop3A_585 = arith.constant 112 : index
        %parallel_loop3A_586 = tpu.vector_load %arg13[%parallel_loop3A_583, %parallel_loop3A_584, %parallel_loop3A_585] {strides = array<i32>} : memref<2x80x128xf32, #tpu.memory_space<vmem>>, vector<16xf32>,
        tpu.vector_store %arg13[%parallel_loop3A_583, %parallel_loop3A_584, %parallel_loop3A_585], %parallel_loop3A_581 {strides = array<i32>} : memref<2x80x128xf32, #tpu.memory_space<vmem>>, vector<16xf32>,
      } {sc.loop_unroll_factor = 4 : i64, sc.parallel_access}
      %dma_start3A_371 = arith.constant 1 : i32
      %dma_start3A_372 = arith.constant 1 : i32
      %dma_start3A_373 = arith.constant 1 : i32
      %dma_start3A_374 = arith.constant 0 : i32
      %dma_start3A_375 = arith.constant 0 : i32
      %dma_start3A_376 = tpu.memref_slice %arg13[%dma_start3A_371, %dma_start3A_374, %dma_start3A_375] : memref<2x80x128xf32, #tpu.memory_space<vmem>> -> memref<1x80x128xf32, #tpu.memory_space<vmem>>
      %dma_start3A_377 = tpu.memref_squeeze %dma_start3A_376 : memref<1x80x128xf32, #tpu.memory_space<vmem>> -> memref<80x128xf32, #tpu.memory_space<vmem>>
      %dma_start3A_378 = arith.constant 0 : i32
      %dma_start3A_379 = tpu.memref_slice %arg10[%dma_start3A_372, %dma_start3A_378] : memref<4x80xi32, #tpu.memory_space<vmem>> -> memref<1x80xi32, #tpu.memory_space<vmem>>
      %dma_start3A_380 = tpu.memref_squeeze %dma_start3A_379 : memref<1x80xi32, #tpu.memory_space<vmem>> -> memref<80xi32, #tpu.memory_space<vmem>>
      %dma_start3A_381 = arith.constant 0 : i32
      %dma_start3A_382 = arith.constant 0 : i32
      %dma_start3A_383 = tpu.memref_slice %arg8[%dma_start3A_381, %dma_start3A_382] : memref<10000x128xf32, #tpu.memory_space<vmem_shared>> -> memref<10000x128xf32, #tpu.memory_space<vmem_shared>>
      %dma_start3A_384 = tpu.memref_slice %arg16[%dma_start3A_373] : memref<2x!tpu.dma_semaphore, #tpu.memory_space<semaphore_mem>> -> memref<1x!tpu.dma_semaphore, #tpu.memory_space<semaphore_mem>>
      %dma_start3A_385 = tpu.memref_squeeze %dma_start3A_384 : memref<1x!tpu.dma_semaphore, #tpu.memory_space<semaphore_mem>> -> memref<!tpu.dma_semaphore, #tpu.memory_space<semaphore_mem>>
      tpu.enqueue_indirect_dma source(%dma_start3A_377 : memref<80x128xf32, #tpu.memory_space<vmem>>) target(%dma_start3A_383 : memref<10000x128xf32, #tpu.memory_space<vmem_shared>>) offsets(%dma_start3A_380 : memref<80xi32, #tpu.memory_space<vmem>>) semaphore(%dma_start3A_385 : memref<!tpu.dma_semaphore, #tpu.memory_space<semaphore_mem>>) {add = true}
      %add3A_386 = arith.constant 2 : i32
      %add3A_387 = arith.addi %add3A_278, %add3A_386 : i32
      %add3A_388 = arith.constant 1 : i32
      %add3A_389 = arith.addi %add3A_387, %add3A_388 : i32
      %lt3A_390 = arith.constant 125 : i32
      %lt3A_391 = arith.cmpi slt, %add3A_389, %lt3A_390 : i32
      %convert_element_type3A_392 = arith.extui %lt3A_391 : i1 to i32
      %cond3A_393 = arith.constant 0 : i32
      %cond3A_394 = arith.cmpi ne, %convert_element_type3A_392, %cond3A_393 : i32
      scf.if %cond3A_394 {
        %add3A_494 = arith.constant 1 : i32
        %add3A_495 = arith.addi %add3A_387, %add3A_494 : i32
        %mul3A_496 = arith.constant 80 : i32
        %mul3A_497 = arith.muli %add3A_495, %mul3A_496 : i32
        %add3A_498 = arith.addi %mul3A_2, %mul3A_497 : i32
        %dma_wait3A_499 = arith.constant 3 : i32
        %dma_wait3A_500 = arith.constant 1 : i32
        %dma_wait3A_501 = arith.constant 0 : i32
        %dma_wait3A_502 = tpu.memref_slice %arg9[%dma_wait3A_499, %dma_wait3A_501] : memref<4x80xi32, #tpu.memory_space<vmem>> -> memref<1x80xi32, #tpu.memory_space<vmem>>
        %dma_wait3A_503 = tpu.memref_squeeze %dma_wait3A_502 : memref<1x80xi32, #tpu.memory_space<vmem>> -> memref<80xi32, #tpu.memory_space<vmem>>
        %dma_wait3A_504 = tpu.memref_slice %arg4[%add3A_498] : memref<320000xi32, #tpu.memory_space<hbm>> -> memref<80xi32, #tpu.memory_space<hbm>>
        %dma_wait3A_505 = tpu.memref_slice %arg14[%dma_wait3A_500] : memref<2x!tpu.dma_semaphore, #tpu.memory_space<semaphore_mem>> -> memref<1x!tpu.dma_semaphore, #tpu.memory_space<semaphore_mem>>
        %dma_wait3A_506 = tpu.memref_squeeze %dma_wait3A_505 : memref<1x!tpu.dma_semaphore, #tpu.memory_space<semaphore_mem>> -> memref<!tpu.dma_semaphore, #tpu.memory_space<semaphore_mem>>
        %dma_wait3A_507 = arith.constant 0 : i32
        %dma_wait3A_508 = tpu.memref_slice %arg9[%dma_wait3A_499, %dma_wait3A_507] : memref<4x80xi32, #tpu.memory_space<vmem>> -> memref<1x80xi32, #tpu.memory_space<vmem>>
        %dma_wait3A_509 = tpu.memref_squeeze %dma_wait3A_508 : memref<1x80xi32, #tpu.memory_space<vmem>> -> memref<80xi32, #tpu.memory_space<vmem>>
        %dma_wait3A_510 = tpu.memref_slice %arg4[%add3A_498] : memref<320000xi32, #tpu.memory_space<hbm>> -> memref<80xi32, #tpu.memory_space<hbm>>
        tpu.wait_dma2 semaphore(%dma_wait3A_506 : memref<!tpu.dma_semaphore, #tpu.memory_space<semaphore_mem>>) src(%dma_wait3A_510 : memref<80xi32, #tpu.memory_space<hbm>>) dst(%dma_wait3A_509 : memref<80xi32, #tpu.memory_space<vmem>>)
        %mul3A_511 = arith.constant 80 : i32
        %mul3A_512 = arith.muli %add3A_495, %mul3A_511 : i32
        %add3A_513 = arith.addi %mul3A_2, %mul3A_512 : i32
        %dma_wait3A_514 = arith.constant 3 : i32
        %dma_wait3A_515 = arith.constant 1 : i32
        %dma_wait3A_516 = arith.constant 0 : i32
        %dma_wait3A_517 = tpu.memref_slice %arg10[%dma_wait3A_514, %dma_wait3A_516] : memref<4x80xi32, #tpu.memory_space<vmem>> -> memref<1x80xi32, #tpu.memory_space<vmem>>
        %dma_wait3A_518 = tpu.memref_squeeze %dma_wait3A_517 : memref<1x80xi32, #tpu.memory_space<vmem>> -> memref<80xi32, #tpu.memory_space<vmem>>
        %dma_wait3A_519 = tpu.memref_slice %arg3[%add3A_513] : memref<320000xi32, #tpu.memory_space<hbm>> -> memref<80xi32, #tpu.memory_space<hbm>>
        %dma_wait3A_520 = tpu.memref_slice %arg14[%dma_wait3A_515] : memref<2x!tpu.dma_semaphore, #tpu.memory_space<semaphore_mem>> -> memref<1x!tpu.dma_semaphore, #tpu.memory_space<semaphore_mem>>
        %dma_wait3A_521 = tpu.memref_squeeze %dma_wait3A_520 : memref<1x!tpu.dma_semaphore, #tpu.memory_space<semaphore_mem>> -> memref<!tpu.dma_semaphore, #tpu.memory_space<semaphore_mem>>
        %dma_wait3A_522 = arith.constant 0 : i32
        %dma_wait3A_523 = tpu.memref_slice %arg10[%dma_wait3A_514, %dma_wait3A_522] : memref<4x80xi32, #tpu.memory_space<vmem>> -> memref<1x80xi32, #tpu.memory_space<vmem>>
        %dma_wait3A_524 = tpu.memref_squeeze %dma_wait3A_523 : memref<1x80xi32, #tpu.memory_space<vmem>> -> memref<80xi32, #tpu.memory_space<vmem>>
        %dma_wait3A_525 = tpu.memref_slice %arg3[%add3A_513] : memref<320000xi32, #tpu.memory_space<hbm>> -> memref<80xi32, #tpu.memory_space<hbm>>
        tpu.wait_dma2 semaphore(%dma_wait3A_521 : memref<!tpu.dma_semaphore, #tpu.memory_space<semaphore_mem>>) src(%dma_wait3A_525 : memref<80xi32, #tpu.memory_space<hbm>>) dst(%dma_wait3A_524 : memref<80xi32, #tpu.memory_space<vmem>>)
        %mul3A_526 = arith.constant 80 : i32
        %mul3A_527 = arith.muli %add3A_495, %mul3A_526 : i32
        %add3A_528 = arith.addi %mul3A_2, %mul3A_527 : i32
        %dma_wait3A_529 = arith.constant 3 : i32
        %dma_wait3A_530 = arith.constant 1 : i32
        %dma_wait3A_531 = arith.constant 0 : i32
        %dma_wait3A_532 = tpu.memref_slice %arg11[%dma_wait3A_529, %dma_wait3A_531] : memref<4x80xf32, #tpu.memory_space<vmem>> -> memref<1x80xf32, #tpu.memory_space<vmem>>
        %dma_wait3A_533 = tpu.memref_squeeze %dma_wait3A_532 : memref<1x80xf32, #tpu.memory_space<vmem>> -> memref<80xf32, #tpu.memory_space<vmem>>
        %dma_wait3A_534 = tpu.memref_slice %arg5[%add3A_528] : memref<320000xf32, #tpu.memory_space<hbm>> -> memref<80xf32, #tpu.memory_space<hbm>>
        %dma_wait3A_535 = tpu.memref_slice %arg14[%dma_wait3A_530] : memref<2x!tpu.dma_semaphore, #tpu.memory_space<semaphore_mem>> -> memref<1x!tpu.dma_semaphore, #tpu.memory_space<semaphore_mem>>
        %dma_wait3A_536 = tpu.memref_squeeze %dma_wait3A_535 : memref<1x!tpu.dma_semaphore, #tpu.memory_space<semaphore_mem>> -> memref<!tpu.dma_semaphore, #tpu.memory_space<semaphore_mem>>
        %dma_wait3A_537 = arith.constant 0 : i32
        %dma_wait3A_538 = tpu.memref_slice %arg11[%dma_wait3A_529, %dma_wait3A_537] : memref<4x80xf32, #tpu.memory_space<vmem>> -> memref<1x80xf32, #tpu.memory_space<vmem>>
        %dma_wait3A_539 = tpu.memref_squeeze %dma_wait3A_538 : memref<1x80xf32, #tpu.memory_space<vmem>> -> memref<80xf32, #tpu.memory_space<vmem>>
        %dma_wait3A_540 = tpu.memref_slice %arg5[%add3A_528] : memref<320000xf32, #tpu.memory_space<hbm>> -> memref<80xf32, #tpu.memory_space<hbm>>
        tpu.wait_dma2 semaphore(%dma_wait3A_536 : memref<!tpu.dma_semaphore, #tpu.memory_space<semaphore_mem>>) src(%dma_wait3A_540 : memref<80xf32, #tpu.memory_space<hbm>>) dst(%dma_wait3A_539 : memref<80xf32, #tpu.memory_space<vmem>>)
        %dma_start3A_541 = arith.constant 3 : i32
        %dma_start3A_542 = arith.constant 1 : i32
        %dma_start3A_543 = arith.constant 1 : i32
        %dma_start3A_544 = arith.constant 0 : i32
        %dma_start3A_545 = arith.constant 0 : i32
        %dma_start3A_546 = tpu.memref_slice %arg12[%dma_start3A_542, %dma_start3A_544, %dma_start3A_545] : memref<2x80x128xf32, #tpu.memory_space<vmem>> -> memref<1x80x128xf32, #tpu.memory_space<vmem>>
        %dma_start3A_547 = tpu.memref_squeeze %dma_start3A_546 : memref<1x80x128xf32, #tpu.memory_space<vmem>> -> memref<80x128xf32, #tpu.memory_space<vmem>>
        %dma_start3A_548 = arith.constant 0 : i32
        %dma_start3A_549 = tpu.memref_slice %arg9[%dma_start3A_541, %dma_start3A_548] : memref<4x80xi32, #tpu.memory_space<vmem>> -> memref<1x80xi32, #tpu.memory_space<vmem>>
        %dma_start3A_550 = tpu.memref_squeeze %dma_start3A_549 : memref<1x80xi32, #tpu.memory_space<vmem>> -> memref<80xi32, #tpu.memory_space<vmem>>
        %dma_start3A_551 = arith.constant 0 : i32
        %dma_start3A_552 = arith.constant 0 : i32
        %dma_start3A_553 = tpu.memref_slice %arg2[%dma_start3A_551, %dma_start3A_552] : memref<10000x128xf32, #tpu.memory_space<hbm>> -> memref<10000x128xf32, #tpu.memory_space<hbm>>
        %dma_start3A_554 = tpu.memref_slice %arg15[%dma_start3A_543] : memref<2x!tpu.dma_semaphore, #tpu.memory_space<semaphore_mem>> -> memref<1x!tpu.dma_semaphore, #tpu.memory_space<semaphore_mem>>
        %dma_start3A_555 = tpu.memref_squeeze %dma_start3A_554 : memref<1x!tpu.dma_semaphore, #tpu.memory_space<semaphore_mem>> -> memref<!tpu.dma_semaphore, #tpu.memory_space<semaphore_mem>>
        tpu.enqueue_indirect_dma source(%dma_start3A_553 : memref<10000x128xf32, #tpu.memory_space<hbm>>) target(%dma_start3A_547 : memref<80x128xf32, #tpu.memory_space<vmem>>) offsets(%dma_start3A_550 : memref<80xi32, #tpu.memory_space<vmem>>) semaphore(%dma_start3A_555 : memref<!tpu.dma_semaphore, #tpu.memory_space<semaphore_mem>>)
      } else {
      }
      %dma_wait3A_395 = arith.constant 2 : i32
      %dma_wait3A_396 = arith.constant 0 : i32
      %dma_wait3A_397 = arith.constant 0 : i32
      %dma_wait3A_398 = arith.constant 0 : i32
      %dma_wait3A_399 = arith.constant 0 : i32
      %dma_wait3A_400 = tpu.memref_slice %arg12[%dma_wait3A_396, %dma_wait3A_398, %dma_wait3A_399] : memref<2x80x128xf32, #tpu.memory_space<vmem>> -> memref<1x80x128xf32, #tpu.memory_space<vmem>>
      %dma_wait3A_401 = tpu.memref_squeeze %dma_wait3A_400 : memref<1x80x128xf32, #tpu.memory_space<vmem>> -> memref<80x128xf32, #tpu.memory_space<vmem>>
      %dma_wait3A_402 = arith.constant 0 : i32
      %dma_wait3A_403 = tpu.memref_slice %arg9[%dma_wait3A_395, %dma_wait3A_402] : memref<4x80xi32, #tpu.memory_space<vmem>> -> memref<1x80xi32, #tpu.memory_space<vmem>>
      %dma_wait3A_404 = tpu.memref_squeeze %dma_wait3A_403 : memref<1x80xi32, #tpu.memory_space<vmem>> -> memref<80xi32, #tpu.memory_space<vmem>>
      %dma_wait3A_405 = arith.constant 0 : i32
      %dma_wait3A_406 = arith.constant 0 : i32
      %dma_wait3A_407 = tpu.memref_slice %arg2[%dma_wait3A_405, %dma_wait3A_406] : memref<10000x128xf32, #tpu.memory_space<hbm>> -> memref<10000x128xf32, #tpu.memory_space<hbm>>
      %dma_wait3A_408 = tpu.memref_slice %arg15[%dma_wait3A_397] : memref<2x!tpu.dma_semaphore, #tpu.memory_space<semaphore_mem>> -> memref<1x!tpu.dma_semaphore, #tpu.memory_space<semaphore_mem>>
      %dma_wait3A_409 = tpu.memref_squeeze %dma_wait3A_408 : memref<1x!tpu.dma_semaphore, #tpu.memory_space<semaphore_mem>> -> memref<!tpu.dma_semaphore, #tpu.memory_space<semaphore_mem>>
      tpu.wait_indirect_dma semaphore(%dma_wait3A_409 : memref<!tpu.dma_semaphore, #tpu.memory_space<semaphore_mem>>) src(%dma_wait3A_407 : memref<10000x128xf32, #tpu.memory_space<hbm>>) dst(%dma_wait3A_401 : memref<80x128xf32, #tpu.memory_space<vmem>>)
      %ge3A_410 = arith.constant 2 : i32
      %ge3A_411 = arith.cmpi sge, %add3A_387, %ge3A_410 : i32
      %convert_element_type3A_412 = arith.extui %ge3A_411 : i1 to i32
      %cond3A_413 = arith.constant 0 : i32
      %cond3A_414 = arith.cmpi ne, %convert_element_type3A_412, %cond3A_413 : i32
      scf.if %cond3A_414 {
        %dma_wait3A_494 = arith.constant 0 : i32
        %dma_wait3A_495 = arith.constant 0 : i32
        %dma_wait3A_496 = arith.constant 0 : i32
        %dma_wait3A_497 = arith.constant 0 : i32
        %dma_wait3A_498 = tpu.memref_slice %arg13[%dma_wait3A_494, %dma_wait3A_496, %dma_wait3A_497] : memref<2x80x128xf32, #tpu.memory_space<vmem>> -> memref<1x80x128xf32, #tpu.memory_space<vmem>>
        %dma_wait3A_499 = tpu.memref_squeeze %dma_wait3A_498 : memref<1x80x128xf32, #tpu.memory_space<vmem>> -> memref<80x128xf32, #tpu.memory_space<vmem>>
        %dma_wait3A_500 = arith.constant 0 : i32
        %dma_wait3A_501 = arith.constant 0 : i32
        %dma_wait3A_502 = tpu.memref_slice %arg8[%dma_wait3A_500, %dma_wait3A_501] : memref<10000x128xf32, #tpu.memory_space<vmem_shared>> -> memref<80x128xf32, #tpu.memory_space<vmem_shared>>
        %dma_wait3A_503 = tpu.memref_slice %arg16[%dma_wait3A_495] : memref<2x!tpu.dma_semaphore, #tpu.memory_space<semaphore_mem>> -> memref<1x!tpu.dma_semaphore, #tpu.memory_space<semaphore_mem>>
        %dma_wait3A_504 = tpu.memref_squeeze %dma_wait3A_503 : memref<1x!tpu.dma_semaphore, #tpu.memory_space<semaphore_mem>> -> memref<!tpu.dma_semaphore, #tpu.memory_space<semaphore_mem>>
        %dma_wait3A_505 = arith.constant 0 : i32
        %dma_wait3A_506 = arith.constant 0 : i32
        %dma_wait3A_507 = tpu.memref_slice %arg8[%dma_wait3A_505, %dma_wait3A_506] : memref<10000x128xf32, #tpu.memory_space<vmem_shared>> -> memref<80x128xf32, #tpu.memory_space<vmem_shared>>
        %dma_wait3A_508 = arith.constant 0 : i32
        %dma_wait3A_509 = arith.constant 0 : i32
        %dma_wait3A_510 = tpu.memref_slice %arg13[%dma_wait3A_494, %dma_wait3A_508, %dma_wait3A_509] : memref<2x80x128xf32, #tpu.memory_space<vmem>> -> memref<1x80x128xf32, #tpu.memory_space<vmem>>
        %dma_wait3A_511 = tpu.memref_squeeze %dma_wait3A_510 : memref<1x80x128xf32, #tpu.memory_space<vmem>> -> memref<80x128xf32, #tpu.memory_space<vmem>>
        tpu.wait_dma2 semaphore(%dma_wait3A_504 : memref<!tpu.dma_semaphore, #tpu.memory_space<semaphore_mem>>) src(%dma_wait3A_511 : memref<80x128xf32, #tpu.memory_space<vmem>>) dst(%dma_wait3A_507 : memref<80x128xf32, #tpu.memory_space<vmem_shared>>)
      } else {
      }
      %add3A_415 = arith.constant 2 : i32
      %add3A_416 = arith.addi %add3A_387, %add3A_415 : i32
      %lt3A_417 = arith.constant 125 : i32
      %lt3A_418 = arith.cmpi slt, %add3A_416, %lt3A_417 : i32
      %convert_element_type3A_419 = arith.extui %lt3A_418 : i1 to i32
      %cond3A_420 = arith.constant 0 : i32
      %cond3A_421 = arith.cmpi ne, %convert_element_type3A_419, %cond3A_420 : i32
      scf.if %cond3A_421 {
        %add3A_494 = arith.constant 2 : i32
        %add3A_495 = arith.addi %add3A_387, %add3A_494 : i32
        %mul3A_496 = arith.constant 80 : i32
        %mul3A_497 = arith.muli %add3A_495, %mul3A_496 : i32
        %add3A_498 = arith.addi %mul3A_2, %mul3A_497 : i32
        %dma_start3A_499 = arith.constant 0 : i32
        %dma_start3A_500 = arith.constant 0 : i32
        %dma_start3A_501 = arith.constant 0 : i32
        %dma_start3A_502 = tpu.memref_slice %arg9[%dma_start3A_499, %dma_start3A_501] : memref<4x80xi32, #tpu.memory_space<vmem>> -> memref<1x80xi32, #tpu.memory_space<vmem>>
        %dma_start3A_503 = tpu.memref_squeeze %dma_start3A_502 : memref<1x80xi32, #tpu.memory_space<vmem>> -> memref<80xi32, #tpu.memory_space<vmem>>
        %dma_start3A_504 = tpu.memref_slice %arg4[%add3A_498] : memref<320000xi32, #tpu.memory_space<hbm>> -> memref<80xi32, #tpu.memory_space<hbm>>
        %dma_start3A_505 = tpu.memref_slice %arg14[%dma_start3A_500] : memref<2x!tpu.dma_semaphore, #tpu.memory_space<semaphore_mem>> -> memref<1x!tpu.dma_semaphore, #tpu.memory_space<semaphore_mem>>
        %dma_start3A_506 = tpu.memref_squeeze %dma_start3A_505 : memref<1x!tpu.dma_semaphore, #tpu.memory_space<semaphore_mem>> -> memref<!tpu.dma_semaphore, #tpu.memory_space<semaphore_mem>>
        %dma_start3A_507 = arith.constant 0 : i32
        %dma_start3A_508 = tpu.memref_slice %arg9[%dma_start3A_499, %dma_start3A_507] : memref<4x80xi32, #tpu.memory_space<vmem>> -> memref<1x80xi32, #tpu.memory_space<vmem>>
        %dma_start3A_509 = tpu.memref_squeeze %dma_start3A_508 : memref<1x80xi32, #tpu.memory_space<vmem>> -> memref<80xi32, #tpu.memory_space<vmem>>
        %dma_start3A_510 = tpu.memref_slice %arg4[%add3A_498] : memref<320000xi32, #tpu.memory_space<hbm>> -> memref<80xi32, #tpu.memory_space<hbm>>
        tpu.enqueue_dma source(%dma_start3A_510 : memref<80xi32, #tpu.memory_space<hbm>>) target(%dma_start3A_509 : memref<80xi32, #tpu.memory_space<vmem>>) target_semaphore(%dma_start3A_506 : memref<!tpu.dma_semaphore, #tpu.memory_space<semaphore_mem>>)
        %mul3A_511 = arith.constant 80 : i32
        %mul3A_512 = arith.muli %add3A_495, %mul3A_511 : i32
        %add3A_513 = arith.addi %mul3A_2, %mul3A_512 : i32
        %dma_start3A_514 = arith.constant 0 : i32
        %dma_start3A_515 = arith.constant 0 : i32
        %dma_start3A_516 = arith.constant 0 : i32
        %dma_start3A_517 = tpu.memref_slice %arg10[%dma_start3A_514, %dma_start3A_516] : memref<4x80xi32, #tpu.memory_space<vmem>> -> memref<1x80xi32, #tpu.memory_space<vmem>>
        %dma_start3A_518 = tpu.memref_squeeze %dma_start3A_517 : memref<1x80xi32, #tpu.memory_space<vmem>> -> memref<80xi32, #tpu.memory_space<vmem>>
        %dma_start3A_519 = tpu.memref_slice %arg3[%add3A_513] : memref<320000xi32, #tpu.memory_space<hbm>> -> memref<80xi32, #tpu.memory_space<hbm>>
        %dma_start3A_520 = tpu.memref_slice %arg14[%dma_start3A_515] : memref<2x!tpu.dma_semaphore, #tpu.memory_space<semaphore_mem>> -> memref<1x!tpu.dma_semaphore, #tpu.memory_space<semaphore_mem>>
        %dma_start3A_521 = tpu.memref_squeeze %dma_start3A_520 : memref<1x!tpu.dma_semaphore, #tpu.memory_space<semaphore_mem>> -> memref<!tpu.dma_semaphore, #tpu.memory_space<semaphore_mem>>
        %dma_start3A_522 = arith.constant 0 : i32
        %dma_start3A_523 = tpu.memref_slice %arg10[%dma_start3A_514, %dma_start3A_522] : memref<4x80xi32, #tpu.memory_space<vmem>> -> memref<1x80xi32, #tpu.memory_space<vmem>>
        %dma_start3A_524 = tpu.memref_squeeze %dma_start3A_523 : memref<1x80xi32, #tpu.memory_space<vmem>> -> memref<80xi32, #tpu.memory_space<vmem>>
        %dma_start3A_525 = tpu.memref_slice %arg3[%add3A_513] : memref<320000xi32, #tpu.memory_space<hbm>> -> memref<80xi32, #tpu.memory_space<hbm>>
        tpu.enqueue_dma source(%dma_start3A_525 : memref<80xi32, #tpu.memory_space<hbm>>) target(%dma_start3A_524 : memref<80xi32, #tpu.memory_space<vmem>>) target_semaphore(%dma_start3A_521 : memref<!tpu.dma_semaphore, #tpu.memory_space<semaphore_mem>>)
        %mul3A_526 = arith.constant 80 : i32
        %mul3A_527 = arith.muli %add3A_495, %mul3A_526 : i32
        %add3A_528 = arith.addi %mul3A_2, %mul3A_527 : i32
        %dma_start3A_529 = arith.constant 0 : i32
        %dma_start3A_530 = arith.constant 0 : i32
        %dma_start3A_531 = arith.constant 0 : i32
        %dma_start3A_532 = tpu.memref_slice %arg11[%dma_start3A_529, %dma_start3A_531] : memref<4x80xf32, #tpu.memory_space<vmem>> -> memref<1x80xf32, #tpu.memory_space<vmem>>
        %dma_start3A_533 = tpu.memref_squeeze %dma_start3A_532 : memref<1x80xf32, #tpu.memory_space<vmem>> -> memref<80xf32, #tpu.memory_space<vmem>>
        %dma_start3A_534 = tpu.memref_slice %arg5[%add3A_528] : memref<320000xf32, #tpu.memory_space<hbm>> -> memref<80xf32, #tpu.memory_space<hbm>>
        %dma_start3A_535 = tpu.memref_slice %arg14[%dma_start3A_530] : memref<2x!tpu.dma_semaphore, #tpu.memory_space<semaphore_mem>> -> memref<1x!tpu.dma_semaphore, #tpu.memory_space<semaphore_mem>>
        %dma_start3A_536 = tpu.memref_squeeze %dma_start3A_535 : memref<1x!tpu.dma_semaphore, #tpu.memory_space<semaphore_mem>> -> memref<!tpu.dma_semaphore, #tpu.memory_space<semaphore_mem>>
        %dma_start3A_537 = arith.constant 0 : i32
        %dma_start3A_538 = tpu.memref_slice %arg11[%dma_start3A_529, %dma_start3A_537] : memref<4x80xf32, #tpu.memory_space<vmem>> -> memref<1x80xf32, #tpu.memory_space<vmem>>
        %dma_start3A_539 = tpu.memref_squeeze %dma_start3A_538 : memref<1x80xf32, #tpu.memory_space<vmem>> -> memref<80xf32, #tpu.memory_space<vmem>>
        %dma_start3A_540 = tpu.memref_slice %arg5[%add3A_528] : memref<320000xf32, #tpu.memory_space<hbm>> -> memref<80xf32, #tpu.memory_space<hbm>>
        tpu.enqueue_dma source(%dma_start3A_540 : memref<80xf32, #tpu.memory_space<hbm>>) target(%dma_start3A_539 : memref<80xf32, #tpu.memory_space<vmem>>) target_semaphore(%dma_start3A_536 : memref<!tpu.dma_semaphore, #tpu.memory_space<semaphore_mem>>)
      } else {
      }
      %parallel_loop3A_422 = arith.constant 0 : i32
      %parallel_loop3A_423 = arith.constant 80 : i32
      %parallel_loop3A_424 = arith.constant 1 : i32
      scf.for %parallel_loop3A_494 = %parallel_loop3A_422 to %parallel_loop3A_423 step %parallel_loop3A_424  : i32 {
        %parallel_loop3A_495 = arith.constant 2 : i32
        %parallel_loop3A_496 = vector.broadcast %parallel_loop3A_495 : i32 to vector<16xi32>
        %parallel_loop3A_497 = vector.broadcast %parallel_loop3A_494 : i32 to vector<16xi32>
        %parallel_loop3A_498 = tpu.vector_load_idx %arg11[%parallel_loop3A_496, %parallel_loop3A_497] : memref<4x80xf32, #tpu.memory_space<vmem>>[vector<16xi32>, vector<16xi32>], vector<16xf32>,
        %parallel_loop3A_499 = arith.constant 0 : i32
        %parallel_loop3A_500 = arith.index_cast %parallel_loop3A_499 : i32 to index
        %parallel_loop3A_501 = arith.index_cast %parallel_loop3A_494 : i32 to index
        %parallel_loop3A_502 = arith.constant 0 : index
        %parallel_loop3A_503 = tpu.vector_load %arg12[%parallel_loop3A_500, %parallel_loop3A_501, %parallel_loop3A_502] {strides = array<i32>} : memref<2x80x128xf32, #tpu.memory_space<vmem>>, vector<16xf32>,
        %parallel_loop3A_504 = arith.mulf %parallel_loop3A_503, %parallel_loop3A_498 : vector<16xf32>
        %parallel_loop3A_505 = arith.constant 0 : i32
        %parallel_loop3A_506 = arith.index_cast %parallel_loop3A_505 : i32 to index
        %parallel_loop3A_507 = arith.index_cast %parallel_loop3A_494 : i32 to index
        %parallel_loop3A_508 = arith.constant 0 : index
        %parallel_loop3A_509 = tpu.vector_load %arg13[%parallel_loop3A_506, %parallel_loop3A_507, %parallel_loop3A_508] {strides = array<i32>} : memref<2x80x128xf32, #tpu.memory_space<vmem>>, vector<16xf32>,
        tpu.vector_store %arg13[%parallel_loop3A_506, %parallel_loop3A_507, %parallel_loop3A_508], %parallel_loop3A_504 {strides = array<i32>} : memref<2x80x128xf32, #tpu.memory_space<vmem>>, vector<16xf32>,
        %parallel_loop3A_510 = arith.constant 0 : i32
        %parallel_loop3A_511 = arith.index_cast %parallel_loop3A_510 : i32 to index
        %parallel_loop3A_512 = arith.index_cast %parallel_loop3A_494 : i32 to index
        %parallel_loop3A_513 = arith.constant 16 : index
        %parallel_loop3A_514 = tpu.vector_load %arg12[%parallel_loop3A_511, %parallel_loop3A_512, %parallel_loop3A_513] {strides = array<i32>} : memref<2x80x128xf32, #tpu.memory_space<vmem>>, vector<16xf32>,
        %parallel_loop3A_515 = arith.mulf %parallel_loop3A_514, %parallel_loop3A_498 : vector<16xf32>
        %parallel_loop3A_516 = arith.constant 0 : i32
        %parallel_loop3A_517 = arith.index_cast %parallel_loop3A_516 : i32 to index
        %parallel_loop3A_518 = arith.index_cast %parallel_loop3A_494 : i32 to index
        %parallel_loop3A_519 = arith.constant 16 : index
        %parallel_loop3A_520 = tpu.vector_load %arg13[%parallel_loop3A_517, %parallel_loop3A_518, %parallel_loop3A_519] {strides = array<i32>} : memref<2x80x128xf32, #tpu.memory_space<vmem>>, vector<16xf32>,
        tpu.vector_store %arg13[%parallel_loop3A_517, %parallel_loop3A_518, %parallel_loop3A_519], %parallel_loop3A_515 {strides = array<i32>} : memref<2x80x128xf32, #tpu.memory_space<vmem>>, vector<16xf32>,
        %parallel_loop3A_521 = arith.constant 0 : i32
        %parallel_loop3A_522 = arith.index_cast %parallel_loop3A_521 : i32 to index
        %parallel_loop3A_523 = arith.index_cast %parallel_loop3A_494 : i32 to index
        %parallel_loop3A_524 = arith.constant 32 : index
        %parallel_loop3A_525 = tpu.vector_load %arg12[%parallel_loop3A_522, %parallel_loop3A_523, %parallel_loop3A_524] {strides = array<i32>} : memref<2x80x128xf32, #tpu.memory_space<vmem>>, vector<16xf32>,
        %parallel_loop3A_526 = arith.mulf %parallel_loop3A_525, %parallel_loop3A_498 : vector<16xf32>
        %parallel_loop3A_527 = arith.constant 0 : i32
        %parallel_loop3A_528 = arith.index_cast %parallel_loop3A_527 : i32 to index
        %parallel_loop3A_529 = arith.index_cast %parallel_loop3A_494 : i32 to index
        %parallel_loop3A_530 = arith.constant 32 : index
        %parallel_loop3A_531 = tpu.vector_load %arg13[%parallel_loop3A_528, %parallel_loop3A_529, %parallel_loop3A_530] {strides = array<i32>} : memref<2x80x128xf32, #tpu.memory_space<vmem>>, vector<16xf32>,
        tpu.vector_store %arg13[%parallel_loop3A_528, %parallel_loop3A_529, %parallel_loop3A_530], %parallel_loop3A_526 {strides = array<i32>} : memref<2x80x128xf32, #tpu.memory_space<vmem>>, vector<16xf32>,
        %parallel_loop3A_532 = arith.constant 0 : i32
        %parallel_loop3A_533 = arith.index_cast %parallel_loop3A_532 : i32 to index
        %parallel_loop3A_534 = arith.index_cast %parallel_loop3A_494 : i32 to index
        %parallel_loop3A_535 = arith.constant 48 : index
        %parallel_loop3A_536 = tpu.vector_load %arg12[%parallel_loop3A_533, %parallel_loop3A_534, %parallel_loop3A_535] {strides = array<i32>} : memref<2x80x128xf32, #tpu.memory_space<vmem>>, vector<16xf32>,
        %parallel_loop3A_537 = arith.mulf %parallel_loop3A_536, %parallel_loop3A_498 : vector<16xf32>
        %parallel_loop3A_538 = arith.constant 0 : i32
        %parallel_loop3A_539 = arith.index_cast %parallel_loop3A_538 : i32 to index
        %parallel_loop3A_540 = arith.index_cast %parallel_loop3A_494 : i32 to index
        %parallel_loop3A_541 = arith.constant 48 : index
        %parallel_loop3A_542 = tpu.vector_load %arg13[%parallel_loop3A_539, %parallel_loop3A_540, %parallel_loop3A_541] {strides = array<i32>} : memref<2x80x128xf32, #tpu.memory_space<vmem>>, vector<16xf32>,
        tpu.vector_store %arg13[%parallel_loop3A_539, %parallel_loop3A_540, %parallel_loop3A_541], %parallel_loop3A_537 {strides = array<i32>} : memref<2x80x128xf32, #tpu.memory_space<vmem>>, vector<16xf32>,
        %parallel_loop3A_543 = arith.constant 0 : i32
        %parallel_loop3A_544 = arith.index_cast %parallel_loop3A_543 : i32 to index
        %parallel_loop3A_545 = arith.index_cast %parallel_loop3A_494 : i32 to index
        %parallel_loop3A_546 = arith.constant 64 : index
        %parallel_loop3A_547 = tpu.vector_load %arg12[%parallel_loop3A_544, %parallel_loop3A_545, %parallel_loop3A_546] {strides = array<i32>} : memref<2x80x128xf32, #tpu.memory_space<vmem>>, vector<16xf32>,
        %parallel_loop3A_548 = arith.mulf %parallel_loop3A_547, %parallel_loop3A_498 : vector<16xf32>
        %parallel_loop3A_549 = arith.constant 0 : i32
        %parallel_loop3A_550 = arith.index_cast %parallel_loop3A_549 : i32 to index
        %parallel_loop3A_551 = arith.index_cast %parallel_loop3A_494 : i32 to index
        %parallel_loop3A_552 = arith.constant 64 : index
        %parallel_loop3A_553 = tpu.vector_load %arg13[%parallel_loop3A_550, %parallel_loop3A_551, %parallel_loop3A_552] {strides = array<i32>} : memref<2x80x128xf32, #tpu.memory_space<vmem>>, vector<16xf32>,
        tpu.vector_store %arg13[%parallel_loop3A_550, %parallel_loop3A_551, %parallel_loop3A_552], %parallel_loop3A_548 {strides = array<i32>} : memref<2x80x128xf32, #tpu.memory_space<vmem>>, vector<16xf32>,
        %parallel_loop3A_554 = arith.constant 0 : i32
        %parallel_loop3A_555 = arith.index_cast %parallel_loop3A_554 : i32 to index
        %parallel_loop3A_556 = arith.index_cast %parallel_loop3A_494 : i32 to index
        %parallel_loop3A_557 = arith.constant 80 : index
        %parallel_loop3A_558 = tpu.vector_load %arg12[%parallel_loop3A_555, %parallel_loop3A_556, %parallel_loop3A_557] {strides = array<i32>} : memref<2x80x128xf32, #tpu.memory_space<vmem>>, vector<16xf32>,
        %parallel_loop3A_559 = arith.mulf %parallel_loop3A_558, %parallel_loop3A_498 : vector<16xf32>
        %parallel_loop3A_560 = arith.constant 0 : i32
        %parallel_loop3A_561 = arith.index_cast %parallel_loop3A_560 : i32 to index
        %parallel_loop3A_562 = arith.index_cast %parallel_loop3A_494 : i32 to index
        %parallel_loop3A_563 = arith.constant 80 : index
        %parallel_loop3A_564 = tpu.vector_load %arg13[%parallel_loop3A_561, %parallel_loop3A_562, %parallel_loop3A_563] {strides = array<i32>} : memref<2x80x128xf32, #tpu.memory_space<vmem>>, vector<16xf32>,
        tpu.vector_store %arg13[%parallel_loop3A_561, %parallel_loop3A_562, %parallel_loop3A_563], %parallel_loop3A_559 {strides = array<i32>} : memref<2x80x128xf32, #tpu.memory_space<vmem>>, vector<16xf32>,
        %parallel_loop3A_565 = arith.constant 0 : i32
        %parallel_loop3A_566 = arith.index_cast %parallel_loop3A_565 : i32 to index
        %parallel_loop3A_567 = arith.index_cast %parallel_loop3A_494 : i32 to index
        %parallel_loop3A_568 = arith.constant 96 : index
        %parallel_loop3A_569 = tpu.vector_load %arg12[%parallel_loop3A_566, %parallel_loop3A_567, %parallel_loop3A_568] {strides = array<i32>} : memref<2x80x128xf32, #tpu.memory_space<vmem>>, vector<16xf32>,
        %parallel_loop3A_570 = arith.mulf %parallel_loop3A_569, %parallel_loop3A_498 : vector<16xf32>
        %parallel_loop3A_571 = arith.constant 0 : i32
        %parallel_loop3A_572 = arith.index_cast %parallel_loop3A_571 : i32 to index
        %parallel_loop3A_573 = arith.index_cast %parallel_loop3A_494 : i32 to index
        %parallel_loop3A_574 = arith.constant 96 : index
        %parallel_loop3A_575 = tpu.vector_load %arg13[%parallel_loop3A_572, %parallel_loop3A_573, %parallel_loop3A_574] {strides = array<i32>} : memref<2x80x128xf32, #tpu.memory_space<vmem>>, vector<16xf32>,
        tpu.vector_store %arg13[%parallel_loop3A_572, %parallel_loop3A_573, %parallel_loop3A_574], %parallel_loop3A_570 {strides = array<i32>} : memref<2x80x128xf32, #tpu.memory_space<vmem>>, vector<16xf32>,
        %parallel_loop3A_576 = arith.constant 0 : i32
        %parallel_loop3A_577 = arith.index_cast %parallel_loop3A_576 : i32 to index
        %parallel_loop3A_578 = arith.index_cast %parallel_loop3A_494 : i32 to index
        %parallel_loop3A_579 = arith.constant 112 : index
        %parallel_loop3A_580 = tpu.vector_load %arg12[%parallel_loop3A_577, %parallel_loop3A_578, %parallel_loop3A_579] {strides = array<i32>} : memref<2x80x128xf32, #tpu.memory_space<vmem>>, vector<16xf32>,
        %parallel_loop3A_581 = arith.mulf %parallel_loop3A_580, %parallel_loop3A_498 : vector<16xf32>
        %parallel_loop3A_582 = arith.constant 0 : i32
        %parallel_loop3A_583 = arith.index_cast %parallel_loop3A_582 : i32 to index
        %parallel_loop3A_584 = arith.index_cast %parallel_loop3A_494 : i32 to index
        %parallel_loop3A_585 = arith.constant 112 : index
        %parallel_loop3A_586 = tpu.vector_load %arg13[%parallel_loop3A_583, %parallel_loop3A_584, %parallel_loop3A_585] {strides = array<i32>} : memref<2x80x128xf32, #tpu.memory_space<vmem>>, vector<16xf32>,
        tpu.vector_store %arg13[%parallel_loop3A_583, %parallel_loop3A_584, %parallel_loop3A_585], %parallel_loop3A_581 {strides = array<i32>} : memref<2x80x128xf32, #tpu.memory_space<vmem>>, vector<16xf32>,
      } {sc.loop_unroll_factor = 4 : i64, sc.parallel_access}
      %dma_start3A_425 = arith.constant 0 : i32
      %dma_start3A_426 = arith.constant 2 : i32
      %dma_start3A_427 = arith.constant 0 : i32
      %dma_start3A_428 = arith.constant 0 : i32
      %dma_start3A_429 = arith.constant 0 : i32
      %dma_start3A_430 = tpu.memref_slice %arg13[%dma_start3A_425, %dma_start3A_428, %dma_start3A_429] : memref<2x80x128xf32, #tpu.memory_space<vmem>> -> memref<1x80x128xf32, #tpu.memory_space<vmem>>
      %dma_start3A_431 = tpu.memref_squeeze %dma_start3A_430 : memref<1x80x128xf32, #tpu.memory_space<vmem>> -> memref<80x128xf32, #tpu.memory_space<vmem>>
      %dma_start3A_432 = arith.constant 0 : i32
      %dma_start3A_433 = tpu.memref_slice %arg10[%dma_start3A_426, %dma_start3A_432] : memref<4x80xi32, #tpu.memory_space<vmem>> -> memref<1x80xi32, #tpu.memory_space<vmem>>
      %dma_start3A_434 = tpu.memref_squeeze %dma_start3A_433 : memref<1x80xi32, #tpu.memory_space<vmem>> -> memref<80xi32, #tpu.memory_space<vmem>>
      %dma_start3A_435 = arith.constant 0 : i32
      %dma_start3A_436 = arith.constant 0 : i32
      %dma_start3A_437 = tpu.memref_slice %arg8[%dma_start3A_435, %dma_start3A_436] : memref<10000x128xf32, #tpu.memory_space<vmem_shared>> -> memref<10000x128xf32, #tpu.memory_space<vmem_shared>>
      %dma_start3A_438 = tpu.memref_slice %arg16[%dma_start3A_427] : memref<2x!tpu.dma_semaphore, #tpu.memory_space<semaphore_mem>> -> memref<1x!tpu.dma_semaphore, #tpu.memory_space<semaphore_mem>>
      %dma_start3A_439 = tpu.memref_squeeze %dma_start3A_438 : memref<1x!tpu.dma_semaphore, #tpu.memory_space<semaphore_mem>> -> memref<!tpu.dma_semaphore, #tpu.memory_space<semaphore_mem>>
      tpu.enqueue_indirect_dma source(%dma_start3A_431 : memref<80x128xf32, #tpu.memory_space<vmem>>) target(%dma_start3A_437 : memref<10000x128xf32, #tpu.memory_space<vmem_shared>>) offsets(%dma_start3A_434 : memref<80xi32, #tpu.memory_space<vmem>>) semaphore(%dma_start3A_439 : memref<!tpu.dma_semaphore, #tpu.memory_space<semaphore_mem>>) {add = true}
      %add3A_440 = arith.constant 3 : i32
      %add3A_441 = arith.addi %add3A_278, %add3A_440 : i32
      %add3A_442 = arith.constant 1 : i32
      %add3A_443 = arith.addi %add3A_441, %add3A_442 : i32
      %lt3A_444 = arith.constant 125 : i32
      %lt3A_445 = arith.cmpi slt, %add3A_443, %lt3A_444 : i32
      %convert_element_type3A_446 = arith.extui %lt3A_445 : i1 to i32
      %cond3A_447 = arith.constant 0 : i32
      %cond3A_448 = arith.cmpi ne, %convert_element_type3A_446, %cond3A_447 : i32
      scf.if %cond3A_448 {
        %add3A_494 = arith.constant 1 : i32
        %add3A_495 = arith.addi %add3A_441, %add3A_494 : i32
        %mul3A_496 = arith.constant 80 : i32
        %mul3A_497 = arith.muli %add3A_495, %mul3A_496 : i32
        %add3A_498 = arith.addi %mul3A_2, %mul3A_497 : i32
        %dma_wait3A_499 = arith.constant 0 : i32
        %dma_wait3A_500 = arith.constant 0 : i32
        %dma_wait3A_501 = arith.constant 0 : i32
        %dma_wait3A_502 = tpu.memref_slice %arg9[%dma_wait3A_499, %dma_wait3A_501] : memref<4x80xi32, #tpu.memory_space<vmem>> -> memref<1x80xi32, #tpu.memory_space<vmem>>
        %dma_wait3A_503 = tpu.memref_squeeze %dma_wait3A_502 : memref<1x80xi32, #tpu.memory_space<vmem>> -> memref<80xi32, #tpu.memory_space<vmem>>
        %dma_wait3A_504 = tpu.memref_slice %arg4[%add3A_498] : memref<320000xi32, #tpu.memory_space<hbm>> -> memref<80xi32, #tpu.memory_space<hbm>>
        %dma_wait3A_505 = tpu.memref_slice %arg14[%dma_wait3A_500] : memref<2x!tpu.dma_semaphore, #tpu.memory_space<semaphore_mem>> -> memref<1x!tpu.dma_semaphore, #tpu.memory_space<semaphore_mem>>
        %dma_wait3A_506 = tpu.memref_squeeze %dma_wait3A_505 : memref<1x!tpu.dma_semaphore, #tpu.memory_space<semaphore_mem>> -> memref<!tpu.dma_semaphore, #tpu.memory_space<semaphore_mem>>
        %dma_wait3A_507 = arith.constant 0 : i32
        %dma_wait3A_508 = tpu.memref_slice %arg9[%dma_wait3A_499, %dma_wait3A_507] : memref<4x80xi32, #tpu.memory_space<vmem>> -> memref<1x80xi32, #tpu.memory_space<vmem>>
        %dma_wait3A_509 = tpu.memref_squeeze %dma_wait3A_508 : memref<1x80xi32, #tpu.memory_space<vmem>> -> memref<80xi32, #tpu.memory_space<vmem>>
        %dma_wait3A_510 = tpu.memref_slice %arg4[%add3A_498] : memref<320000xi32, #tpu.memory_space<hbm>> -> memref<80xi32, #tpu.memory_space<hbm>>
        tpu.wait_dma2 semaphore(%dma_wait3A_506 : memref<!tpu.dma_semaphore, #tpu.memory_space<semaphore_mem>>) src(%dma_wait3A_510 : memref<80xi32, #tpu.memory_space<hbm>>) dst(%dma_wait3A_509 : memref<80xi32, #tpu.memory_space<vmem>>)
        %mul3A_511 = arith.constant 80 : i32
        %mul3A_512 = arith.muli %add3A_495, %mul3A_511 : i32
        %add3A_513 = arith.addi %mul3A_2, %mul3A_512 : i32
        %dma_wait3A_514 = arith.constant 0 : i32
        %dma_wait3A_515 = arith.constant 0 : i32
        %dma_wait3A_516 = arith.constant 0 : i32
        %dma_wait3A_517 = tpu.memref_slice %arg10[%dma_wait3A_514, %dma_wait3A_516] : memref<4x80xi32, #tpu.memory_space<vmem>> -> memref<1x80xi32, #tpu.memory_space<vmem>>
        %dma_wait3A_518 = tpu.memref_squeeze %dma_wait3A_517 : memref<1x80xi32, #tpu.memory_space<vmem>> -> memref<80xi32, #tpu.memory_space<vmem>>
        %dma_wait3A_519 = tpu.memref_slice %arg3[%add3A_513] : memref<320000xi32, #tpu.memory_space<hbm>> -> memref<80xi32, #tpu.memory_space<hbm>>
        %dma_wait3A_520 = tpu.memref_slice %arg14[%dma_wait3A_515] : memref<2x!tpu.dma_semaphore, #tpu.memory_space<semaphore_mem>> -> memref<1x!tpu.dma_semaphore, #tpu.memory_space<semaphore_mem>>
        %dma_wait3A_521 = tpu.memref_squeeze %dma_wait3A_520 : memref<1x!tpu.dma_semaphore, #tpu.memory_space<semaphore_mem>> -> memref<!tpu.dma_semaphore, #tpu.memory_space<semaphore_mem>>
        %dma_wait3A_522 = arith.constant 0 : i32
        %dma_wait3A_523 = tpu.memref_slice %arg10[%dma_wait3A_514, %dma_wait3A_522] : memref<4x80xi32, #tpu.memory_space<vmem>> -> memref<1x80xi32, #tpu.memory_space<vmem>>
        %dma_wait3A_524 = tpu.memref_squeeze %dma_wait3A_523 : memref<1x80xi32, #tpu.memory_space<vmem>> -> memref<80xi32, #tpu.memory_space<vmem>>
        %dma_wait3A_525 = tpu.memref_slice %arg3[%add3A_513] : memref<320000xi32, #tpu.memory_space<hbm>> -> memref<80xi32, #tpu.memory_space<hbm>>
        tpu.wait_dma2 semaphore(%dma_wait3A_521 : memref<!tpu.dma_semaphore, #tpu.memory_space<semaphore_mem>>) src(%dma_wait3A_525 : memref<80xi32, #tpu.memory_space<hbm>>) dst(%dma_wait3A_524 : memref<80xi32, #tpu.memory_space<vmem>>)
        %mul3A_526 = arith.constant 80 : i32
        %mul3A_527 = arith.muli %add3A_495, %mul3A_526 : i32
        %add3A_528 = arith.addi %mul3A_2, %mul3A_527 : i32
        %dma_wait3A_529 = arith.constant 0 : i32
        %dma_wait3A_530 = arith.constant 0 : i32
        %dma_wait3A_531 = arith.constant 0 : i32
        %dma_wait3A_532 = tpu.memref_slice %arg11[%dma_wait3A_529, %dma_wait3A_531] : memref<4x80xf32, #tpu.memory_space<vmem>> -> memref<1x80xf32, #tpu.memory_space<vmem>>
        %dma_wait3A_533 = tpu.memref_squeeze %dma_wait3A_532 : memref<1x80xf32, #tpu.memory_space<vmem>> -> memref<80xf32, #tpu.memory_space<vmem>>
        %dma_wait3A_534 = tpu.memref_slice %arg5[%add3A_528] : memref<320000xf32, #tpu.memory_space<hbm>> -> memref<80xf32, #tpu.memory_space<hbm>>
        %dma_wait3A_535 = tpu.memref_slice %arg14[%dma_wait3A_530] : memref<2x!tpu.dma_semaphore, #tpu.memory_space<semaphore_mem>> -> memref<1x!tpu.dma_semaphore, #tpu.memory_space<semaphore_mem>>
        %dma_wait3A_536 = tpu.memref_squeeze %dma_wait3A_535 : memref<1x!tpu.dma_semaphore, #tpu.memory_space<semaphore_mem>> -> memref<!tpu.dma_semaphore, #tpu.memory_space<semaphore_mem>>
        %dma_wait3A_537 = arith.constant 0 : i32
        %dma_wait3A_538 = tpu.memref_slice %arg11[%dma_wait3A_529, %dma_wait3A_537] : memref<4x80xf32, #tpu.memory_space<vmem>> -> memref<1x80xf32, #tpu.memory_space<vmem>>
        %dma_wait3A_539 = tpu.memref_squeeze %dma_wait3A_538 : memref<1x80xf32, #tpu.memory_space<vmem>> -> memref<80xf32, #tpu.memory_space<vmem>>
        %dma_wait3A_540 = tpu.memref_slice %arg5[%add3A_528] : memref<320000xf32, #tpu.memory_space<hbm>> -> memref<80xf32, #tpu.memory_space<hbm>>
        tpu.wait_dma2 semaphore(%dma_wait3A_536 : memref<!tpu.dma_semaphore, #tpu.memory_space<semaphore_mem>>) src(%dma_wait3A_540 : memref<80xf32, #tpu.memory_space<hbm>>) dst(%dma_wait3A_539 : memref<80xf32, #tpu.memory_space<vmem>>)
        %dma_start3A_541 = arith.constant 0 : i32
        %dma_start3A_542 = arith.constant 0 : i32
        %dma_start3A_543 = arith.constant 0 : i32
        %dma_start3A_544 = arith.constant 0 : i32
        %dma_start3A_545 = arith.constant 0 : i32
        %dma_start3A_546 = tpu.memref_slice %arg12[%dma_start3A_542, %dma_start3A_544, %dma_start3A_545] : memref<2x80x128xf32, #tpu.memory_space<vmem>> -> memref<1x80x128xf32, #tpu.memory_space<vmem>>
        %dma_start3A_547 = tpu.memref_squeeze %dma_start3A_546 : memref<1x80x128xf32, #tpu.memory_space<vmem>> -> memref<80x128xf32, #tpu.memory_space<vmem>>
        %dma_start3A_548 = arith.constant 0 : i32
        %dma_start3A_549 = tpu.memref_slice %arg9[%dma_start3A_541, %dma_start3A_548] : memref<4x80xi32, #tpu.memory_space<vmem>> -> memref<1x80xi32, #tpu.memory_space<vmem>>
        %dma_start3A_550 = tpu.memref_squeeze %dma_start3A_549 : memref<1x80xi32, #tpu.memory_space<vmem>> -> memref<80xi32, #tpu.memory_space<vmem>>
        %dma_start3A_551 = arith.constant 0 : i32
        %dma_start3A_552 = arith.constant 0 : i32
        %dma_start3A_553 = tpu.memref_slice %arg2[%dma_start3A_551, %dma_start3A_552] : memref<10000x128xf32, #tpu.memory_space<hbm>> -> memref<10000x128xf32, #tpu.memory_space<hbm>>
        %dma_start3A_554 = tpu.memref_slice %arg15[%dma_start3A_543] : memref<2x!tpu.dma_semaphore, #tpu.memory_space<semaphore_mem>> -> memref<1x!tpu.dma_semaphore, #tpu.memory_space<semaphore_mem>>
        %dma_start3A_555 = tpu.memref_squeeze %dma_start3A_554 : memref<1x!tpu.dma_semaphore, #tpu.memory_space<semaphore_mem>> -> memref<!tpu.dma_semaphore, #tpu.memory_space<semaphore_mem>>
        tpu.enqueue_indirect_dma source(%dma_start3A_553 : memref<10000x128xf32, #tpu.memory_space<hbm>>) target(%dma_start3A_547 : memref<80x128xf32, #tpu.memory_space<vmem>>) offsets(%dma_start3A_550 : memref<80xi32, #tpu.memory_space<vmem>>) semaphore(%dma_start3A_555 : memref<!tpu.dma_semaphore, #tpu.memory_space<semaphore_mem>>)
      } else {
      }
      %dma_wait3A_449 = arith.constant 3 : i32
      %dma_wait3A_450 = arith.constant 1 : i32
      %dma_wait3A_451 = arith.constant 1 : i32
      %dma_wait3A_452 = arith.constant 0 : i32
      %dma_wait3A_453 = arith.constant 0 : i32
      %dma_wait3A_454 = tpu.memref_slice %arg12[%dma_wait3A_450, %dma_wait3A_452, %dma_wait3A_453] : memref<2x80x128xf32, #tpu.memory_space<vmem>> -> memref<1x80x128xf32, #tpu.memory_space<vmem>>
      %dma_wait3A_455 = tpu.memref_squeeze %dma_wait3A_454 : memref<1x80x128xf32, #tpu.memory_space<vmem>> -> memref<80x128xf32, #tpu.memory_space<vmem>>
      %dma_wait3A_456 = arith.constant 0 : i32
      %dma_wait3A_457 = tpu.memref_slice %arg9[%dma_wait3A_449, %dma_wait3A_456] : memref<4x80xi32, #tpu.memory_space<vmem>> -> memref<1x80xi32, #tpu.memory_space<vmem>>
      %dma_wait3A_458 = tpu.memref_squeeze %dma_wait3A_457 : memref<1x80xi32, #tpu.memory_space<vmem>> -> memref<80xi32, #tpu.memory_space<vmem>>
      %dma_wait3A_459 = arith.constant 0 : i32
      %dma_wait3A_460 = arith.constant 0 : i32
      %dma_wait3A_461 = tpu.memref_slice %arg2[%dma_wait3A_459, %dma_wait3A_460] : memref<10000x128xf32, #tpu.memory_space<hbm>> -> memref<10000x128xf32, #tpu.memory_space<hbm>>
      %dma_wait3A_462 = tpu.memref_slice %arg15[%dma_wait3A_451] : memref<2x!tpu.dma_semaphore, #tpu.memory_space<semaphore_mem>> -> memref<1x!tpu.dma_semaphore, #tpu.memory_space<semaphore_mem>>
      %dma_wait3A_463 = tpu.memref_squeeze %dma_wait3A_462 : memref<1x!tpu.dma_semaphore, #tpu.memory_space<semaphore_mem>> -> memref<!tpu.dma_semaphore, #tpu.memory_space<semaphore_mem>>
      tpu.wait_indirect_dma semaphore(%dma_wait3A_463 : memref<!tpu.dma_semaphore, #tpu.memory_space<semaphore_mem>>) src(%dma_wait3A_461 : memref<10000x128xf32, #tpu.memory_space<hbm>>) dst(%dma_wait3A_455 : memref<80x128xf32, #tpu.memory_space<vmem>>)
      %ge3A_464 = arith.constant 2 : i32
      %ge3A_465 = arith.cmpi sge, %add3A_441, %ge3A_464 : i32
      %convert_element_type3A_466 = arith.extui %ge3A_465 : i1 to i32
      %cond3A_467 = arith.constant 0 : i32
      %cond3A_468 = arith.cmpi ne, %convert_element_type3A_466, %cond3A_467 : i32
      scf.if %cond3A_468 {
        %dma_wait3A_494 = arith.constant 1 : i32
        %dma_wait3A_495 = arith.constant 1 : i32
        %dma_wait3A_496 = arith.constant 0 : i32
        %dma_wait3A_497 = arith.constant 0 : i32
        %dma_wait3A_498 = tpu.memref_slice %arg13[%dma_wait3A_494, %dma_wait3A_496, %dma_wait3A_497] : memref<2x80x128xf32, #tpu.memory_space<vmem>> -> memref<1x80x128xf32, #tpu.memory_space<vmem>>
        %dma_wait3A_499 = tpu.memref_squeeze %dma_wait3A_498 : memref<1x80x128xf32, #tpu.memory_space<vmem>> -> memref<80x128xf32, #tpu.memory_space<vmem>>
        %dma_wait3A_500 = arith.constant 0 : i32
        %dma_wait3A_501 = arith.constant 0 : i32
        %dma_wait3A_502 = tpu.memref_slice %arg8[%dma_wait3A_500, %dma_wait3A_501] : memref<10000x128xf32, #tpu.memory_space<vmem_shared>> -> memref<80x128xf32, #tpu.memory_space<vmem_shared>>
        %dma_wait3A_503 = tpu.memref_slice %arg16[%dma_wait3A_495] : memref<2x!tpu.dma_semaphore, #tpu.memory_space<semaphore_mem>> -> memref<1x!tpu.dma_semaphore, #tpu.memory_space<semaphore_mem>>
        %dma_wait3A_504 = tpu.memref_squeeze %dma_wait3A_503 : memref<1x!tpu.dma_semaphore, #tpu.memory_space<semaphore_mem>> -> memref<!tpu.dma_semaphore, #tpu.memory_space<semaphore_mem>>
        %dma_wait3A_505 = arith.constant 0 : i32
        %dma_wait3A_506 = arith.constant 0 : i32
        %dma_wait3A_507 = tpu.memref_slice %arg8[%dma_wait3A_505, %dma_wait3A_506] : memref<10000x128xf32, #tpu.memory_space<vmem_shared>> -> memref<80x128xf32, #tpu.memory_space<vmem_shared>>
        %dma_wait3A_508 = arith.constant 0 : i32
        %dma_wait3A_509 = arith.constant 0 : i32
        %dma_wait3A_510 = tpu.memref_slice %arg13[%dma_wait3A_494, %dma_wait3A_508, %dma_wait3A_509] : memref<2x80x128xf32, #tpu.memory_space<vmem>> -> memref<1x80x128xf32, #tpu.memory_space<vmem>>
        %dma_wait3A_511 = tpu.memref_squeeze %dma_wait3A_510 : memref<1x80x128xf32, #tpu.memory_space<vmem>> -> memref<80x128xf32, #tpu.memory_space<vmem>>
        tpu.wait_dma2 semaphore(%dma_wait3A_504 : memref<!tpu.dma_semaphore, #tpu.memory_space<semaphore_mem>>) src(%dma_wait3A_511 : memref<80x128xf32, #tpu.memory_space<vmem>>) dst(%dma_wait3A_507 : memref<80x128xf32, #tpu.memory_space<vmem_shared>>)
      } else {
      }
      %add3A_469 = arith.constant 2 : i32
      %add3A_470 = arith.addi %add3A_441, %add3A_469 : i32
      %lt3A_471 = arith.constant 125 : i32
      %lt3A_472 = arith.cmpi slt, %add3A_470, %lt3A_471 : i32
      %convert_element_type3A_473 = arith.extui %lt3A_472 : i1 to i32
      %cond3A_474 = arith.constant 0 : i32
      %cond3A_475 = arith.cmpi ne, %convert_element_type3A_473, %cond3A_474 : i32
      scf.if %cond3A_475 {
        %add3A_494 = arith.constant 2 : i32
        %add3A_495 = arith.addi %add3A_441, %add3A_494 : i32
        %mul3A_496 = arith.constant 80 : i32
        %mul3A_497 = arith.muli %add3A_495, %mul3A_496 : i32
        %add3A_498 = arith.addi %mul3A_2, %mul3A_497 : i32
        %dma_start3A_499 = arith.constant 1 : i32
        %dma_start3A_500 = arith.constant 1 : i32
        %dma_start3A_501 = arith.constant 0 : i32
        %dma_start3A_502 = tpu.memref_slice %arg9[%dma_start3A_499, %dma_start3A_501] : memref<4x80xi32, #tpu.memory_space<vmem>> -> memref<1x80xi32, #tpu.memory_space<vmem>>
        %dma_start3A_503 = tpu.memref_squeeze %dma_start3A_502 : memref<1x80xi32, #tpu.memory_space<vmem>> -> memref<80xi32, #tpu.memory_space<vmem>>
        %dma_start3A_504 = tpu.memref_slice %arg4[%add3A_498] : memref<320000xi32, #tpu.memory_space<hbm>> -> memref<80xi32, #tpu.memory_space<hbm>>
        %dma_start3A_505 = tpu.memref_slice %arg14[%dma_start3A_500] : memref<2x!tpu.dma_semaphore, #tpu.memory_space<semaphore_mem>> -> memref<1x!tpu.dma_semaphore, #tpu.memory_space<semaphore_mem>>
        %dma_start3A_506 = tpu.memref_squeeze %dma_start3A_505 : memref<1x!tpu.dma_semaphore, #tpu.memory_space<semaphore_mem>> -> memref<!tpu.dma_semaphore, #tpu.memory_space<semaphore_mem>>
        %dma_start3A_507 = arith.constant 0 : i32
        %dma_start3A_508 = tpu.memref_slice %arg9[%dma_start3A_499, %dma_start3A_507] : memref<4x80xi32, #tpu.memory_space<vmem>> -> memref<1x80xi32, #tpu.memory_space<vmem>>
        %dma_start3A_509 = tpu.memref_squeeze %dma_start3A_508 : memref<1x80xi32, #tpu.memory_space<vmem>> -> memref<80xi32, #tpu.memory_space<vmem>>
        %dma_start3A_510 = tpu.memref_slice %arg4[%add3A_498] : memref<320000xi32, #tpu.memory_space<hbm>> -> memref<80xi32, #tpu.memory_space<hbm>>
        tpu.enqueue_dma source(%dma_start3A_510 : memref<80xi32, #tpu.memory_space<hbm>>) target(%dma_start3A_509 : memref<80xi32, #tpu.memory_space<vmem>>) target_semaphore(%dma_start3A_506 : memref<!tpu.dma_semaphore, #tpu.memory_space<semaphore_mem>>)
        %mul3A_511 = arith.constant 80 : i32
        %mul3A_512 = arith.muli %add3A_495, %mul3A_511 : i32
        %add3A_513 = arith.addi %mul3A_2, %mul3A_512 : i32
        %dma_start3A_514 = arith.constant 1 : i32
        %dma_start3A_515 = arith.constant 1 : i32
        %dma_start3A_516 = arith.constant 0 : i32
        %dma_start3A_517 = tpu.memref_slice %arg10[%dma_start3A_514, %dma_start3A_516] : memref<4x80xi32, #tpu.memory_space<vmem>> -> memref<1x80xi32, #tpu.memory_space<vmem>>
        %dma_start3A_518 = tpu.memref_squeeze %dma_start3A_517 : memref<1x80xi32, #tpu.memory_space<vmem>> -> memref<80xi32, #tpu.memory_space<vmem>>
        %dma_start3A_519 = tpu.memref_slice %arg3[%add3A_513] : memref<320000xi32, #tpu.memory_space<hbm>> -> memref<80xi32, #tpu.memory_space<hbm>>
        %dma_start3A_520 = tpu.memref_slice %arg14[%dma_start3A_515] : memref<2x!tpu.dma_semaphore, #tpu.memory_space<semaphore_mem>> -> memref<1x!tpu.dma_semaphore, #tpu.memory_space<semaphore_mem>>
        %dma_start3A_521 = tpu.memref_squeeze %dma_start3A_520 : memref<1x!tpu.dma_semaphore, #tpu.memory_space<semaphore_mem>> -> memref<!tpu.dma_semaphore, #tpu.memory_space<semaphore_mem>>
        %dma_start3A_522 = arith.constant 0 : i32
        %dma_start3A_523 = tpu.memref_slice %arg10[%dma_start3A_514, %dma_start3A_522] : memref<4x80xi32, #tpu.memory_space<vmem>> -> memref<1x80xi32, #tpu.memory_space<vmem>>
        %dma_start3A_524 = tpu.memref_squeeze %dma_start3A_523 : memref<1x80xi32, #tpu.memory_space<vmem>> -> memref<80xi32, #tpu.memory_space<vmem>>
        %dma_start3A_525 = tpu.memref_slice %arg3[%add3A_513] : memref<320000xi32, #tpu.memory_space<hbm>> -> memref<80xi32, #tpu.memory_space<hbm>>
        tpu.enqueue_dma source(%dma_start3A_525 : memref<80xi32, #tpu.memory_space<hbm>>) target(%dma_start3A_524 : memref<80xi32, #tpu.memory_space<vmem>>) target_semaphore(%dma_start3A_521 : memref<!tpu.dma_semaphore, #tpu.memory_space<semaphore_mem>>)
        %mul3A_526 = arith.constant 80 : i32
        %mul3A_527 = arith.muli %add3A_495, %mul3A_526 : i32
        %add3A_528 = arith.addi %mul3A_2, %mul3A_527 : i32
        %dma_start3A_529 = arith.constant 1 : i32
        %dma_start3A_530 = arith.constant 1 : i32
        %dma_start3A_531 = arith.constant 0 : i32
        %dma_start3A_532 = tpu.memref_slice %arg11[%dma_start3A_529, %dma_start3A_531] : memref<4x80xf32, #tpu.memory_space<vmem>> -> memref<1x80xf32, #tpu.memory_space<vmem>>
        %dma_start3A_533 = tpu.memref_squeeze %dma_start3A_532 : memref<1x80xf32, #tpu.memory_space<vmem>> -> memref<80xf32, #tpu.memory_space<vmem>>
        %dma_start3A_534 = tpu.memref_slice %arg5[%add3A_528] : memref<320000xf32, #tpu.memory_space<hbm>> -> memref<80xf32, #tpu.memory_space<hbm>>
        %dma_start3A_535 = tpu.memref_slice %arg14[%dma_start3A_530] : memref<2x!tpu.dma_semaphore, #tpu.memory_space<semaphore_mem>> -> memref<1x!tpu.dma_semaphore, #tpu.memory_space<semaphore_mem>>
        %dma_start3A_536 = tpu.memref_squeeze %dma_start3A_535 : memref<1x!tpu.dma_semaphore, #tpu.memory_space<semaphore_mem>> -> memref<!tpu.dma_semaphore, #tpu.memory_space<semaphore_mem>>
        %dma_start3A_537 = arith.constant 0 : i32
        %dma_start3A_538 = tpu.memref_slice %arg11[%dma_start3A_529, %dma_start3A_537] : memref<4x80xf32, #tpu.memory_space<vmem>> -> memref<1x80xf32, #tpu.memory_space<vmem>>
        %dma_start3A_539 = tpu.memref_squeeze %dma_start3A_538 : memref<1x80xf32, #tpu.memory_space<vmem>> -> memref<80xf32, #tpu.memory_space<vmem>>
        %dma_start3A_540 = tpu.memref_slice %arg5[%add3A_528] : memref<320000xf32, #tpu.memory_space<hbm>> -> memref<80xf32, #tpu.memory_space<hbm>>
        tpu.enqueue_dma source(%dma_start3A_540 : memref<80xf32, #tpu.memory_space<hbm>>) target(%dma_start3A_539 : memref<80xf32, #tpu.memory_space<vmem>>) target_semaphore(%dma_start3A_536 : memref<!tpu.dma_semaphore, #tpu.memory_space<semaphore_mem>>)
      } else {
      }
      %parallel_loop3A_476 = arith.constant 0 : i32
      %parallel_loop3A_477 = arith.constant 80 : i32
      %parallel_loop3A_478 = arith.constant 1 : i32
      scf.for %parallel_loop3A_494 = %parallel_loop3A_476 to %parallel_loop3A_477 step %parallel_loop3A_478  : i32 {
        %parallel_loop3A_495 = arith.constant 3 : i32
        %parallel_loop3A_496 = vector.broadcast %parallel_loop3A_495 : i32 to vector<16xi32>
        %parallel_loop3A_497 = vector.broadcast %parallel_loop3A_494 : i32 to vector<16xi32>
        %parallel_loop3A_498 = tpu.vector_load_idx %arg11[%parallel_loop3A_496, %parallel_loop3A_497] : memref<4x80xf32, #tpu.memory_space<vmem>>[vector<16xi32>, vector<16xi32>], vector<16xf32>,
        %parallel_loop3A_499 = arith.constant 1 : i32
        %parallel_loop3A_500 = arith.index_cast %parallel_loop3A_499 : i32 to index
        %parallel_loop3A_501 = arith.index_cast %parallel_loop3A_494 : i32 to index
        %parallel_loop3A_502 = arith.constant 0 : index
        %parallel_loop3A_503 = tpu.vector_load %arg12[%parallel_loop3A_500, %parallel_loop3A_501, %parallel_loop3A_502] {strides = array<i32>} : memref<2x80x128xf32, #tpu.memory_space<vmem>>, vector<16xf32>,
        %parallel_loop3A_504 = arith.mulf %parallel_loop3A_503, %parallel_loop3A_498 : vector<16xf32>
        %parallel_loop3A_505 = arith.constant 1 : i32
        %parallel_loop3A_506 = arith.index_cast %parallel_loop3A_505 : i32 to index
        %parallel_loop3A_507 = arith.index_cast %parallel_loop3A_494 : i32 to index
        %parallel_loop3A_508 = arith.constant 0 : index
        %parallel_loop3A_509 = tpu.vector_load %arg13[%parallel_loop3A_506, %parallel_loop3A_507, %parallel_loop3A_508] {strides = array<i32>} : memref<2x80x128xf32, #tpu.memory_space<vmem>>, vector<16xf32>,
        tpu.vector_store %arg13[%parallel_loop3A_506, %parallel_loop3A_507, %parallel_loop3A_508], %parallel_loop3A_504 {strides = array<i32>} : memref<2x80x128xf32, #tpu.memory_space<vmem>>, vector<16xf32>,
        %parallel_loop3A_510 = arith.constant 1 : i32
        %parallel_loop3A_511 = arith.index_cast %parallel_loop3A_510 : i32 to index
        %parallel_loop3A_512 = arith.index_cast %parallel_loop3A_494 : i32 to index
        %parallel_loop3A_513 = arith.constant 16 : index
        %parallel_loop3A_514 = tpu.vector_load %arg12[%parallel_loop3A_511, %parallel_loop3A_512, %parallel_loop3A_513] {strides = array<i32>} : memref<2x80x128xf32, #tpu.memory_space<vmem>>, vector<16xf32>,
        %parallel_loop3A_515 = arith.mulf %parallel_loop3A_514, %parallel_loop3A_498 : vector<16xf32>
        %parallel_loop3A_516 = arith.constant 1 : i32
        %parallel_loop3A_517 = arith.index_cast %parallel_loop3A_516 : i32 to index
        %parallel_loop3A_518 = arith.index_cast %parallel_loop3A_494 : i32 to index
        %parallel_loop3A_519 = arith.constant 16 : index
        %parallel_loop3A_520 = tpu.vector_load %arg13[%parallel_loop3A_517, %parallel_loop3A_518, %parallel_loop3A_519] {strides = array<i32>} : memref<2x80x128xf32, #tpu.memory_space<vmem>>, vector<16xf32>,
        tpu.vector_store %arg13[%parallel_loop3A_517, %parallel_loop3A_518, %parallel_loop3A_519], %parallel_loop3A_515 {strides = array<i32>} : memref<2x80x128xf32, #tpu.memory_space<vmem>>, vector<16xf32>,
        %parallel_loop3A_521 = arith.constant 1 : i32
        %parallel_loop3A_522 = arith.index_cast %parallel_loop3A_521 : i32 to index
        %parallel_loop3A_523 = arith.index_cast %parallel_loop3A_494 : i32 to index
        %parallel_loop3A_524 = arith.constant 32 : index
        %parallel_loop3A_525 = tpu.vector_load %arg12[%parallel_loop3A_522, %parallel_loop3A_523, %parallel_loop3A_524] {strides = array<i32>} : memref<2x80x128xf32, #tpu.memory_space<vmem>>, vector<16xf32>,
        %parallel_loop3A_526 = arith.mulf %parallel_loop3A_525, %parallel_loop3A_498 : vector<16xf32>
        %parallel_loop3A_527 = arith.constant 1 : i32
        %parallel_loop3A_528 = arith.index_cast %parallel_loop3A_527 : i32 to index
        %parallel_loop3A_529 = arith.index_cast %parallel_loop3A_494 : i32 to index
        %parallel_loop3A_530 = arith.constant 32 : index
        %parallel_loop3A_531 = tpu.vector_load %arg13[%parallel_loop3A_528, %parallel_loop3A_529, %parallel_loop3A_530] {strides = array<i32>} : memref<2x80x128xf32, #tpu.memory_space<vmem>>, vector<16xf32>,
        tpu.vector_store %arg13[%parallel_loop3A_528, %parallel_loop3A_529, %parallel_loop3A_530], %parallel_loop3A_526 {strides = array<i32>} : memref<2x80x128xf32, #tpu.memory_space<vmem>>, vector<16xf32>,
        %parallel_loop3A_532 = arith.constant 1 : i32
        %parallel_loop3A_533 = arith.index_cast %parallel_loop3A_532 : i32 to index
        %parallel_loop3A_534 = arith.index_cast %parallel_loop3A_494 : i32 to index
        %parallel_loop3A_535 = arith.constant 48 : index
        %parallel_loop3A_536 = tpu.vector_load %arg12[%parallel_loop3A_533, %parallel_loop3A_534, %parallel_loop3A_535] {strides = array<i32>} : memref<2x80x128xf32, #tpu.memory_space<vmem>>, vector<16xf32>,
        %parallel_loop3A_537 = arith.mulf %parallel_loop3A_536, %parallel_loop3A_498 : vector<16xf32>
        %parallel_loop3A_538 = arith.constant 1 : i32
        %parallel_loop3A_539 = arith.index_cast %parallel_loop3A_538 : i32 to index
        %parallel_loop3A_540 = arith.index_cast %parallel_loop3A_494 : i32 to index
        %parallel_loop3A_541 = arith.constant 48 : index
        %parallel_loop3A_542 = tpu.vector_load %arg13[%parallel_loop3A_539, %parallel_loop3A_540, %parallel_loop3A_541] {strides = array<i32>} : memref<2x80x128xf32, #tpu.memory_space<vmem>>, vector<16xf32>,
        tpu.vector_store %arg13[%parallel_loop3A_539, %parallel_loop3A_540, %parallel_loop3A_541], %parallel_loop3A_537 {strides = array<i32>} : memref<2x80x128xf32, #tpu.memory_space<vmem>>, vector<16xf32>,
        %parallel_loop3A_543 = arith.constant 1 : i32
        %parallel_loop3A_544 = arith.index_cast %parallel_loop3A_543 : i32 to index
        %parallel_loop3A_545 = arith.index_cast %parallel_loop3A_494 : i32 to index
        %parallel_loop3A_546 = arith.constant 64 : index
        %parallel_loop3A_547 = tpu.vector_load %arg12[%parallel_loop3A_544, %parallel_loop3A_545, %parallel_loop3A_546] {strides = array<i32>} : memref<2x80x128xf32, #tpu.memory_space<vmem>>, vector<16xf32>,
        %parallel_loop3A_548 = arith.mulf %parallel_loop3A_547, %parallel_loop3A_498 : vector<16xf32>
        %parallel_loop3A_549 = arith.constant 1 : i32
        %parallel_loop3A_550 = arith.index_cast %parallel_loop3A_549 : i32 to index
        %parallel_loop3A_551 = arith.index_cast %parallel_loop3A_494 : i32 to index
        %parallel_loop3A_552 = arith.constant 64 : index
        %parallel_loop3A_553 = tpu.vector_load %arg13[%parallel_loop3A_550, %parallel_loop3A_551, %parallel_loop3A_552] {strides = array<i32>} : memref<2x80x128xf32, #tpu.memory_space<vmem>>, vector<16xf32>,
        tpu.vector_store %arg13[%parallel_loop3A_550, %parallel_loop3A_551, %parallel_loop3A_552], %parallel_loop3A_548 {strides = array<i32>} : memref<2x80x128xf32, #tpu.memory_space<vmem>>, vector<16xf32>,
        %parallel_loop3A_554 = arith.constant 1 : i32
        %parallel_loop3A_555 = arith.index_cast %parallel_loop3A_554 : i32 to index
        %parallel_loop3A_556 = arith.index_cast %parallel_loop3A_494 : i32 to index
        %parallel_loop3A_557 = arith.constant 80 : index
        %parallel_loop3A_558 = tpu.vector_load %arg12[%parallel_loop3A_555, %parallel_loop3A_556, %parallel_loop3A_557] {strides = array<i32>} : memref<2x80x128xf32, #tpu.memory_space<vmem>>, vector<16xf32>,
        %parallel_loop3A_559 = arith.mulf %parallel_loop3A_558, %parallel_loop3A_498 : vector<16xf32>
        %parallel_loop3A_560 = arith.constant 1 : i32
        %parallel_loop3A_561 = arith.index_cast %parallel_loop3A_560 : i32 to index
        %parallel_loop3A_562 = arith.index_cast %parallel_loop3A_494 : i32 to index
        %parallel_loop3A_563 = arith.constant 80 : index
        %parallel_loop3A_564 = tpu.vector_load %arg13[%parallel_loop3A_561, %parallel_loop3A_562, %parallel_loop3A_563] {strides = array<i32>} : memref<2x80x128xf32, #tpu.memory_space<vmem>>, vector<16xf32>,
        tpu.vector_store %arg13[%parallel_loop3A_561, %parallel_loop3A_562, %parallel_loop3A_563], %parallel_loop3A_559 {strides = array<i32>} : memref<2x80x128xf32, #tpu.memory_space<vmem>>, vector<16xf32>,
        %parallel_loop3A_565 = arith.constant 1 : i32
        %parallel_loop3A_566 = arith.index_cast %parallel_loop3A_565 : i32 to index
        %parallel_loop3A_567 = arith.index_cast %parallel_loop3A_494 : i32 to index
        %parallel_loop3A_568 = arith.constant 96 : index
        %parallel_loop3A_569 = tpu.vector_load %arg12[%parallel_loop3A_566, %parallel_loop3A_567, %parallel_loop3A_568] {strides = array<i32>} : memref<2x80x128xf32, #tpu.memory_space<vmem>>, vector<16xf32>,
        %parallel_loop3A_570 = arith.mulf %parallel_loop3A_569, %parallel_loop3A_498 : vector<16xf32>
        %parallel_loop3A_571 = arith.constant 1 : i32
        %parallel_loop3A_572 = arith.index_cast %parallel_loop3A_571 : i32 to index
        %parallel_loop3A_573 = arith.index_cast %parallel_loop3A_494 : i32 to index
        %parallel_loop3A_574 = arith.constant 96 : index
        %parallel_loop3A_575 = tpu.vector_load %arg13[%parallel_loop3A_572, %parallel_loop3A_573, %parallel_loop3A_574] {strides = array<i32>} : memref<2x80x128xf32, #tpu.memory_space<vmem>>, vector<16xf32>,
        tpu.vector_store %arg13[%parallel_loop3A_572, %parallel_loop3A_573, %parallel_loop3A_574], %parallel_loop3A_570 {strides = array<i32>} : memref<2x80x128xf32, #tpu.memory_space<vmem>>, vector<16xf32>,
        %parallel_loop3A_576 = arith.constant 1 : i32
        %parallel_loop3A_577 = arith.index_cast %parallel_loop3A_576 : i32 to index
        %parallel_loop3A_578 = arith.index_cast %parallel_loop3A_494 : i32 to index
        %parallel_loop3A_579 = arith.constant 112 : index
        %parallel_loop3A_580 = tpu.vector_load %arg12[%parallel_loop3A_577, %parallel_loop3A_578, %parallel_loop3A_579] {strides = array<i32>} : memref<2x80x128xf32, #tpu.memory_space<vmem>>, vector<16xf32>,
        %parallel_loop3A_581 = arith.mulf %parallel_loop3A_580, %parallel_loop3A_498 : vector<16xf32>
        %parallel_loop3A_582 = arith.constant 1 : i32
        %parallel_loop3A_583 = arith.index_cast %parallel_loop3A_582 : i32 to index
        %parallel_loop3A_584 = arith.index_cast %parallel_loop3A_494 : i32 to index
        %parallel_loop3A_585 = arith.constant 112 : index
        %parallel_loop3A_586 = tpu.vector_load %arg13[%parallel_loop3A_583, %parallel_loop3A_584, %parallel_loop3A_585] {strides = array<i32>} : memref<2x80x128xf32, #tpu.memory_space<vmem>>, vector<16xf32>,
        tpu.vector_store %arg13[%parallel_loop3A_583, %parallel_loop3A_584, %parallel_loop3A_585], %parallel_loop3A_581 {strides = array<i32>} : memref<2x80x128xf32, #tpu.memory_space<vmem>>, vector<16xf32>,
      } {sc.loop_unroll_factor = 4 : i64, sc.parallel_access}
      %dma_start3A_479 = arith.constant 1 : i32
      %dma_start3A_480 = arith.constant 3 : i32
      %dma_start3A_481 = arith.constant 1 : i32
      %dma_start3A_482 = arith.constant 0 : i32
      %dma_start3A_483 = arith.constant 0 : i32
      %dma_start3A_484 = tpu.memref_slice %arg13[%dma_start3A_479, %dma_start3A_482, %dma_start3A_483] : memref<2x80x128xf32, #tpu.memory_space<vmem>> -> memref<1x80x128xf32, #tpu.memory_space<vmem>>
      %dma_start3A_485 = tpu.memref_squeeze %dma_start3A_484 : memref<1x80x128xf32, #tpu.memory_space<vmem>> -> memref<80x128xf32, #tpu.memory_space<vmem>>
      %dma_start3A_486 = arith.constant 0 : i32
      %dma_start3A_487 = tpu.memref_slice %arg10[%dma_start3A_480, %dma_start3A_486] : memref<4x80xi32, #tpu.memory_space<vmem>> -> memref<1x80xi32, #tpu.memory_space<vmem>>
      %dma_start3A_488 = tpu.memref_squeeze %dma_start3A_487 : memref<1x80xi32, #tpu.memory_space<vmem>> -> memref<80xi32, #tpu.memory_space<vmem>>
      %dma_start3A_489 = arith.constant 0 : i32
      %dma_start3A_490 = arith.constant 0 : i32
      %dma_start3A_491 = tpu.memref_slice %arg8[%dma_start3A_489, %dma_start3A_490] : memref<10000x128xf32, #tpu.memory_space<vmem_shared>> -> memref<10000x128xf32, #tpu.memory_space<vmem_shared>>
      %dma_start3A_492 = tpu.memref_slice %arg16[%dma_start3A_481] : memref<2x!tpu.dma_semaphore, #tpu.memory_space<semaphore_mem>> -> memref<1x!tpu.dma_semaphore, #tpu.memory_space<semaphore_mem>>
      %dma_start3A_493 = tpu.memref_squeeze %dma_start3A_492 : memref<1x!tpu.dma_semaphore, #tpu.memory_space<semaphore_mem>> -> memref<!tpu.dma_semaphore, #tpu.memory_space<semaphore_mem>>
      tpu.enqueue_indirect_dma source(%dma_start3A_485 : memref<80x128xf32, #tpu.memory_space<vmem>>) target(%dma_start3A_491 : memref<10000x128xf32, #tpu.memory_space<vmem_shared>>) offsets(%dma_start3A_488 : memref<80xi32, #tpu.memory_space<vmem>>) semaphore(%dma_start3A_493 : memref<!tpu.dma_semaphore, #tpu.memory_space<semaphore_mem>>) {add = true}
    }
    %scan3A_166 = arith.constant 31 : i32
    %dma_wait3A_167 = arith.constant 0 : i32
    %dma_wait3A_168 = arith.constant 0 : i32
    %dma_wait3A_169 = arith.constant 0 : i32
    %dma_wait3A_170 = arith.constant 0 : i32
    %dma_wait3A_171 = arith.constant 0 : i32
    %dma_wait3A_172 = tpu.memref_slice %arg12[%dma_wait3A_168, %dma_wait3A_170, %dma_wait3A_171] : memref<2x80x128xf32, #tpu.memory_space<vmem>> -> memref<1x80x128xf32, #tpu.memory_space<vmem>>
    %dma_wait3A_173 = tpu.memref_squeeze %dma_wait3A_172 : memref<1x80x128xf32, #tpu.memory_space<vmem>> -> memref<80x128xf32, #tpu.memory_space<vmem>>
    %dma_wait3A_174 = arith.constant 0 : i32
    %dma_wait3A_175 = tpu.memref_slice %arg9[%dma_wait3A_167, %dma_wait3A_174] : memref<4x80xi32, #tpu.memory_space<vmem>> -> memref<1x80xi32, #tpu.memory_space<vmem>>
    %dma_wait3A_176 = tpu.memref_squeeze %dma_wait3A_175 : memref<1x80xi32, #tpu.memory_space<vmem>> -> memref<80xi32, #tpu.memory_space<vmem>>
    %dma_wait3A_177 = arith.constant 0 : i32
    %dma_wait3A_178 = arith.constant 0 : i32
    %dma_wait3A_179 = tpu.memref_slice %arg2[%dma_wait3A_177, %dma_wait3A_178] : memref<10000x128xf32, #tpu.memory_space<hbm>> -> memref<10000x128xf32, #tpu.memory_space<hbm>>
    %dma_wait3A_180 = tpu.memref_slice %arg15[%dma_wait3A_169] : memref<2x!tpu.dma_semaphore, #tpu.memory_space<semaphore_mem>> -> memref<1x!tpu.dma_semaphore, #tpu.memory_space<semaphore_mem>>
    %dma_wait3A_181 = tpu.memref_squeeze %dma_wait3A_180 : memref<1x!tpu.dma_semaphore, #tpu.memory_space<semaphore_mem>> -> memref<!tpu.dma_semaphore, #tpu.memory_space<semaphore_mem>>
    tpu.wait_indirect_dma semaphore(%dma_wait3A_181 : memref<!tpu.dma_semaphore, #tpu.memory_space<semaphore_mem>>) src(%dma_wait3A_179 : memref<10000x128xf32, #tpu.memory_space<hbm>>) dst(%dma_wait3A_173 : memref<80x128xf32, #tpu.memory_space<vmem>>)
    %dma_wait3A_182 = arith.constant 0 : i32
    %dma_wait3A_183 = arith.constant 0 : i32
    %dma_wait3A_184 = arith.constant 0 : i32
    %dma_wait3A_185 = arith.constant 0 : i32
    %dma_wait3A_186 = tpu.memref_slice %arg13[%dma_wait3A_182, %dma_wait3A_184, %dma_wait3A_185] : memref<2x80x128xf32, #tpu.memory_space<vmem>> -> memref<1x80x128xf32, #tpu.memory_space<vmem>>
    %dma_wait3A_187 = tpu.memref_squeeze %dma_wait3A_186 : memref<1x80x128xf32, #tpu.memory_space<vmem>> -> memref<80x128xf32, #tpu.memory_space<vmem>>
    %dma_wait3A_188 = arith.constant 0 : i32
    %dma_wait3A_189 = arith.constant 0 : i32
    %dma_wait3A_190 = tpu.memref_slice %arg8[%dma_wait3A_188, %dma_wait3A_189] : memref<10000x128xf32, #tpu.memory_space<vmem_shared>> -> memref<80x128xf32, #tpu.memory_space<vmem_shared>>
    %dma_wait3A_191 = tpu.memref_slice %arg16[%dma_wait3A_183] : memref<2x!tpu.dma_semaphore, #tpu.memory_space<semaphore_mem>> -> memref<1x!tpu.dma_semaphore, #tpu.memory_space<semaphore_mem>>
    %dma_wait3A_192 = tpu.memref_squeeze %dma_wait3A_191 : memref<1x!tpu.dma_semaphore, #tpu.memory_space<semaphore_mem>> -> memref<!tpu.dma_semaphore, #tpu.memory_space<semaphore_mem>>
    %dma_wait3A_193 = arith.constant 0 : i32
    %dma_wait3A_194 = arith.constant 0 : i32
    %dma_wait3A_195 = tpu.memref_slice %arg8[%dma_wait3A_193, %dma_wait3A_194] : memref<10000x128xf32, #tpu.memory_space<vmem_shared>> -> memref<80x128xf32, #tpu.memory_space<vmem_shared>>
    %dma_wait3A_196 = arith.constant 0 : i32
    %dma_wait3A_197 = arith.constant 0 : i32
    %dma_wait3A_198 = tpu.memref_slice %arg13[%dma_wait3A_182, %dma_wait3A_196, %dma_wait3A_197] : memref<2x80x128xf32, #tpu.memory_space<vmem>> -> memref<1x80x128xf32, #tpu.memory_space<vmem>>
    %dma_wait3A_199 = tpu.memref_squeeze %dma_wait3A_198 : memref<1x80x128xf32, #tpu.memory_space<vmem>> -> memref<80x128xf32, #tpu.memory_space<vmem>>
    tpu.wait_dma2 semaphore(%dma_wait3A_192 : memref<!tpu.dma_semaphore, #tpu.memory_space<semaphore_mem>>) src(%dma_wait3A_199 : memref<80x128xf32, #tpu.memory_space<vmem>>) dst(%dma_wait3A_195 : memref<80x128xf32, #tpu.memory_space<vmem_shared>>)
    %parallel_loop3A = arith.constant 0 : i32
    %parallel_loop3A_200 = arith.constant 80 : i32
    %parallel_loop3A_201 = arith.constant 1 : i32
    scf.for %parallel_loop3A_274 = %parallel_loop3A to %parallel_loop3A_200 step %parallel_loop3A_201  : i32 {
      %parallel_loop3A_275 = arith.constant 0 : i32
      %parallel_loop3A_276 = vector.broadcast %parallel_loop3A_275 : i32 to vector<16xi32>
      %parallel_loop3A_277 = vector.broadcast %parallel_loop3A_274 : i32 to vector<16xi32>
      %parallel_loop3A_278 = tpu.vector_load_idx %arg11[%parallel_loop3A_276, %parallel_loop3A_277] : memref<4x80xf32, #tpu.memory_space<vmem>>[vector<16xi32>, vector<16xi32>], vector<16xf32>,
      %parallel_loop3A_279 = arith.constant 0 : i32
      %parallel_loop3A_280 = arith.index_cast %parallel_loop3A_279 : i32 to index
      %parallel_loop3A_281 = arith.index_cast %parallel_loop3A_274 : i32 to index
      %parallel_loop3A_282 = arith.constant 0 : index
      %parallel_loop3A_283 = tpu.vector_load %arg12[%parallel_loop3A_280, %parallel_loop3A_281, %parallel_loop3A_282] {strides = array<i32>} : memref<2x80x128xf32, #tpu.memory_space<vmem>>, vector<16xf32>,
      %parallel_loop3A_284 = arith.mulf %parallel_loop3A_283, %parallel_loop3A_278 : vector<16xf32>
      %parallel_loop3A_285 = arith.constant 0 : i32
      %parallel_loop3A_286 = arith.index_cast %parallel_loop3A_285 : i32 to index
      %parallel_loop3A_287 = arith.index_cast %parallel_loop3A_274 : i32 to index
      %parallel_loop3A_288 = arith.constant 0 : index
      %parallel_loop3A_289 = tpu.vector_load %arg13[%parallel_loop3A_286, %parallel_loop3A_287, %parallel_loop3A_288] {strides = array<i32>} : memref<2x80x128xf32, #tpu.memory_space<vmem>>, vector<16xf32>,
      tpu.vector_store %arg13[%parallel_loop3A_286, %parallel_loop3A_287, %parallel_loop3A_288], %parallel_loop3A_284 {strides = array<i32>} : memref<2x80x128xf32, #tpu.memory_space<vmem>>, vector<16xf32>,
      %parallel_loop3A_290 = arith.constant 0 : i32
      %parallel_loop3A_291 = arith.index_cast %parallel_loop3A_290 : i32 to index
      %parallel_loop3A_292 = arith.index_cast %parallel_loop3A_274 : i32 to index
      %parallel_loop3A_293 = arith.constant 16 : index
      %parallel_loop3A_294 = tpu.vector_load %arg12[%parallel_loop3A_291, %parallel_loop3A_292, %parallel_loop3A_293] {strides = array<i32>} : memref<2x80x128xf32, #tpu.memory_space<vmem>>, vector<16xf32>,
      %parallel_loop3A_295 = arith.mulf %parallel_loop3A_294, %parallel_loop3A_278 : vector<16xf32>
      %parallel_loop3A_296 = arith.constant 0 : i32
      %parallel_loop3A_297 = arith.index_cast %parallel_loop3A_296 : i32 to index
      %parallel_loop3A_298 = arith.index_cast %parallel_loop3A_274 : i32 to index
      %parallel_loop3A_299 = arith.constant 16 : index
      %parallel_loop3A_300 = tpu.vector_load %arg13[%parallel_loop3A_297, %parallel_loop3A_298, %parallel_loop3A_299] {strides = array<i32>} : memref<2x80x128xf32, #tpu.memory_space<vmem>>, vector<16xf32>,
      tpu.vector_store %arg13[%parallel_loop3A_297, %parallel_loop3A_298, %parallel_loop3A_299], %parallel_loop3A_295 {strides = array<i32>} : memref<2x80x128xf32, #tpu.memory_space<vmem>>, vector<16xf32>,
      %parallel_loop3A_301 = arith.constant 0 : i32
      %parallel_loop3A_302 = arith.index_cast %parallel_loop3A_301 : i32 to index
      %parallel_loop3A_303 = arith.index_cast %parallel_loop3A_274 : i32 to index
      %parallel_loop3A_304 = arith.constant 32 : index
      %parallel_loop3A_305 = tpu.vector_load %arg12[%parallel_loop3A_302, %parallel_loop3A_303, %parallel_loop3A_304] {strides = array<i32>} : memref<2x80x128xf32, #tpu.memory_space<vmem>>, vector<16xf32>,
      %parallel_loop3A_306 = arith.mulf %parallel_loop3A_305, %parallel_loop3A_278 : vector<16xf32>
      %parallel_loop3A_307 = arith.constant 0 : i32
      %parallel_loop3A_308 = arith.index_cast %parallel_loop3A_307 : i32 to index
      %parallel_loop3A_309 = arith.index_cast %parallel_loop3A_274 : i32 to index
      %parallel_loop3A_310 = arith.constant 32 : index
      %parallel_loop3A_311 = tpu.vector_load %arg13[%parallel_loop3A_308, %parallel_loop3A_309, %parallel_loop3A_310] {strides = array<i32>} : memref<2x80x128xf32, #tpu.memory_space<vmem>>, vector<16xf32>,
      tpu.vector_store %arg13[%parallel_loop3A_308, %parallel_loop3A_309, %parallel_loop3A_310], %parallel_loop3A_306 {strides = array<i32>} : memref<2x80x128xf32, #tpu.memory_space<vmem>>, vector<16xf32>,
      %parallel_loop3A_312 = arith.constant 0 : i32
      %parallel_loop3A_313 = arith.index_cast %parallel_loop3A_312 : i32 to index
      %parallel_loop3A_314 = arith.index_cast %parallel_loop3A_274 : i32 to index
      %parallel_loop3A_315 = arith.constant 48 : index
      %parallel_loop3A_316 = tpu.vector_load %arg12[%parallel_loop3A_313, %parallel_loop3A_314, %parallel_loop3A_315] {strides = array<i32>} : memref<2x80x128xf32, #tpu.memory_space<vmem>>, vector<16xf32>,
      %parallel_loop3A_317 = arith.mulf %parallel_loop3A_316, %parallel_loop3A_278 : vector<16xf32>
      %parallel_loop3A_318 = arith.constant 0 : i32
      %parallel_loop3A_319 = arith.index_cast %parallel_loop3A_318 : i32 to index
      %parallel_loop3A_320 = arith.index_cast %parallel_loop3A_274 : i32 to index
      %parallel_loop3A_321 = arith.constant 48 : index
      %parallel_loop3A_322 = tpu.vector_load %arg13[%parallel_loop3A_319, %parallel_loop3A_320, %parallel_loop3A_321] {strides = array<i32>} : memref<2x80x128xf32, #tpu.memory_space<vmem>>, vector<16xf32>,
      tpu.vector_store %arg13[%parallel_loop3A_319, %parallel_loop3A_320, %parallel_loop3A_321], %parallel_loop3A_317 {strides = array<i32>} : memref<2x80x128xf32, #tpu.memory_space<vmem>>, vector<16xf32>,
      %parallel_loop3A_323 = arith.constant 0 : i32
      %parallel_loop3A_324 = arith.index_cast %parallel_loop3A_323 : i32 to index
      %parallel_loop3A_325 = arith.index_cast %parallel_loop3A_274 : i32 to index
      %parallel_loop3A_326 = arith.constant 64 : index
      %parallel_loop3A_327 = tpu.vector_load %arg12[%parallel_loop3A_324, %parallel_loop3A_325, %parallel_loop3A_326] {strides = array<i32>} : memref<2x80x128xf32, #tpu.memory_space<vmem>>, vector<16xf32>,
      %parallel_loop3A_328 = arith.mulf %parallel_loop3A_327, %parallel_loop3A_278 : vector<16xf32>
      %parallel_loop3A_329 = arith.constant 0 : i32
      %parallel_loop3A_330 = arith.index_cast %parallel_loop3A_329 : i32 to index
      %parallel_loop3A_331 = arith.index_cast %parallel_loop3A_274 : i32 to index
      %parallel_loop3A_332 = arith.constant 64 : index
      %parallel_loop3A_333 = tpu.vector_load %arg13[%parallel_loop3A_330, %parallel_loop3A_331, %parallel_loop3A_332] {strides = array<i32>} : memref<2x80x128xf32, #tpu.memory_space<vmem>>, vector<16xf32>,
      tpu.vector_store %arg13[%parallel_loop3A_330, %parallel_loop3A_331, %parallel_loop3A_332], %parallel_loop3A_328 {strides = array<i32>} : memref<2x80x128xf32, #tpu.memory_space<vmem>>, vector<16xf32>,
      %parallel_loop3A_334 = arith.constant 0 : i32
      %parallel_loop3A_335 = arith.index_cast %parallel_loop3A_334 : i32 to index
      %parallel_loop3A_336 = arith.index_cast %parallel_loop3A_274 : i32 to index
      %parallel_loop3A_337 = arith.constant 80 : index
      %parallel_loop3A_338 = tpu.vector_load %arg12[%parallel_loop3A_335, %parallel_loop3A_336, %parallel_loop3A_337] {strides = array<i32>} : memref<2x80x128xf32, #tpu.memory_space<vmem>>, vector<16xf32>,
      %parallel_loop3A_339 = arith.mulf %parallel_loop3A_338, %parallel_loop3A_278 : vector<16xf32>
      %parallel_loop3A_340 = arith.constant 0 : i32
      %parallel_loop3A_341 = arith.index_cast %parallel_loop3A_340 : i32 to index
      %parallel_loop3A_342 = arith.index_cast %parallel_loop3A_274 : i32 to index
      %parallel_loop3A_343 = arith.constant 80 : index
      %parallel_loop3A_344 = tpu.vector_load %arg13[%parallel_loop3A_341, %parallel_loop3A_342, %parallel_loop3A_343] {strides = array<i32>} : memref<2x80x128xf32, #tpu.memory_space<vmem>>, vector<16xf32>,
      tpu.vector_store %arg13[%parallel_loop3A_341, %parallel_loop3A_342, %parallel_loop3A_343], %parallel_loop3A_339 {strides = array<i32>} : memref<2x80x128xf32, #tpu.memory_space<vmem>>, vector<16xf32>,
      %parallel_loop3A_345 = arith.constant 0 : i32
      %parallel_loop3A_346 = arith.index_cast %parallel_loop3A_345 : i32 to index
      %parallel_loop3A_347 = arith.index_cast %parallel_loop3A_274 : i32 to index
      %parallel_loop3A_348 = arith.constant 96 : index
      %parallel_loop3A_349 = tpu.vector_load %arg12[%parallel_loop3A_346, %parallel_loop3A_347, %parallel_loop3A_348] {strides = array<i32>} : memref<2x80x128xf32, #tpu.memory_space<vmem>>, vector<16xf32>,
      %parallel_loop3A_350 = arith.mulf %parallel_loop3A_349, %parallel_loop3A_278 : vector<16xf32>
      %parallel_loop3A_351 = arith.constant 0 : i32
      %parallel_loop3A_352 = arith.index_cast %parallel_loop3A_351 : i32 to index
      %parallel_loop3A_353 = arith.index_cast %parallel_loop3A_274 : i32 to index
      %parallel_loop3A_354 = arith.constant 96 : index
      %parallel_loop3A_355 = tpu.vector_load %arg13[%parallel_loop3A_352, %parallel_loop3A_353, %parallel_loop3A_354] {strides = array<i32>} : memref<2x80x128xf32, #tpu.memory_space<vmem>>, vector<16xf32>,
      tpu.vector_store %arg13[%parallel_loop3A_352, %parallel_loop3A_353, %parallel_loop3A_354], %parallel_loop3A_350 {strides = array<i32>} : memref<2x80x128xf32, #tpu.memory_space<vmem>>, vector<16xf32>,
      %parallel_loop3A_356 = arith.constant 0 : i32
      %parallel_loop3A_357 = arith.index_cast %parallel_loop3A_356 : i32 to index
      %parallel_loop3A_358 = arith.index_cast %parallel_loop3A_274 : i32 to index
      %parallel_loop3A_359 = arith.constant 112 : index
      %parallel_loop3A_360 = tpu.vector_load %arg12[%parallel_loop3A_357, %parallel_loop3A_358, %parallel_loop3A_359] {strides = array<i32>} : memref<2x80x128xf32, #tpu.memory_space<vmem>>, vector<16xf32>,
      %parallel_loop3A_361 = arith.mulf %parallel_loop3A_360, %parallel_loop3A_278 : vector<16xf32>
      %parallel_loop3A_362 = arith.constant 0 : i32
      %parallel_loop3A_363 = arith.index_cast %parallel_loop3A_362 : i32 to index
      %parallel_loop3A_364 = arith.index_cast %parallel_loop3A_274 : i32 to index
      %parallel_loop3A_365 = arith.constant 112 : index
      %parallel_loop3A_366 = tpu.vector_load %arg13[%parallel_loop3A_363, %parallel_loop3A_364, %parallel_loop3A_365] {strides = array<i32>} : memref<2x80x128xf32, #tpu.memory_space<vmem>>, vector<16xf32>,
      tpu.vector_store %arg13[%parallel_loop3A_363, %parallel_loop3A_364, %parallel_loop3A_365], %parallel_loop3A_361 {strides = array<i32>} : memref<2x80x128xf32, #tpu.memory_space<vmem>>, vector<16xf32>,
    } {sc.loop_unroll_factor = 4 : i64, sc.parallel_access}
    %dma_start3A_202 = arith.constant 0 : i32
    %dma_start3A_203 = arith.constant 0 : i32
    %dma_start3A_204 = arith.constant 0 : i32
    %dma_start3A_205 = arith.constant 0 : i32
    %dma_start3A_206 = arith.constant 0 : i32
    %dma_start3A_207 = tpu.memref_slice %arg13[%dma_start3A_202, %dma_start3A_205, %dma_start3A_206] : memref<2x80x128xf32, #tpu.memory_space<vmem>> -> memref<1x80x128xf32, #tpu.memory_space<vmem>>
    %dma_start3A_208 = tpu.memref_squeeze %dma_start3A_207 : memref<1x80x128xf32, #tpu.memory_space<vmem>> -> memref<80x128xf32, #tpu.memory_space<vmem>>
    %dma_start3A_209 = arith.constant 0 : i32
    %dma_start3A_210 = tpu.memref_slice %arg10[%dma_start3A_203, %dma_start3A_209] : memref<4x80xi32, #tpu.memory_space<vmem>> -> memref<1x80xi32, #tpu.memory_space<vmem>>
    %dma_start3A_211 = tpu.memref_squeeze %dma_start3A_210 : memref<1x80xi32, #tpu.memory_space<vmem>> -> memref<80xi32, #tpu.memory_space<vmem>>
    %dma_start3A_212 = arith.constant 0 : i32
    %dma_start3A_213 = arith.constant 0 : i32
    %dma_start3A_214 = tpu.memref_slice %arg8[%dma_start3A_212, %dma_start3A_213] : memref<10000x128xf32, #tpu.memory_space<vmem_shared>> -> memref<10000x128xf32, #tpu.memory_space<vmem_shared>>
    %dma_start3A_215 = tpu.memref_slice %arg16[%dma_start3A_204] : memref<2x!tpu.dma_semaphore, #tpu.memory_space<semaphore_mem>> -> memref<1x!tpu.dma_semaphore, #tpu.memory_space<semaphore_mem>>
    %dma_start3A_216 = tpu.memref_squeeze %dma_start3A_215 : memref<1x!tpu.dma_semaphore, #tpu.memory_space<semaphore_mem>> -> memref<!tpu.dma_semaphore, #tpu.memory_space<semaphore_mem>>
    tpu.enqueue_indirect_dma source(%dma_start3A_208 : memref<80x128xf32, #tpu.memory_space<vmem>>) target(%dma_start3A_214 : memref<10000x128xf32, #tpu.memory_space<vmem_shared>>) offsets(%dma_start3A_211 : memref<80xi32, #tpu.memory_space<vmem>>) semaphore(%dma_start3A_216 : memref<!tpu.dma_semaphore, #tpu.memory_space<semaphore_mem>>) {add = true}
    %dma_wait3A_217 = arith.constant 0 : i32
    %dma_wait3A_218 = arith.constant 0 : i32
    %dma_wait3A_219 = arith.constant 0 : i32
    %dma_wait3A_220 = arith.constant 0 : i32
    %dma_wait3A_221 = tpu.memref_slice %arg13[%dma_wait3A_217, %dma_wait3A_219, %dma_wait3A_220] : memref<2x80x128xf32, #tpu.memory_space<vmem>> -> memref<1x80x128xf32, #tpu.memory_space<vmem>>
    %dma_wait3A_222 = tpu.memref_squeeze %dma_wait3A_221 : memref<1x80x128xf32, #tpu.memory_space<vmem>> -> memref<80x128xf32, #tpu.memory_space<vmem>>
    %dma_wait3A_223 = arith.constant 0 : i32
    %dma_wait3A_224 = arith.constant 0 : i32
    %dma_wait3A_225 = tpu.memref_slice %arg8[%dma_wait3A_223, %dma_wait3A_224] : memref<10000x128xf32, #tpu.memory_space<vmem_shared>> -> memref<80x128xf32, #tpu.memory_space<vmem_shared>>
    %dma_wait3A_226 = tpu.memref_slice %arg16[%dma_wait3A_218] : memref<2x!tpu.dma_semaphore, #tpu.memory_space<semaphore_mem>> -> memref<1x!tpu.dma_semaphore, #tpu.memory_space<semaphore_mem>>
    %dma_wait3A_227 = tpu.memref_squeeze %dma_wait3A_226 : memref<1x!tpu.dma_semaphore, #tpu.memory_space<semaphore_mem>> -> memref<!tpu.dma_semaphore, #tpu.memory_space<semaphore_mem>>
    %dma_wait3A_228 = arith.constant 0 : i32
    %dma_wait3A_229 = arith.constant 0 : i32
    %dma_wait3A_230 = tpu.memref_slice %arg8[%dma_wait3A_228, %dma_wait3A_229] : memref<10000x128xf32, #tpu.memory_space<vmem_shared>> -> memref<80x128xf32, #tpu.memory_space<vmem_shared>>
    %dma_wait3A_231 = arith.constant 0 : i32
    %dma_wait3A_232 = arith.constant 0 : i32
    %dma_wait3A_233 = tpu.memref_slice %arg13[%dma_wait3A_217, %dma_wait3A_231, %dma_wait3A_232] : memref<2x80x128xf32, #tpu.memory_space<vmem>> -> memref<1x80x128xf32, #tpu.memory_space<vmem>>
    %dma_wait3A_234 = tpu.memref_squeeze %dma_wait3A_233 : memref<1x80x128xf32, #tpu.memory_space<vmem>> -> memref<80x128xf32, #tpu.memory_space<vmem>>
    tpu.wait_dma2 semaphore(%dma_wait3A_227 : memref<!tpu.dma_semaphore, #tpu.memory_space<semaphore_mem>>) src(%dma_wait3A_234 : memref<80x128xf32, #tpu.memory_space<vmem>>) dst(%dma_wait3A_230 : memref<80x128xf32, #tpu.memory_space<vmem_shared>>)
    %dma_wait3A_235 = arith.constant 1 : i32
    %dma_wait3A_236 = arith.constant 1 : i32
    %dma_wait3A_237 = arith.constant 0 : i32
    %dma_wait3A_238 = arith.constant 0 : i32
    %dma_wait3A_239 = tpu.memref_slice %arg13[%dma_wait3A_235, %dma_wait3A_237, %dma_wait3A_238] : memref<2x80x128xf32, #tpu.memory_space<vmem>> -> memref<1x80x128xf32, #tpu.memory_space<vmem>>
    %dma_wait3A_240 = tpu.memref_squeeze %dma_wait3A_239 : memref<1x80x128xf32, #tpu.memory_space<vmem>> -> memref<80x128xf32, #tpu.memory_space<vmem>>
    %dma_wait3A_241 = arith.constant 0 : i32
    %dma_wait3A_242 = arith.constant 0 : i32
    %dma_wait3A_243 = tpu.memref_slice %arg8[%dma_wait3A_241, %dma_wait3A_242] : memref<10000x128xf32, #tpu.memory_space<vmem_shared>> -> memref<80x128xf32, #tpu.memory_space<vmem_shared>>
    %dma_wait3A_244 = tpu.memref_slice %arg16[%dma_wait3A_236] : memref<2x!tpu.dma_semaphore, #tpu.memory_space<semaphore_mem>> -> memref<1x!tpu.dma_semaphore, #tpu.memory_space<semaphore_mem>>
    %dma_wait3A_245 = tpu.memref_squeeze %dma_wait3A_244 : memref<1x!tpu.dma_semaphore, #tpu.memory_space<semaphore_mem>> -> memref<!tpu.dma_semaphore, #tpu.memory_space<semaphore_mem>>
    %dma_wait3A_246 = arith.constant 0 : i32
    %dma_wait3A_247 = arith.constant 0 : i32
    %dma_wait3A_248 = tpu.memref_slice %arg8[%dma_wait3A_246, %dma_wait3A_247] : memref<10000x128xf32, #tpu.memory_space<vmem_shared>> -> memref<80x128xf32, #tpu.memory_space<vmem_shared>>
    %dma_wait3A_249 = arith.constant 0 : i32
    %dma_wait3A_250 = arith.constant 0 : i32
    %dma_wait3A_251 = tpu.memref_slice %arg13[%dma_wait3A_235, %dma_wait3A_249, %dma_wait3A_250] : memref<2x80x128xf32, #tpu.memory_space<vmem>> -> memref<1x80x128xf32, #tpu.memory_space<vmem>>
    %dma_wait3A_252 = tpu.memref_squeeze %dma_wait3A_251 : memref<1x80x128xf32, #tpu.memory_space<vmem>> -> memref<80x128xf32, #tpu.memory_space<vmem>>
    tpu.wait_dma2 semaphore(%dma_wait3A_245 : memref<!tpu.dma_semaphore, #tpu.memory_space<semaphore_mem>>) src(%dma_wait3A_252 : memref<80x128xf32, #tpu.memory_space<vmem>>) dst(%dma_wait3A_248 : memref<80x128xf32, #tpu.memory_space<vmem_shared>>)
    %barrier3A_253 = arith.constant 0 : index
    tpu.barrier barrier_id(%barrier3A_253)
    %add3A_254 = arith.constant 0 : i32
    %add3A_255 = arith.addi %arg1, %add3A_254 : i32
    %lt3A_256 = arith.constant 125 : i32
    %lt3A_257 = arith.cmpi slt, %add3A_255, %lt3A_256 : i32
    %convert_element_type3A_258 = arith.extui %lt3A_257 : i1 to i32
    %cond3A_259 = arith.constant 0 : i32
    %cond3A_260 = arith.cmpi ne, %convert_element_type3A_258, %cond3A_259 : i32
    scf.if %cond3A_260 {
      %mul3A_274 = arith.constant 80 : i32
      %mul3A_275 = arith.muli %add3A_255, %mul3A_274 : i32
      %eq3A_276 = arith.constant 0 : i32
      %eq3A_277 = arith.cmpi eq, %arg0, %eq3A_276 : i32
      %convert_element_type3A_278 = arith.extui %eq3A_277 : i1 to i32
      %cond3A_279 = arith.constant 0 : i32
      %cond3A_280 = arith.cmpi ne, %convert_element_type3A_278, %cond3A_279 : i32
      scf.if %cond3A_280 {
        %dma_start3A_286 = arith.constant 0 : i32
        %dma_start3A_287 = tpu.memref_slice %arg6[%mul3A_275, %dma_start3A_286] : memref<10000x128xf32, #tpu.memory_space<hbm>> -> memref<80x128xf32, #tpu.memory_space<hbm>>
        %dma_start3A_288 = arith.constant 0 : i32
        %dma_start3A_289 = tpu.memref_slice %arg8[%mul3A_275, %dma_start3A_288] : memref<10000x128xf32, #tpu.memory_space<vmem_shared>> -> memref<80x128xf32, #tpu.memory_space<vmem_shared>>
        tpu.enqueue_dma source(%dma_start3A_289 : memref<80x128xf32, #tpu.memory_space<vmem_shared>>) target(%dma_start3A_287 : memref<80x128xf32, #tpu.memory_space<hbm>>) target_semaphore(%arg17 : memref<!tpu.dma_semaphore, #tpu.memory_space<semaphore_mem>>)
      } else {
      }
      %eq3A_281 = arith.constant 1 : i32
      %eq3A_282 = arith.cmpi eq, %arg0, %eq3A_281 : i32
      %convert_element_type3A_283 = arith.extui %eq3A_282 : i1 to i32
      %cond3A_284 = arith.constant 0 : i32
      %cond3A_285 = arith.cmpi ne, %convert_element_type3A_283, %cond3A_284 : i32
      scf.if %cond3A_285 {
        %dma_start3A_286 = arith.constant 0 : i32
        %dma_start3A_287 = tpu.memref_slice %arg7[%mul3A_275, %dma_start3A_286] : memref<10000x128xf32, #tpu.memory_space<hbm>> -> memref<80x128xf32, #tpu.memory_space<hbm>>
        %dma_start3A_288 = arith.constant 0 : i32
        %dma_start3A_289 = tpu.memref_slice %arg8[%mul3A_275, %dma_start3A_288] : memref<10000x128xf32, #tpu.memory_space<vmem_shared>> -> memref<80x128xf32, #tpu.memory_space<vmem_shared>>
        tpu.enqueue_dma source(%dma_start3A_289 : memref<80x128xf32, #tpu.memory_space<vmem_shared>>) target(%dma_start3A_287 : memref<80x128xf32, #tpu.memory_space<hbm>>) target_semaphore(%arg17 : memref<!tpu.dma_semaphore, #tpu.memory_space<semaphore_mem>>)
      } else {
      }
    } else {
    }
    %scan3A_261 = arith.constant 0 : i32
    %scan3A_262 = arith.constant 1 : i32
    %scan3A_263 = arith.constant 7 : i32
    %scan3A_264 = arith.addi %scan3A_262, %scan3A_263 : i32
    %scan3A_265 = arith.constant 1 : i32
    scf.for %scan3A_274 = %scan3A_262 to %scan3A_264 step %scan3A_265  : i32 {
      %mul3A_275 = arith.constant 16 : i32
      %mul3A_276 = arith.muli %scan3A_274, %mul3A_275 : i32
      %add3A_277 = arith.addi %arg1, %mul3A_276 : i32
      %lt3A_278 = arith.constant 125 : i32
      %lt3A_279 = arith.cmpi slt, %add3A_277, %lt3A_278 : i32
      %convert_element_type3A_280 = arith.extui %lt3A_279 : i1 to i32
      %cond3A_281 = arith.constant 0 : i32
      %cond3A_282 = arith.cmpi ne, %convert_element_type3A_280, %cond3A_281 : i32
      scf.if %cond3A_282 {
        %mul3A_292 = arith.constant 80 : i32
        %mul3A_293 = arith.muli %add3A_277, %mul3A_292 : i32
        %eq3A_294 = arith.constant 0 : i32
        %eq3A_295 = arith.cmpi eq, %arg0, %eq3A_294 : i32
        %convert_element_type3A_296 = arith.extui %eq3A_295 : i1 to i32
        %cond3A_297 = arith.constant 0 : i32
        %cond3A_298 = arith.cmpi ne, %convert_element_type3A_296, %cond3A_297 : i32
        scf.if %cond3A_298 {
          %dma_start3A_304 = arith.constant 0 : i32
          %dma_start3A_305 = tpu.memref_slice %arg6[%mul3A_293, %dma_start3A_304] : memref<10000x128xf32, #tpu.memory_space<hbm>> -> memref<80x128xf32, #tpu.memory_space<hbm>>
          %dma_start3A_306 = arith.constant 0 : i32
          %dma_start3A_307 = tpu.memref_slice %arg8[%mul3A_293, %dma_start3A_306] : memref<10000x128xf32, #tpu.memory_space<vmem_shared>> -> memref<80x128xf32, #tpu.memory_space<vmem_shared>>
          tpu.enqueue_dma source(%dma_start3A_307 : memref<80x128xf32, #tpu.memory_space<vmem_shared>>) target(%dma_start3A_305 : memref<80x128xf32, #tpu.memory_space<hbm>>) target_semaphore(%arg17 : memref<!tpu.dma_semaphore, #tpu.memory_space<semaphore_mem>>)
        } else {
        }
        %eq3A_299 = arith.constant 1 : i32
        %eq3A_300 = arith.cmpi eq, %arg0, %eq3A_299 : i32
        %convert_element_type3A_301 = arith.extui %eq3A_300 : i1 to i32
        %cond3A_302 = arith.constant 0 : i32
        %cond3A_303 = arith.cmpi ne, %convert_element_type3A_301, %cond3A_302 : i32
        scf.if %cond3A_303 {
          %dma_start3A_304 = arith.constant 0 : i32
          %dma_start3A_305 = tpu.memref_slice %arg7[%mul3A_293, %dma_start3A_304] : memref<10000x128xf32, #tpu.memory_space<hbm>> -> memref<80x128xf32, #tpu.memory_space<hbm>>
          %dma_start3A_306 = arith.constant 0 : i32
          %dma_start3A_307 = tpu.memref_slice %arg8[%mul3A_293, %dma_start3A_306] : memref<10000x128xf32, #tpu.memory_space<vmem_shared>> -> memref<80x128xf32, #tpu.memory_space<vmem_shared>>
          tpu.enqueue_dma source(%dma_start3A_307 : memref<80x128xf32, #tpu.memory_space<vmem_shared>>) target(%dma_start3A_305 : memref<80x128xf32, #tpu.memory_space<hbm>>) target_semaphore(%arg17 : memref<!tpu.dma_semaphore, #tpu.memory_space<semaphore_mem>>)
        } else {
        }
      } else {
      }
      %sub3A = arith.constant 1 : i32
      %sub3A_283 = arith.subi %scan3A_274, %sub3A : i32
      %mul3A_284 = arith.constant 16 : i32
      %mul3A_285 = arith.muli %sub3A_283, %mul3A_284 : i32
      %add3A_286 = arith.addi %arg1, %mul3A_285 : i32
      %lt3A_287 = arith.constant 125 : i32
      %lt3A_288 = arith.cmpi slt, %add3A_286, %lt3A_287 : i32
      %convert_element_type3A_289 = arith.extui %lt3A_288 : i1 to i32
      %cond3A_290 = arith.constant 0 : i32
      %cond3A_291 = arith.cmpi ne, %convert_element_type3A_289, %cond3A_290 : i32
      scf.if %cond3A_291 {
        %mul3A_292 = arith.constant 80 : i32
        %mul3A_293 = arith.muli %add3A_286, %mul3A_292 : i32
        %eq3A_294 = arith.constant 0 : i32
        %eq3A_295 = arith.cmpi eq, %arg0, %eq3A_294 : i32
        %convert_element_type3A_296 = arith.extui %eq3A_295 : i1 to i32
        %cond3A_297 = arith.constant 0 : i32
        %cond3A_298 = arith.cmpi ne, %convert_element_type3A_296, %cond3A_297 : i32
        scf.if %cond3A_298 {
          %dma_wait3A_304 = arith.constant 0 : i32
          %dma_wait3A_305 = tpu.memref_slice %arg6[%mul3A_293, %dma_wait3A_304] : memref<10000x128xf32, #tpu.memory_space<hbm>> -> memref<80x128xf32, #tpu.memory_space<hbm>>
          %dma_wait3A_306 = arith.constant 0 : i32
          %dma_wait3A_307 = tpu.memref_slice %arg8[%mul3A_293, %dma_wait3A_306] : memref<10000x128xf32, #tpu.memory_space<vmem_shared>> -> memref<80x128xf32, #tpu.memory_space<vmem_shared>>
          tpu.wait_dma2 semaphore(%arg17 : memref<!tpu.dma_semaphore, #tpu.memory_space<semaphore_mem>>) src(%dma_wait3A_307 : memref<80x128xf32, #tpu.memory_space<vmem_shared>>) dst(%dma_wait3A_305 : memref<80x128xf32, #tpu.memory_space<hbm>>)
        } else {
        }
        %eq3A_299 = arith.constant 1 : i32
        %eq3A_300 = arith.cmpi eq, %arg0, %eq3A_299 : i32
        %convert_element_type3A_301 = arith.extui %eq3A_300 : i1 to i32
        %cond3A_302 = arith.constant 0 : i32
        %cond3A_303 = arith.cmpi ne, %convert_element_type3A_301, %cond3A_302 : i32
        scf.if %cond3A_303 {
          %dma_wait3A_304 = arith.constant 0 : i32
          %dma_wait3A_305 = tpu.memref_slice %arg7[%mul3A_293, %dma_wait3A_304] : memref<10000x128xf32, #tpu.memory_space<hbm>> -> memref<80x128xf32, #tpu.memory_space<hbm>>
          %dma_wait3A_306 = arith.constant 0 : i32
          %dma_wait3A_307 = tpu.memref_slice %arg8[%mul3A_293, %dma_wait3A_306] : memref<10000x128xf32, #tpu.memory_space<vmem_shared>> -> memref<80x128xf32, #tpu.memory_space<vmem_shared>>
          tpu.wait_dma2 semaphore(%arg17 : memref<!tpu.dma_semaphore, #tpu.memory_space<semaphore_mem>>) src(%dma_wait3A_307 : memref<80x128xf32, #tpu.memory_space<vmem_shared>>) dst(%dma_wait3A_305 : memref<80x128xf32, #tpu.memory_space<hbm>>)
        } else {
        }
      } else {
      }
    }
    %scan3A_266 = arith.constant 7 : i32
    %add3A_267 = arith.constant 112 : i32
    %add3A_268 = arith.addi %arg1, %add3A_267 : i32
    %lt3A_269 = arith.constant 125 : i32
    %lt3A_270 = arith.cmpi slt, %add3A_268, %lt3A_269 : i32
    %convert_element_type3A_271 = arith.extui %lt3A_270 : i1 to i32
    %cond3A_272 = arith.constant 0 : i32
    %cond3A_273 = arith.cmpi ne, %convert_element_type3A_271, %cond3A_272 : i32
    scf.if %cond3A_273 {
      %mul3A_274 = arith.constant 80 : i32
      %mul3A_275 = arith.muli %add3A_268, %mul3A_274 : i32
      %eq3A_276 = arith.constant 0 : i32
      %eq3A_277 = arith.cmpi eq, %arg0, %eq3A_276 : i32
      %convert_element_type3A_278 = arith.extui %eq3A_277 : i1 to i32
      %cond3A_279 = arith.constant 0 : i32
      %cond3A_280 = arith.cmpi ne, %convert_element_type3A_278, %cond3A_279 : i32
      scf.if %cond3A_280 {
        %dma_wait3A_286 = arith.constant 0 : i32
        %dma_wait3A_287 = tpu.memref_slice %arg6[%mul3A_275, %dma_wait3A_286] : memref<10000x128xf32, #tpu.memory_space<hbm>> -> memref<80x128xf32, #tpu.memory_space<hbm>>
        %dma_wait3A_288 = arith.constant 0 : i32
        %dma_wait3A_289 = tpu.memref_slice %arg8[%mul3A_275, %dma_wait3A_288] : memref<10000x128xf32, #tpu.memory_space<vmem_shared>> -> memref<80x128xf32, #tpu.memory_space<vmem_shared>>
        tpu.wait_dma2 semaphore(%arg17 : memref<!tpu.dma_semaphore, #tpu.memory_space<semaphore_mem>>) src(%dma_wait3A_289 : memref<80x128xf32, #tpu.memory_space<vmem_shared>>) dst(%dma_wait3A_287 : memref<80x128xf32, #tpu.memory_space<hbm>>)
      } else {
      }
      %eq3A_281 = arith.constant 1 : i32
      %eq3A_282 = arith.cmpi eq, %arg0, %eq3A_281 : i32
      %convert_element_type3A_283 = arith.extui %eq3A_282 : i1 to i32
      %cond3A_284 = arith.constant 0 : i32
      %cond3A_285 = arith.cmpi ne, %convert_element_type3A_283, %cond3A_284 : i32
      scf.if %cond3A_285 {
        %dma_wait3A_286 = arith.constant 0 : i32
        %dma_wait3A_287 = tpu.memref_slice %arg7[%mul3A_275, %dma_wait3A_286] : memref<10000x128xf32, #tpu.memory_space<hbm>> -> memref<80x128xf32, #tpu.memory_space<hbm>>
        %dma_wait3A_288 = arith.constant 0 : i32
        %dma_wait3A_289 = tpu.memref_slice %arg8[%mul3A_275, %dma_wait3A_288] : memref<10000x128xf32, #tpu.memory_space<vmem_shared>> -> memref<80x128xf32, #tpu.memory_space<vmem_shared>>
        tpu.wait_dma2 semaphore(%arg17 : memref<!tpu.dma_semaphore, #tpu.memory_space<semaphore_mem>>) src(%dma_wait3A_289 : memref<80x128xf32, #tpu.memory_space<vmem_shared>>) dst(%dma_wait3A_287 : memref<80x128xf32, #tpu.memory_space<hbm>>)
      } else {
      }
    } else {
    }
    return
  }
}

</mosaic_0001>

<sc_bundles>
// kernel: kernel.4.cloned.1.call-start
scs
__scs_entry_jumppad:
0x0: {  	(pc) =	sbr.rel $0x88, $3  }
0x1: {  	(tag) =	ssettag $0x0;
	lr =	simm.s32 $0x1  }
0x2: {  	[smem:$0x3F9A] =	sst lr;
	_ =	strace $0xD0000000  }
0x3: {  	_ = 	snop  }
0x4: {  	_ = 	snop  }
0x5: {  	_ = 	snop  }
0x6: {  	_ = 	snop  }
0x7: {  	_ = 	snop  }
__scs_overlays_trampoline_lowered:
0x8: {  	[smem:$0x3FA9] =	sst s0  }
0x9: {  	[smem:$0x3FAA] =	sst s1  }
0xa: {  	[smem:$0x3FAB] =	sst s2  }
0xb: {  	[smem:$0x3FAC] =	sst s3  }
0xc: {  	[smem:$0x3FAD] =	sst s4  }
0xd: {  	[smem:$0x3FAE] =	sst s5  }
0xe: {  	[smem:$0x3FAF] =	sst s6  }
0xf: {  	[smem:$0x3FB0] =	sst s7  }
0x10: {  	[smem:$0x3FB1] =	sst s8  }
0x11: {  	[smem:$0x3FB2] =	sst s9;
	s0 =	simm.s32 @!p0 $0x0  }
0x12: {  	s1 =	sld [smem:$0x3F98];
	s0 =	simm.s32 @p0 $0x1  }
0x13: {  	[smem:$0x3FB3] =	sst s0;
	s0 =	simm.s32 @!p1 $0x0  }
0x14: {  	s2 =	sld [smem:$0x3F97];
	s0 =	simm.s32 @p1 $0x1  }
0x15: {  	[smem:$0x3FB4] =	sst s0;
	s0 =	simm.s32 @!p2 $0x0  }
0x16: {  	s3 =	sld [smem:$0x3FDB];
	s0 =	simm.s32 @p2 $0x1  }
0x17: {  	s4 =	simm.s32 $0x1BF5;
	[smem:$0x3FB6] =	sst s0  }
0x18: {  	s0 =	sld [smem:$0x3F99];
	_ =	swait.ge [sflag:s4], $0x0  }
0x19: {  	s7 =	sld [smem:$0x3F9A]  }
0x1a: {  	s8 =	sadd.s32 $0xFFFFE003, lr  }
0x1b: {  	s9 =	sadd.s32 $0xFFFFFEF7, lr;
	s5 =	simm.s32 $0xFFFFFFFF;
	p2 =	slt.u32 s8, $0xFFFFF086  }
0x1c: {  	p1 =	slt.u32 s9, $0xF7A;
	s5 =	simm.s32 @!p2 $0x0  }
0x1d: {  	s5 =	simm.s32 @p1 $0x1;
	p0 =	seq.s32 s7, s2  }
0x1e: {  	s7 =	smul.u32 @!p0 $0xF7A, s2;
	p2 =	seq.s32 @!p0 s5, $0x0  }
0x1f: {  	s9 =	smul.u32 $0xF7A, s1;
	s8 =	simm.s32 @!p0 $0x1BF5;
	p2 =	por !p2, p0  }
0x20: {  	[sflag:s8] =	ssyncset.s32 @!p0 $0xFFFFF086;
	s6 =	sadd.s32 @!p0 s3, s7;
	s7 =	simm.s32 @!p0 $0x108  }
0x21: {  	s3 =	sadd.s32 s3, s9;
	s6 =	sadd.s32 @!p0 $0x88, s6;
	s7 =	simm.s32 @p2 $0x1082  }
0x22: {  	[simem:s7], [sflag:s8] =	dma.local @!p0 [hbm:s6], $0xF7A  }
0x23: {  	s9 =	sor.u32 $0xD0000000, s2;
	s6 =	simm.s32 $0x108;
	_ =	swait.ge @!p0 [sflag:s8], $0x0  }
0x24: {  	s3 =	sadd.s32 $0x88, s3;
	s6 =	simm.s32 @!p1 $0x1082;
	[sflag:s4] =	ssyncset.s32 $0xFFFFF086  }
0x25: {  	[simem:s6], [sflag:s4] =	dma.local [hbm:s3], $0xF7A  }
0x26: {  	[smem:$0x3F9A] =	sst s1;
	(tag) =	ssettag s2;
	_ =	strace s9  }
0x27: {  	s1 =	sld [smem:$0x3FAA]  }
0x28: {  	s2 =	sld [smem:$0x3FAB]  }
0x29: {  	s4 =	sld [smem:$0x3FAD]  }
0x2a: {  	p0 =	seq.s32 s5, $0x0;
	s5 =	sld [smem:$0x3FAE]  }
0x2b: {  	s6 =	sld [smem:$0x3FAF]  }
0x2c: {  	s7 =	sld [smem:$0x3FB0]  }
0x2d: {  	s3 =	simm.s32 $0x108;
	s8 =	sld [smem:$0x3FB1]  }
0x2e: {  	s3 =	simm.s32 @!p0 $0x1082;
	s9 =	sld [smem:$0x3FB2]  }
0x2f: {  	lr =	sadd.s32 s0, s3;
	s0 =	sld [smem:$0x3FA9]  }
0x30: {  	s3 =	sld [smem:$0x3FAC]  }
0x31: {  	[smem:$0x3FB5] =	sst s10  }
0x32: {  	s10 =	sld [smem:$0x3FB3];
	_ =	sdelay $0x3  }
0x33: {  	p0 =	seq.s32 s10, $0x1;
	s10 =	sld [smem:$0x3FB5];
	_ =	sdelay $0x3  }
0x34: {  	[smem:$0x3FB5] =	sst s10  }
0x35: {  	s10 =	sld [smem:$0x3FB4];
	_ =	sdelay $0x3  }
0x36: {  	p1 =	seq.s32 s10, $0x1;
	s10 =	sld [smem:$0x3FB5];
	_ =	sdelay $0x3  }
0x37: {  	[smem:$0x3FB5] =	sst s10  }
0x38: {  	s10 =	sld [smem:$0x3FB6]  }
0x39: {  	_ = 	snop;
	(pc) =	sbr.ind lr, $3  }
0x3a: {  	_ = 	snop  }
0x3b: {  	_ = 	snop  }
0x3c: {  	p2 =	seq.s32 s10, $0x1;
	s10 =	sld [smem:$0x3FB5]  }
0x3d: {  	_ =	shalt  }
0x3e: {  	_ =	shalt  }
0x3f: {  	_ =	shalt  }
0x40: {  	_ =	shalt  }
0x41: {  	_ =	shalt  }
0x42: {  	_ =	shalt  }
0x43: {  	_ =	shalt  }
0x44: {  	_ =	shalt  }
0x45: {  	_ =	shalt  }
0x46: {  	_ =	shalt  }
0x47: {  	_ =	shalt  }
0x48: {  	_ =	shalt  }
0x49: {  	_ =	shalt  }
0x4a: {  	_ =	shalt  }
0x4b: {  	_ =	shalt  }
0x4c: {  	_ =	shalt  }
0x4d: {  	_ =	shalt  }
0x4e: {  	_ =	shalt  }
0x4f: {  	_ =	shalt  }
0x50: {  	_ =	shalt  }
0x51: {  	_ =	shalt  }
0x52: {  	_ =	shalt  }
0x53: {  	_ =	shalt  }
0x54: {  	_ =	shalt  }
0x55: {  	_ =	shalt  }
0x56: {  	_ =	shalt  }
0x57: {  	_ =	shalt  }
0x58: {  	_ =	shalt  }
0x59: {  	_ =	shalt  }
0x5a: {  	_ =	shalt  }
0x5b: {  	_ =	shalt  }
0x5c: {  	_ =	shalt  }
0x5d: {  	_ =	shalt  }
0x5e: {  	_ =	shalt  }
0x5f: {  	_ =	shalt  }
0x60: {  	_ =	shalt  }
0x61: {  	_ =	shalt  }
0x62: {  	_ =	shalt  }
0x63: {  	_ =	shalt  }
0x64: {  	_ =	shalt  }
0x65: {  	_ =	shalt  }
0x66: {  	_ =	shalt  }
0x67: {  	_ =	shalt  }
0x68: {  	_ =	shalt  }
0x69: {  	_ =	shalt  }
0x6a: {  	_ =	shalt  }
0x6b: {  	_ =	shalt  }
0x6c: {  	_ =	shalt  }
0x6d: {  	_ =	shalt  }
0x6e: {  	_ =	shalt  }
0x6f: {  	_ =	shalt  }
0x70: {  	_ =	shalt  }
0x71: {  	_ =	shalt  }
0x72: {  	_ =	shalt  }
0x73: {  	_ =	shalt  }
0x74: {  	_ =	shalt  }
0x75: {  	_ =	shalt  }
0x76: {  	_ =	shalt  }
0x77: {  	_ =	shalt  }
0x78: {  	_ =	shalt  }
0x79: {  	_ =	shalt  }
0x7a: {  	_ =	shalt  }
0x7b: {  	_ =	shalt  }
0x7c: {  	_ =	shalt  }
0x7d: {  	_ =	shalt  }
0x7e: {  	_ =	shalt  }
0x7f: {  	_ =	shalt  }
0x80: {  	_ =	shalt  }
0x81: {  	_ =	shalt  }
0x82: {  	_ =	shalt  }
0x83: {  	_ =	shalt  }
0x84: {  	_ =	shalt  }
0x85: {  	_ =	shalt  }
0x86: {  	_ =	shalt  }
0x87: {  	_ =	shalt  }
.Lfunc_end0:
.L_simem_size_0:
called_computation_lowered:
.L_overlay_start_0:
0x88: {  	s2 =	sld [smem:$0x3FD9]  }
0x89: {  	s3 =	sld [smem:$0x3FFE];
	_ =	sdelay $0x1  }
0x8a: {  	s1 =	srdreg.scid  }
0x8b: {  	s0 =	sand.u32 $0x1, s1  }
0x8c: {  	s17 =	sshll.u32 s0, $0xA;
	s2 =	sadd.s32 s3, s2  }
0x8d: {  	s2 =	sadd.s32 s2, s17  }
0x8e: {  	[smem:$0x3FC1] =	sst s2  }
0x8f: {  	_ = 	snop  }
0x90: {  	s2 =	sld [smem:$0x3FC5]  }
0x91: {  	s18 =	sld [smem:$0x3FC4]  }
0x92: {  	s4 =	sld [smem:$0x3FC3];
	(tm) =	ssettm $0x1  }
0x93: {  	s5 =	sld [smem:$0x3FFB];
	_ =	sdelay $0x3  }
0x94: {  	_ =	strace s5  }
0x95: {  	s5 =	sld [smem:$0x3FFC];
	_ =	sdelay $0x3  }
0x96: {  	_ =	strace s5  }
0x97: {  	s5 =	sld [smem:$0x3FFD];
	_ =	sdelay $0x3  }
0x98: {  	_ =	strace s5  }
0x99: {  	_ =	strace $0x8FFFFFFF  }
0x9a: {  	s19 =	sld [smem:$0x3FDB];
	_ =	sdelay $0x1  }
0x9b: {  	s6 =	simm.s32 $_scs_section_size  }
0x9c: {  	s7 =	simm.s32 $_size__tile_overlayer_lowered;
	s8 =	simm.s32 $_tile_overlayer_lowered  }
0x9d: {  	s22 =	simm.s32 $0x1BFF;
	s21 =	sshll.u32 s8, $0x1;
	s5 =	sadd.s32 s6, s19  }
0x9e: {  	s9 =	simm.s32 $0x0;
	s20 =	sshll.u32 s7, $0x1;
	s7 =	sadd.s32 s21, s5  }
0x9f: {  	[timem:s9], [sflag:s22] =	dma.local [hbm:s7], s20  }
0xa0: {  	_ =	swait.ge [sflag:s22], s20  }
0xa1: {  	s6 =	ssub.s32 $0x0, s20;
	[sflag:s22] =	ssyncset.done $0x0  }
0xa2: {  	[sflag:s22] =	ssyncadd.s32 s6;
	_ =	sdelay $0x1  }
0xa3: {  	s23 =	simm.s32 $0x1B8B  }
0xa4: {  	_ =	swait.ge [sflag:s23], $0x1  }
0xa5: {  	[sflag:s23] =	ssyncset.done $0x0  }
0xa6: {  	s25 =	simm.s32 $0x1B8E;
	s24 =	sld [smem:$0x3FFE];
	[sflag:s23] =	ssyncadd.s32 $0xFFFFFFFF  }
0xa7: {  	s26 =	simm.s32 $execute0_lowered;
	[smem:$0x3FD2] =	sst s25  }
0xa8: {  	s7 =	sshll.u32 s26, $0x1;
	_ =	strace $0x80000046;
	[dreg:$0x1] =	wrdreg $0xFFFFFFFF  }
0xa9: {  	s28 =	simm.s32 $_size_execute0_lowered;
	s5 =	sadd.s32 s5, s7;
	[dreg:$0x0] =	wrdreg $0x0  }
0xaa: {  	s7 =	sshll.u32 s28, $0x1;
	[dreg:$0x2] =	wrdreg s5  }
0xab: {  	[dreg:$0x3] =	wrdreg s7  }
0xac: {  	[dreg:$0x4] =	wrdreg $0xC0  }
0xad: {  	_ =	task [dreg:s9], $0x5FFFF  }
0xae: {  	[dreg:$0x1] =	wrdreg $0xFFFFFFFF  }
0xaf: {  	[dreg:$0x0] =	wrdreg $0x60  }
0xb0: {  	[dreg:$0x2] =	wrdreg s24  }
0xb1: {  	[dreg:$0x3] =	wrdreg s2  }
0xb2: {  	[dreg:$0x4] =	wrdreg s18  }
0xb3: {  	[dreg:$0x5] =	wrdreg s4  }
0xb4: {  	[dreg:$0x6] =	wrdreg $0x0  }
0xb5: {  	[dreg:$0x7] =	wrdreg $0x9  }
0xb6: {  	_ =	task.clear_ibuf [dreg:s9], $0x8FFFF;
	_ =	strace $0x90000046  }
0xb7: {  	s29 =	simm.s32 $0x9;
	_ =	strace $0x80000048  }
0xb8: {  	_ =	swait.ge [sflag:s29], $0x1  }
0xb9: {  	[sflag:s29] =	ssyncadd.s32 $0xFFFFFFFF  }
0xba: {  	_ =	strace $0x90000048  }
0xbb: {  	_ =	sfence  }
0xbc: {  	s30 =	sld [smem:$0x0];
	_ =	sdelay $0x2  }
0xbd: {  	s31 =	sshll.u32 s1, $0xD;
	s1 =	sshrl.u32 s1, $0x2  }
0xbe: {  	s3 =	sand.u32 $0x4000, s31;
	s1 =	sadd.s32 s1, s30  }
0xbf: {  	s0 =	sor.u32 s3, s0;
	s1 =	sshll.u32 s1, $0x11  }
0xc0: {  	s0 =	sor.u32 s1, s0  }
0xc1: {  	s0 =	sadd.s32 $0x8F2B, s0  }
0xc2: {  	[sflag:s0] =	ssyncadd.remote.s32 $0x1  }
0xc3: {  	_ =	sfence.sel $0xFFFF  }
0xc4: {  	[dreg:$0x0] =	wrdreg $0xFFFFFFFF;
	(pc) =	sbr.abs _section_cstart, $3  }
0xc5: {  	[dreg:$0x1] =	wrdreg $0xFFFFFFFF  }
0xc6: {  	_ =	task.clear_ibuf [dreg:s9], $0x2FFFF;
	_ =	strace $0x9FFFFFFF  }
0xc7: {  	(tm) =	ssettm $0x7FFFFFFF  }
tec
execute0_lowered:
.L_overlay_start_1:
0x0: {  	(tag) =	ssettag $0x1  }
0x1: {  	s0 =	rddreg [dreg:$0x0]  }
0x2: {  	s1 =	rddreg [dreg:$0x1]  }
0x3: {  	s2 =	rddreg [dreg:$0x2]  }
0x4: {  	s3 =	rddreg [dreg:$0x3]  }
0x5: {  	s4 =	rddreg [dreg:$0x4];
	s5 =	srdreg.scid;
	s14 =	simm.s32 $0x0  }
0x6: {  	s13 =	stileid.u32;
	s29 =	simm.s32 $0x13E80;
	s28 =	simm.s32 $0x13A00  }
0x7: {  	s5 =	sand.u32 $0x1, s5;
	[smem:$0x7FF] =	sst s14;
	s9 =	smul.u32 $0xA000, s13  }
0x8: {  	s8 =	sadd.s32 $0xC00, s0;
	s12 =	sadd.s32 $0x27E00, s0;
	s11 =	smul.u32 $0x500, s13  }
0x9: {  	s15 =	sadd.s32 $0x4F000, s0;
	s18 =	sor.u32 $0x10, s13;
	p4 =	sgt.u32 s13, $0xC  }
0xa: {  	s6 =	sshll.u32 s5, $0x4;
	_ =	strace $0x80000047;
	[dreg:$0x8] =	wrdreg s15  }
0xb: {  	s20 =	ssub.s32 $0x2, s5;
	[dreg:$0x7] =	wrdreg s12;
	p0 =	seq.s32 s5, $0x0  }
0xc: {  	p1 =	sne.s32 s5, $0x0;
	s6 =	sor.u32 s13, s6;
	s10 =	sshrl.u32 s20, $0x1  }
0xd: {  	s21 =	sshrl.u32 s9, $0x2;
	s22 =	sadd.s32 s8, s11;
	s17 =	sadd.s32 s15, s11  }
0xe: {  	s19 =	sadd.s32 s12, s11;
	s11 =	simm.s32 @!p0 $0x0;
	[dreg:$0xa] =	wrdreg s22  }
0xf: {  	s15 =	smul.u32 $0x500, s18;
	s9 =	sor.u32 $0x40, s13;
	[dreg:$0x11] =	wrdreg s17  }
0x10: {  	s7 =	smul.u32 $0x2710, s6;
	s6 =	sadd.s32 s21, s4;
	[dreg:$0x12] =	wrdreg s19  }
0x11: {  	s12 =	sor.u32 $0x60, s13;
	s11 =	simm.s32 @p0 $0x1;
	[dreg:$0x9] =	wrdreg s6  }
0x12: {  	s0 =	ssub.s32 s20, s10;
	s20 =	smul.u32 $0xA000, s18;
	[smem:$0x7F2] =	sst s11  }
0x13: {  	s21 =	sor.u32 $0x20, s13;
	s0 =	smax.u32 s0, $0x1;
	[dreg:$0x14] =	wrdreg s15  }
0x14: {  	s22 =	smul.u32 $0xA000, s21;
	s23 =	sshrl.u32 s7, $0x3;
	[dreg:$0x13] =	wrdreg s0  }
0x15: {  	s24 =	sadd.s32 s2, s23;
	s25 =	sadd.s32 s1, s23;
	s26 =	sadd.s32 $0xA, s23  }
0x16: {  	s6 =	sadd.s32 s3, s23;
	s23 =	sshrl.u32 s20, $0x2;
	[dreg:$0xb] =	wrdreg s24  }
0x17: {  	s5 =	sshrl.u32 s22, $0x2;
	s20 =	smul.u32 $0xA000, s12;
	[dreg:$0xc] =	wrdreg s25  }
0x18: {  	s22 =	sor.u32 $0x70, s13;
	s12 =	smul.u32 $0x500, s12;
	[dreg:$0xd] =	wrdreg s6  }
0x19: {  	s31 =	sadd.s32 s2, s26;
	s10 =	sadd.s32 s1, s26;
	s16 =	sadd.s32 s3, s26  }
0x1a: {  	s0 =	sadd.s32 s23, s4;
	s24 =	sor.u32 $0x30, s13;
	[dreg:$0xe] =	wrdreg s31  }
0x1b: {  	s18 =	sadd.s32 s5, s4;
	s26 =	smul.u32 $0xA000, s9;
	[dreg:$0xf] =	wrdreg s10  }
0x1c: {  	p2 =	slt.u32 s22, $0x7D;
	[dreg:$0x10] =	wrdreg s16;
	s16 =	smul.u32 $0x500, s21  }
0x1d: {  	[dreg:$0x15] =	wrdreg s0;
	s25 =	smul.u32 $0xA000, s24;
	s10 =	sor.u32 $0x50, s13  }
0x1e: {  	s17 =	smul.u32 $0x500, s24;
	p0 =	slt.u32 @p2 s13, $0xD;
	[smem:$0x7FA] =	sst s12  }
0x1f: {  	s0 =	smul.u32 $0x500, s22;
	s13 =	sadd.s32 $0x140, s7;
	[dreg:$0x17] =	wrdreg s18  }
0x20: {  	s30 =	simm.s32 $0x13C00;
	s31 =	smul.u32 $0xA000, s10;
	[smem:$0x7F3] =	sst s13  }
0x21: {  	s5 =	sshrl.u32 s26, $0x2;
	s26 =	smul.u32 $0x500, s9;
	[dreg:$0x16] =	wrdreg s16  }
0x22: {  	s11 =	smul.u32 $0x500, s10;
	s6 =	sshrl.u32 s25, $0x2;
	[dreg:$0x1a] =	wrdreg s17  }
0x23: {  	s25 =	smul.u32 $0xA000, s22;
	s22 =	sadd.s32 s8, s15;
	[smem:$0x7FC] =	sst s0  }
0x24: {  	p3 =	por !p0, !p2;
	s13 =	simm.s32 $0x7;
	[smem:$0x7F5] =	sst s22  }
0x25: {  	s10 =	simm.s32 $0x5;
	s21 =	sadd.s32 s5, s4;
	[dreg:$0x1d] =	wrdreg s26  }
0x26: {  	s0 =	sadd.s32 s8, s0;
	s15 =	simm.s32 $0x13880;
	[dreg:$0x1e] =	wrdreg s11  }
0x27: {  	s19 =	sadd.s32 s6, s4;
	s24 =	sshrl.u32 s31, $0x2;
	[smem:$0x7FD] =	sst s0  }
0x28: {  	s6 =	sshrl.u32 s20, $0x2;
	s20 =	sadd.s32 $0x190, s7;
	[dreg:$0x19] =	wrdreg s21  }
0x29: {  	s22 =	simm.s32 $0x1;
	s0 =	simm.s32 $0x2;
	[smem:$0x7F4] =	sst s20  }
0x2a: {  	s23 =	sadd.s32 s24, s4;
	s24 =	sadd.s32 s8, s16;
	[dreg:$0x18] =	wrdreg s19  }
0x2b: {  	s9 =	sshrl.u32 s25, $0x2;
	s25 =	sadd.s32 s8, s17;
	[smem:$0x7F6] =	sst s24  }
0x2c: {  	s31 =	sadd.s32 s6, s4;
	s6 =	sadd.s32 s8, s26;
	[smem:$0x7F7] =	sst s25  }
0x2d: {  	s26 =	sadd.s32 s8, s11;
	s16 =	simm.s32 $0x13A80;
	[smem:$0x7F8] =	sst s6  }
.Ltmp0:
0x2e: {  	s17 =	simm.s32 $0x13C80;
	[smem:$0x7F9] =	sst s26;
	(pc) =	sbr.rel .LBB2_1-.Ltmp0, $4  }
0x2f: {  	s20 =	simm.s32 $0x3;
	s5 =	sadd.s32 s9, s4;
	[dreg:$0x1b] =	wrdreg s23  }
0x30: {  	s24 =	simm.s32 $0x50;
	s25 =	simm.s32 $0x18E80;
	[dreg:$0x1c] =	wrdreg s31  }
0x31: {  	s26 =	simm.s32 $0x4;
	[dreg:$0x1f] =	wrdreg s5;
	s5 =	sadd.s32 s8, s12  }
0x32: {  	v0 =	vimm.f32 $0.0e+00;
	s9 =	simm.s32 $0x1B680;
	s6 =	simm.s32 $0x6;
	[smem:$0x7FB] =	sst s5  }
.LBB2_19:
0x33: {  	_ =	swait.ge [sflag:s13], $0x500  }
0x34: {  	[sflag:s13] =	ssyncset.done $0x0  }
0x35: {  	s5 =	simm.s32 @!p4 $0x7;
	[sflag:s13] =	ssyncadd.s32 $0xFFFFFB00  }
0x36: {  	_ =	swait.ge @!p4 [sflag:s5], $0x500  }
0x37: {  	s14 =	sadd.s32 $0x1, s14;
	s11 =	rddreg [dreg:$0x13]  }
0x38: {  	p0 =	sne.s32 s14, s11  }
.Ltmp1:
0x39: {  	_ = 	snop;
	(pc) =	sbr.rel @!p0 .LBB2_20-.Ltmp1, $3  }
0x3a: {  	_ =	sdelay $0x1  }
0x3b: {  	[sflag:s5] =	ssyncset.done @!p4 $0x0  }
0x3c: {  	[sflag:s5] =	ssyncadd.s32 @!p4 $0xFFFFFB00  }
.LBB2_1:
0x3d: {  	s5 =	stileid.u32  }
0x3e: {  	s5 =	sshll.u32 s5, $0x6  }
0x3f: {  	s12 =	sor.u32 $0x1C07, s5;
	s5 =	sld [smem:$0x7F2];
	_ =	sdelay $0x2  }
0x40: {  	s11 =	rddreg [dreg:$0x9];
	p0 =	seq.s32 s5, $0x1  }
.Ltmp2:
0x41: {  	[dreg:$0x6] =	wrdreg s14;
	(pc) =	sbr.rel @!p0 .LBB2_2-.Ltmp2, $4  }
0x42: {  	s31 =	sshrl.u32 s11, $0x3;
	s11 =	rddreg [dreg:$0x15]  }
0x43: {  	[smem:$0x7F1] =	sst s31  }
0x44: {  	s11 =	sshrl.u32 s11, $0x3;
	[smem:$0x7EF] =	sst s12  }
0x45: {  	[smem:$0x7F0] =	sst s11  }
0x46: {  	s5 =	rddreg [dreg:$0xa]  }
0x47: {  	[spmem:s31], [sflag:s12] =	dma.local [hbm:s5], $0x500  }
0x48: {  	s5 =	sld [smem:$0x7F5];
	_ =	sdelay $0x2  }
0x49: {  	[spmem:s11], [sflag:s12] =	dma.local [hbm:s5], $0x500  }
0x4a: {  	_ =	swait.ge [sflag:s13], $0x500  }
0x4b: {  	s14 =	sshrl.u32 s18, $0x3;
	s18 =	sld [smem:$0x7F6]  }
0x4c: {  	[sflag:s13] =	ssyncset.done $0x0  }
0x4d: {  	[sflag:s13] =	ssyncadd.s32 $0xFFFFFB00  }
0x4e: {  	[spmem:s14], [sflag:s12] =	dma.local [hbm:s18], $0x500  }
0x4f: {  	_ =	swait.ge [sflag:s13], $0x500  }
0x50: {  	s31 =	sld [smem:$0x7F7]  }
0x51: {  	[sflag:s13] =	ssyncset.done $0x0  }
0x52: {  	s19 =	sshrl.u32 s19, $0x3;
	[sflag:s13] =	ssyncadd.s32 $0xFFFFFB00  }
0x53: {  	[spmem:s19], [sflag:s12] =	dma.local [hbm:s31], $0x500  }
0x54: {  	_ =	swait.ge [sflag:s13], $0x500  }
0x55: {  	s18 =	sld [smem:$0x7F8]  }
0x56: {  	[sflag:s13] =	ssyncset.done $0x0  }
0x57: {  	s14 =	sshrl.u32 s21, $0x3;
	[sflag:s13] =	ssyncadd.s32 $0xFFFFFB00  }
0x58: {  	[spmem:s14], [sflag:s12] =	dma.local [hbm:s18], $0x500  }
0x59: {  	_ =	swait.ge [sflag:s13], $0x500  }
0x5a: {  	s21 =	sld [smem:$0x7F9]  }
0x5b: {  	[sflag:s13] =	ssyncset.done $0x0  }
0x5c: {  	s19 =	sshrl.u32 s23, $0x3;
	[sflag:s13] =	ssyncadd.s32 $0xFFFFFB00  }
0x5d: {  	[spmem:s19], [sflag:s12] =	dma.local [hbm:s21], $0x500  }
0x5e: {  	_ =	swait.ge [sflag:s13], $0x500  }
0x5f: {  	s31 =	sld [smem:$0x7FB]  }
0x60: {  	[sflag:s13] =	ssyncset.done $0x0;
	s23 =	rddreg [dreg:$0x1c]  }
0x61: {  	[sflag:s13] =	ssyncadd.s32 $0xFFFFFB00;
	s5 =	sshrl.u32 s23, $0x3  }
0x62: {  	[spmem:s5], [sflag:s12] =	dma.local [hbm:s31], $0x500  }
0x63: {  	_ =	swait.ge [sflag:s13], $0x500  }
0x64: {  	s11 =	sld [smem:$0x7FD]  }
0x65: {  	[sflag:s13] =	ssyncset.done $0x0;
	s5 =	rddreg [dreg:$0x1f]  }
0x66: {  	[sflag:s13] =	ssyncadd.s32 $0xFFFFFB00;
	s5 =	sshrl.u32 @p2 s5, $0x3  }
0x67: {  	[spmem:s5], [sflag:s12] =	dma.local @p2 [hbm:s11], $0x500  }
0x68: {  	s5 =	simm.s32 @p2 $0x7  }
0x69: {  	_ =	swait.ge @p2 [sflag:s5], $0x500  }
0x6a: {  	[sflag:s5] =	ssyncset.done @p2 $0x0  }
0x6b: {  	[sflag:s5] =	ssyncadd.s32 @p2 $0xFFFFFB00;
	s5 =	simm.s32 @!p3 $0x7  }
0x6c: {  	_ =	swait.ge @!p3 [sflag:s5], $0x500  }
.Ltmp3:
0x6d: {  	[sflag:s5] =	ssyncset.done @!p3 $0x0;
	(pc) =	sbr.rel .LBB2_5-.Ltmp3, $4  }
0x6e: {  	[sflag:s5] =	ssyncadd.s32 @!p3 $0xFFFFFB00;
	s5 =	simm.s32 @!p2 $0x7  }
0x6f: {  	p5 =	por @p2 $0x1, $0x1;
	p0 =	por @!p3 $0x1, $0x1;
	_ =	swait.ge @!p2 [sflag:s5], $0x500  }
0x70: {  	p5 =	por @!p3 p0, p0;
	p0 =	por @!p2 $0x0, $0x0;
	[sflag:s5] =	ssyncset.done @!p2 $0x0  }
0x71: {  	p5 =	por @!p2 p0, p0;
	[sflag:s5] =	ssyncadd.s32 @!p2 $0xFFFFFB00  }
.LBB2_2:
0x72: {  	s5 =	simm.s32 $0x13F80  }
0x73: {  	[tilespmem:s5+$0xFFFFFF00] =	vst v0  }
0x74: {  	[tilespmem:s5+$0xF0] =	vst v0  }
0x75: {  	[tilespmem:s5+$0xE0] =	vst v0  }
0x76: {  	[tilespmem:s5+$0xD0] =	vst v0  }
0x77: {  	[tilespmem:s5+$0xC0] =	vst v0  }
0x78: {  	[tilespmem:s5+$0xB0] =	vst v0  }
0x79: {  	[tilespmem:s5+$0xA0] =	vst v0  }
0x7a: {  	[tilespmem:s5+$0x90] =	vst v0  }
0x7b: {  	[tilespmem:s5+$0x80] =	vst v0  }
0x7c: {  	[tilespmem:s5+$0x70] =	vst v0  }
0x7d: {  	[tilespmem:s5+$0x60] =	vst v0  }
0x7e: {  	[tilespmem:s5+$0x50] =	vst v0  }
0x7f: {  	[tilespmem:s5+$0x40] =	vst v0  }
0x80: {  	[tilespmem:s5+$0x30] =	vst v0  }
0x81: {  	[tilespmem:s5+$0x20] =	vst v0  }
0x82: {  	[tilespmem:s5+$0x10] =	vst v0  }
0x83: {  	[tilespmem:s5+$0x0] =	vst v0  }
0x84: {  	[tilespmem:s5+$0xFFFFFFF0] =	vst v0  }
0x85: {  	[tilespmem:s5+$0xFFFFFFE0] =	vst v0  }
0x86: {  	[tilespmem:s5+$0xFFFFFFD0] =	vst v0  }
0x87: {  	[tilespmem:s5+$0xFFFFFFC0] =	vst v0  }
0x88: {  	[tilespmem:s5+$0xFFFFFFB0] =	vst v0  }
0x89: {  	[tilespmem:s5+$0xFFFFFFA0] =	vst v0  }
0x8a: {  	[tilespmem:s5+$0xFFFFFF90] =	vst v0  }
0x8b: {  	[tilespmem:s5+$0xFFFFFF80] =	vst v0  }
0x8c: {  	[tilespmem:s5+$0xFFFFFF70] =	vst v0  }
0x8d: {  	[tilespmem:s5+$0xFFFFFF60] =	vst v0  }
0x8e: {  	[tilespmem:s5+$0xFFFFFF50] =	vst v0  }
0x8f: {  	[tilespmem:s5+$0xFFFFFF40] =	vst v0  }
0x90: {  	[tilespmem:s5+$0xFFFFFF30] =	vst v0  }
0x91: {  	s11 =	simm.s32 $0x0;
	[tilespmem:s5+$0xFFFFFF20] =	vst v0  }
.LBB2_3:
0x92: {  	s11 =	sadd.s32 $0x4, s11;
	[tilespmem:s5+$0xFFFFFF10] =	vst v0;
	s5 =	sadd.s32 $0x200, s5  }
0x93: {  	[tilespmem:s5+$0xFFFFFF00] =	vst v0;
	p0 =	slt.u32 s11, $0x4C  }
0x94: {  	[tilespmem:s5+$0xF0] =	vst v0  }
0x95: {  	[tilespmem:s5+$0xE0] =	vst v0  }
0x96: {  	[tilespmem:s5+$0xD0] =	vst v0  }
0x97: {  	[tilespmem:s5+$0xC0] =	vst v0  }
0x98: {  	[tilespmem:s5+$0xB0] =	vst v0  }
0x99: {  	[tilespmem:s5+$0xA0] =	vst v0  }
0x9a: {  	[tilespmem:s5+$0x90] =	vst v0  }
0x9b: {  	[tilespmem:s5+$0x80] =	vst v0  }
0x9c: {  	[tilespmem:s5+$0x70] =	vst v0  }
0x9d: {  	[tilespmem:s5+$0x60] =	vst v0  }
0x9e: {  	[tilespmem:s5+$0x50] =	vst v0  }
0x9f: {  	[tilespmem:s5+$0x40] =	vst v0  }
0xa0: {  	[tilespmem:s5+$0x30] =	vst v0  }
0xa1: {  	[tilespmem:s5+$0x20] =	vst v0  }
0xa2: {  	[tilespmem:s5+$0x10] =	vst v0  }
0xa3: {  	[tilespmem:s5+$0x0] =	vst v0  }
0xa4: {  	[tilespmem:s5+$0xFFFFFFF0] =	vst v0  }
0xa5: {  	[tilespmem:s5+$0xFFFFFFE0] =	vst v0  }
0xa6: {  	[tilespmem:s5+$0xFFFFFFD0] =	vst v0  }
0xa7: {  	[tilespmem:s5+$0xFFFFFFC0] =	vst v0  }
0xa8: {  	[tilespmem:s5+$0xFFFFFFB0] =	vst v0  }
0xa9: {  	[tilespmem:s5+$0xFFFFFFA0] =	vst v0  }
0xaa: {  	[tilespmem:s5+$0xFFFFFF90] =	vst v0  }
0xab: {  	[tilespmem:s5+$0xFFFFFF80] =	vst v0  }
0xac: {  	[tilespmem:s5+$0xFFFFFF70] =	vst v0  }
.Ltmp4:
0xad: {  	[tilespmem:s5+$0xFFFFFF60] =	vst v0;
	(pc) =	sbr.rel @p0 .LBB2_3-.Ltmp4, $4  }
0xae: {  	[tilespmem:s5+$0xFFFFFF50] =	vst v0  }
0xaf: {  	[tilespmem:s5+$0xFFFFFF40] =	vst v0  }
0xb0: {  	[tilespmem:s5+$0xFFFFFF30] =	vst v0  }
0xb1: {  	[tilespmem:s5+$0xFFFFFF20] =	vst v0  }
0xb2: {  	[tilespmem:s5+$0xFFFFFF10] =	vst v0  }
0xb3: {  	s5 =	rddreg [dreg:$0x9]  }
0xb4: {  	[spmem:s5] =	stream.linear.scatter [tilespmem:s29], [sflag:$0x7], $0x2800, $0x38;
	[tilespmem:$0x1DE80] =	vst v63  }
0xb5: {  	s14 =	rddreg [dreg:$0x15]  }
0xb6: {  	[spmem:s14] =	stream.linear.scatter [tilespmem:s29], [sflag:$0x7], $0x2800, $0x38;
	[tilespmem:$0x1DE80] =	vst v63  }
0xb7: {  	_ =	swait.ge [sflag:s13], $0x2800  }
0xb8: {  	[sflag:s13] =	ssyncset.done $0x0  }
0xb9: {  	[sflag:s13] =	ssyncadd.s32 $0xFFFFD800  }
0xba: {  	[spmem:s18] =	stream.linear.scatter [tilespmem:s29], [sflag:$0x7], $0x2800, $0x38;
	[tilespmem:$0x1DE80] =	vst v63  }
0xbb: {  	_ =	swait.ge [sflag:s13], $0x2800  }
0xbc: {  	[sflag:s13] =	ssyncset.done $0x0  }
0xbd: {  	[sflag:s13] =	ssyncadd.s32 $0xFFFFD800  }
0xbe: {  	[spmem:s19] =	stream.linear.scatter [tilespmem:s29], [sflag:$0x7], $0x2800, $0x38;
	[tilespmem:$0x1DE80] =	vst v63  }
0xbf: {  	_ =	swait.ge [sflag:s13], $0x2800  }
0xc0: {  	[sflag:s13] =	ssyncset.done $0x0  }
0xc1: {  	[sflag:s13] =	ssyncadd.s32 $0xFFFFD800  }
0xc2: {  	[spmem:s21] =	stream.linear.scatter [tilespmem:s29], [sflag:$0x7], $0x2800, $0x38;
	[tilespmem:$0x1DE80] =	vst v63  }
0xc3: {  	_ =	swait.ge [sflag:s13], $0x2800  }
0xc4: {  	[sflag:s13] =	ssyncset.done $0x0  }
0xc5: {  	[sflag:s13] =	ssyncadd.s32 $0xFFFFD800  }
0xc6: {  	[spmem:s23] =	stream.linear.scatter [tilespmem:s29], [sflag:$0x7], $0x2800, $0x38;
	[tilespmem:$0x1DE80] =	vst v63  }
0xc7: {  	_ =	swait.ge [sflag:s13], $0x2800  }
0xc8: {  	[sflag:s13] =	ssyncset.done $0x0  }
0xc9: {  	s31 =	rddreg [dreg:$0x1c];
	[sflag:s13] =	ssyncadd.s32 $0xFFFFD800  }
0xca: {  	[spmem:s31] =	stream.linear.scatter [tilespmem:s29], [sflag:$0x7], $0x2800, $0x38;
	[tilespmem:$0x1DE80] =	vst v63  }
0xcb: {  	_ =	swait.ge [sflag:s13], $0x2800  }
0xcc: {  	[sflag:s13] =	ssyncset.done $0x0  }
0xcd: {  	s5 =	simm.s32 @p2 $0x13E80;
	s11 =	rddreg [dreg:$0x1f];
	[sflag:s13] =	ssyncadd.s32 $0xFFFFD800  }
0xce: {  	[spmem:s11] =	stream.linear.scatter @p2 [tilespmem:s5], [sflag:$0x7], $0x2800, $0x38;
	[tilespmem:$0x1DE80] =	vst v63  }
0xcf: {  	s5 =	simm.s32 @p2 $0x7  }
0xd0: {  	_ =	swait.ge @p2 [sflag:s5], $0x2800  }
0xd1: {  	[sflag:s5] =	ssyncset.done @p2 $0x0  }
0xd2: {  	[sflag:s5] =	ssyncadd.s32 @p2 $0xFFFFD800;
	s5 =	simm.s32 @!p3 $0x7  }
0xd3: {  	_ =	swait.ge @!p3 [sflag:s5], $0x2800  }
0xd4: {  	[sflag:s5] =	ssyncset.done @!p3 $0x0  }
0xd5: {  	[sflag:s5] =	ssyncadd.s32 @!p3 $0xFFFFD800;
	s5 =	simm.s32 @!p2 $0x7  }
0xd6: {  	p5 =	por @p2 $0x1, $0x1;
	p0 =	por @!p3 $0x1, $0x1;
	_ =	swait.ge @!p2 [sflag:s5], $0x2800  }
0xd7: {  	p5 =	por @!p3 p0, p0;
	p0 =	por @!p2 $0x0, $0x0;
	[sflag:s5] =	ssyncset.done @!p2 $0x0  }
0xd8: {  	p5 =	por @!p2 p0, p0;
	[sflag:s5] =	ssyncadd.s32 @!p2 $0xFFFFD800  }
.LBB2_5:
0xd9: {  	[bflag:$0x0] =	sbarrier.arrive $0xFFFF  }
0xda: {  	s19 =	simm.s32 $0x0;
	s5 =	rddreg [dreg:$0xb]  }
0xdb: {  	[tilespmem:s15], [sflag:$0x1] =	stream.linear.gather [hbm4b:s5+s19], $0x50, $0x38;
	[tilespmem:$0x1DE80] =	vst v63  }
0xdc: {  	s11 =	rddreg [dreg:$0xc]  }
0xdd: {  	[tilespmem:s16], [sflag:$0x1] =	stream.linear.gather [hbm4b:s11+s19], $0x50, $0x38;
	[tilespmem:$0x1DE80] =	vst v63  }
0xde: {  	s12 =	rddreg [dreg:$0xd]  }
0xdf: {  	[tilespmem:s17], [sflag:$0x1] =	stream.linear.gather [hbm4b:s12+s19], $0x50, $0x38;
	[tilespmem:$0x1DE80] =	vst v63  }
0xe0: {  	s13 =	rddreg [dreg:$0xe];
	s11 =	simm.s32 $0x13900  }
0xe1: {  	[tilespmem:s11], [sflag:$0x2] =	stream.linear.gather [hbm4b:s13+s19], $0x50, $0x38;
	[tilespmem:$0x1DE80] =	vst v63  }
0xe2: {  	s18 =	simm.s32 $0x13B00;
	s14 =	rddreg [dreg:$0xf]  }
0xe3: {  	[tilespmem:s18], [sflag:$0x2] =	stream.linear.gather [hbm4b:s14+s19], $0x50, $0x38;
	[tilespmem:$0x1DE80] =	vst v63  }
0xe4: {  	s23 =	simm.s32 $0x13D00;
	s21 =	rddreg [dreg:$0x10]  }
0xe5: {  	[tilespmem:s23], [sflag:$0x2] =	stream.linear.gather [hbm4b:s21+s19], $0x50, $0x38;
	[tilespmem:$0x1DE80] =	vst v63  }
0xe6: {  	_ =	swait.ge [sflag:s22], $0x50  }
0xe7: {  	[sflag:s22] =	ssyncset.done $0x0  }
0xe8: {  	[sflag:s22] =	ssyncadd.s32 $0xFFFFFFB0  }
0xe9: {  	_ =	swait.ge [sflag:s22], $0x50  }
0xea: {  	[sflag:s22] =	ssyncset.done $0x0  }
0xeb: {  	[sflag:s22] =	ssyncadd.s32 $0xFFFFFFB0  }
0xec: {  	_ =	swait.ge [sflag:s22], $0x50  }
0xed: {  	[sflag:s22] =	ssyncset.done $0x0  }
0xee: {  	s31 =	simm.s32 $0x0;
	[sflag:s22] =	ssyncadd.s32 $0xFFFFFFB0  }
0xef: {  	[tilespmem:s29], [sflag:$0x3] =	stream.indirect.gather [hbm4b:s8+s24], $0x80, s15, s24, $0xb8;
	[tilespmem:$0x1DE80] =	vst v63  }
.LBB2_6:
0xf0: {  	_ =	swait.ge [sflag:s0], $0x50  }
0xf1: {  	[sflag:s0] =	ssyncset.done $0x0  }
0xf2: {  	[sflag:s0] =	ssyncadd.s32 $0xFFFFFFB0  }
0xf3: {  	_ =	swait.ge [sflag:s0], $0x50  }
0xf4: {  	[sflag:s0] =	ssyncset.done $0x0  }
0xf5: {  	[sflag:s0] =	ssyncadd.s32 $0xFFFFFFB0  }
0xf6: {  	_ =	swait.ge [sflag:s0], $0x50  }
0xf7: {  	s5 =	simm.s32 $0x13900;
	p6 =	seq.s32 s31, $0x0;
	[sflag:s0] =	ssyncset.done $0x0  }
0xf8: {  	s11 =	simm.s32 $0x16680;
	s18 =	smul.u32 @!p6 $0x140, s31;
	[sflag:s0] =	ssyncadd.s32 $0xFFFFFFB0  }
0xf9: {  	[tilespmem:s11], [sflag:$0x4] =	stream.indirect.gather [hbm4b:s8+s24], $0x80, s5, s24, $0xb8;
	[tilespmem:$0x1DE80] =	vst v63  }
0xfa: {  	_ =	swait.ge [sflag:s20], $0x2800  }
0xfb: {  	s5 =	sadd.s32 @!p6 $0xA0, s18;
	[sflag:s20] =	ssyncset.done $0x0  }
0xfc: {  	s11 =	simm.s32 @!p6 $0x5;
	s5 =	simm.s32 @p6 $0xA0;
	[sflag:s20] =	ssyncadd.s32 $0xFFFFD800  }
0xfd: {  	v1 =	vmov s19;
	s12 =	simm.s32 $0x1;
	s5 =	sadd.s32 s7, s5;
	_ =	swait.ge @!p6 [sflag:s11], $0x2800  }
0xfe: {  	s21 =	simm.s32 $0x2;
	v1 =	vand.u32 $0xFFFFFFFC, v1;
	v2 =	vmov s12;
	s5 =	sshrl.u32 s5, $0x3;
	[sflag:s11] =	ssyncset.done @!p6 $0x0  }
0xff: {  	s13 =	simm.s32 $0x13980;
	v3 =	vmov s21;
	v1 =	vbroadcast v1, $0x0;
	v2 =	vand.u32 $0xFFFFFFFD, v2;
	s23 =	sadd.s32 s2, s5;
	[sflag:s11] =	ssyncadd.s32 @!p6 $0xFFFFD800  }
0x100: {  	v3 =	vand.u32 $0xFFFFFFFE, v3;
	v2 =	vbroadcast v2, $0x0;
	[tilespmem:s13], [sflag:$0x1] =	stream.linear.gather [hbm4b:s23+s19], $0x50, $0x38;
	[tilespmem:$0x1DE80] =	vst v63  }
0x101: {  	s21 =	simm.s32 $0x13B80;
	v3 =	vbroadcast v3, $0x0;
	s14 =	sadd.s32 s1, s5  }
0x102: {  	[tilespmem:s21], [sflag:$0x1] =	stream.linear.gather [hbm4b:s14+s19], $0x50, $0x38;
	[tilespmem:$0x1DE80] =	vst v63  }
0x103: {  	s5 =	sadd.s32 s3, s5;
	s23 =	simm.s32 $0x13D80  }
0x104: {  	[tilespmem:s23], [sflag:$0x1] =	stream.linear.gather [hbm4b:s5+s19], $0x50, $0x38;
	[tilespmem:$0x1DE80] =	vst v63  }
0x105: {  	s11 =	simm.s32 $0x3;
	v6 =	vld.idx.msk [tilespmem:v1+s17+$0x0], $0xffff  }
0x106: {  	v1 =	vmov s11;
	v7 =	vld.idx.msk [tilespmem:v2+s17+$0x0], $0xffff  }
0x107: {  	s21 =	simm.s32 $0x13F80;
	v8 =	vld.idx.msk [tilespmem:v3+s17+$0x0], $0xffff  }
0x108: {  	v2 =	vld [tilespmem:s21+$0x0]  }
0x109: {  	v3 =	vld [tilespmem:s21+$0xFFFFFF00]  }
0x10a: {  	v4 =	vld [tilespmem:s21+$0xFFFFFF80]  }
0x10b: {  	v5 =	vld.idx.msk [tilespmem:v1+s17+$0x0], $0xffff  }
0x10c: {  	v1 =	vld [tilespmem:s21+$0x80]  }
0x10d: {  	v2 =	vmul.f32 v2, v8  }
0x10e: {  	s13 =	simm.s32 $0x18F80;
	v3 =	vmul.f32 v3, v6  }
0x10f: {  	v4 =	vmul.f32 v4, v7;
	[tilespmem:s13+$0x0] =	vst v2  }
0x110: {  	[tilespmem:s13+$0xFFFFFF00] =	vst v3;
	v2 =	vld [tilespmem:s21+$0x10]  }
0x111: {  	[tilespmem:s13+$0xFFFFFF80] =	vst v4;
	v3 =	vld [tilespmem:s21+$0xFFFFFF10];
	v1 =	vmul.f32 v1, v5  }
0x112: {  	v4 =	vld [tilespmem:s21+$0xFFFFFF90]  }
0x113: {  	[tilespmem:s13+$0x80] =	vst v1  }
0x114: {  	v1 =	vld [tilespmem:s21+$0x90]  }
0x115: {  	v2 =	vmul.f32 v2, v8  }
0x116: {  	v3 =	vmul.f32 v3, v6  }
0x117: {  	v4 =	vmul.f32 v4, v7;
	[tilespmem:s13+$0x10] =	vst v2  }
0x118: {  	[tilespmem:s13+$0xFFFFFF10] =	vst v3;
	v2 =	vld [tilespmem:s21+$0x20]  }
0x119: {  	[tilespmem:s13+$0xFFFFFF90] =	vst v4;
	v3 =	vld [tilespmem:s21+$0xFFFFFF20];
	v1 =	vmul.f32 v1, v5  }
0x11a: {  	v4 =	vld [tilespmem:s21+$0xFFFFFFA0]  }
0x11b: {  	[tilespmem:s13+$0x90] =	vst v1  }
0x11c: {  	v1 =	vld [tilespmem:s21+$0xA0]  }
0x11d: {  	s12 =	simm.s32 $0x4;
	v2 =	vmul.f32 v2, v8  }
0x11e: {  	v9 =	vmov s12;
	s14 =	simm.s32 $0x5;
	v3 =	vmul.f32 v3, v6  }
0x11f: {  	v9 =	vand.u32 $0xFFFFFFFC, v9;
	v10 =	vmov s14;
	s23 =	simm.s32 $0x7;
	v4 =	vmul.f32 v4, v7;
	[tilespmem:s13+$0x20] =	vst v2  }
0x120: {  	v9 =	vbroadcast v9, $0x0;
	v10 =	vand.u32 $0xFFFFFFFD, v10;
	v2 =	vmov s23;
	[tilespmem:s13+$0xFFFFFF20] =	vst v3;
	v3 =	vld [tilespmem:s21+$0x30]  }
0x121: {  	v10 =	vbroadcast v10, $0x0;
	[tilespmem:s13+$0xFFFFFFA0] =	vst v4;
	v11 =	vld [tilespmem:s21+$0xFFFFFF30];
	v1 =	vmul.f32 v1, v5  }
0x122: {  	v12 =	vld [tilespmem:s21+$0xFFFFFFB0]  }
0x123: {  	s11 =	simm.s32 $0x6;
	[tilespmem:s13+$0xA0] =	vst v1  }
0x124: {  	v1 =	vmov s11;
	v13 =	vld [tilespmem:s21+$0xB0]  }
0x125: {  	v4 =	vand.u32 $0xFFFFFFFE, v1;
	v1 =	vld.idx.msk [tilespmem:v2+s17+$0x0], $0xffff;
	v3 =	vmul.f32 v3, v8  }
0x126: {  	v2 =	vld.idx.msk [tilespmem:v9+s17+$0x0], $0xffff;
	v9 =	vmul.f32 v11, v6;
	v14 =	vbroadcast v4, $0x0  }
0x127: {  	v4 =	vld.idx.msk [tilespmem:v10+s17+$0x0], $0xffff;
	v10 =	vmul.f32 v12, v7;
	[tilespmem:s13+$0x30] =	vst v3  }
0x128: {  	s14 =	simm.s32 $0x14180;
	[tilespmem:s13+$0xFFFFFF30] =	vst v9;
	v9 =	vld [tilespmem:s21+$0x40]  }
0x129: {  	v12 =	vld [tilespmem:s14+$0x0];
	[tilespmem:s13+$0xFFFFFFB0] =	vst v10  }
0x12a: {  	v10 =	vld [tilespmem:s21+$0xFFFFFFC0]  }
0x12b: {  	v11 =	vld [tilespmem:s21+$0xFFFFFF40]  }
0x12c: {  	v3 =	vld.idx.msk [tilespmem:v14+s17+$0x0], $0xffff  }
0x12d: {  	v14 =	vld [tilespmem:s14+$0xFFFFFF00];
	v9 =	vmul.f32 v9, v8  }
0x12e: {  	v15 =	vld [tilespmem:s14+$0xFFFFFF80];
	v13 =	vmul.f32 v13, v5  }
0x12f: {  	v16 =	vld [tilespmem:s14+$0x80];
	v10 =	vmul.f32 v10, v7;
	[tilespmem:s13+$0x40] =	vst v9  }
0x130: {  	[tilespmem:s13+$0xB0] =	vst v13;
	v9 =	vmul.f32 v11, v6;
	v11 =	vld [tilespmem:s21+$0x50]  }
0x131: {  	[tilespmem:s13+$0xFFFFFFC0] =	vst v10;
	v10 =	vld [tilespmem:s21+$0xC0];
	v12 =	vmul.f32 v12, v3  }
0x132: {  	s5 =	simm.s32 $0x19180;
	[tilespmem:s13+$0xFFFFFF40] =	vst v9;
	v9 =	vmul.f32 v14, v2;
	v13 =	vld [tilespmem:s21+$0xFFFFFFD0]  }
0x133: {  	v14 =	vmul.f32 v15, v4;
	[tilespmem:s5+$0x0] =	vst v12;
	v12 =	vld [tilespmem:s21+$0xFFFFFF50]  }
0x134: {  	v15 =	vmul.f32 v16, v1;
	[tilespmem:s5+$0xFFFFFF00] =	vst v9;
	v9 =	vld [tilespmem:s14+$0x10]  }
0x135: {  	[tilespmem:s5+$0xFFFFFF80] =	vst v14;
	v16 =	vld [tilespmem:s14+$0xFFFFFF10];
	v11 =	vmul.f32 v11, v8  }
0x136: {  	[tilespmem:s5+$0x80] =	vst v15;
	v14 =	vld [tilespmem:s14+$0xFFFFFF90];
	v10 =	vmul.f32 v10, v5  }
0x137: {  	v15 =	vld [tilespmem:s14+$0x90];
	v13 =	vmul.f32 v13, v7;
	[tilespmem:s13+$0x50] =	vst v11  }
0x138: {  	[tilespmem:s13+$0xC0] =	vst v10;
	v11 =	vmul.f32 v12, v6;
	v12 =	vld [tilespmem:s21+$0x60]  }
0x139: {  	[tilespmem:s13+$0xFFFFFFD0] =	vst v13;
	v10 =	vld [tilespmem:s21+$0xD0];
	v9 =	vmul.f32 v9, v3  }
0x13a: {  	v13 =	vmul.f32 v16, v2;
	[tilespmem:s13+$0xFFFFFF50] =	vst v11;
	v11 =	vld [tilespmem:s21+$0xFFFFFFE0]  }
0x13b: {  	v14 =	vmul.f32 v14, v4;
	[tilespmem:s5+$0x10] =	vst v9;
	v9 =	vld [tilespmem:s21+$0xFFFFFF60]  }
0x13c: {  	v15 =	vmul.f32 v15, v1;
	[tilespmem:s5+$0xFFFFFF10] =	vst v13;
	v13 =	vld [tilespmem:s14+$0x20]  }
0x13d: {  	[tilespmem:s5+$0xFFFFFF90] =	vst v14;
	v16 =	vld [tilespmem:s14+$0xFFFFFF20];
	v12 =	vmul.f32 v12, v8  }
0x13e: {  	[tilespmem:s5+$0x90] =	vst v15;
	v10 =	vmul.f32 v10, v5  }
0x13f: {  	v17 =	vld [tilespmem:s14+$0xFFFFFFA0];
	v11 =	vmul.f32 v11, v7;
	[tilespmem:s13+$0x60] =	vst v12  }
0x140: {  	v18 =	vld [tilespmem:s14+$0xA0];
	[tilespmem:s13+$0xD0] =	vst v10;
	v9 =	vmul.f32 v9, v6  }
0x141: {  	v19 =	vld [tilespmem:s21+$0x70];
	v10 =	vmul.f32 v13, v3;
	[tilespmem:s13+$0xFFFFFFE0] =	vst v11  }
0x142: {  	s12 =	simm.s32 $0x8;
	s23 =	simm.s32 $0x9;
	v20 =	vld [tilespmem:s21+$0xE0];
	v11 =	vmul.f32 v16, v2;
	[tilespmem:s13+$0xFFFFFF60] =	vst v9  }
0x143: {  	v12 =	vmov s23;
	s23 =	simm.s32 $0xB;
	v14 =	vld [tilespmem:s21+$0xFFFFFFF0];
	v9 =	vmov s12;
	[tilespmem:s5+$0x20] =	vst v10  }
0x144: {  	v13 =	vmul.f32 v17, v4;
	v15 =	vld [tilespmem:s21+$0xFFFFFF70];
	v9 =	vand.u32 $0xFFFFFFFC, v9;
	[tilespmem:s5+$0xFFFFFF20] =	vst v11;
	v11 =	vmov s23  }
0x145: {  	v17 =	vmul.f32 v18, v1;
	v10 =	vand.u32 $0xFFFFFFFD, v12;
	v16 =	vld [tilespmem:s14+$0x30];
	v9 =	vbroadcast v9, $0x0  }
0x146: {  	[tilespmem:s5+$0xFFFFFFA0] =	vst v13;
	v10 =	vbroadcast v10, $0x0;
	v12 =	vld [tilespmem:s14+$0xFFFFFF30];
	v18 =	vmul.f32 v19, v8  }
0x147: {  	s11 =	simm.s32 $0xA;
	s12 =	simm.s32 $0xC;
	[tilespmem:s5+$0xA0] =	vst v17;
	v13 =	vld [tilespmem:s14+$0xFFFFFFB0];
	v17 =	vmul.f32 v20, v5  }
.LBB2_7:
0x148: {  	p0 =	slt.u32 s12, $0x4C;
	v8 =	vmov s11;
	v19 =	vld [tilespmem:s14+$0xB0];
	v14 =	vmul.f32 v14, v7;
	[tilespmem:s13+$0x70] =	vst v18;
	v7 =	vmov v4  }
0x149: {  	v4 =	vand.u32 $0xFFFFFFFE, v8;
	v8 =	vld.idx.msk [tilespmem:v11+s17+$0x0], $0xffff;
	v11 =	vmul.f32 v15, v6;
	[tilespmem:s13+$0xE0] =	vst v17;
	v6 =	vmov v2  }
0x14a: {  	v15 =	vbroadcast v4, $0x0;
	v16 =	vmul.f32 v16, v3;
	[tilespmem:s13+$0xFFFFFFF0] =	vst v14;
	v14 =	vld [tilespmem:s21+$0xF0];
	s21 =	smov.u32 s14  }
0x14b: {  	v2 =	vld.idx.msk [tilespmem:v9+s17+$0x0], $0xffff;
	v9 =	vmul.f32 v12, v6;
	[tilespmem:s13+$0xFFFFFF70] =	vst v11  }
0x14c: {  	v4 =	vld.idx.msk [tilespmem:v10+s17+$0x0], $0xffff;
	v10 =	vmul.f32 v13, v7;
	[tilespmem:s5+$0x30] =	vst v16  }
0x14d: {  	[tilespmem:s5+$0xFFFFFF30] =	vst v9;
	v9 =	vld [tilespmem:s14+$0x40];
	v11 =	vmul.f32 v19, v1  }
0x14e: {  	v12 =	vld [tilespmem:s14+$0xFFFFFF40];
	[tilespmem:s5+$0xFFFFFFB0] =	vst v10  }
0x14f: {  	v10 =	vld [tilespmem:s14+$0xFFFFFFC0];
	[tilespmem:s5+$0xB0] =	vst v11;
	v11 =	vmul.f32 v14, v5;
	v5 =	vmov v1;
	v1 =	vmov v8  }
0x150: {  	s14 =	sadd.s32 $0x200, s14;
	v8 =	vld.idx.msk [tilespmem:v15+s17+$0x0], $0xffff  }
0x151: {  	v13 =	vld [tilespmem:s14+$0x0];
	[tilespmem:s13+$0xF0] =	vst v11;
	s13 =	smov.u32 s5  }
0x152: {  	v11 =	vld [tilespmem:s14+$0xFFFFFF00];
	v9 =	vmul.f32 v9, v3  }
0x153: {  	v14 =	vld [tilespmem:s14+$0xFFFFFF80];
	v12 =	vmul.f32 v12, v6  }
0x154: {  	v15 =	vld [tilespmem:s14+$0x80];
	v10 =	vmul.f32 v10, v7;
	[tilespmem:s5+$0x40] =	vst v9  }
0x155: {  	[tilespmem:s5+$0xFFFFFF40] =	vst v12;
	v9 =	vld [tilespmem:s21+$0x50]  }
0x156: {  	v12 =	vmul.f32 v13, v8;
	[tilespmem:s5+$0xFFFFFFC0] =	vst v10;
	v10 =	vld [tilespmem:s21+$0xC0]  }
0x157: {  	s5 =	sadd.s32 $0x200, s5;
	v11 =	vmul.f32 v11, v2;
	v13 =	vld [tilespmem:s21+$0xFFFFFFD0]  }
0x158: {  	v14 =	vmul.f32 v14, v4;
	[tilespmem:s5+$0x0] =	vst v12;
	v12 =	vld [tilespmem:s21+$0xFFFFFF50]  }
0x159: {  	[tilespmem:s5+$0xFFFFFF00] =	vst v11;
	v11 =	vld [tilespmem:s14+$0x10];
	v15 =	vmul.f32 v15, v1  }
0x15a: {  	v16 =	vld [tilespmem:s14+$0xFFFFFF10];
	[tilespmem:s5+$0xFFFFFF80] =	vst v14;
	v9 =	vmul.f32 v9, v3  }
0x15b: {  	v14 =	vld [tilespmem:s14+$0xFFFFFF90];
	[tilespmem:s5+$0x80] =	vst v15;
	v10 =	vmul.f32 v10, v5  }
0x15c: {  	v15 =	vld [tilespmem:s14+$0x90];
	v13 =	vmul.f32 v13, v7;
	[tilespmem:s13+$0x50] =	vst v9  }
0x15d: {  	v9 =	vmul.f32 v12, v6;
	v12 =	vld [tilespmem:s21+$0x60];
	[tilespmem:s13+$0xC0] =	vst v10  }
0x15e: {  	v10 =	vmul.f32 v11, v8;
	[tilespmem:s13+$0xFFFFFFD0] =	vst v13;
	v11 =	vld [tilespmem:s21+$0xD0]  }
0x15f: {  	v13 =	vmul.f32 v16, v2;
	[tilespmem:s13+$0xFFFFFF50] =	vst v9;
	v9 =	vld [tilespmem:s21+$0xFFFFFFE0]  }
0x160: {  	v14 =	vmul.f32 v14, v4;
	[tilespmem:s5+$0x10] =	vst v10;
	v10 =	vld [tilespmem:s21+$0xFFFFFF60]  }
0x161: {  	[tilespmem:s5+$0xFFFFFF10] =	vst v13;
	v13 =	vld [tilespmem:s14+$0x20];
	v15 =	vmul.f32 v15, v1  }
0x162: {  	v16 =	vld [tilespmem:s14+$0xFFFFFF20];
	[tilespmem:s5+$0xFFFFFF90] =	vst v14;
	v12 =	vmul.f32 v12, v3  }
0x163: {  	v17 =	vld [tilespmem:s14+$0xFFFFFFA0];
	[tilespmem:s5+$0x90] =	vst v15;
	v11 =	vmul.f32 v11, v5  }
0x164: {  	v18 =	vld [tilespmem:s14+$0xA0];
	v9 =	vmul.f32 v9, v7;
	[tilespmem:s13+$0x60] =	vst v12  }
0x165: {  	v10 =	vmul.f32 v10, v6;
	v19 =	vld [tilespmem:s21+$0x70];
	[tilespmem:s13+$0xD0] =	vst v11  }
0x166: {  	s11 =	sadd.s32 $0x3, s12;
	v12 =	vmul.f32 v13, v8;
	[tilespmem:s13+$0xFFFFFFE0] =	vst v9;
	v20 =	vld [tilespmem:s21+$0xE0]  }
.Ltmp5:
0x167: {  	s23 =	sadd.s32 $0x1, s12;
	v11 =	vmov s11;
	v9 =	vmov s12;
	v13 =	vmul.f32 v16, v2;
	[tilespmem:s13+$0xFFFFFF60] =	vst v10;
	v14 =	vld [tilespmem:s21+$0xFFFFFFF0];
	(pc) =	sbr.rel @p0 .LBB2_7-.Ltmp5, $4  }
0x168: {  	v9 =	vand.u32 $0xFFFFFFFC, v9;
	v10 =	vmov s23;
	v17 =	vmul.f32 v17, v4;
	[tilespmem:s5+$0x20] =	vst v12;
	v15 =	vld [tilespmem:s21+$0xFFFFFF70]  }
0x169: {  	v9 =	vbroadcast v9, $0x0;
	v10 =	vand.u32 $0xFFFFFFFD, v10;
	[tilespmem:s5+$0xFFFFFF20] =	vst v13;
	v16 =	vld [tilespmem:s14+$0x30];
	v21 =	vmul.f32 v18, v1  }
0x16a: {  	v10 =	vbroadcast v10, $0x0;
	v12 =	vld [tilespmem:s14+$0xFFFFFF30];
	[tilespmem:s5+$0xFFFFFFA0] =	vst v17;
	v18 =	vmul.f32 v19, v3;
	v3 =	vmov v8  }
0x16b: {  	s11 =	sadd.s32 $0x2, s12;
	s12 =	sadd.s32 $0x4, s12;
	v13 =	vld [tilespmem:s14+$0xFFFFFFB0];
	[tilespmem:s5+$0xA0] =	vst v21;
	v17 =	vmul.f32 v20, v5  }
0x16c: {  	v8 =	vmov s11  }
0x16d: {  	v8 =	vand.u32 $0xFFFFFFFE, v8  }
0x16e: {  	v19 =	vbroadcast v8, $0x0;
	_ =	sdelay $0x2  }
0x16f: {  	v9 =	vld.idx.msk [tilespmem:v9+s17+$0x0], $0xffff  }
0x170: {  	v10 =	vld.idx.msk [tilespmem:v10+s17+$0x0], $0xffff  }
0x171: {  	v8 =	vld.idx.msk [tilespmem:v11+s17+$0x0], $0xffff  }
0x172: {  	s23 =	sadd.s32 $0x200, s14;
	v11 =	vld.idx.msk [tilespmem:v19+s17+$0x0], $0xffff  }
0x173: {  	v19 =	vld [tilespmem:s23+$0x0]  }
0x174: {  	v20 =	vld [tilespmem:s23+$0xFFFFFF80]  }
0x175: {  	v21 =	vld [tilespmem:s23+$0xFFFFFF00]  }
0x176: {  	v22 =	vld [tilespmem:s23+$0x80];
	_ =	sdelay $0x1  }
0x177: {  	v19 =	vmul.f32 v19, v11  }
0x178: {  	s12 =	sadd.s32 $0x200, s5;
	v20 =	vmul.f32 v20, v10  }
0x179: {  	v21 =	vmul.f32 v21, v9;
	[tilespmem:s12+$0x0] =	vst v19  }
0x17a: {  	v22 =	vmul.f32 v22, v8;
	[tilespmem:s12+$0xFFFFFF80] =	vst v20;
	v19 =	vld [tilespmem:s23+$0x10]  }
0x17b: {  	[tilespmem:s12+$0xFFFFFF00] =	vst v21;
	v20 =	vld [tilespmem:s23+$0xFFFFFF90]  }
0x17c: {  	v21 =	vld [tilespmem:s23+$0xFFFFFF10];
	[tilespmem:s12+$0x80] =	vst v22  }
0x17d: {  	v22 =	vld [tilespmem:s23+$0x90];
	_ =	sdelay $0x1  }
0x17e: {  	v19 =	vmul.f32 v19, v11  }
0x17f: {  	[tilespmem:s13+$0x70] =	vst v18;
	v18 =	vmul.f32 v20, v10  }
0x180: {  	[tilespmem:s12+$0x10] =	vst v19;
	v19 =	vmul.f32 v21, v9  }
0x181: {  	v20 =	vmul.f32 v22, v8;
	[tilespmem:s12+$0xFFFFFF90] =	vst v18;
	v18 =	vld [tilespmem:s23+$0x20]  }
0x182: {  	[tilespmem:s12+$0xFFFFFF10] =	vst v19;
	v19 =	vld [tilespmem:s23+$0xFFFFFFA0]  }
0x183: {  	v7 =	vmul.f32 v14, v7;
	[tilespmem:s12+$0x90] =	vst v20;
	v14 =	vld [tilespmem:s23+$0xFFFFFF20]  }
0x184: {  	v6 =	vmul.f32 v15, v6;
	[tilespmem:s13+$0xE0] =	vst v17;
	v15 =	vld [tilespmem:s23+$0xA0]  }
0x185: {  	v16 =	vmul.f32 v16, v3;
	[tilespmem:s13+$0xFFFFFFF0] =	vst v7  }
0x186: {  	[tilespmem:s13+$0xFFFFFF70] =	vst v6;
	v6 =	vmul.f32 v18, v11  }
0x187: {  	v7 =	vld [tilespmem:s14+$0xB0];
	[tilespmem:s5+$0x30] =	vst v16;
	v16 =	vmul.f32 v19, v10  }
0x188: {  	v17 =	vld [tilespmem:s21+$0xF0];
	v14 =	vmul.f32 v14, v9;
	[tilespmem:s12+$0x20] =	vst v6  }
0x189: {  	v15 =	vmul.f32 v15, v8;
	v6 =	vld [tilespmem:s23+$0x30];
	[tilespmem:s12+$0xFFFFFFA0] =	vst v16  }
0x18a: {  	v12 =	vmul.f32 v12, v2;
	[tilespmem:s12+$0xFFFFFF20] =	vst v14;
	v14 =	vld [tilespmem:s23+$0xFFFFFFB0]  }
0x18b: {  	v13 =	vmul.f32 v13, v4;
	[tilespmem:s12+$0xA0] =	vst v15;
	v16 =	vld [tilespmem:s23+$0xFFFFFF30]  }
0x18c: {  	[tilespmem:s5+$0xFFFFFF30] =	vst v12;
	v7 =	vmul.f32 v7, v1;
	v12 =	vld [tilespmem:s23+$0xB0]  }
0x18d: {  	[tilespmem:s5+$0xFFFFFFB0] =	vst v13;
	v5 =	vmul.f32 v17, v5;
	v15 =	vld [tilespmem:s14+$0x40]  }
0x18e: {  	v13 =	vld [tilespmem:s14+$0xFFFFFFC0];
	[tilespmem:s5+$0xB0] =	vst v7;
	v6 =	vmul.f32 v6, v11  }
0x18f: {  	v7 =	vld [tilespmem:s14+$0xFFFFFF40];
	[tilespmem:s13+$0xF0] =	vst v5;
	v5 =	vmul.f32 v14, v10  }
0x190: {  	v14 =	vld [tilespmem:s14+$0xC0];
	v16 =	vmul.f32 v16, v9;
	[tilespmem:s12+$0x30] =	vst v6  }
0x191: {  	v12 =	vmul.f32 v12, v8;
	v6 =	vld [tilespmem:s23+$0x40];
	[tilespmem:s12+$0xFFFFFFB0] =	vst v5  }
0x192: {  	v5 =	vmul.f32 v15, v3;
	[tilespmem:s12+$0xFFFFFF30] =	vst v16;
	v15 =	vld [tilespmem:s23+$0xFFFFFFC0]  }
0x193: {  	v13 =	vmul.f32 v13, v4;
	[tilespmem:s12+$0xB0] =	vst v12;
	v16 =	vld [tilespmem:s23+$0xFFFFFF40]  }
0x194: {  	v7 =	vmul.f32 v7, v2;
	[tilespmem:s5+$0x40] =	vst v5;
	v5 =	vld [tilespmem:s23+$0xC0]  }
0x195: {  	[tilespmem:s5+$0xFFFFFFC0] =	vst v13;
	v12 =	vld [tilespmem:s14+$0x50];
	v13 =	vmul.f32 v14, v1  }
0x196: {  	[tilespmem:s5+$0xFFFFFF40] =	vst v7;
	v7 =	vld [tilespmem:s14+$0xFFFFFFD0];
	v6 =	vmul.f32 v6, v11  }
0x197: {  	v14 =	vld [tilespmem:s14+$0xFFFFFF50];
	[tilespmem:s5+$0xC0] =	vst v13;
	v13 =	vmul.f32 v15, v10  }
0x198: {  	v15 =	vld [tilespmem:s14+$0xD0];
	v16 =	vmul.f32 v16, v9;
	[tilespmem:s12+$0x40] =	vst v6  }
0x199: {  	v5 =	vmul.f32 v5, v8;
	v6 =	vld [tilespmem:s23+$0x50];
	[tilespmem:s12+$0xFFFFFFC0] =	vst v13  }
0x19a: {  	v12 =	vmul.f32 v12, v3;
	[tilespmem:s12+$0xFFFFFF40] =	vst v16;
	v13 =	vld [tilespmem:s23+$0xFFFFFFD0]  }
0x19b: {  	v7 =	vmul.f32 v7, v4;
	[tilespmem:s12+$0xC0] =	vst v5;
	v16 =	vld [tilespmem:s23+$0xFFFFFF50]  }
0x19c: {  	v5 =	vmul.f32 v14, v2;
	[tilespmem:s5+$0x50] =	vst v12;
	v12 =	vld [tilespmem:s23+$0xD0]  }
0x19d: {  	[tilespmem:s5+$0xFFFFFFD0] =	vst v7;
	v14 =	vld [tilespmem:s14+$0x60];
	v7 =	vmul.f32 v15, v1  }
0x19e: {  	[tilespmem:s5+$0xFFFFFF50] =	vst v5;
	v5 =	vld [tilespmem:s14+$0xFFFFFFE0];
	v6 =	vmul.f32 v6, v11  }
0x19f: {  	v15 =	vld [tilespmem:s14+$0xFFFFFF60];
	[tilespmem:s5+$0xD0] =	vst v7;
	v7 =	vmul.f32 v13, v10  }
0x1a0: {  	v13 =	vld [tilespmem:s14+$0xE0];
	[tilespmem:s12+$0x50] =	vst v6;
	v6 =	vmul.f32 v16, v9  }
0x1a1: {  	v16 =	vld [tilespmem:s23+$0x60];
	[tilespmem:s12+$0xFFFFFFD0] =	vst v7;
	v7 =	vmul.f32 v12, v8  }
0x1a2: {  	v12 =	vmul.f32 v14, v3;
	[tilespmem:s12+$0xFFFFFF50] =	vst v6;
	v6 =	vld [tilespmem:s23+$0xFFFFFFE0]  }
0x1a3: {  	v5 =	vmul.f32 v5, v4;
	v14 =	vld [tilespmem:s23+$0xFFFFFF60];
	[tilespmem:s12+$0xD0] =	vst v7  }
0x1a4: {  	[tilespmem:s5+$0x60] =	vst v12;
	v7 =	vmul.f32 v15, v2;
	v12 =	vld [tilespmem:s23+$0xE0]  }
0x1a5: {  	[tilespmem:s5+$0xFFFFFFE0] =	vst v5;
	v15 =	vld [tilespmem:s14+$0x70];
	v5 =	vmul.f32 v13, v1  }
0x1a6: {  	[tilespmem:s5+$0xFFFFFF60] =	vst v7;
	v7 =	vld [tilespmem:s14+$0xFFFFFFF0];
	v13 =	vmul.f32 v16, v11  }
0x1a7: {  	v16 =	vld [tilespmem:s14+$0xFFFFFF70];
	[tilespmem:s5+$0xE0] =	vst v5;
	v5 =	vmul.f32 v6, v10  }
0x1a8: {  	v6 =	vld [tilespmem:s14+$0xF0];
	[tilespmem:s12+$0x60] =	vst v13;
	v13 =	vmul.f32 v14, v9  }
0x1a9: {  	v14 =	vld [tilespmem:s23+$0x70];
	[tilespmem:s12+$0xFFFFFFE0] =	vst v5;
	v5 =	vmul.f32 v12, v8  }
0x1aa: {  	v3 =	vmul.f32 v15, v3;
	[tilespmem:s12+$0xFFFFFF60] =	vst v13;
	v12 =	vld [tilespmem:s23+$0xFFFFFFF0]  }
0x1ab: {  	v4 =	vmul.f32 v7, v4;
	v7 =	vld [tilespmem:s23+$0xFFFFFF70];
	[tilespmem:s12+$0xE0] =	vst v5  }
0x1ac: {  	[tilespmem:s5+$0x70] =	vst v3;
	v2 =	vmul.f32 v16, v2;
	v3 =	vld [tilespmem:s23+$0xF0]  }
0x1ad: {  	[tilespmem:s5+$0xFFFFFFF0] =	vst v4;
	v1 =	vmul.f32 v6, v1  }
0x1ae: {  	[tilespmem:s5+$0xFFFFFF70] =	vst v2;
	v2 =	vmul.f32 v14, v11  }
0x1af: {  	[tilespmem:s5+$0xF0] =	vst v1;
	v1 =	vmul.f32 v12, v10  }
0x1b0: {  	[tilespmem:s12+$0x70] =	vst v2;
	v2 =	vmul.f32 v7, v9  }
0x1b1: {  	[tilespmem:s12+$0xFFFFFFF0] =	vst v1;
	v1 =	vmul.f32 v3, v8  }
0x1b2: {  	[tilespmem:s12+$0xFFFFFF70] =	vst v2  }
0x1b3: {  	[tilespmem:s12+$0xF0] =	vst v1  }
0x1b4: {  	[spmem:s4] =	stream.indirect.scatter.add.f32 [tilespmem:s25], [sflag:$0x5], $0x80, s16, s24, $0xb8;
	[tilespmem:$0x1DE80] =	vst v63  }
0x1b5: {  	_ =	swait.ge [sflag:s22], $0x50  }
0x1b6: {  	[sflag:s22] =	ssyncset.done $0x0  }
0x1b7: {  	[sflag:s22] =	ssyncadd.s32 $0xFFFFFFB0  }
0x1b8: {  	_ =	swait.ge [sflag:s22], $0x50  }
0x1b9: {  	[sflag:s22] =	ssyncset.done $0x0  }
0x1ba: {  	[sflag:s22] =	ssyncadd.s32 $0xFFFFFFB0  }
0x1bb: {  	_ =	swait.ge [sflag:s22], $0x50  }
0x1bc: {  	[sflag:s22] =	ssyncset.done $0x0  }
0x1bd: {  	s14 =	simm.s32 $0x13980;
	[sflag:s22] =	ssyncadd.s32 $0xFFFFFFB0  }
0x1be: {  	[tilespmem:s29], [sflag:$0x3] =	stream.indirect.gather [hbm4b:s8+s24], $0x80, s14, s24, $0xb8;
	[tilespmem:$0x1DE80] =	vst v63  }
0x1bf: {  	s11 =	simm.s32 $0x0;
	_ =	swait.ge [sflag:s26], $0x2800  }
0x1c0: {  	s21 =	simm.s32 $0x1;
	s5 =	sadd.s32 @!p6 $0xF0, s18;
	[sflag:s26] =	ssyncset.done $0x0  }
0x1c1: {  	s5 =	simm.s32 @p6 $0xF0;
	s12 =	simm.s32 @!p6 $0x6;
	v1 =	vmov s11;
	[sflag:s26] =	ssyncadd.s32 $0xFFFFD800  }
0x1c2: {  	s23 =	simm.s32 $0x3;
	s5 =	sadd.s32 s7, s5;
	v2 =	vmov s21;
	v1 =	vand.u32 $0x7C, v1;
	_ =	swait.ge @!p6 [sflag:s12], $0x2800  }
0x1c3: {  	s5 =	sshrl.u32 s5, $0x3;
	v3 =	vmov s23;
	v2 =	vand.u32 $0x7D, v2;
	v1 =	vor.u32 $0x80, v1;
	[sflag:s12] =	ssyncset.done @!p6 $0x0  }
0x1c4: {  	v3 =	vand.u32 $0x7F, v3;
	v2 =	vor.u32 $0x80, v2;
	v1 =	vbroadcast v1, $0x0;
	s14 =	sadd.s32 s2, s5;
	[sflag:s12] =	ssyncadd.s32 @!p6 $0xFFFFD800  }
0x1c5: {  	v3 =	vor.u32 $0x80, v3;
	v2 =	vbroadcast v2, $0x0;
	[tilespmem:s28], [sflag:$0x2] =	stream.linear.gather [hbm4b:s14+s11], $0x50, $0x38;
	[tilespmem:$0x1DE80] =	vst v63  }
0x1c6: {  	s18 =	sadd.s32 s1, s5;
	s21 =	simm.s32 $0x2;
	v3 =	vbroadcast v3, $0x0  }
0x1c7: {  	v4 =	vmov s21;
	[tilespmem:s30], [sflag:$0x2] =	stream.linear.gather [hbm4b:s18+s11], $0x50, $0x38;
	[tilespmem:$0x1DE80] =	vst v63  }
0x1c8: {  	s23 =	simm.s32 $0x13E00;
	v4 =	vand.u32 $0x7E, v4;
	s5 =	sadd.s32 s3, s5  }
0x1c9: {  	v4 =	vor.u32 $0x80, v4;
	[tilespmem:s23], [sflag:$0x2] =	stream.linear.gather [hbm4b:s5+s11], $0x50, $0x38;
	[tilespmem:$0x1DE80] =	vst v63  }
0x1ca: {  	v4 =	vbroadcast v4, $0x0;
	v6 =	vld.idx.msk [tilespmem:v1+s17+$0x0], $0xffff  }
0x1cb: {  	v7 =	vld.idx.msk [tilespmem:v2+s17+$0x0], $0xffff  }
0x1cc: {  	s5 =	simm.s32 $0x16870;
	v8 =	vld.idx.msk [tilespmem:v3+s17+$0x0], $0xffff  }
0x1cd: {  	v1 =	vld [tilespmem:s5+$0xFFFFFF90]  }
0x1ce: {  	v2 =	vld [tilespmem:s5+$0xFFFFFE10]  }
0x1cf: {  	v3 =	vld [tilespmem:s5+$0xFFFFFE90]  }
0x1d0: {  	v5 =	vld.idx.msk [tilespmem:v4+s17+$0x0], $0xffff  }
0x1d1: {  	v4 =	vld [tilespmem:s5+$0xFFFFFF10]  }
0x1d2: {  	v1 =	vmul.f32 v1, v8  }
0x1d3: {  	s14 =	simm.s32 $0x1B870;
	v2 =	vmul.f32 v2, v6  }
0x1d4: {  	v3 =	vmul.f32 v3, v7;
	[tilespmem:s14+$0xFFFFFF90] =	vst v1  }
0x1d5: {  	[tilespmem:s14+$0xFFFFFE10] =	vst v2;
	v1 =	vld [tilespmem:s5+$0xFFFFFFA0]  }
0x1d6: {  	v2 =	vmul.f32 v4, v5;
	[tilespmem:s14+$0xFFFFFE90] =	vst v3;
	v4 =	vld [tilespmem:s5+$0xFFFFFE20]  }
0x1d7: {  	v3 =	vld [tilespmem:s5+$0xFFFFFEA0]  }
0x1d8: {  	[tilespmem:s14+$0xFFFFFF10] =	vst v2  }
0x1d9: {  	v2 =	vld [tilespmem:s5+$0xFFFFFF20]  }
0x1da: {  	v1 =	vmul.f32 v1, v8  }
0x1db: {  	v4 =	vmul.f32 v4, v6  }
0x1dc: {  	v3 =	vmul.f32 v3, v7;
	[tilespmem:s14+$0xFFFFFFA0] =	vst v1  }
0x1dd: {  	[tilespmem:s14+$0xFFFFFE20] =	vst v4;
	v1 =	vld [tilespmem:s5+$0xFFFFFFB0]  }
0x1de: {  	v2 =	vmul.f32 v2, v5;
	[tilespmem:s14+$0xFFFFFEA0] =	vst v3;
	v4 =	vld [tilespmem:s5+$0xFFFFFE30]  }
0x1df: {  	s21 =	simm.s32 $0x6;
	v3 =	vld [tilespmem:s5+$0xFFFFFEB0]  }
0x1e0: {  	s13 =	simm.s32 $0x4;
	v11 =	vmov s21;
	[tilespmem:s14+$0xFFFFFF20] =	vst v2  }
0x1e1: {  	v11 =	vand.u32 $0x7E, v11;
	s18 =	simm.s32 $0x5;
	v2 =	vmov s13;
	v9 =	vld [tilespmem:s5+$0xFFFFFF30]  }
0x1e2: {  	v10 =	vmov s18;
	v2 =	vand.u32 $0x7C, v2;
	v1 =	vmul.f32 v1, v8  }
0x1e3: {  	v10 =	vand.u32 $0x7D, v10;
	v2 =	vor.u32 $0x80, v2;
	v4 =	vmul.f32 v4, v6  }
0x1e4: {  	v10 =	vor.u32 $0x80, v10;
	v2 =	vbroadcast v2, $0x0;
	v3 =	vmul.f32 v3, v7;
	[tilespmem:s14+$0xFFFFFFB0] =	vst v1  }
0x1e5: {  	v10 =	vbroadcast v10, $0x0;
	v1 =	vor.u32 $0x80, v11;
	[tilespmem:s14+$0xFFFFFE30] =	vst v4;
	v4 =	vld [tilespmem:s5+$0xFFFFFFC0]  }
0x1e6: {  	s23 =	simm.s32 $0x7;
	v9 =	vmul.f32 v9, v5;
	[tilespmem:s14+$0xFFFFFEB0] =	vst v3;
	v11 =	vbroadcast v1, $0x0;
	v12 =	vld [tilespmem:s5+$0xFFFFFE40]  }
0x1e7: {  	v1 =	vmov s23;
	v3 =	vld [tilespmem:s5+$0xFFFFFEC0]  }
0x1e8: {  	[tilespmem:s14+$0xFFFFFF30] =	vst v9;
	v1 =	vand.u32 $0x7F, v1  }
0x1e9: {  	v9 =	vld [tilespmem:s5+$0xFFFFFF40];
	v13 =	vor.u32 $0x80, v1  }
0x1ea: {  	v1 =	vld.idx.msk [tilespmem:v2+s17+$0x0], $0xffff;
	v13 =	vbroadcast v13, $0x0;
	v14 =	vmul.f32 v4, v8  }
0x1eb: {  	v4 =	vld.idx.msk [tilespmem:v10+s17+$0x0], $0xffff;
	v10 =	vmul.f32 v12, v6  }
0x1ec: {  	v3 =	vmul.f32 v3, v7;
	v2 =	vld.idx.msk [tilespmem:v11+s17+$0x0], $0xffff;
	[tilespmem:s14+$0xFFFFFFC0] =	vst v14  }
0x1ed: {  	[tilespmem:s14+$0xFFFFFE40] =	vst v10;
	v10 =	vld [tilespmem:s5+$0xFFFFFFD0]  }
0x1ee: {  	[tilespmem:s14+$0xFFFFFEC0] =	vst v3;
	v11 =	vld [tilespmem:s5+$0xFFFFFE50]  }
0x1ef: {  	v12 =	vld [tilespmem:s5+$0xFFFFFED0]  }
0x1f0: {  	s21 =	simm.s32 $0x16A70;
	v3 =	vld.idx.msk [tilespmem:v13+s17+$0x0], $0xffff  }
0x1f1: {  	v13 =	vld [tilespmem:s21+$0xFFFFFF90]  }
0x1f2: {  	v14 =	vld [tilespmem:s21+$0xFFFFFE10];
	v10 =	vmul.f32 v10, v8  }
0x1f3: {  	v15 =	vld [tilespmem:s21+$0xFFFFFE90];
	v9 =	vmul.f32 v9, v5  }
0x1f4: {  	v16 =	vld [tilespmem:s21+$0xFFFFFF10];
	v12 =	vmul.f32 v12, v7;
	[tilespmem:s14+$0xFFFFFFD0] =	vst v10  }
0x1f5: {  	[tilespmem:s14+$0xFFFFFF40] =	vst v9;
	v9 =	vmul.f32 v11, v6;
	v10 =	vld [tilespmem:s5+$0xFFFFFFE0]  }
0x1f6: {  	v11 =	vmul.f32 v13, v3;
	[tilespmem:s14+$0xFFFFFED0] =	vst v12;
	v12 =	vld [tilespmem:s5+$0xFFFFFF50]  }
0x1f7: {  	s18 =	simm.s32 $0x1BA70;
	[tilespmem:s14+$0xFFFFFE50] =	vst v9;
	v9 =	vmul.f32 v14, v1;
	v13 =	vld [tilespmem:s5+$0xFFFFFEE0]  }
0x1f8: {  	v14 =	vmul.f32 v15, v4;
	[tilespmem:s18+$0xFFFFFF90] =	vst v11;
	v11 =	vld [tilespmem:s5+$0xFFFFFE60]  }
0x1f9: {  	[tilespmem:s18+$0xFFFFFE10] =	vst v9;
	v9 =	vmul.f32 v16, v2;
	v15 =	vld [tilespmem:s21+$0xFFFFFFA0]  }
0x1fa: {  	[tilespmem:s18+$0xFFFFFE90] =	vst v14;
	v16 =	vld [tilespmem:s21+$0xFFFFFE20];
	v10 =	vmul.f32 v10, v8  }
0x1fb: {  	v14 =	vld [tilespmem:s21+$0xFFFFFEA0];
	[tilespmem:s18+$0xFFFFFF10] =	vst v9;
	v9 =	vmul.f32 v12, v5  }
0x1fc: {  	v12 =	vld [tilespmem:s21+$0xFFFFFF20];
	v13 =	vmul.f32 v13, v7;
	[tilespmem:s14+$0xFFFFFFE0] =	vst v10  }
0x1fd: {  	[tilespmem:s14+$0xFFFFFF50] =	vst v9;
	v10 =	vmul.f32 v11, v6;
	v9 =	vld [tilespmem:s5+$0xFFFFFFF0]  }
0x1fe: {  	v11 =	vmul.f32 v15, v3;
	[tilespmem:s14+$0xFFFFFEE0] =	vst v13;
	v13 =	vld [tilespmem:s5+$0xFFFFFF60]  }
0x1ff: {  	v15 =	vmul.f32 v16, v1;
	[tilespmem:s14+$0xFFFFFE60] =	vst v10;
	v10 =	vld [tilespmem:s5+$0xFFFFFEF0]  }
0x200: {  	v14 =	vmul.f32 v14, v4;
	[tilespmem:s18+$0xFFFFFFA0] =	vst v11;
	v11 =	vld [tilespmem:s5+$0xFFFFFE70]  }
0x201: {  	[tilespmem:s18+$0xFFFFFE20] =	vst v15;
	v12 =	vmul.f32 v12, v2;
	v15 =	vld [tilespmem:s21+$0xFFFFFFB0]  }
0x202: {  	[tilespmem:s18+$0xFFFFFEA0] =	vst v14;
	v16 =	vld [tilespmem:s21+$0xFFFFFE30];
	v9 =	vmul.f32 v9, v8  }
0x203: {  	s12 =	simm.s32 $0x8;
	v17 =	vld [tilespmem:s21+$0xFFFFFEB0];
	[tilespmem:s18+$0xFFFFFF20] =	vst v12;
	v12 =	vmul.f32 v13, v5  }
0x204: {  	s13 =	simm.s32 $0x9;
	v13 =	vmov s12;
	v18 =	vld [tilespmem:s21+$0xFFFFFF30];
	v10 =	vmul.f32 v10, v7;
	[tilespmem:s14+$0xFFFFFFF0] =	vst v9  }
0x205: {  	s23 =	simm.s32 $0xA;
	v14 =	vmov s13;
	[tilespmem:s14+$0xFFFFFF60] =	vst v12;
	v9 =	vand.u32 $0x7C, v13;
	v11 =	vmul.f32 v11, v6;
	v19 =	vld [tilespmem:s5+$0x0]  }
0x206: {  	v12 =	vmov s23;
	v15 =	vmul.f32 v15, v3;
	v13 =	vld [tilespmem:s5+$0xFFFFFF70];
	v9 =	vor.u32 $0x80, v9;
	[tilespmem:s14+$0xFFFFFEF0] =	vst v10  }
0x207: {  	v16 =	vmul.f32 v16, v1;
	v10 =	vand.u32 $0x7D, v14;
	v9 =	vbroadcast v9, $0x0;
	[tilespmem:s14+$0xFFFFFE70] =	vst v11;
	v14 =	vld [tilespmem:s5+$0xFFFFFF00]  }
0x208: {  	v20 =	vmul.f32 v17, v4;
	v10 =	vor.u32 $0x80, v10;
	v11 =	vand.u32 $0x7E, v12;
	[tilespmem:s18+$0xFFFFFFB0] =	vst v15;
	v15 =	vld [tilespmem:s5+$0xFFFFFE80]  }
0x209: {  	[tilespmem:s18+$0xFFFFFE30] =	vst v16;
	v17 =	vmul.f32 v18, v2;
	v10 =	vbroadcast v10, $0x0;
	v11 =	vor.u32 $0x80, v11;
	v16 =	vld [tilespmem:s21+$0xFFFFFFC0]  }
0x20a: {  	s11 =	simm.s32 $0xB;
	s13 =	simm.s32 $0xC;
	[tilespmem:s18+$0xFFFFFEB0] =	vst v20;
	v12 =	vld [tilespmem:s21+$0xFFFFFE40];
	v11 =	vbroadcast v11, $0x0;
	v18 =	vmul.f32 v19, v8  }
.LBB2_9:
0x20b: {  	p6 =	slt.u32 s13, $0x4C;
	v8 =	vmov s11;
	v19 =	vld [tilespmem:s21+$0xFFFFFEC0];
	[tilespmem:s18+$0xFFFFFF30] =	vst v17;
	v13 =	vmul.f32 v13, v5  }
0x20c: {  	v8 =	vand.u32 $0x7F, v8;
	v17 =	vld [tilespmem:s21+$0xFFFFFF40];
	v14 =	vmul.f32 v14, v7;
	[tilespmem:s14+$0x0] =	vst v18;
	v7 =	vmov v4  }
0x20d: {  	v4 =	vor.u32 $0x80, v8;
	v8 =	vmul.f32 v15, v6;
	[tilespmem:s14+$0xFFFFFF70] =	vst v13;
	v6 =	vmov v1;
	v1 =	vld.idx.msk [tilespmem:v9+s17+$0x0], $0xffff  }
0x20e: {  	v9 =	vbroadcast v4, $0x0;
	v13 =	vmul.f32 v16, v3;
	[tilespmem:s14+$0xFFFFFF00] =	vst v14;
	v14 =	vld [tilespmem:s5+$0xFFFFFF80];
	s5 =	smov.u32 s21  }
0x20f: {  	v4 =	vld.idx.msk [tilespmem:v10+s17+$0x0], $0xffff;
	v10 =	vmul.f32 v12, v6;
	[tilespmem:s14+$0xFFFFFE80] =	vst v8  }
0x210: {  	v8 =	vld.idx.msk [tilespmem:v11+s17+$0x0], $0xffff;
	v11 =	vmul.f32 v19, v7;
	[tilespmem:s18+$0xFFFFFFC0] =	vst v13  }
0x211: {  	[tilespmem:s18+$0xFFFFFE40] =	vst v10;
	v10 =	vmul.f32 v17, v2;
	v12 =	vld [tilespmem:s21+$0xFFFFFFD0]  }
0x212: {  	v13 =	vld [tilespmem:s21+$0xFFFFFE50];
	[tilespmem:s18+$0xFFFFFEC0] =	vst v11  }
0x213: {  	v11 =	vld [tilespmem:s21+$0xFFFFFED0];
	[tilespmem:s18+$0xFFFFFF40] =	vst v10;
	v10 =	vmul.f32 v14, v5;
	v5 =	vmov v2  }
0x214: {  	s21 =	sadd.s32 $0x200, s21;
	v19 =	vld.idx.msk [tilespmem:v9+s17+$0x0], $0xffff  }
0x215: {  	v9 =	vld [tilespmem:s21+$0xFFFFFF90];
	[tilespmem:s14+$0xFFFFFF80] =	vst v10;
	s14 =	smov.u32 s18  }
0x216: {  	v2 =	vmov v8;
	v10 =	vld [tilespmem:s21+$0xFFFFFE10];
	v12 =	vmul.f32 v12, v3  }
0x217: {  	v8 =	vld [tilespmem:s21+$0xFFFFFE90];
	v13 =	vmul.f32 v13, v6  }
0x218: {  	v14 =	vld [tilespmem:s21+$0xFFFFFF10];
	v11 =	vmul.f32 v11, v7;
	[tilespmem:s18+$0xFFFFFFD0] =	vst v12  }
0x219: {  	[tilespmem:s18+$0xFFFFFE50] =	vst v13;
	v12 =	vld [tilespmem:s5+$0xFFFFFFE0]  }
0x21a: {  	v9 =	vmul.f32 v9, v19;
	[tilespmem:s18+$0xFFFFFED0] =	vst v11;
	v11 =	vld [tilespmem:s5+$0xFFFFFF50]  }
0x21b: {  	s18 =	sadd.s32 $0x200, s18;
	v10 =	vmul.f32 v10, v1;
	v13 =	vld [tilespmem:s5+$0xFFFFFEE0]  }
0x21c: {  	v8 =	vmul.f32 v8, v4;
	[tilespmem:s18+$0xFFFFFF90] =	vst v9;
	v9 =	vld [tilespmem:s5+$0xFFFFFE60]  }
0x21d: {  	[tilespmem:s18+$0xFFFFFE10] =	vst v10;
	v10 =	vmul.f32 v14, v2;
	v14 =	vld [tilespmem:s21+$0xFFFFFFA0]  }
0x21e: {  	v15 =	vld [tilespmem:s21+$0xFFFFFE20];
	[tilespmem:s18+$0xFFFFFE90] =	vst v8;
	v8 =	vmul.f32 v12, v3  }
0x21f: {  	v12 =	vld [tilespmem:s21+$0xFFFFFEA0];
	[tilespmem:s18+$0xFFFFFF10] =	vst v10;
	v10 =	vmul.f32 v11, v5  }
0x220: {  	v11 =	vld [tilespmem:s21+$0xFFFFFF20];
	v13 =	vmul.f32 v13, v7;
	[tilespmem:s14+$0xFFFFFFE0] =	vst v8  }
0x221: {  	v8 =	vmul.f32 v9, v6;
	[tilespmem:s14+$0xFFFFFF50] =	vst v10;
	v9 =	vld [tilespmem:s5+$0xFFFFFFF0]  }
0x222: {  	v10 =	vmul.f32 v14, v19;
	[tilespmem:s14+$0xFFFFFEE0] =	vst v13;
	v13 =	vld [tilespmem:s5+$0xFFFFFF60]  }
0x223: {  	v14 =	vmul.f32 v15, v1;
	[tilespmem:s14+$0xFFFFFE60] =	vst v8;
	v8 =	vld [tilespmem:s5+$0xFFFFFEF0]  }
0x224: {  	v12 =	vmul.f32 v12, v4;
	[tilespmem:s18+$0xFFFFFFA0] =	vst v10;
	v10 =	vld [tilespmem:s5+$0xFFFFFE70]  }
0x225: {  	[tilespmem:s18+$0xFFFFFE20] =	vst v14;
	v11 =	vmul.f32 v11, v2;
	v14 =	vld [tilespmem:s21+$0xFFFFFFB0]  }
0x226: {  	v15 =	vld [tilespmem:s21+$0xFFFFFE30];
	[tilespmem:s18+$0xFFFFFEA0] =	vst v12;
	v9 =	vmul.f32 v9, v3  }
0x227: {  	v12 =	vld [tilespmem:s21+$0xFFFFFEB0];
	[tilespmem:s18+$0xFFFFFF20] =	vst v11;
	v11 =	vmul.f32 v13, v5  }
0x228: {  	s11 =	sadd.s32 $0x1, s13;
	v13 =	vmov s13;
	v16 =	vld [tilespmem:s21+$0xFFFFFF30];
	v8 =	vmul.f32 v8, v7;
	[tilespmem:s14+$0xFFFFFFF0] =	vst v9  }
0x229: {  	v17 =	vmov s11;
	s11 =	sadd.s32 $0x2, s13;
	v9 =	vand.u32 $0x7C, v13;
	v10 =	vmul.f32 v10, v6;
	[tilespmem:s14+$0xFFFFFF60] =	vst v11;
	v18 =	vld [tilespmem:s5+$0x0]  }
.Ltmp6:
0x22a: {  	v9 =	vor.u32 $0x80, v9;
	v11 =	vmov s11;
	v20 =	vmul.f32 v14, v19;
	[tilespmem:s14+$0xFFFFFEF0] =	vst v8;
	v13 =	vld [tilespmem:s5+$0xFFFFFF70];
	(pc) =	sbr.rel @p6 .LBB2_9-.Ltmp6, $4  }
0x22b: {  	v9 =	vbroadcast v9, $0x0;
	v8 =	vand.u32 $0x7D, v17;
	v17 =	vmul.f32 v15, v1;
	[tilespmem:s14+$0xFFFFFE70] =	vst v10;
	v14 =	vld [tilespmem:s5+$0xFFFFFF00]  }
0x22c: {  	v11 =	vand.u32 $0x7E, v11;
	v8 =	vor.u32 $0x80, v8;
	v21 =	vmul.f32 v12, v4;
	[tilespmem:s18+$0xFFFFFFB0] =	vst v20;
	v15 =	vld [tilespmem:s5+$0xFFFFFE80]  }
0x22d: {  	v10 =	vbroadcast v8, $0x0;
	v8 =	vor.u32 $0x80, v11;
	[tilespmem:s18+$0xFFFFFE30] =	vst v17;
	v17 =	vmul.f32 v16, v2;
	v16 =	vld [tilespmem:s21+$0xFFFFFFC0]  }
0x22e: {  	s11 =	sadd.s32 $0x3, s13;
	s13 =	sadd.s32 $0x4, s13;
	v11 =	vbroadcast v8, $0x0;
	v12 =	vld [tilespmem:s21+$0xFFFFFE40];
	[tilespmem:s18+$0xFFFFFEB0] =	vst v21;
	v18 =	vmul.f32 v18, v3;
	v3 =	vmov v19  }
0x22f: {  	v8 =	vmov s11  }
0x230: {  	v8 =	vand.u32 $0x7F, v8  }
0x231: {  	v8 =	vor.u32 $0x80, v8  }
0x232: {  	v19 =	vbroadcast v8, $0x0;
	_ =	sdelay $0x2  }
0x233: {  	v10 =	vld.idx.msk [tilespmem:v10+s17+$0x0], $0xffff  }
0x234: {  	v8 =	vld.idx.msk [tilespmem:v9+s17+$0x0], $0xffff  }
0x235: {  	v9 =	vld.idx.msk [tilespmem:v11+s17+$0x0], $0xffff  }
0x236: {  	s13 =	sadd.s32 $0x200, s21;
	v11 =	vld.idx.msk [tilespmem:v19+s17+$0x0], $0xffff  }
0x237: {  	v19 =	vld [tilespmem:s13+$0xFFFFFF90]  }
0x238: {  	v20 =	vld [tilespmem:s13+$0xFFFFFE90]  }
0x239: {  	v21 =	vld [tilespmem:s13+$0xFFFFFE10]  }
0x23a: {  	v22 =	vld [tilespmem:s13+$0xFFFFFF10];
	_ =	sdelay $0x1  }
0x23b: {  	v19 =	vmul.f32 v19, v11  }
0x23c: {  	s12 =	sadd.s32 $0x200, s18;
	v20 =	vmul.f32 v20, v10  }
0x23d: {  	v21 =	vmul.f32 v21, v8;
	[tilespmem:s12+$0xFFFFFF90] =	vst v19  }
0x23e: {  	[tilespmem:s12+$0xFFFFFE90] =	vst v20;
	v19 =	vmul.f32 v22, v9;
	v63 =	vld [tilespmem:s13+$0xFFFFFFA0]  }
0x23f: {  	v20 =	vld [tilespmem:s13+$0xFFFFFEA0];
	[tilespmem:s12+$0xFFFFFE10] =	vst v21  }
0x240: {  	v21 =	vld [tilespmem:s13+$0xFFFFFE20];
	[tilespmem:s12+$0xFFFFFF10] =	vst v19  }
0x241: {  	v19 =	vld [tilespmem:s13+$0xFFFFFF20];
	_ =	sdelay $0x1  }
0x242: {  	[tilespmem:s18+$0xFFFFFF30] =	vst v17;
	v17 =	vmul.f32 v63, v11  }
0x243: {  	[tilespmem:s14+$0x0] =	vst v18;
	v18 =	vmul.f32 v20, v10  }
0x244: {  	[tilespmem:s12+$0xFFFFFFA0] =	vst v17;
	v17 =	vmul.f32 v21, v8  }
0x245: {  	[tilespmem:s12+$0xFFFFFEA0] =	vst v18;
	v19 =	vmul.f32 v19, v9;
	v18 =	vld [tilespmem:s13+$0xFFFFFFB0]  }
0x246: {  	v13 =	vmul.f32 v13, v5;
	[tilespmem:s12+$0xFFFFFE20] =	vst v17;
	v17 =	vld [tilespmem:s13+$0xFFFFFEB0]  }
0x247: {  	v7 =	vmul.f32 v14, v7;
	[tilespmem:s12+$0xFFFFFF20] =	vst v19;
	v14 =	vld [tilespmem:s13+$0xFFFFFE30]  }
0x248: {  	v6 =	vmul.f32 v15, v6;
	[tilespmem:s14+$0xFFFFFF70] =	vst v13;
	v13 =	vld [tilespmem:s13+$0xFFFFFF30]  }
0x249: {  	v15 =	vmul.f32 v16, v3;
	[tilespmem:s14+$0xFFFFFF00] =	vst v7  }
0x24a: {  	v7 =	vld [tilespmem:s21+$0xFFFFFEC0];
	[tilespmem:s14+$0xFFFFFE80] =	vst v6;
	v6 =	vmul.f32 v18, v11  }
0x24b: {  	v16 =	vld [tilespmem:s21+$0xFFFFFF40];
	[tilespmem:s18+$0xFFFFFFC0] =	vst v15;
	v15 =	vmul.f32 v17, v10  }
0x24c: {  	v17 =	vld [tilespmem:s5+$0xFFFFFF80];
	v14 =	vmul.f32 v14, v8;
	[tilespmem:s12+$0xFFFFFFB0] =	vst v6  }
0x24d: {  	v6 =	vmul.f32 v13, v9;
	v13 =	vld [tilespmem:s13+$0xFFFFFFC0];
	[tilespmem:s12+$0xFFFFFEB0] =	vst v15  }
0x24e: {  	v12 =	vmul.f32 v12, v1;
	[tilespmem:s12+$0xFFFFFE30] =	vst v14;
	v14 =	vld [tilespmem:s13+$0xFFFFFEC0]  }
0x24f: {  	v7 =	vmul.f32 v7, v4;
	[tilespmem:s12+$0xFFFFFF30] =	vst v6;
	v15 =	vld [tilespmem:s13+$0xFFFFFE40]  }
0x250: {  	[tilespmem:s18+$0xFFFFFE40] =	vst v12;
	v6 =	vmul.f32 v16, v2;
	v12 =	vld [tilespmem:s13+$0xFFFFFF40]  }
0x251: {  	[tilespmem:s18+$0xFFFFFEC0] =	vst v7;
	v16 =	vld [tilespmem:s21+$0xFFFFFFD0];
	v5 =	vmul.f32 v17, v5  }
0x252: {  	v7 =	vld [tilespmem:s21+$0xFFFFFED0];
	[tilespmem:s18+$0xFFFFFF40] =	vst v6;
	v6 =	vmul.f32 v13, v11  }
0x253: {  	v13 =	vld [tilespmem:s21+$0xFFFFFE50];
	[tilespmem:s14+$0xFFFFFF80] =	vst v5;
	v5 =	vmul.f32 v14, v10  }
0x254: {  	v14 =	vld [tilespmem:s21+$0xFFFFFF50];
	v15 =	vmul.f32 v15, v8;
	[tilespmem:s12+$0xFFFFFFC0] =	vst v6  }
0x255: {  	v6 =	vmul.f32 v12, v9;
	v12 =	vld [tilespmem:s13+$0xFFFFFFD0];
	[tilespmem:s12+$0xFFFFFEC0] =	vst v5  }
0x256: {  	v5 =	vmul.f32 v16, v3;
	[tilespmem:s12+$0xFFFFFE40] =	vst v15;
	v15 =	vld [tilespmem:s13+$0xFFFFFED0]  }
0x257: {  	v7 =	vmul.f32 v7, v4;
	[tilespmem:s12+$0xFFFFFF40] =	vst v6;
	v16 =	vld [tilespmem:s13+$0xFFFFFE50]  }
0x258: {  	v6 =	vmul.f32 v13, v1;
	[tilespmem:s18+$0xFFFFFFD0] =	vst v5;
	v5 =	vld [tilespmem:s13+$0xFFFFFF50]  }
0x259: {  	[tilespmem:s18+$0xFFFFFED0] =	vst v7;
	v13 =	vld [tilespmem:s21+$0xFFFFFFE0];
	v7 =	vmul.f32 v14, v2  }
0x25a: {  	[tilespmem:s18+$0xFFFFFE50] =	vst v6;
	v6 =	vld [tilespmem:s21+$0xFFFFFEE0];
	v12 =	vmul.f32 v12, v11  }
0x25b: {  	v14 =	vld [tilespmem:s21+$0xFFFFFE60];
	[tilespmem:s18+$0xFFFFFF50] =	vst v7;
	v7 =	vmul.f32 v15, v10  }
0x25c: {  	v15 =	vld [tilespmem:s21+$0xFFFFFF60];
	v16 =	vmul.f32 v16, v8;
	[tilespmem:s12+$0xFFFFFFD0] =	vst v12  }
0x25d: {  	v5 =	vmul.f32 v5, v9;
	v12 =	vld [tilespmem:s13+$0xFFFFFFE0];
	[tilespmem:s12+$0xFFFFFED0] =	vst v7  }
0x25e: {  	v7 =	vmul.f32 v13, v3;
	[tilespmem:s12+$0xFFFFFE50] =	vst v16;
	v13 =	vld [tilespmem:s13+$0xFFFFFEE0]  }
0x25f: {  	v6 =	vmul.f32 v6, v4;
	[tilespmem:s12+$0xFFFFFF50] =	vst v5;
	v16 =	vld [tilespmem:s13+$0xFFFFFE60]  }
0x260: {  	[tilespmem:s18+$0xFFFFFFE0] =	vst v7;
	v5 =	vmul.f32 v14, v1;
	v7 =	vld [tilespmem:s13+$0xFFFFFF60]  }
0x261: {  	v14 =	vld [tilespmem:s21+$0xFFFFFFF0];
	[tilespmem:s18+$0xFFFFFEE0] =	vst v6;
	v6 =	vmul.f32 v15, v2  }
0x262: {  	[tilespmem:s18+$0xFFFFFE60] =	vst v5;
	v5 =	vld [tilespmem:s21+$0xFFFFFEF0];
	v12 =	vmul.f32 v12, v11  }
0x263: {  	v15 =	vld [tilespmem:s21+$0xFFFFFE70];
	[tilespmem:s18+$0xFFFFFF60] =	vst v6;
	v6 =	vmul.f32 v13, v10  }
0x264: {  	v13 =	vld [tilespmem:s21+$0xFFFFFF70];
	[tilespmem:s12+$0xFFFFFFE0] =	vst v12;
	v12 =	vmul.f32 v16, v8  }
0x265: {  	v16 =	vld [tilespmem:s13+$0xFFFFFFF0];
	[tilespmem:s12+$0xFFFFFEE0] =	vst v6;
	v6 =	vmul.f32 v7, v9  }
0x266: {  	v7 =	vmul.f32 v14, v3;
	[tilespmem:s12+$0xFFFFFE60] =	vst v12;
	v12 =	vld [tilespmem:s13+$0xFFFFFEF0]  }
0x267: {  	v5 =	vmul.f32 v5, v4;
	v14 =	vld [tilespmem:s13+$0xFFFFFE70];
	[tilespmem:s12+$0xFFFFFF60] =	vst v6  }
0x268: {  	[tilespmem:s18+$0xFFFFFFF0] =	vst v7;
	v6 =	vmul.f32 v15, v1;
	v7 =	vld [tilespmem:s13+$0xFFFFFF70]  }
0x269: {  	v15 =	vld [tilespmem:s21+$0x0];
	[tilespmem:s18+$0xFFFFFEF0] =	vst v5;
	v5 =	vmul.f32 v13, v2  }
0x26a: {  	[tilespmem:s18+$0xFFFFFE70] =	vst v6;
	v6 =	vld [tilespmem:s21+$0xFFFFFF00];
	v13 =	vmul.f32 v16, v11  }
0x26b: {  	v16 =	vld [tilespmem:s21+$0xFFFFFE80];
	[tilespmem:s18+$0xFFFFFF70] =	vst v5;
	v5 =	vmul.f32 v12, v10  }
0x26c: {  	v12 =	vld [tilespmem:s21+$0xFFFFFF80];
	[tilespmem:s12+$0xFFFFFFF0] =	vst v13;
	v13 =	vmul.f32 v14, v8  }
0x26d: {  	v14 =	vld [tilespmem:s13+$0x0];
	[tilespmem:s12+$0xFFFFFEF0] =	vst v5;
	v5 =	vmul.f32 v7, v9  }
0x26e: {  	v3 =	vmul.f32 v15, v3;
	[tilespmem:s12+$0xFFFFFE70] =	vst v13;
	v7 =	vld [tilespmem:s13+$0xFFFFFF00]  }
0x26f: {  	v4 =	vmul.f32 v6, v4;
	v6 =	vld [tilespmem:s13+$0xFFFFFE80];
	[tilespmem:s12+$0xFFFFFF70] =	vst v5  }
0x270: {  	[tilespmem:s18+$0x0] =	vst v3;
	v1 =	vmul.f32 v16, v1;
	v3 =	vld [tilespmem:s13+$0xFFFFFF80]  }
0x271: {  	[tilespmem:s18+$0xFFFFFF00] =	vst v4;
	v2 =	vmul.f32 v12, v2  }
0x272: {  	[tilespmem:s18+$0xFFFFFE80] =	vst v1;
	v1 =	vmul.f32 v14, v11  }
0x273: {  	[tilespmem:s18+$0xFFFFFF80] =	vst v2;
	v2 =	vmul.f32 v7, v10  }
0x274: {  	[tilespmem:s12+$0x0] =	vst v1;
	v1 =	vmul.f32 v6, v8  }
0x275: {  	[tilespmem:s12+$0xFFFFFF00] =	vst v2;
	v2 =	vmul.f32 v3, v9  }
0x276: {  	[tilespmem:s12+$0xFFFFFE80] =	vst v1  }
0x277: {  	s11 =	simm.s32 $0x13B00;
	[tilespmem:s12+$0xFFFFFF80] =	vst v2  }
0x278: {  	[spmem:s4] =	stream.indirect.scatter.add.f32 [tilespmem:s9], [sflag:$0x6], $0x80, s11, s24, $0xb8;
	[tilespmem:$0x1DE80] =	vst v63  }
0x279: {  	_ =	swait.ge [sflag:s0], $0x50  }
0x27a: {  	[sflag:s0] =	ssyncset.done $0x0  }
0x27b: {  	[sflag:s0] =	ssyncadd.s32 $0xFFFFFFB0  }
0x27c: {  	_ =	swait.ge [sflag:s0], $0x50  }
0x27d: {  	[sflag:s0] =	ssyncset.done $0x0  }
0x27e: {  	[sflag:s0] =	ssyncadd.s32 $0xFFFFFFB0  }
0x27f: {  	_ =	swait.ge [sflag:s0], $0x50  }
0x280: {  	[sflag:s0] =	ssyncset.done $0x0  }
0x281: {  	s12 =	simm.s32 $0x16680;
	[sflag:s0] =	ssyncadd.s32 $0xFFFFFFB0  }
0x282: {  	[tilespmem:s12], [sflag:$0x4] =	stream.indirect.gather [hbm4b:s8+s24], $0x80, s28, s24, $0xb8;
	[tilespmem:$0x1DE80] =	vst v63  }
0x283: {  	_ =	swait.ge [sflag:s20], $0x2800  }
0x284: {  	[sflag:s20] =	ssyncset.done $0x0  }
0x285: {  	[sflag:s20] =	ssyncadd.s32 $0xFFFFD800  }
0x286: {  	_ =	swait.ge [sflag:s10], $0x2800  }
0x287: {  	s14 =	sld [smem:$0x7F3]  }
0x288: {  	s5 =	simm.s32 $0x0;
	s18 =	smul.u32 $0x140, s31  }
0x289: {  	s13 =	simm.s32 $0x1;
	v1 =	vmov s5  }
0x28a: {  	s21 =	simm.s32 $0x3;
	v1 =	vand.u32 $0x7C, v1;
	v2 =	vmov s13;
	s12 =	sadd.s32 s18, s14  }
0x28b: {  	v3 =	vmov s21;
	v1 =	vor.u32 $0x100, v1;
	v2 =	vand.u32 $0x7D, v2;
	[sflag:s10] =	ssyncset.done $0x0;
	s12 =	sshrl.u32 s12, $0x3  }
0x28c: {  	v3 =	vand.u32 $0x7F, v3;
	v1 =	vbroadcast v1, $0x0;
	v2 =	vor.u32 $0x100, v2;
	[sflag:s10] =	ssyncadd.s32 $0xFFFFD800;
	s23 =	sadd.s32 s2, s12  }
0x28d: {  	v3 =	vor.u32 $0x100, v3;
	v2 =	vbroadcast v2, $0x0;
	[tilespmem:s15], [sflag:$0x1] =	stream.linear.gather [hbm4b:s23+s5], $0x50, $0x38;
	[tilespmem:$0x1DE80] =	vst v63  }
0x28e: {  	v3 =	vbroadcast v3, $0x0;
	s14 =	simm.s32 $0x2;
	s13 =	sadd.s32 s1, s12  }
0x28f: {  	v4 =	vmov s14;
	[tilespmem:s16], [sflag:$0x1] =	stream.linear.gather [hbm4b:s13+s5], $0x50, $0x38;
	[tilespmem:$0x1DE80] =	vst v63  }
0x290: {  	s21 =	sadd.s32 s3, s12;
	v4 =	vand.u32 $0x7E, v4  }
0x291: {  	v4 =	vor.u32 $0x100, v4;
	[tilespmem:s17], [sflag:$0x1] =	stream.linear.gather [hbm4b:s21+s5], $0x50, $0x38;
	[tilespmem:$0x1DE80] =	vst v63  }
0x292: {  	v4 =	vbroadcast v4, $0x0;
	v6 =	vld.idx.msk [tilespmem:v1+s17+$0x0], $0xffff  }
0x293: {  	v7 =	vld.idx.msk [tilespmem:v2+s17+$0x0], $0xffff  }
0x294: {  	s13 =	simm.s32 $0x13F80;
	v8 =	vld.idx.msk [tilespmem:v3+s17+$0x0], $0xffff  }
0x295: {  	v1 =	vld [tilespmem:s13+$0x80]  }
0x296: {  	v2 =	vld [tilespmem:s13+$0xFFFFFF00]  }
0x297: {  	v3 =	vld [tilespmem:s13+$0xFFFFFF80]  }
0x298: {  	v5 =	vld.idx.msk [tilespmem:v4+s17+$0x0], $0xffff  }
0x299: {  	v4 =	vld [tilespmem:s13+$0x0]  }
0x29a: {  	v1 =	vmul.f32 v1, v8  }
0x29b: {  	s5 =	simm.s32 $0x18F80;
	v2 =	vmul.f32 v2, v6  }
0x29c: {  	v3 =	vmul.f32 v3, v7;
	[tilespmem:s5+$0x80] =	vst v1  }
0x29d: {  	[tilespmem:s5+$0xFFFFFF00] =	vst v2;
	v1 =	vld [tilespmem:s13+$0x90]  }
0x29e: {  	v2 =	vmul.f32 v4, v5;
	[tilespmem:s5+$0xFFFFFF80] =	vst v3;
	v4 =	vld [tilespmem:s13+$0xFFFFFF10]  }
0x29f: {  	v3 =	vld [tilespmem:s13+$0xFFFFFF90]  }
0x2a0: {  	[tilespmem:s5+$0x0] =	vst v2  }
0x2a1: {  	v2 =	vld [tilespmem:s13+$0x10]  }
0x2a2: {  	v1 =	vmul.f32 v1, v8  }
0x2a3: {  	v4 =	vmul.f32 v4, v6  }
0x2a4: {  	v3 =	vmul.f32 v3, v7;
	[tilespmem:s5+$0x90] =	vst v1  }
0x2a5: {  	[tilespmem:s5+$0xFFFFFF10] =	vst v4;
	v1 =	vld [tilespmem:s13+$0xA0]  }
0x2a6: {  	v2 =	vmul.f32 v2, v5;
	[tilespmem:s5+$0xFFFFFF90] =	vst v3;
	v4 =	vld [tilespmem:s13+$0xFFFFFF20]  }
0x2a7: {  	v3 =	vld [tilespmem:s13+$0xFFFFFFA0]  }
0x2a8: {  	s14 =	simm.s32 $0x6;
	s12 =	simm.s32 $0x5;
	s23 =	simm.s32 $0x4;
	[tilespmem:s5+$0x10] =	vst v2  }
0x2a9: {  	v11 =	vmov s14;
	v10 =	vmov s12;
	v2 =	vmov s23;
	v9 =	vld [tilespmem:s13+$0x20]  }
0x2aa: {  	v11 =	vand.u32 $0x7E, v11;
	v2 =	vand.u32 $0x7C, v2;
	v1 =	vmul.f32 v1, v8  }
0x2ab: {  	v10 =	vand.u32 $0x7D, v10;
	v2 =	vor.u32 $0x100, v2;
	v4 =	vmul.f32 v4, v6  }
0x2ac: {  	v10 =	vor.u32 $0x100, v10;
	v2 =	vbroadcast v2, $0x0;
	v3 =	vmul.f32 v3, v7;
	[tilespmem:s5+$0xA0] =	vst v1  }
0x2ad: {  	v10 =	vbroadcast v10, $0x0;
	v1 =	vor.u32 $0x100, v11;
	[tilespmem:s5+$0xFFFFFF20] =	vst v4;
	v4 =	vld [tilespmem:s13+$0xB0]  }
0x2ae: {  	s21 =	simm.s32 $0x7;
	v9 =	vmul.f32 v9, v5;
	[tilespmem:s5+$0xFFFFFFA0] =	vst v3;
	v11 =	vbroadcast v1, $0x0;
	v12 =	vld [tilespmem:s13+$0xFFFFFF30]  }
0x2af: {  	v1 =	vmov s21;
	v3 =	vld [tilespmem:s13+$0xFFFFFFB0]  }
0x2b0: {  	[tilespmem:s5+$0x20] =	vst v9;
	v1 =	vand.u32 $0x7F, v1  }
0x2b1: {  	v9 =	vld [tilespmem:s13+$0x30];
	v13 =	vor.u32 $0x100, v1  }
0x2b2: {  	v1 =	vld.idx.msk [tilespmem:v2+s17+$0x0], $0xffff;
	v13 =	vbroadcast v13, $0x0;
	v14 =	vmul.f32 v4, v8  }
0x2b3: {  	v4 =	vld.idx.msk [tilespmem:v10+s17+$0x0], $0xffff;
	v10 =	vmul.f32 v12, v6  }
0x2b4: {  	v3 =	vmul.f32 v3, v7;
	v2 =	vld.idx.msk [tilespmem:v11+s17+$0x0], $0xffff;
	[tilespmem:s5+$0xB0] =	vst v14  }
0x2b5: {  	[tilespmem:s5+$0xFFFFFF30] =	vst v10;
	v10 =	vld [tilespmem:s13+$0xC0]  }
0x2b6: {  	[tilespmem:s5+$0xFFFFFFB0] =	vst v3;
	v11 =	vld [tilespmem:s13+$0xFFFFFF40]  }
0x2b7: {  	v12 =	vld [tilespmem:s13+$0xFFFFFFC0]  }
0x2b8: {  	s14 =	simm.s32 $0x14180;
	v3 =	vld.idx.msk [tilespmem:v13+s17+$0x0], $0xffff  }
0x2b9: {  	v13 =	vld [tilespmem:s14+$0x80]  }
0x2ba: {  	v14 =	vld [tilespmem:s14+$0xFFFFFF00];
	v10 =	vmul.f32 v10, v8  }
0x2bb: {  	v15 =	vld [tilespmem:s14+$0xFFFFFF80];
	v9 =	vmul.f32 v9, v5  }
0x2bc: {  	v16 =	vld [tilespmem:s14+$0x0];
	v12 =	vmul.f32 v12, v7;
	[tilespmem:s5+$0xC0] =	vst v10  }
0x2bd: {  	[tilespmem:s5+$0x30] =	vst v9;
	v9 =	vmul.f32 v11, v6;
	v10 =	vld [tilespmem:s13+$0xD0]  }
0x2be: {  	v11 =	vmul.f32 v13, v3;
	[tilespmem:s5+$0xFFFFFFC0] =	vst v12;
	v12 =	vld [tilespmem:s13+$0x40]  }
0x2bf: {  	s21 =	simm.s32 $0x19180;
	[tilespmem:s5+$0xFFFFFF40] =	vst v9;
	v9 =	vmul.f32 v14, v1;
	v13 =	vld [tilespmem:s13+$0xFFFFFFD0]  }
0x2c0: {  	v14 =	vmul.f32 v15, v4;
	[tilespmem:s21+$0x80] =	vst v11;
	v11 =	vld [tilespmem:s13+$0xFFFFFF50]  }
0x2c1: {  	[tilespmem:s21+$0xFFFFFF00] =	vst v9;
	v9 =	vmul.f32 v16, v2;
	v15 =	vld [tilespmem:s14+$0x90]  }
0x2c2: {  	[tilespmem:s21+$0xFFFFFF80] =	vst v14;
	v16 =	vld [tilespmem:s14+$0xFFFFFF10];
	v10 =	vmul.f32 v10, v8  }
0x2c3: {  	v14 =	vld [tilespmem:s14+$0xFFFFFF90];
	[tilespmem:s21+$0x0] =	vst v9;
	v9 =	vmul.f32 v12, v5  }
0x2c4: {  	v12 =	vld [tilespmem:s14+$0x10];
	v13 =	vmul.f32 v13, v7;
	[tilespmem:s5+$0xD0] =	vst v10  }
0x2c5: {  	[tilespmem:s5+$0x40] =	vst v9;
	v10 =	vmul.f32 v11, v6;
	v9 =	vld [tilespmem:s13+$0xE0]  }
0x2c6: {  	v11 =	vmul.f32 v15, v3;
	[tilespmem:s5+$0xFFFFFFD0] =	vst v13;
	v13 =	vld [tilespmem:s13+$0x50]  }
0x2c7: {  	v15 =	vmul.f32 v16, v1;
	[tilespmem:s5+$0xFFFFFF50] =	vst v10;
	v10 =	vld [tilespmem:s13+$0xFFFFFFE0]  }
0x2c8: {  	v14 =	vmul.f32 v14, v4;
	[tilespmem:s21+$0x90] =	vst v11;
	v11 =	vld [tilespmem:s13+$0xFFFFFF60]  }
0x2c9: {  	[tilespmem:s21+$0xFFFFFF10] =	vst v15;
	v12 =	vmul.f32 v12, v2;
	v15 =	vld [tilespmem:s14+$0xA0]  }
0x2ca: {  	[tilespmem:s21+$0xFFFFFF90] =	vst v14;
	v16 =	vld [tilespmem:s14+$0xFFFFFF20];
	v9 =	vmul.f32 v9, v8  }
0x2cb: {  	s23 =	simm.s32 $0x8;
	v17 =	vld [tilespmem:s14+$0xFFFFFFA0];
	[tilespmem:s21+$0x10] =	vst v12;
	v12 =	vmul.f32 v13, v5  }
0x2cc: {  	s12 =	simm.s32 $0x9;
	v13 =	vmov s23;
	v18 =	vld [tilespmem:s14+$0x20];
	v10 =	vmul.f32 v10, v7;
	[tilespmem:s5+$0xE0] =	vst v9  }
0x2cd: {  	v14 =	vmov s12;
	s23 =	simm.s32 $0xA;
	[tilespmem:s5+$0x50] =	vst v12;
	v9 =	vand.u32 $0x7C, v13;
	v11 =	vmul.f32 v11, v6;
	v19 =	vld [tilespmem:s13+$0xF0]  }
0x2ce: {  	v12 =	vmov s23;
	v15 =	vmul.f32 v15, v3;
	v13 =	vld [tilespmem:s13+$0x60];
	v9 =	vor.u32 $0x100, v9;
	[tilespmem:s5+$0xFFFFFFE0] =	vst v10  }
0x2cf: {  	v16 =	vmul.f32 v16, v1;
	v10 =	vand.u32 $0x7D, v14;
	v9 =	vbroadcast v9, $0x0;
	[tilespmem:s5+$0xFFFFFF60] =	vst v11;
	v14 =	vld [tilespmem:s13+$0xFFFFFFF0]  }
0x2d0: {  	v20 =	vmul.f32 v17, v4;
	v10 =	vor.u32 $0x100, v10;
	v11 =	vand.u32 $0x7E, v12;
	[tilespmem:s21+$0xA0] =	vst v15;
	v15 =	vld [tilespmem:s13+$0xFFFFFF70]  }
0x2d1: {  	[tilespmem:s21+$0xFFFFFF20] =	vst v16;
	v17 =	vmul.f32 v18, v2;
	v10 =	vbroadcast v10, $0x0;
	v11 =	vor.u32 $0x100, v11;
	v16 =	vld [tilespmem:s14+$0xB0]  }
0x2d2: {  	s11 =	simm.s32 $0xB;
	s12 =	simm.s32 $0xC;
	[tilespmem:s21+$0xFFFFFFA0] =	vst v20;
	v12 =	vld [tilespmem:s14+$0xFFFFFF30];
	v11 =	vbroadcast v11, $0x0;
	v18 =	vmul.f32 v19, v8  }
.LBB2_11:
0x2d3: {  	p6 =	slt.u32 s12, $0x4C;
	v8 =	vmov s11;
	v19 =	vld [tilespmem:s14+$0xFFFFFFB0];
	[tilespmem:s21+$0x20] =	vst v17;
	v13 =	vmul.f32 v13, v5  }
0x2d4: {  	v8 =	vand.u32 $0x7F, v8;
	v17 =	vld [tilespmem:s14+$0x30];
	v14 =	vmul.f32 v14, v7;
	[tilespmem:s5+$0xF0] =	vst v18;
	v7 =	vmov v4  }
0x2d5: {  	v4 =	vor.u32 $0x100, v8;
	v8 =	vmul.f32 v15, v6;
	[tilespmem:s5+$0x60] =	vst v13;
	v6 =	vmov v1;
	v1 =	vld.idx.msk [tilespmem:v9+s17+$0x0], $0xffff  }
0x2d6: {  	v9 =	vbroadcast v4, $0x0;
	v13 =	vmul.f32 v16, v3;
	[tilespmem:s5+$0xFFFFFFF0] =	vst v14;
	v14 =	vld [tilespmem:s13+$0x70];
	s13 =	smov.u32 s14  }
0x2d7: {  	v4 =	vld.idx.msk [tilespmem:v10+s17+$0x0], $0xffff;
	v10 =	vmul.f32 v12, v6;
	[tilespmem:s5+$0xFFFFFF70] =	vst v8  }
0x2d8: {  	v8 =	vld.idx.msk [tilespmem:v11+s17+$0x0], $0xffff;
	v11 =	vmul.f32 v19, v7;
	[tilespmem:s21+$0xB0] =	vst v13  }
0x2d9: {  	[tilespmem:s21+$0xFFFFFF30] =	vst v10;
	v10 =	vmul.f32 v17, v2;
	v12 =	vld [tilespmem:s14+$0xC0]  }
0x2da: {  	v13 =	vld [tilespmem:s14+$0xFFFFFF40];
	[tilespmem:s21+$0xFFFFFFB0] =	vst v11  }
0x2db: {  	v11 =	vld [tilespmem:s14+$0xFFFFFFC0];
	[tilespmem:s21+$0x30] =	vst v10;
	v10 =	vmul.f32 v14, v5;
	v5 =	vmov v2  }
0x2dc: {  	s14 =	sadd.s32 $0x200, s14;
	v19 =	vld.idx.msk [tilespmem:v9+s17+$0x0], $0xffff  }
0x2dd: {  	v9 =	vld [tilespmem:s14+$0x80];
	[tilespmem:s5+$0x70] =	vst v10;
	s5 =	smov.u32 s21  }
0x2de: {  	v2 =	vmov v8;
	v10 =	vld [tilespmem:s14+$0xFFFFFF00];
	v12 =	vmul.f32 v12, v3  }
0x2df: {  	v8 =	vld [tilespmem:s14+$0xFFFFFF80];
	v13 =	vmul.f32 v13, v6  }
0x2e0: {  	v14 =	vld [tilespmem:s14+$0x0];
	v11 =	vmul.f32 v11, v7;
	[tilespmem:s21+$0xC0] =	vst v12  }
0x2e1: {  	[tilespmem:s21+$0xFFFFFF40] =	vst v13;
	v12 =	vld [tilespmem:s13+$0xD0]  }
0x2e2: {  	v9 =	vmul.f32 v9, v19;
	[tilespmem:s21+$0xFFFFFFC0] =	vst v11;
	v11 =	vld [tilespmem:s13+$0x40]  }
0x2e3: {  	s21 =	sadd.s32 $0x200, s21;
	v10 =	vmul.f32 v10, v1;
	v13 =	vld [tilespmem:s13+$0xFFFFFFD0]  }
0x2e4: {  	v8 =	vmul.f32 v8, v4;
	[tilespmem:s21+$0x80] =	vst v9;
	v9 =	vld [tilespmem:s13+$0xFFFFFF50]  }
0x2e5: {  	[tilespmem:s21+$0xFFFFFF00] =	vst v10;
	v10 =	vmul.f32 v14, v2;
	v14 =	vld [tilespmem:s14+$0x90]  }
0x2e6: {  	v15 =	vld [tilespmem:s14+$0xFFFFFF10];
	[tilespmem:s21+$0xFFFFFF80] =	vst v8;
	v8 =	vmul.f32 v12, v3  }
0x2e7: {  	v12 =	vld [tilespmem:s14+$0xFFFFFF90];
	[tilespmem:s21+$0x0] =	vst v10;
	v10 =	vmul.f32 v11, v5  }
0x2e8: {  	v11 =	vld [tilespmem:s14+$0x10];
	v13 =	vmul.f32 v13, v7;
	[tilespmem:s5+$0xD0] =	vst v8  }
0x2e9: {  	v8 =	vmul.f32 v9, v6;
	[tilespmem:s5+$0x40] =	vst v10;
	v9 =	vld [tilespmem:s13+$0xE0]  }
0x2ea: {  	v10 =	vmul.f32 v14, v19;
	[tilespmem:s5+$0xFFFFFFD0] =	vst v13;
	v13 =	vld [tilespmem:s13+$0x50]  }
0x2eb: {  	v14 =	vmul.f32 v15, v1;
	[tilespmem:s5+$0xFFFFFF50] =	vst v8;
	v8 =	vld [tilespmem:s13+$0xFFFFFFE0]  }
0x2ec: {  	v12 =	vmul.f32 v12, v4;
	[tilespmem:s21+$0x90] =	vst v10;
	v10 =	vld [tilespmem:s13+$0xFFFFFF60]  }
0x2ed: {  	[tilespmem:s21+$0xFFFFFF10] =	vst v14;
	v11 =	vmul.f32 v11, v2;
	v14 =	vld [tilespmem:s14+$0xA0]  }
0x2ee: {  	v15 =	vld [tilespmem:s14+$0xFFFFFF20];
	[tilespmem:s21+$0xFFFFFF90] =	vst v12;
	v9 =	vmul.f32 v9, v3  }
0x2ef: {  	v12 =	vld [tilespmem:s14+$0xFFFFFFA0];
	[tilespmem:s21+$0x10] =	vst v11;
	v11 =	vmul.f32 v13, v5  }
0x2f0: {  	s11 =	sadd.s32 $0x1, s12;
	v13 =	vmov s12;
	v16 =	vld [tilespmem:s14+$0x20];
	v8 =	vmul.f32 v8, v7;
	[tilespmem:s5+$0xE0] =	vst v9  }
0x2f1: {  	v17 =	vmov s11;
	s11 =	sadd.s32 $0x2, s12;
	v9 =	vand.u32 $0x7C, v13;
	v10 =	vmul.f32 v10, v6;
	[tilespmem:s5+$0x50] =	vst v11;
	v18 =	vld [tilespmem:s13+$0xF0]  }
.Ltmp7:
0x2f2: {  	v9 =	vor.u32 $0x100, v9;
	v11 =	vmov s11;
	v20 =	vmul.f32 v14, v19;
	[tilespmem:s5+$0xFFFFFFE0] =	vst v8;
	v13 =	vld [tilespmem:s13+$0x60];
	(pc) =	sbr.rel @p6 .LBB2_11-.Ltmp7, $4  }
0x2f3: {  	v9 =	vbroadcast v9, $0x0;
	v8 =	vand.u32 $0x7D, v17;
	v17 =	vmul.f32 v15, v1;
	[tilespmem:s5+$0xFFFFFF60] =	vst v10;
	v14 =	vld [tilespmem:s13+$0xFFFFFFF0]  }
0x2f4: {  	v11 =	vand.u32 $0x7E, v11;
	v8 =	vor.u32 $0x100, v8;
	v21 =	vmul.f32 v12, v4;
	[tilespmem:s21+$0xA0] =	vst v20;
	v15 =	vld [tilespmem:s13+$0xFFFFFF70]  }
0x2f5: {  	v10 =	vbroadcast v8, $0x0;
	v8 =	vor.u32 $0x100, v11;
	[tilespmem:s21+$0xFFFFFF20] =	vst v17;
	v17 =	vmul.f32 v16, v2;
	v16 =	vld [tilespmem:s14+$0xB0]  }
0x2f6: {  	s11 =	sadd.s32 $0x3, s12;
	s12 =	sadd.s32 $0x4, s12;
	v11 =	vbroadcast v8, $0x0;
	v12 =	vld [tilespmem:s14+$0xFFFFFF30];
	[tilespmem:s21+$0xFFFFFFA0] =	vst v21;
	v18 =	vmul.f32 v18, v3;
	v3 =	vmov v19  }
0x2f7: {  	v8 =	vmov s11  }
0x2f8: {  	v8 =	vand.u32 $0x7F, v8  }
0x2f9: {  	v8 =	vor.u32 $0x100, v8  }
0x2fa: {  	v19 =	vbroadcast v8, $0x0;
	_ =	sdelay $0x2  }
0x2fb: {  	v10 =	vld.idx.msk [tilespmem:v10+s17+$0x0], $0xffff  }
0x2fc: {  	v8 =	vld.idx.msk [tilespmem:v9+s17+$0x0], $0xffff  }
0x2fd: {  	v9 =	vld.idx.msk [tilespmem:v11+s17+$0x0], $0xffff  }
0x2fe: {  	s23 =	sadd.s32 $0x200, s14;
	v11 =	vld.idx.msk [tilespmem:v19+s17+$0x0], $0xffff  }
0x2ff: {  	v19 =	vld [tilespmem:s23+$0x80]  }
0x300: {  	v20 =	vld [tilespmem:s23+$0xFFFFFF80]  }
0x301: {  	v21 =	vld [tilespmem:s23+$0xFFFFFF00]  }
0x302: {  	v22 =	vld [tilespmem:s23+$0x0];
	_ =	sdelay $0x1  }
0x303: {  	v19 =	vmul.f32 v19, v11  }
0x304: {  	s12 =	sadd.s32 $0x200, s21;
	v20 =	vmul.f32 v20, v10  }
0x305: {  	v21 =	vmul.f32 v21, v8;
	[tilespmem:s12+$0x80] =	vst v19  }
0x306: {  	[tilespmem:s12+$0xFFFFFF80] =	vst v20;
	v19 =	vmul.f32 v22, v9;
	v63 =	vld [tilespmem:s23+$0x90]  }
0x307: {  	v20 =	vld [tilespmem:s23+$0xFFFFFF90];
	[tilespmem:s12+$0xFFFFFF00] =	vst v21  }
0x308: {  	v21 =	vld [tilespmem:s23+$0xFFFFFF10];
	[tilespmem:s12+$0x0] =	vst v19  }
0x309: {  	v19 =	vld [tilespmem:s23+$0x10];
	_ =	sdelay $0x1  }
0x30a: {  	[tilespmem:s21+$0x20] =	vst v17;
	v17 =	vmul.f32 v63, v11  }
0x30b: {  	[tilespmem:s5+$0xF0] =	vst v18;
	v18 =	vmul.f32 v20, v10  }
0x30c: {  	[tilespmem:s12+$0x90] =	vst v17;
	v17 =	vmul.f32 v21, v8  }
0x30d: {  	[tilespmem:s12+$0xFFFFFF90] =	vst v18;
	v19 =	vmul.f32 v19, v9;
	v18 =	vld [tilespmem:s23+$0xA0]  }
0x30e: {  	v13 =	vmul.f32 v13, v5;
	[tilespmem:s12+$0xFFFFFF10] =	vst v17;
	v17 =	vld [tilespmem:s23+$0xFFFFFFA0]  }
0x30f: {  	v7 =	vmul.f32 v14, v7;
	[tilespmem:s12+$0x10] =	vst v19;
	v14 =	vld [tilespmem:s23+$0xFFFFFF20]  }
0x310: {  	v6 =	vmul.f32 v15, v6;
	[tilespmem:s5+$0x60] =	vst v13;
	v13 =	vld [tilespmem:s23+$0x20]  }
0x311: {  	v15 =	vmul.f32 v16, v3;
	[tilespmem:s5+$0xFFFFFFF0] =	vst v7  }
0x312: {  	v7 =	vld [tilespmem:s14+$0xFFFFFFB0];
	[tilespmem:s5+$0xFFFFFF70] =	vst v6;
	v6 =	vmul.f32 v18, v11  }
0x313: {  	v16 =	vld [tilespmem:s14+$0x30];
	[tilespmem:s21+$0xB0] =	vst v15;
	v15 =	vmul.f32 v17, v10  }
0x314: {  	v17 =	vld [tilespmem:s13+$0x70];
	v14 =	vmul.f32 v14, v8;
	[tilespmem:s12+$0xA0] =	vst v6  }
0x315: {  	v6 =	vmul.f32 v13, v9;
	v13 =	vld [tilespmem:s23+$0xB0];
	[tilespmem:s12+$0xFFFFFFA0] =	vst v15  }
0x316: {  	v12 =	vmul.f32 v12, v1;
	[tilespmem:s12+$0xFFFFFF20] =	vst v14;
	v14 =	vld [tilespmem:s23+$0xFFFFFFB0]  }
0x317: {  	v7 =	vmul.f32 v7, v4;
	[tilespmem:s12+$0x20] =	vst v6;
	v15 =	vld [tilespmem:s23+$0xFFFFFF30]  }
0x318: {  	[tilespmem:s21+$0xFFFFFF30] =	vst v12;
	v6 =	vmul.f32 v16, v2;
	v12 =	vld [tilespmem:s23+$0x30]  }
0x319: {  	[tilespmem:s21+$0xFFFFFFB0] =	vst v7;
	v16 =	vld [tilespmem:s14+$0xC0];
	v5 =	vmul.f32 v17, v5  }
0x31a: {  	v7 =	vld [tilespmem:s14+$0xFFFFFFC0];
	[tilespmem:s21+$0x30] =	vst v6;
	v6 =	vmul.f32 v13, v11  }
0x31b: {  	v13 =	vld [tilespmem:s14+$0xFFFFFF40];
	[tilespmem:s5+$0x70] =	vst v5;
	v5 =	vmul.f32 v14, v10  }
0x31c: {  	v14 =	vld [tilespmem:s14+$0x40];
	v15 =	vmul.f32 v15, v8;
	[tilespmem:s12+$0xB0] =	vst v6  }
0x31d: {  	v6 =	vmul.f32 v12, v9;
	v12 =	vld [tilespmem:s23+$0xC0];
	[tilespmem:s12+$0xFFFFFFB0] =	vst v5  }
0x31e: {  	v5 =	vmul.f32 v16, v3;
	[tilespmem:s12+$0xFFFFFF30] =	vst v15;
	v15 =	vld [tilespmem:s23+$0xFFFFFFC0]  }
0x31f: {  	v7 =	vmul.f32 v7, v4;
	[tilespmem:s12+$0x30] =	vst v6;
	v16 =	vld [tilespmem:s23+$0xFFFFFF40]  }
0x320: {  	v6 =	vmul.f32 v13, v1;
	[tilespmem:s21+$0xC0] =	vst v5;
	v5 =	vld [tilespmem:s23+$0x40]  }
0x321: {  	[tilespmem:s21+$0xFFFFFFC0] =	vst v7;
	v13 =	vld [tilespmem:s14+$0xD0];
	v7 =	vmul.f32 v14, v2  }
0x322: {  	[tilespmem:s21+$0xFFFFFF40] =	vst v6;
	v6 =	vld [tilespmem:s14+$0xFFFFFFD0];
	v12 =	vmul.f32 v12, v11  }
0x323: {  	v14 =	vld [tilespmem:s14+$0xFFFFFF50];
	[tilespmem:s21+$0x40] =	vst v7;
	v7 =	vmul.f32 v15, v10  }
0x324: {  	v15 =	vld [tilespmem:s14+$0x50];
	v16 =	vmul.f32 v16, v8;
	[tilespmem:s12+$0xC0] =	vst v12  }
0x325: {  	v5 =	vmul.f32 v5, v9;
	v12 =	vld [tilespmem:s23+$0xD0];
	[tilespmem:s12+$0xFFFFFFC0] =	vst v7  }
0x326: {  	v7 =	vmul.f32 v13, v3;
	[tilespmem:s12+$0xFFFFFF40] =	vst v16;
	v13 =	vld [tilespmem:s23+$0xFFFFFFD0]  }
0x327: {  	v6 =	vmul.f32 v6, v4;
	[tilespmem:s12+$0x40] =	vst v5;
	v16 =	vld [tilespmem:s23+$0xFFFFFF50]  }
0x328: {  	[tilespmem:s21+$0xD0] =	vst v7;
	v5 =	vmul.f32 v14, v1;
	v7 =	vld [tilespmem:s23+$0x50]  }
0x329: {  	v14 =	vld [tilespmem:s14+$0xE0];
	[tilespmem:s21+$0xFFFFFFD0] =	vst v6;
	v6 =	vmul.f32 v15, v2  }
0x32a: {  	[tilespmem:s21+$0xFFFFFF50] =	vst v5;
	v5 =	vld [tilespmem:s14+$0xFFFFFFE0];
	v12 =	vmul.f32 v12, v11  }
0x32b: {  	v15 =	vld [tilespmem:s14+$0xFFFFFF60];
	[tilespmem:s21+$0x50] =	vst v6;
	v6 =	vmul.f32 v13, v10  }
0x32c: {  	v13 =	vld [tilespmem:s14+$0x60];
	[tilespmem:s12+$0xD0] =	vst v12;
	v12 =	vmul.f32 v16, v8  }
0x32d: {  	v16 =	vld [tilespmem:s23+$0xE0];
	[tilespmem:s12+$0xFFFFFFD0] =	vst v6;
	v6 =	vmul.f32 v7, v9  }
0x32e: {  	v7 =	vmul.f32 v14, v3;
	[tilespmem:s12+$0xFFFFFF50] =	vst v12;
	v12 =	vld [tilespmem:s23+$0xFFFFFFE0]  }
0x32f: {  	v5 =	vmul.f32 v5, v4;
	v14 =	vld [tilespmem:s23+$0xFFFFFF60];
	[tilespmem:s12+$0x50] =	vst v6  }
0x330: {  	[tilespmem:s21+$0xE0] =	vst v7;
	v6 =	vmul.f32 v15, v1;
	v7 =	vld [tilespmem:s23+$0x60]  }
0x331: {  	v15 =	vld [tilespmem:s14+$0xF0];
	[tilespmem:s21+$0xFFFFFFE0] =	vst v5;
	v5 =	vmul.f32 v13, v2  }
0x332: {  	[tilespmem:s21+$0xFFFFFF60] =	vst v6;
	v6 =	vld [tilespmem:s14+$0xFFFFFFF0];
	v13 =	vmul.f32 v16, v11  }
0x333: {  	v16 =	vld [tilespmem:s14+$0xFFFFFF70];
	[tilespmem:s21+$0x60] =	vst v5;
	v5 =	vmul.f32 v12, v10  }
0x334: {  	v12 =	vld [tilespmem:s14+$0x70];
	[tilespmem:s12+$0xE0] =	vst v13;
	v13 =	vmul.f32 v14, v8  }
0x335: {  	v14 =	vld [tilespmem:s23+$0xF0];
	[tilespmem:s12+$0xFFFFFFE0] =	vst v5;
	v5 =	vmul.f32 v7, v9  }
0x336: {  	v3 =	vmul.f32 v15, v3;
	[tilespmem:s12+$0xFFFFFF60] =	vst v13;
	v7 =	vld [tilespmem:s23+$0xFFFFFFF0]  }
0x337: {  	v4 =	vmul.f32 v6, v4;
	v6 =	vld [tilespmem:s23+$0xFFFFFF70];
	[tilespmem:s12+$0x60] =	vst v5  }
0x338: {  	[tilespmem:s21+$0xF0] =	vst v3;
	v1 =	vmul.f32 v16, v1;
	v3 =	vld [tilespmem:s23+$0x70]  }
0x339: {  	[tilespmem:s21+$0xFFFFFFF0] =	vst v4;
	v2 =	vmul.f32 v12, v2  }
0x33a: {  	[tilespmem:s21+$0xFFFFFF70] =	vst v1;
	v1 =	vmul.f32 v14, v11  }
0x33b: {  	[tilespmem:s21+$0x70] =	vst v2;
	v2 =	vmul.f32 v7, v10  }
0x33c: {  	[tilespmem:s12+$0xF0] =	vst v1;
	v1 =	vmul.f32 v6, v8  }
0x33d: {  	[tilespmem:s12+$0xFFFFFFF0] =	vst v2;
	v2 =	vmul.f32 v3, v9  }
0x33e: {  	[tilespmem:s12+$0xFFFFFF70] =	vst v1  }
0x33f: {  	[tilespmem:s12+$0x70] =	vst v2;
	s12 =	simm.s32 $0x13B80  }
0x340: {  	[spmem:s4] =	stream.indirect.scatter.add.f32 [tilespmem:s25], [sflag:$0x5], $0x80, s12, s24, $0xb8;
	[tilespmem:$0x1DE80] =	vst v63  }
0x341: {  	_ =	swait.ge [sflag:s22], $0x50  }
0x342: {  	[sflag:s22] =	ssyncset.done $0x0  }
0x343: {  	[sflag:s22] =	ssyncadd.s32 $0xFFFFFFB0  }
0x344: {  	_ =	swait.ge [sflag:s22], $0x50  }
0x345: {  	[sflag:s22] =	ssyncset.done $0x0  }
0x346: {  	[sflag:s22] =	ssyncadd.s32 $0xFFFFFFB0  }
0x347: {  	_ =	swait.ge [sflag:s22], $0x50  }
0x348: {  	[sflag:s22] =	ssyncset.done $0x0  }
0x349: {  	[sflag:s22] =	ssyncadd.s32 $0xFFFFFFB0  }
0x34a: {  	[tilespmem:s29], [sflag:$0x3] =	stream.indirect.gather [hbm4b:s8+s24], $0x80, s15, s24, $0xb8;
	[tilespmem:$0x1DE80] =	vst v63  }
0x34b: {  	_ =	swait.ge [sflag:s26], $0x2800  }
0x34c: {  	[sflag:s26] =	ssyncset.done $0x0  }
0x34d: {  	[sflag:s26] =	ssyncadd.s32 $0xFFFFD800  }
0x34e: {  	_ =	swait.ge [sflag:s6], $0x2800  }
0x34f: {  	s11 =	sld [smem:$0x7F4]  }
0x350: {  	s13 =	simm.s32 $0x0  }
0x351: {  	p0 =	seq.s32 s31, $0x1E;
	s14 =	simm.s32 $0x1;
	v1 =	vmov s13  }
0x352: {  	s21 =	simm.s32 $0x3;
	v1 =	vand.u32 $0x7C, v1;
	v2 =	vmov s14;
	s11 =	sadd.s32 @!p0 s18, s11  }
0x353: {  	v3 =	vmov s21;
	s13 =	simm.s32 @!p0 $0x13900;
	v1 =	vor.u32 $0x180, v1;
	v2 =	vand.u32 $0x7D, v2;
	[sflag:s6] =	ssyncset.done $0x0;
	s11 =	sshrl.u32 @!p0 s11, $0x3  }
0x354: {  	v3 =	vand.u32 $0x7F, v3;
	s12 =	simm.s32 @!p0 $0x0;
	v1 =	vbroadcast v1, $0x0;
	v2 =	vor.u32 $0x180, v2;
	[sflag:s6] =	ssyncadd.s32 $0xFFFFD800;
	s5 =	sadd.s32 @!p0 s2, s11  }
0x355: {  	v3 =	vor.u32 $0x180, v3;
	v2 =	vbroadcast v2, $0x0;
	[tilespmem:s13], [sflag:$0x2] =	stream.linear.gather @!p0 [hbm4b:s5+s12], $0x50, $0x38;
	[tilespmem:$0x1DE80] =	vst v63  }
0x356: {  	s23 =	simm.s32 $0x2;
	v3 =	vbroadcast v3, $0x0;
	s5 =	sadd.s32 @!p0 s1, s11;
	s13 =	simm.s32 @!p0 $0x13B00  }
0x357: {  	v4 =	vmov s23;
	[tilespmem:s13], [sflag:$0x2] =	stream.linear.gather @!p0 [hbm4b:s5+s12], $0x50, $0x38;
	[tilespmem:$0x1DE80] =	vst v63  }
0x358: {  	v4 =	vand.u32 $0x7E, v4;
	s5 =	sadd.s32 @!p0 s3, s11;
	s11 =	simm.s32 @!p0 $0x13D00  }
0x359: {  	v4 =	vor.u32 $0x180, v4;
	[tilespmem:s11], [sflag:$0x2] =	stream.linear.gather @!p0 [hbm4b:s5+s12], $0x50, $0x38;
	[tilespmem:$0x1DE80] =	vst v63  }
0x35a: {  	v4 =	vbroadcast v4, $0x0;
	v6 =	vld.idx.msk [tilespmem:v1+s17+$0x0], $0xffff  }
0x35b: {  	v7 =	vld.idx.msk [tilespmem:v2+s17+$0x0], $0xffff  }
0x35c: {  	s13 =	simm.s32 $0x16870;
	v8 =	vld.idx.msk [tilespmem:v3+s17+$0x0], $0xffff  }
0x35d: {  	v1 =	vld [tilespmem:s13+$0xFFFFFF90]  }
0x35e: {  	v2 =	vld [tilespmem:s13+$0xFFFFFE10]  }
0x35f: {  	v3 =	vld [tilespmem:s13+$0xFFFFFE90]  }
0x360: {  	v5 =	vld.idx.msk [tilespmem:v4+s17+$0x0], $0xffff  }
0x361: {  	v4 =	vld [tilespmem:s13+$0xFFFFFF10]  }
0x362: {  	v1 =	vmul.f32 v1, v8  }
0x363: {  	s5 =	simm.s32 $0x1B870;
	v2 =	vmul.f32 v2, v6  }
0x364: {  	v3 =	vmul.f32 v3, v7;
	[tilespmem:s5+$0xFFFFFF90] =	vst v1  }
0x365: {  	[tilespmem:s5+$0xFFFFFE10] =	vst v2;
	v1 =	vld [tilespmem:s13+$0xFFFFFFA0]  }
0x366: {  	v2 =	vmul.f32 v4, v5;
	[tilespmem:s5+$0xFFFFFE90] =	vst v3;
	v4 =	vld [tilespmem:s13+$0xFFFFFE20]  }
0x367: {  	v3 =	vld [tilespmem:s13+$0xFFFFFEA0]  }
0x368: {  	[tilespmem:s5+$0xFFFFFF10] =	vst v2  }
0x369: {  	v2 =	vld [tilespmem:s13+$0xFFFFFF20]  }
0x36a: {  	v1 =	vmul.f32 v1, v8  }
0x36b: {  	v4 =	vmul.f32 v4, v6  }
0x36c: {  	v3 =	vmul.f32 v3, v7;
	[tilespmem:s5+$0xFFFFFFA0] =	vst v1  }
0x36d: {  	[tilespmem:s5+$0xFFFFFE20] =	vst v4;
	v1 =	vld [tilespmem:s13+$0xFFFFFFB0]  }
0x36e: {  	v2 =	vmul.f32 v2, v5;
	[tilespmem:s5+$0xFFFFFEA0] =	vst v3;
	v4 =	vld [tilespmem:s13+$0xFFFFFE30]  }
0x36f: {  	s21 =	simm.s32 $0x6;
	v3 =	vld [tilespmem:s13+$0xFFFFFEB0]  }
0x370: {  	v11 =	vmov s21;
	s14 =	simm.s32 $0x4;
	[tilespmem:s5+$0xFFFFFF20] =	vst v2  }
0x371: {  	v11 =	vand.u32 $0x7E, v11;
	s18 =	simm.s32 $0x5;
	v2 =	vmov s14;
	v9 =	vld [tilespmem:s13+$0xFFFFFF30]  }
0x372: {  	v10 =	vmov s18;
	v2 =	vand.u32 $0x7C, v2;
	v1 =	vmul.f32 v1, v8  }
0x373: {  	v10 =	vand.u32 $0x7D, v10;
	v2 =	vor.u32 $0x180, v2;
	v4 =	vmul.f32 v4, v6  }
0x374: {  	v10 =	vor.u32 $0x180, v10;
	v2 =	vbroadcast v2, $0x0;
	v3 =	vmul.f32 v3, v7;
	[tilespmem:s5+$0xFFFFFFB0] =	vst v1  }
0x375: {  	v10 =	vbroadcast v10, $0x0;
	v1 =	vor.u32 $0x180, v11;
	[tilespmem:s5+$0xFFFFFE30] =	vst v4;
	v4 =	vld [tilespmem:s13+$0xFFFFFFC0]  }
0x376: {  	s23 =	simm.s32 $0x7;
	v9 =	vmul.f32 v9, v5;
	[tilespmem:s5+$0xFFFFFEB0] =	vst v3;
	v11 =	vbroadcast v1, $0x0;
	v12 =	vld [tilespmem:s13+$0xFFFFFE40]  }
0x377: {  	v1 =	vmov s23;
	v3 =	vld [tilespmem:s13+$0xFFFFFEC0]  }
0x378: {  	[tilespmem:s5+$0xFFFFFF30] =	vst v9;
	v1 =	vand.u32 $0x7F, v1  }
0x379: {  	v9 =	vld [tilespmem:s13+$0xFFFFFF40];
	v13 =	vor.u32 $0x180, v1  }
0x37a: {  	v1 =	vld.idx.msk [tilespmem:v2+s17+$0x0], $0xffff;
	v13 =	vbroadcast v13, $0x0;
	v14 =	vmul.f32 v4, v8  }
0x37b: {  	v4 =	vld.idx.msk [tilespmem:v10+s17+$0x0], $0xffff;
	v10 =	vmul.f32 v12, v6  }
0x37c: {  	v3 =	vmul.f32 v3, v7;
	v2 =	vld.idx.msk [tilespmem:v11+s17+$0x0], $0xffff;
	[tilespmem:s5+$0xFFFFFFC0] =	vst v14  }
0x37d: {  	[tilespmem:s5+$0xFFFFFE40] =	vst v10;
	v10 =	vld [tilespmem:s13+$0xFFFFFFD0]  }
0x37e: {  	[tilespmem:s5+$0xFFFFFEC0] =	vst v3;
	v11 =	vld [tilespmem:s13+$0xFFFFFE50]  }
0x37f: {  	v12 =	vld [tilespmem:s13+$0xFFFFFED0]  }
0x380: {  	s14 =	simm.s32 $0x16A70;
	v3 =	vld.idx.msk [tilespmem:v13+s17+$0x0], $0xffff  }
0x381: {  	v13 =	vld [tilespmem:s14+$0xFFFFFF90]  }
0x382: {  	v14 =	vld [tilespmem:s14+$0xFFFFFE10];
	v10 =	vmul.f32 v10, v8  }
0x383: {  	v15 =	vld [tilespmem:s14+$0xFFFFFE90];
	v9 =	vmul.f32 v9, v5  }
0x384: {  	v16 =	vld [tilespmem:s14+$0xFFFFFF10];
	v12 =	vmul.f32 v12, v7;
	[tilespmem:s5+$0xFFFFFFD0] =	vst v10  }
0x385: {  	[tilespmem:s5+$0xFFFFFF40] =	vst v9;
	v9 =	vmul.f32 v11, v6;
	v10 =	vld [tilespmem:s13+$0xFFFFFFE0]  }
0x386: {  	v11 =	vmul.f32 v13, v3;
	[tilespmem:s5+$0xFFFFFED0] =	vst v12;
	v12 =	vld [tilespmem:s13+$0xFFFFFF50]  }
0x387: {  	s18 =	simm.s32 $0x1BA70;
	[tilespmem:s5+$0xFFFFFE50] =	vst v9;
	v9 =	vmul.f32 v14, v1;
	v13 =	vld [tilespmem:s13+$0xFFFFFEE0]  }
0x388: {  	v14 =	vmul.f32 v15, v4;
	[tilespmem:s18+$0xFFFFFF90] =	vst v11;
	v11 =	vld [tilespmem:s13+$0xFFFFFE60]  }
0x389: {  	[tilespmem:s18+$0xFFFFFE10] =	vst v9;
	v9 =	vmul.f32 v16, v2;
	v15 =	vld [tilespmem:s14+$0xFFFFFFA0]  }
0x38a: {  	[tilespmem:s18+$0xFFFFFE90] =	vst v14;
	v16 =	vld [tilespmem:s14+$0xFFFFFE20];
	v10 =	vmul.f32 v10, v8  }
0x38b: {  	v14 =	vld [tilespmem:s14+$0xFFFFFEA0];
	[tilespmem:s18+$0xFFFFFF10] =	vst v9;
	v9 =	vmul.f32 v12, v5  }
0x38c: {  	v12 =	vld [tilespmem:s14+$0xFFFFFF20];
	v13 =	vmul.f32 v13, v7;
	[tilespmem:s5+$0xFFFFFFE0] =	vst v10  }
0x38d: {  	[tilespmem:s5+$0xFFFFFF50] =	vst v9;
	v10 =	vmul.f32 v11, v6;
	v9 =	vld [tilespmem:s13+$0xFFFFFFF0]  }
0x38e: {  	v11 =	vmul.f32 v15, v3;
	[tilespmem:s5+$0xFFFFFEE0] =	vst v13;
	v13 =	vld [tilespmem:s13+$0xFFFFFF60]  }
0x38f: {  	v15 =	vmul.f32 v16, v1;
	[tilespmem:s5+$0xFFFFFE60] =	vst v10;
	v10 =	vld [tilespmem:s13+$0xFFFFFEF0]  }
0x390: {  	v14 =	vmul.f32 v14, v4;
	[tilespmem:s18+$0xFFFFFFA0] =	vst v11;
	v11 =	vld [tilespmem:s13+$0xFFFFFE70]  }
0x391: {  	[tilespmem:s18+$0xFFFFFE20] =	vst v15;
	v12 =	vmul.f32 v12, v2;
	v15 =	vld [tilespmem:s14+$0xFFFFFFB0]  }
0x392: {  	[tilespmem:s18+$0xFFFFFEA0] =	vst v14;
	v16 =	vld [tilespmem:s14+$0xFFFFFE30];
	v9 =	vmul.f32 v9, v8  }
0x393: {  	s12 =	simm.s32 $0x8;
	v17 =	vld [tilespmem:s14+$0xFFFFFEB0];
	[tilespmem:s18+$0xFFFFFF20] =	vst v12;
	v12 =	vmul.f32 v13, v5  }
0x394: {  	s21 =	simm.s32 $0x9;
	v13 =	vmov s12;
	v18 =	vld [tilespmem:s14+$0xFFFFFF30];
	v10 =	vmul.f32 v10, v7;
	[tilespmem:s5+$0xFFFFFFF0] =	vst v9  }
0x395: {  	s23 =	simm.s32 $0xA;
	v14 =	vmov s21;
	[tilespmem:s5+$0xFFFFFF60] =	vst v12;
	v9 =	vand.u32 $0x7C, v13;
	v11 =	vmul.f32 v11, v6;
	v19 =	vld [tilespmem:s13+$0x0]  }
0x396: {  	v12 =	vmov s23;
	v15 =	vmul.f32 v15, v3;
	v13 =	vld [tilespmem:s13+$0xFFFFFF70];
	v9 =	vor.u32 $0x180, v9;
	[tilespmem:s5+$0xFFFFFEF0] =	vst v10  }
0x397: {  	v16 =	vmul.f32 v16, v1;
	v10 =	vand.u32 $0x7D, v14;
	v9 =	vbroadcast v9, $0x0;
	[tilespmem:s5+$0xFFFFFE70] =	vst v11;
	v14 =	vld [tilespmem:s13+$0xFFFFFF00]  }
0x398: {  	v20 =	vmul.f32 v17, v4;
	v10 =	vor.u32 $0x180, v10;
	v11 =	vand.u32 $0x7E, v12;
	[tilespmem:s18+$0xFFFFFFB0] =	vst v15;
	v15 =	vld [tilespmem:s13+$0xFFFFFE80]  }
0x399: {  	[tilespmem:s18+$0xFFFFFE30] =	vst v16;
	v17 =	vmul.f32 v18, v2;
	v10 =	vbroadcast v10, $0x0;
	v11 =	vor.u32 $0x180, v11;
	v16 =	vld [tilespmem:s14+$0xFFFFFFC0]  }
0x39a: {  	s11 =	simm.s32 $0xB;
	s12 =	simm.s32 $0xC;
	[tilespmem:s18+$0xFFFFFEB0] =	vst v20;
	v12 =	vld [tilespmem:s14+$0xFFFFFE40];
	v11 =	vbroadcast v11, $0x0;
	v18 =	vmul.f32 v19, v8  }
.LBB2_13:
0x39b: {  	p6 =	slt.u32 s12, $0x4C;
	v8 =	vmov s11;
	v19 =	vld [tilespmem:s14+$0xFFFFFEC0];
	[tilespmem:s18+$0xFFFFFF30] =	vst v17;
	v13 =	vmul.f32 v13, v5  }
0x39c: {  	v8 =	vand.u32 $0x7F, v8;
	v17 =	vld [tilespmem:s14+$0xFFFFFF40];
	v14 =	vmul.f32 v14, v7;
	[tilespmem:s5+$0x0] =	vst v18;
	v7 =	vmov v4  }
0x39d: {  	v4 =	vor.u32 $0x180, v8;
	v8 =	vmul.f32 v15, v6;
	[tilespmem:s5+$0xFFFFFF70] =	vst v13;
	v6 =	vmov v1;
	v1 =	vld.idx.msk [tilespmem:v9+s17+$0x0], $0xffff  }
0x39e: {  	v9 =	vbroadcast v4, $0x0;
	v13 =	vmul.f32 v16, v3;
	[tilespmem:s5+$0xFFFFFF00] =	vst v14;
	v14 =	vld [tilespmem:s13+$0xFFFFFF80];
	s13 =	smov.u32 s14  }
0x39f: {  	v4 =	vld.idx.msk [tilespmem:v10+s17+$0x0], $0xffff;
	v10 =	vmul.f32 v12, v6;
	[tilespmem:s5+$0xFFFFFE80] =	vst v8  }
0x3a0: {  	v8 =	vld.idx.msk [tilespmem:v11+s17+$0x0], $0xffff;
	v11 =	vmul.f32 v19, v7;
	[tilespmem:s18+$0xFFFFFFC0] =	vst v13  }
0x3a1: {  	[tilespmem:s18+$0xFFFFFE40] =	vst v10;
	v10 =	vmul.f32 v17, v2;
	v12 =	vld [tilespmem:s14+$0xFFFFFFD0]  }
0x3a2: {  	v13 =	vld [tilespmem:s14+$0xFFFFFE50];
	[tilespmem:s18+$0xFFFFFEC0] =	vst v11  }
0x3a3: {  	v11 =	vld [tilespmem:s14+$0xFFFFFED0];
	[tilespmem:s18+$0xFFFFFF40] =	vst v10;
	v10 =	vmul.f32 v14, v5;
	v5 =	vmov v2  }
0x3a4: {  	s14 =	sadd.s32 $0x200, s14;
	v19 =	vld.idx.msk [tilespmem:v9+s17+$0x0], $0xffff  }
0x3a5: {  	v9 =	vld [tilespmem:s14+$0xFFFFFF90];
	[tilespmem:s5+$0xFFFFFF80] =	vst v10;
	s5 =	smov.u32 s18  }
0x3a6: {  	v2 =	vmov v8;
	v10 =	vld [tilespmem:s14+$0xFFFFFE10];
	v12 =	vmul.f32 v12, v3  }
0x3a7: {  	v8 =	vld [tilespmem:s14+$0xFFFFFE90];
	v13 =	vmul.f32 v13, v6  }
0x3a8: {  	v14 =	vld [tilespmem:s14+$0xFFFFFF10];
	v11 =	vmul.f32 v11, v7;
	[tilespmem:s18+$0xFFFFFFD0] =	vst v12  }
0x3a9: {  	[tilespmem:s18+$0xFFFFFE50] =	vst v13;
	v12 =	vld [tilespmem:s13+$0xFFFFFFE0]  }
0x3aa: {  	v9 =	vmul.f32 v9, v19;
	[tilespmem:s18+$0xFFFFFED0] =	vst v11;
	v11 =	vld [tilespmem:s13+$0xFFFFFF50]  }
0x3ab: {  	s18 =	sadd.s32 $0x200, s18;
	v10 =	vmul.f32 v10, v1;
	v13 =	vld [tilespmem:s13+$0xFFFFFEE0]  }
0x3ac: {  	v8 =	vmul.f32 v8, v4;
	[tilespmem:s18+$0xFFFFFF90] =	vst v9;
	v9 =	vld [tilespmem:s13+$0xFFFFFE60]  }
0x3ad: {  	[tilespmem:s18+$0xFFFFFE10] =	vst v10;
	v10 =	vmul.f32 v14, v2;
	v14 =	vld [tilespmem:s14+$0xFFFFFFA0]  }
0x3ae: {  	v15 =	vld [tilespmem:s14+$0xFFFFFE20];
	[tilespmem:s18+$0xFFFFFE90] =	vst v8;
	v8 =	vmul.f32 v12, v3  }
0x3af: {  	v12 =	vld [tilespmem:s14+$0xFFFFFEA0];
	[tilespmem:s18+$0xFFFFFF10] =	vst v10;
	v10 =	vmul.f32 v11, v5  }
0x3b0: {  	v11 =	vld [tilespmem:s14+$0xFFFFFF20];
	v13 =	vmul.f32 v13, v7;
	[tilespmem:s5+$0xFFFFFFE0] =	vst v8  }
0x3b1: {  	v8 =	vmul.f32 v9, v6;
	[tilespmem:s5+$0xFFFFFF50] =	vst v10;
	v9 =	vld [tilespmem:s13+$0xFFFFFFF0]  }
0x3b2: {  	v10 =	vmul.f32 v14, v19;
	[tilespmem:s5+$0xFFFFFEE0] =	vst v13;
	v13 =	vld [tilespmem:s13+$0xFFFFFF60]  }
0x3b3: {  	v14 =	vmul.f32 v15, v1;
	[tilespmem:s5+$0xFFFFFE60] =	vst v8;
	v8 =	vld [tilespmem:s13+$0xFFFFFEF0]  }
0x3b4: {  	v12 =	vmul.f32 v12, v4;
	[tilespmem:s18+$0xFFFFFFA0] =	vst v10;
	v10 =	vld [tilespmem:s13+$0xFFFFFE70]  }
0x3b5: {  	[tilespmem:s18+$0xFFFFFE20] =	vst v14;
	v11 =	vmul.f32 v11, v2;
	v14 =	vld [tilespmem:s14+$0xFFFFFFB0]  }
0x3b6: {  	v15 =	vld [tilespmem:s14+$0xFFFFFE30];
	[tilespmem:s18+$0xFFFFFEA0] =	vst v12;
	v9 =	vmul.f32 v9, v3  }
0x3b7: {  	v12 =	vld [tilespmem:s14+$0xFFFFFEB0];
	[tilespmem:s18+$0xFFFFFF20] =	vst v11;
	v11 =	vmul.f32 v13, v5  }
0x3b8: {  	s11 =	sadd.s32 $0x1, s12;
	v13 =	vmov s12;
	v16 =	vld [tilespmem:s14+$0xFFFFFF30];
	v8 =	vmul.f32 v8, v7;
	[tilespmem:s5+$0xFFFFFFF0] =	vst v9  }
0x3b9: {  	v17 =	vmov s11;
	s11 =	sadd.s32 $0x2, s12;
	v9 =	vand.u32 $0x7C, v13;
	v10 =	vmul.f32 v10, v6;
	[tilespmem:s5+$0xFFFFFF60] =	vst v11;
	v18 =	vld [tilespmem:s13+$0x0]  }
.Ltmp8:
0x3ba: {  	v9 =	vor.u32 $0x180, v9;
	v11 =	vmov s11;
	v20 =	vmul.f32 v14, v19;
	[tilespmem:s5+$0xFFFFFEF0] =	vst v8;
	v13 =	vld [tilespmem:s13+$0xFFFFFF70];
	(pc) =	sbr.rel @p6 .LBB2_13-.Ltmp8, $4  }
0x3bb: {  	v9 =	vbroadcast v9, $0x0;
	v8 =	vand.u32 $0x7D, v17;
	v17 =	vmul.f32 v15, v1;
	[tilespmem:s5+$0xFFFFFE70] =	vst v10;
	v14 =	vld [tilespmem:s13+$0xFFFFFF00]  }
0x3bc: {  	v11 =	vand.u32 $0x7E, v11;
	v8 =	vor.u32 $0x180, v8;
	v21 =	vmul.f32 v12, v4;
	[tilespmem:s18+$0xFFFFFFB0] =	vst v20;
	v15 =	vld [tilespmem:s13+$0xFFFFFE80]  }
0x3bd: {  	v10 =	vbroadcast v8, $0x0;
	v8 =	vor.u32 $0x180, v11;
	[tilespmem:s18+$0xFFFFFE30] =	vst v17;
	v17 =	vmul.f32 v16, v2;
	v16 =	vld [tilespmem:s14+$0xFFFFFFC0]  }
0x3be: {  	s11 =	sadd.s32 $0x3, s12;
	s12 =	sadd.s32 $0x4, s12;
	v11 =	vbroadcast v8, $0x0;
	v12 =	vld [tilespmem:s14+$0xFFFFFE40];
	[tilespmem:s18+$0xFFFFFEB0] =	vst v21;
	v18 =	vmul.f32 v18, v3;
	v3 =	vmov v19  }
0x3bf: {  	v8 =	vmov s11  }
0x3c0: {  	v8 =	vand.u32 $0x7F, v8  }
0x3c1: {  	v8 =	vor.u32 $0x180, v8  }
0x3c2: {  	v19 =	vbroadcast v8, $0x0  }
0x3c3: {  	v10 =	vld.idx.msk [tilespmem:v10+s17+$0x0], $0xffff;
	s23 =	sadd.s32 $0x200, s14  }
0x3c4: {  	v36 =	vld [tilespmem:s23+$0xFFFFFF90]  }
0x3c5: {  	v20 =	vld [tilespmem:s23+$0xFFFFFE90]  }
0x3c6: {  	v8 =	vld.idx.msk [tilespmem:v9+s17+$0x0], $0xffff  }
0x3c7: {  	v9 =	vld.idx.msk [tilespmem:v11+s17+$0x0], $0xffff  }
0x3c8: {  	v11 =	vld.idx.msk [tilespmem:v19+s17+$0x0], $0xffff  }
0x3c9: {  	v22 =	vld [tilespmem:s23+$0xFFFFFF10]  }
0x3ca: {  	v21 =	vld [tilespmem:s23+$0xFFFFFE10];
	_ =	sdelay $0x1  }
0x3cb: {  	v20 =	vmul.f32 v20, v10  }
0x3cc: {  	s12 =	sadd.s32 $0x200, s18;
	v19 =	vmul.f32 v36, v11  }
0x3cd: {  	v37 =	vmul.f32 v22, v9;
	[tilespmem:s12+$0xFFFFFE90] =	vst v20  }
0x3ce: {  	v21 =	vmul.f32 v21, v8;
	v20 =	vld [tilespmem:s23+$0xFFFFFEA0];
	[tilespmem:s12+$0xFFFFFF90] =	vst v19  }
0x3cf: {  	[tilespmem:s12+$0xFFFFFF10] =	vst v37;
	v38 =	vld [tilespmem:s23+$0xFFFFFFA0]  }
0x3d0: {  	[tilespmem:s12+$0xFFFFFE10] =	vst v21;
	v19 =	vld [tilespmem:s23+$0xFFFFFF20]  }
0x3d1: {  	v21 =	vld [tilespmem:s23+$0xFFFFFE20]  }
0x3d2: {  	v13 =	vmul.f32 v13, v5  }
0x3d3: {  	[tilespmem:s18+$0xFFFFFF30] =	vst v17;
	v40 =	vmul.f32 v20, v10  }
0x3d4: {  	[tilespmem:s5+$0xFFFFFF70] =	vst v13;
	v39 =	vmul.f32 v38, v11  }
0x3d5: {  	[tilespmem:s12+$0xFFFFFEA0] =	vst v40;
	v19 =	vmul.f32 v19, v9  }
0x3d6: {  	v41 =	vmul.f32 v21, v8;
	v43 =	vld [tilespmem:s23+$0xFFFFFEB0];
	[tilespmem:s12+$0xFFFFFFA0] =	vst v39  }
0x3d7: {  	v7 =	vmul.f32 v14, v7;
	[tilespmem:s12+$0xFFFFFF20] =	vst v19;
	v42 =	vld [tilespmem:s23+$0xFFFFFFB0]  }
0x3d8: {  	v6 =	vmul.f32 v15, v6;
	[tilespmem:s12+$0xFFFFFE20] =	vst v41;
	v45 =	vld [tilespmem:s23+$0xFFFFFF30]  }
0x3d9: {  	v46 =	vmul.f32 v16, v3;
	[tilespmem:s5+$0xFFFFFF00] =	vst v7;
	v44 =	vld [tilespmem:s23+$0xFFFFFE30]  }
0x3da: {  	v47 =	vld [tilespmem:s14+$0xFFFFFEC0];
	[tilespmem:s5+$0xFFFFFE80] =	vst v6;
	v12 =	vmul.f32 v12, v1  }
0x3db: {  	v49 =	vld [tilespmem:s14+$0xFFFFFF40];
	[tilespmem:s18+$0xFFFFFFC0] =	vst v46;
	v50 =	vmul.f32 v43, v10  }
0x3dc: {  	[tilespmem:s18+$0xFFFFFE40] =	vst v12;
	v58 =	vld [tilespmem:s14+$0xFFFFFFD0];
	v48 =	vmul.f32 v42, v11  }
0x3dd: {  	v51 =	vld [tilespmem:s13+$0xFFFFFF80];
	[tilespmem:s12+$0xFFFFFEB0] =	vst v50;
	v52 =	vmul.f32 v45, v9  }
0x3de: {  	v14 =	vmul.f32 v44, v8;
	v54 =	vld [tilespmem:s23+$0xFFFFFEC0];
	[tilespmem:s12+$0xFFFFFFB0] =	vst v48  }
0x3df: {  	v7 =	vmul.f32 v47, v4;
	[tilespmem:s12+$0xFFFFFF30] =	vst v52;
	v53 =	vld [tilespmem:s23+$0xFFFFFFC0]  }
0x3e0: {  	v56 =	vmul.f32 v49, v2;
	[tilespmem:s12+$0xFFFFFE30] =	vst v14;
	v57 =	vld [tilespmem:s23+$0xFFFFFF40]  }
0x3e1: {  	[tilespmem:s18+$0xFFFFFEC0] =	vst v7;
	v22 =	vmul.f32 v58, v3;
	v55 =	vld [tilespmem:s23+$0xFFFFFE40]  }
0x3e2: {  	v61 =	vld [tilespmem:s14+$0xFFFFFE50];
	v59 =	vmul.f32 v51, v5;
	[tilespmem:s18+$0xFFFFFF40] =	vst v56  }
0x3e3: {  	v63 =	vld [tilespmem:s14+$0xFFFFFF50];
	[tilespmem:s18+$0xFFFFFFD0] =	vst v22;
	v62 =	vmul.f32 v54, v10  }
0x3e4: {  	[tilespmem:s5+$0xFFFFFF80] =	vst v59;
	v27 =	vld [tilespmem:s14+$0xFFFFFFE0];
	v60 =	vmul.f32 v53, v11  }
0x3e5: {  	v7 =	vld [tilespmem:s14+$0xFFFFFED0];
	[tilespmem:s12+$0xFFFFFEC0] =	vst v62;
	v20 =	vmul.f32 v57, v9  }
0x3e6: {  	v15 =	vmul.f32 v55, v8;
	v23 =	vld [tilespmem:s23+$0xFFFFFED0];
	[tilespmem:s12+$0xFFFFFFC0] =	vst v60  }
0x3e7: {  	v25 =	vmul.f32 v61, v1;
	[tilespmem:s12+$0xFFFFFF40] =	vst v20;
	v21 =	vld [tilespmem:s23+$0xFFFFFFD0]  }
0x3e8: {  	v28 =	vmul.f32 v63, v2;
	[tilespmem:s12+$0xFFFFFE40] =	vst v15;
	v26 =	vld [tilespmem:s23+$0xFFFFFF50]  }
0x3e9: {  	[tilespmem:s18+$0xFFFFFE50] =	vst v25;
	v33 =	vmul.f32 v27, v3;
	v24 =	vld [tilespmem:s23+$0xFFFFFE50]  }
0x3ea: {  	v7 =	vmul.f32 v7, v4;
	v30 =	vld [tilespmem:s14+$0xFFFFFE60];
	[tilespmem:s18+$0xFFFFFF50] =	vst v28  }
0x3eb: {  	v32 =	vld [tilespmem:s14+$0xFFFFFF60];
	[tilespmem:s18+$0xFFFFFFE0] =	vst v33;
	v31 =	vmul.f32 v23, v10  }
0x3ec: {  	[tilespmem:s18+$0xFFFFFED0] =	vst v7;
	v37 =	vld [tilespmem:s14+$0xFFFFFFF0];
	v12 =	vmul.f32 v21, v11  }
0x3ed: {  	v29 =	vld [tilespmem:s14+$0xFFFFFEE0];
	[tilespmem:s12+$0xFFFFFED0] =	vst v31;
	v5 =	vmul.f32 v26, v9  }
0x3ee: {  	v16 =	vmul.f32 v24, v8;
	v34 =	vld [tilespmem:s23+$0xFFFFFEE0];
	[tilespmem:s12+$0xFFFFFFD0] =	vst v12  }
0x3ef: {  	v35 =	vmul.f32 v30, v1;
	[tilespmem:s12+$0xFFFFFF50] =	vst v5;
	v12 =	vld [tilespmem:s23+$0xFFFFFFE0]  }
0x3f0: {  	v38 =	vmul.f32 v32, v2;
	[tilespmem:s12+$0xFFFFFE50] =	vst v16;
	v36 =	vld [tilespmem:s23+$0xFFFFFF60]  }
0x3f1: {  	[tilespmem:s18+$0xFFFFFE60] =	vst v35;
	v46 =	vmul.f32 v37, v3;
	v16 =	vld [tilespmem:s23+$0xFFFFFE60]  }
0x3f2: {  	v6 =	vmul.f32 v29, v4;
	v40 =	vld [tilespmem:s14+$0xFFFFFE70];
	[tilespmem:s18+$0xFFFFFF60] =	vst v38  }
0x3f3: {  	[tilespmem:s18+$0xFFFFFFF0] =	vst v46;
	v42 =	vld [tilespmem:s14+$0xFFFFFF70];
	v41 =	vmul.f32 v34, v10  }
0x3f4: {  	[tilespmem:s18+$0xFFFFFEE0] =	vst v6;
	v51 =	vld [tilespmem:s14+$0x0];
	v12 =	vmul.f32 v12, v11  }
0x3f5: {  	v39 =	vld [tilespmem:s14+$0xFFFFFEF0];
	[tilespmem:s12+$0xFFFFFEE0] =	vst v41;
	v45 =	vmul.f32 v36, v9  }
0x3f6: {  	v43 =	vmul.f32 v16, v8;
	v47 =	vld [tilespmem:s23+$0xFFFFFEF0];
	[tilespmem:s12+$0xFFFFFFE0] =	vst v12  }
0x3f7: {  	v49 =	vmul.f32 v40, v1;
	[tilespmem:s12+$0xFFFFFF60] =	vst v45;
	v44 =	vld [tilespmem:s23+$0xFFFFFFF0]  }
0x3f8: {  	v52 =	vmul.f32 v42, v2;
	[tilespmem:s12+$0xFFFFFE60] =	vst v43;
	v50 =	vld [tilespmem:s23+$0xFFFFFF70]  }
0x3f9: {  	[tilespmem:s18+$0xFFFFFE70] =	vst v49;
	v3 =	vmul.f32 v51, v3;
	v48 =	vld [tilespmem:s23+$0xFFFFFE70]  }
0x3fa: {  	[tilespmem:s18+$0xFFFFFF70] =	vst v52;
	v5 =	vmul.f32 v39, v4  }
0x3fb: {  	v55 =	vld [tilespmem:s14+$0xFFFFFE80];
	[tilespmem:s18+$0x0] =	vst v3;
	v56 =	vmul.f32 v47, v10  }
0x3fc: {  	v57 =	vld [tilespmem:s14+$0xFFFFFF80];
	[tilespmem:s18+$0xFFFFFEF0] =	vst v5;
	v54 =	vmul.f32 v44, v11  }
0x3fd: {  	v53 =	vld [tilespmem:s14+$0xFFFFFF00];
	[tilespmem:s12+$0xFFFFFEF0] =	vst v56;
	v60 =	vmul.f32 v50, v9  }
0x3fe: {  	v58 =	vmul.f32 v48, v8;
	v61 =	vld [tilespmem:s23+$0xFFFFFF00];
	[tilespmem:s12+$0xFFFFFFF0] =	vst v54  }
0x3ff: {  	[tilespmem:s12+$0xFFFFFF70] =	vst v60;
	v59 =	vld [tilespmem:s23+$0x0]  }
0x400: {  	v1 =	vmul.f32 v55, v1;
	[tilespmem:s12+$0xFFFFFE70] =	vst v58;
	v3 =	vld [tilespmem:s23+$0xFFFFFF80]  }
0x401: {  	[tilespmem:s5+$0x0] =	vst v18;
	v2 =	vmul.f32 v57, v2;
	v63 =	vld [tilespmem:s23+$0xFFFFFE80]  }
0x402: {  	[tilespmem:s18+$0xFFFFFE80] =	vst v1;
	v62 =	vmul.f32 v53, v4  }
0x403: {  	s31 =	sadd.s32 $0x1, s31;
	[tilespmem:s18+$0xFFFFFF80] =	vst v2;
	v2 =	vmul.f32 v61, v10  }
0x404: {  	p0 =	sne.s32 s31, $0x1F;
	[tilespmem:s18+$0xFFFFFF00] =	vst v62;
	v1 =	vmul.f32 v59, v11  }
.Ltmp9:
0x405: {  	[tilespmem:s12+$0xFFFFFF00] =	vst v2;
	v2 =	vmul.f32 v3, v9;
	(pc) =	sbr.rel @p0 .LBB2_6-.Ltmp9, $4  }
0x406: {  	[tilespmem:s12+$0x0] =	vst v1;
	v1 =	vmul.f32 v63, v8  }
0x407: {  	[tilespmem:s12+$0xFFFFFF80] =	vst v2  }
0x408: {  	[tilespmem:s12+$0xFFFFFE80] =	vst v1  }
0x409: {  	[spmem:s4] =	stream.indirect.scatter.add.f32 [tilespmem:s9], [sflag:$0x6], $0x80, s30, s24, $0xb8;
	[tilespmem:$0x1DE80] =	vst v63  }
0x40a: {  	s5 =	simm.s32 $0x0  }
0x40b: {  	s11 =	simm.s32 $0x1;
	v1 =	vmov s5  }
0x40c: {  	s12 =	simm.s32 $0x2;
	v2 =	vmov s11;
	v1 =	vand.u32 $0xFFFFFFFC, v1  }
0x40d: {  	_ =	swait.ge [sflag:s20], $0x2800;
	v3 =	vmov s12;
	v2 =	vand.u32 $0xFFFFFFFD, v2;
	v1 =	vbroadcast v1, $0x0  }
0x40e: {  	[sflag:s20] =	ssyncset.done $0x0;
	v3 =	vand.u32 $0xFFFFFFFE, v3;
	v2 =	vbroadcast v2, $0x0  }
0x40f: {  	[sflag:s20] =	ssyncadd.s32 $0xFFFFD800;
	v3 =	vbroadcast v3, $0x0  }
0x410: {  	_ =	swait.ge [sflag:s10], $0x2800  }
0x411: {  	[sflag:s10] =	ssyncset.done $0x0  }
0x412: {  	[sflag:s10] =	ssyncadd.s32 $0xFFFFD800  }
0x413: {  	s13 =	simm.s32 $0x3;
	v6 =	vld.idx.msk [tilespmem:v1+s17+$0x0], $0xffff  }
0x414: {  	v1 =	vmov s13;
	v7 =	vld.idx.msk [tilespmem:v2+s17+$0x0], $0xffff  }
0x415: {  	s18 =	simm.s32 $0x13F80;
	v8 =	vld.idx.msk [tilespmem:v3+s17+$0x0], $0xffff  }
0x416: {  	v2 =	vld [tilespmem:s18+$0x0]  }
0x417: {  	v3 =	vld [tilespmem:s18+$0xFFFFFF00]  }
0x418: {  	v4 =	vld [tilespmem:s18+$0xFFFFFF80]  }
0x419: {  	v5 =	vld.idx.msk [tilespmem:v1+s17+$0x0], $0xffff  }
0x41a: {  	v1 =	vld [tilespmem:s18+$0x80]  }
0x41b: {  	v2 =	vmul.f32 v2, v8  }
0x41c: {  	s13 =	simm.s32 $0x18F80;
	v3 =	vmul.f32 v3, v6  }
0x41d: {  	v4 =	vmul.f32 v4, v7;
	[tilespmem:s13+$0x0] =	vst v2  }
0x41e: {  	[tilespmem:s13+$0xFFFFFF00] =	vst v3;
	v2 =	vld [tilespmem:s18+$0x10]  }
0x41f: {  	[tilespmem:s13+$0xFFFFFF80] =	vst v4;
	v3 =	vld [tilespmem:s18+$0xFFFFFF10];
	v1 =	vmul.f32 v1, v5  }
0x420: {  	v4 =	vld [tilespmem:s18+$0xFFFFFF90]  }
0x421: {  	[tilespmem:s13+$0x80] =	vst v1  }
0x422: {  	v1 =	vld [tilespmem:s18+$0x90]  }
0x423: {  	v2 =	vmul.f32 v2, v8  }
0x424: {  	v3 =	vmul.f32 v3, v6  }
0x425: {  	v4 =	vmul.f32 v4, v7;
	[tilespmem:s13+$0x10] =	vst v2  }
0x426: {  	[tilespmem:s13+$0xFFFFFF10] =	vst v3;
	v2 =	vld [tilespmem:s18+$0x20]  }
0x427: {  	[tilespmem:s13+$0xFFFFFF90] =	vst v4;
	v3 =	vld [tilespmem:s18+$0xFFFFFF20];
	v1 =	vmul.f32 v1, v5  }
0x428: {  	v4 =	vld [tilespmem:s18+$0xFFFFFFA0]  }
0x429: {  	[tilespmem:s13+$0x90] =	vst v1  }
0x42a: {  	v1 =	vld [tilespmem:s18+$0xA0]  }
0x42b: {  	s14 =	simm.s32 $0x4;
	v2 =	vmul.f32 v2, v8  }
0x42c: {  	s19 =	simm.s32 $0x5;
	v9 =	vmov s14;
	v3 =	vmul.f32 v3, v6  }
0x42d: {  	s11 =	simm.s32 $0x7;
	v10 =	vmov s19;
	v9 =	vand.u32 $0xFFFFFFFC, v9;
	v4 =	vmul.f32 v4, v7;
	[tilespmem:s13+$0x20] =	vst v2  }
0x42e: {  	v10 =	vand.u32 $0xFFFFFFFD, v10;
	v9 =	vbroadcast v9, $0x0;
	v2 =	vmov s11;
	[tilespmem:s13+$0xFFFFFF20] =	vst v3;
	v3 =	vld [tilespmem:s18+$0x30]  }
0x42f: {  	v10 =	vbroadcast v10, $0x0;
	[tilespmem:s13+$0xFFFFFFA0] =	vst v4;
	v11 =	vld [tilespmem:s18+$0xFFFFFF30];
	v1 =	vmul.f32 v1, v5  }
0x430: {  	v12 =	vld [tilespmem:s18+$0xFFFFFFB0]  }
0x431: {  	s21 =	simm.s32 $0x6;
	[tilespmem:s13+$0xA0] =	vst v1  }
0x432: {  	v1 =	vmov s21;
	v13 =	vld [tilespmem:s18+$0xB0]  }
0x433: {  	v4 =	vand.u32 $0xFFFFFFFE, v1;
	v1 =	vld.idx.msk [tilespmem:v2+s17+$0x0], $0xffff;
	v3 =	vmul.f32 v3, v8  }
0x434: {  	v2 =	vld.idx.msk [tilespmem:v9+s17+$0x0], $0xffff;
	v9 =	vmul.f32 v11, v6;
	v14 =	vbroadcast v4, $0x0  }
0x435: {  	v4 =	vld.idx.msk [tilespmem:v10+s17+$0x0], $0xffff;
	v10 =	vmul.f32 v12, v7;
	[tilespmem:s13+$0x30] =	vst v3  }
0x436: {  	s14 =	simm.s32 $0x14180;
	[tilespmem:s13+$0xFFFFFF30] =	vst v9;
	v9 =	vld [tilespmem:s18+$0x40]  }
0x437: {  	v12 =	vld [tilespmem:s14+$0x0];
	[tilespmem:s13+$0xFFFFFFB0] =	vst v10  }
0x438: {  	v10 =	vld [tilespmem:s18+$0xFFFFFFC0]  }
0x439: {  	v11 =	vld [tilespmem:s18+$0xFFFFFF40]  }
0x43a: {  	v3 =	vld.idx.msk [tilespmem:v14+s17+$0x0], $0xffff  }
0x43b: {  	v14 =	vld [tilespmem:s14+$0xFFFFFF00];
	v9 =	vmul.f32 v9, v8  }
0x43c: {  	v15 =	vld [tilespmem:s14+$0xFFFFFF80];
	v13 =	vmul.f32 v13, v5  }
0x43d: {  	v16 =	vld [tilespmem:s14+$0x80];
	v10 =	vmul.f32 v10, v7;
	[tilespmem:s13+$0x40] =	vst v9  }
0x43e: {  	[tilespmem:s13+$0xB0] =	vst v13;
	v9 =	vmul.f32 v11, v6;
	v11 =	vld [tilespmem:s18+$0x50]  }
0x43f: {  	[tilespmem:s13+$0xFFFFFFC0] =	vst v10;
	v10 =	vld [tilespmem:s18+$0xC0];
	v12 =	vmul.f32 v12, v3  }
0x440: {  	s5 =	simm.s32 $0x19180;
	[tilespmem:s13+$0xFFFFFF40] =	vst v9;
	v9 =	vmul.f32 v14, v2;
	v13 =	vld [tilespmem:s18+$0xFFFFFFD0]  }
0x441: {  	v14 =	vmul.f32 v15, v4;
	[tilespmem:s5+$0x0] =	vst v12;
	v12 =	vld [tilespmem:s18+$0xFFFFFF50]  }
0x442: {  	v15 =	vmul.f32 v16, v1;
	[tilespmem:s5+$0xFFFFFF00] =	vst v9;
	v9 =	vld [tilespmem:s14+$0x10]  }
0x443: {  	[tilespmem:s5+$0xFFFFFF80] =	vst v14;
	v16 =	vld [tilespmem:s14+$0xFFFFFF10];
	v11 =	vmul.f32 v11, v8  }
0x444: {  	[tilespmem:s5+$0x80] =	vst v15;
	v14 =	vld [tilespmem:s14+$0xFFFFFF90];
	v10 =	vmul.f32 v10, v5  }
0x445: {  	v15 =	vld [tilespmem:s14+$0x90];
	v13 =	vmul.f32 v13, v7;
	[tilespmem:s13+$0x50] =	vst v11  }
0x446: {  	[tilespmem:s13+$0xC0] =	vst v10;
	v11 =	vmul.f32 v12, v6;
	v12 =	vld [tilespmem:s18+$0x60]  }
0x447: {  	[tilespmem:s13+$0xFFFFFFD0] =	vst v13;
	v10 =	vld [tilespmem:s18+$0xD0];
	v9 =	vmul.f32 v9, v3  }
0x448: {  	v13 =	vmul.f32 v16, v2;
	[tilespmem:s13+$0xFFFFFF50] =	vst v11;
	v11 =	vld [tilespmem:s18+$0xFFFFFFE0]  }
0x449: {  	v14 =	vmul.f32 v14, v4;
	[tilespmem:s5+$0x10] =	vst v9;
	v9 =	vld [tilespmem:s18+$0xFFFFFF60]  }
0x44a: {  	v15 =	vmul.f32 v15, v1;
	[tilespmem:s5+$0xFFFFFF10] =	vst v13;
	v13 =	vld [tilespmem:s14+$0x20]  }
0x44b: {  	[tilespmem:s5+$0xFFFFFF90] =	vst v14;
	v16 =	vld [tilespmem:s14+$0xFFFFFF20];
	v12 =	vmul.f32 v12, v8  }
0x44c: {  	[tilespmem:s5+$0x90] =	vst v15;
	v10 =	vmul.f32 v10, v5  }
0x44d: {  	v17 =	vld [tilespmem:s14+$0xFFFFFFA0];
	v11 =	vmul.f32 v11, v7;
	[tilespmem:s13+$0x60] =	vst v12  }
0x44e: {  	v18 =	vld [tilespmem:s14+$0xA0];
	[tilespmem:s13+$0xD0] =	vst v10;
	v9 =	vmul.f32 v9, v6  }
0x44f: {  	v19 =	vld [tilespmem:s18+$0x70];
	v10 =	vmul.f32 v13, v3;
	[tilespmem:s13+$0xFFFFFFE0] =	vst v11  }
0x450: {  	s23 =	simm.s32 $0x8;
	s12 =	simm.s32 $0x9;
	v20 =	vld [tilespmem:s18+$0xE0];
	v11 =	vmul.f32 v16, v2;
	[tilespmem:s13+$0xFFFFFF60] =	vst v9  }
0x451: {  	s31 =	simm.s32 $0xB;
	v12 =	vmov s12;
	v14 =	vld [tilespmem:s18+$0xFFFFFFF0];
	v9 =	vmov s23;
	[tilespmem:s5+$0x20] =	vst v10  }
0x452: {  	v13 =	vmul.f32 v17, v4;
	v15 =	vld [tilespmem:s18+$0xFFFFFF70];
	v9 =	vand.u32 $0xFFFFFFFC, v9;
	[tilespmem:s5+$0xFFFFFF20] =	vst v11;
	v11 =	vmov s31  }
0x453: {  	v17 =	vmul.f32 v18, v1;
	v10 =	vand.u32 $0xFFFFFFFD, v12;
	v16 =	vld [tilespmem:s14+$0x30];
	v9 =	vbroadcast v9, $0x0  }
0x454: {  	[tilespmem:s5+$0xFFFFFFA0] =	vst v13;
	v10 =	vbroadcast v10, $0x0;
	v12 =	vld [tilespmem:s14+$0xFFFFFF30];
	v18 =	vmul.f32 v19, v8  }
0x455: {  	s11 =	simm.s32 $0xA;
	s12 =	simm.s32 $0xC;
	[tilespmem:s5+$0xA0] =	vst v17;
	v13 =	vld [tilespmem:s14+$0xFFFFFFB0];
	v17 =	vmul.f32 v20, v5  }
.LBB2_16:
0x456: {  	p0 =	slt.u32 s12, $0x4C;
	v8 =	vmov s11;
	v19 =	vld [tilespmem:s14+$0xB0];
	v14 =	vmul.f32 v14, v7;
	[tilespmem:s13+$0x70] =	vst v18;
	v7 =	vmov v4  }
0x457: {  	v4 =	vand.u32 $0xFFFFFFFE, v8;
	v8 =	vld.idx.msk [tilespmem:v11+s17+$0x0], $0xffff;
	v11 =	vmul.f32 v15, v6;
	[tilespmem:s13+$0xE0] =	vst v17;
	v6 =	vmov v2  }
0x458: {  	v15 =	vbroadcast v4, $0x0;
	v16 =	vmul.f32 v16, v3;
	[tilespmem:s13+$0xFFFFFFF0] =	vst v14;
	v14 =	vld [tilespmem:s18+$0xF0];
	s18 =	smov.u32 s14  }
0x459: {  	v2 =	vld.idx.msk [tilespmem:v9+s17+$0x0], $0xffff;
	v9 =	vmul.f32 v12, v6;
	[tilespmem:s13+$0xFFFFFF70] =	vst v11  }
0x45a: {  	v4 =	vld.idx.msk [tilespmem:v10+s17+$0x0], $0xffff;
	v10 =	vmul.f32 v13, v7;
	[tilespmem:s5+$0x30] =	vst v16  }
0x45b: {  	[tilespmem:s5+$0xFFFFFF30] =	vst v9;
	v9 =	vld [tilespmem:s14+$0x40];
	v11 =	vmul.f32 v19, v1  }
0x45c: {  	v12 =	vld [tilespmem:s14+$0xFFFFFF40];
	[tilespmem:s5+$0xFFFFFFB0] =	vst v10  }
0x45d: {  	v10 =	vld [tilespmem:s14+$0xFFFFFFC0];
	[tilespmem:s5+$0xB0] =	vst v11;
	v11 =	vmul.f32 v14, v5;
	v5 =	vmov v1;
	v1 =	vmov v8  }
0x45e: {  	s14 =	sadd.s32 $0x200, s14;
	v8 =	vld.idx.msk [tilespmem:v15+s17+$0x0], $0xffff  }
0x45f: {  	v13 =	vld [tilespmem:s14+$0x0];
	[tilespmem:s13+$0xF0] =	vst v11;
	s13 =	smov.u32 s5  }
0x460: {  	v11 =	vld [tilespmem:s14+$0xFFFFFF00];
	v9 =	vmul.f32 v9, v3  }
0x461: {  	v14 =	vld [tilespmem:s14+$0xFFFFFF80];
	v12 =	vmul.f32 v12, v6  }
0x462: {  	v15 =	vld [tilespmem:s14+$0x80];
	v10 =	vmul.f32 v10, v7;
	[tilespmem:s5+$0x40] =	vst v9  }
0x463: {  	[tilespmem:s5+$0xFFFFFF40] =	vst v12;
	v9 =	vld [tilespmem:s18+$0x50]  }
0x464: {  	v12 =	vmul.f32 v13, v8;
	[tilespmem:s5+$0xFFFFFFC0] =	vst v10;
	v10 =	vld [tilespmem:s18+$0xC0]  }
0x465: {  	s5 =	sadd.s32 $0x200, s5;
	v11 =	vmul.f32 v11, v2;
	v13 =	vld [tilespmem:s18+$0xFFFFFFD0]  }
0x466: {  	v14 =	vmul.f32 v14, v4;
	[tilespmem:s5+$0x0] =	vst v12;
	v12 =	vld [tilespmem:s18+$0xFFFFFF50]  }
0x467: {  	[tilespmem:s5+$0xFFFFFF00] =	vst v11;
	v11 =	vld [tilespmem:s14+$0x10];
	v15 =	vmul.f32 v15, v1  }
0x468: {  	v16 =	vld [tilespmem:s14+$0xFFFFFF10];
	[tilespmem:s5+$0xFFFFFF80] =	vst v14;
	v9 =	vmul.f32 v9, v3  }
0x469: {  	v14 =	vld [tilespmem:s14+$0xFFFFFF90];
	[tilespmem:s5+$0x80] =	vst v15;
	v10 =	vmul.f32 v10, v5  }
0x46a: {  	v15 =	vld [tilespmem:s14+$0x90];
	v13 =	vmul.f32 v13, v7;
	[tilespmem:s13+$0x50] =	vst v9  }
0x46b: {  	v9 =	vmul.f32 v12, v6;
	v12 =	vld [tilespmem:s18+$0x60];
	[tilespmem:s13+$0xC0] =	vst v10  }
0x46c: {  	v10 =	vmul.f32 v11, v8;
	[tilespmem:s13+$0xFFFFFFD0] =	vst v13;
	v11 =	vld [tilespmem:s18+$0xD0]  }
0x46d: {  	v13 =	vmul.f32 v16, v2;
	[tilespmem:s13+$0xFFFFFF50] =	vst v9;
	v9 =	vld [tilespmem:s18+$0xFFFFFFE0]  }
0x46e: {  	v14 =	vmul.f32 v14, v4;
	[tilespmem:s5+$0x10] =	vst v10;
	v10 =	vld [tilespmem:s18+$0xFFFFFF60]  }
0x46f: {  	[tilespmem:s5+$0xFFFFFF10] =	vst v13;
	v13 =	vld [tilespmem:s14+$0x20];
	v15 =	vmul.f32 v15, v1  }
0x470: {  	v16 =	vld [tilespmem:s14+$0xFFFFFF20];
	[tilespmem:s5+$0xFFFFFF90] =	vst v14;
	v12 =	vmul.f32 v12, v3  }
0x471: {  	v17 =	vld [tilespmem:s14+$0xFFFFFFA0];
	[tilespmem:s5+$0x90] =	vst v15;
	v11 =	vmul.f32 v11, v5  }
0x472: {  	v18 =	vld [tilespmem:s14+$0xA0];
	v9 =	vmul.f32 v9, v7;
	[tilespmem:s13+$0x60] =	vst v12  }
0x473: {  	v10 =	vmul.f32 v10, v6;
	v19 =	vld [tilespmem:s18+$0x70];
	[tilespmem:s13+$0xD0] =	vst v11  }
0x474: {  	s11 =	sadd.s32 $0x3, s12;
	v12 =	vmul.f32 v13, v8;
	[tilespmem:s13+$0xFFFFFFE0] =	vst v9;
	v20 =	vld [tilespmem:s18+$0xE0]  }
.Ltmp10:
0x475: {  	s19 =	sadd.s32 $0x1, s12;
	v11 =	vmov s11;
	v9 =	vmov s12;
	v13 =	vmul.f32 v16, v2;
	[tilespmem:s13+$0xFFFFFF60] =	vst v10;
	v14 =	vld [tilespmem:s18+$0xFFFFFFF0];
	(pc) =	sbr.rel @p0 .LBB2_16-.Ltmp10, $4  }
0x476: {  	v9 =	vand.u32 $0xFFFFFFFC, v9;
	v10 =	vmov s19;
	v17 =	vmul.f32 v17, v4;
	[tilespmem:s5+$0x20] =	vst v12;
	v15 =	vld [tilespmem:s18+$0xFFFFFF70]  }
0x477: {  	v9 =	vbroadcast v9, $0x0;
	v10 =	vand.u32 $0xFFFFFFFD, v10;
	[tilespmem:s5+$0xFFFFFF20] =	vst v13;
	v16 =	vld [tilespmem:s14+$0x30];
	v21 =	vmul.f32 v18, v1  }
0x478: {  	v10 =	vbroadcast v10, $0x0;
	v12 =	vld [tilespmem:s14+$0xFFFFFF30];
	[tilespmem:s5+$0xFFFFFFA0] =	vst v17;
	v18 =	vmul.f32 v19, v3;
	v3 =	vmov v8  }
0x479: {  	s11 =	sadd.s32 $0x2, s12;
	s12 =	sadd.s32 $0x4, s12;
	v13 =	vld [tilespmem:s14+$0xFFFFFFB0];
	[tilespmem:s5+$0xA0] =	vst v21;
	v17 =	vmul.f32 v20, v5  }
0x47a: {  	_ = 	snop  }
0x47b: {  	v8 =	vmov s11  }
0x47c: {  	v8 =	vand.u32 $0xFFFFFFFE, v8  }
0x47d: {  	v19 =	vbroadcast v8, $0x0  }
0x47e: {  	v9 =	vld.idx.msk [tilespmem:v9+s17+$0x0], $0xffff  }
0x47f: {  	v10 =	vld.idx.msk [tilespmem:v10+s17+$0x0], $0xffff;
	s23 =	sadd.s32 $0x200, s14  }
0x480: {  	v52 =	vld [tilespmem:s23+$0x0]  }
0x481: {  	v20 =	vld [tilespmem:s23+$0xFFFFFF80]  }
0x482: {  	v8 =	vld.idx.msk [tilespmem:v11+s17+$0x0], $0xffff  }
0x483: {  	v11 =	vld.idx.msk [tilespmem:v19+s17+$0x0], $0xffff  }
0x484: {  	v22 =	vld [tilespmem:s23+$0x80]  }
0x485: {  	v21 =	vld [tilespmem:s23+$0xFFFFFF00];
	_ =	sdelay $0x1  }
0x486: {  	v20 =	vmul.f32 v20, v10  }
0x487: {  	s12 =	sadd.s32 $0x200, s5;
	v19 =	vmul.f32 v52, v11  }
0x488: {  	v22 =	vmul.f32 v22, v8;
	[tilespmem:s12+$0xFFFFFF80] =	vst v20  }
0x489: {  	v21 =	vmul.f32 v21, v9;
	v20 =	vld [tilespmem:s23+$0xFFFFFF90];
	[tilespmem:s12+$0x0] =	vst v19  }
0x48a: {  	[tilespmem:s12+$0x80] =	vst v22;
	v19 =	vld [tilespmem:s23+$0x10]  }
0x48b: {  	[tilespmem:s12+$0xFFFFFF00] =	vst v21;
	v22 =	vld [tilespmem:s23+$0x90]  }
0x48c: {  	v21 =	vld [tilespmem:s23+$0xFFFFFF10];
	_ =	sdelay $0x1  }
0x48d: {  	v53 =	vmul.f32 v20, v10  }
0x48e: {  	[tilespmem:s13+$0xE0] =	vst v17;
	v19 =	vmul.f32 v19, v11  }
0x48f: {  	v56 =	vmul.f32 v22, v8;
	[tilespmem:s12+$0xFFFFFF90] =	vst v53  }
0x490: {  	v54 =	vmul.f32 v21, v9;
	v57 =	vld [tilespmem:s23+$0xFFFFFFA0];
	[tilespmem:s12+$0x10] =	vst v19  }
0x491: {  	v7 =	vmul.f32 v14, v7;
	[tilespmem:s12+$0x90] =	vst v56;
	v55 =	vld [tilespmem:s23+$0x20]  }
0x492: {  	v6 =	vmul.f32 v15, v6;
	[tilespmem:s12+$0xFFFFFF10] =	vst v54;
	v59 =	vld [tilespmem:s23+$0xA0]  }
0x493: {  	v16 =	vmul.f32 v16, v3;
	[tilespmem:s13+$0xFFFFFFF0] =	vst v7;
	v58 =	vld [tilespmem:s23+$0xFFFFFF20]  }
0x494: {  	[tilespmem:s13+$0xFFFFFF70] =	vst v6;
	v12 =	vmul.f32 v12, v2  }
0x495: {  	v61 =	vld [tilespmem:s14+$0xB0];
	[tilespmem:s5+$0x30] =	vst v16;
	v62 =	vmul.f32 v57, v10  }
0x496: {  	v17 =	vld [tilespmem:s18+$0xF0];
	[tilespmem:s5+$0xFFFFFF30] =	vst v12;
	v60 =	vmul.f32 v55, v11  }
0x497: {  	v22 =	vld [tilespmem:s14+$0x40];
	v15 =	vmul.f32 v59, v8;
	[tilespmem:s12+$0xFFFFFFA0] =	vst v62  }
0x498: {  	v14 =	vmul.f32 v58, v9;
	v63 =	vld [tilespmem:s23+$0xFFFFFFB0];
	[tilespmem:s12+$0x20] =	vst v60  }
0x499: {  	v13 =	vmul.f32 v13, v4;
	[tilespmem:s12+$0xA0] =	vst v15;
	v6 =	vld [tilespmem:s23+$0x30]  }
0x49a: {  	v7 =	vmul.f32 v61, v1;
	[tilespmem:s12+$0xFFFFFF20] =	vst v14;
	v21 =	vld [tilespmem:s23+$0xB0]  }
0x49b: {  	[tilespmem:s5+$0xFFFFFFB0] =	vst v13;
	v5 =	vmul.f32 v17, v5;
	v20 =	vld [tilespmem:s23+$0xFFFFFF30]  }
0x49c: {  	v23 =	vld [tilespmem:s14+$0xFFFFFF40];
	[tilespmem:s5+$0xB0] =	vst v7;
	v26 =	vmul.f32 v22, v3  }
0x49d: {  	v25 =	vld [tilespmem:s14+$0xC0];
	[tilespmem:s13+$0xF0] =	vst v5;
	v24 =	vmul.f32 v63, v10  }
0x49e: {  	v13 =	vld [tilespmem:s14+$0xFFFFFFC0];
	[tilespmem:s5+$0x40] =	vst v26;
	v6 =	vmul.f32 v6, v11  }
0x49f: {  	v29 =	vld [tilespmem:s14+$0x50];
	v12 =	vmul.f32 v21, v8;
	[tilespmem:s12+$0xFFFFFFB0] =	vst v24  }
0x4a0: {  	v16 =	vmul.f32 v20, v9;
	v27 =	vld [tilespmem:s23+$0xFFFFFFC0];
	[tilespmem:s12+$0x30] =	vst v6  }
0x4a1: {  	v7 =	vmul.f32 v23, v2;
	[tilespmem:s12+$0xB0] =	vst v12;
	v6 =	vld [tilespmem:s23+$0x40]  }
0x4a2: {  	v30 =	vmul.f32 v25, v1;
	[tilespmem:s12+$0xFFFFFF30] =	vst v16;
	v28 =	vld [tilespmem:s23+$0xC0]  }
0x4a3: {  	v13 =	vmul.f32 v13, v4;
	[tilespmem:s5+$0xFFFFFF40] =	vst v7;
	v16 =	vld [tilespmem:s23+$0xFFFFFF40]  }
0x4a4: {  	v32 =	vld [tilespmem:s14+$0xFFFFFF50];
	[tilespmem:s5+$0xC0] =	vst v30;
	v12 =	vmul.f32 v29, v3  }
0x4a5: {  	[tilespmem:s5+$0xFFFFFFC0] =	vst v13;
	v34 =	vld [tilespmem:s14+$0xD0];
	v33 =	vmul.f32 v27, v10  }
0x4a6: {  	v31 =	vld [tilespmem:s14+$0xFFFFFFD0];
	[tilespmem:s5+$0x50] =	vst v12;
	v6 =	vmul.f32 v6, v11  }
0x4a7: {  	v37 =	vld [tilespmem:s14+$0x60];
	v5 =	vmul.f32 v28, v8;
	[tilespmem:s12+$0xFFFFFFC0] =	vst v33  }
0x4a8: {  	v16 =	vmul.f32 v16, v9;
	v13 =	vld [tilespmem:s23+$0xFFFFFFD0];
	[tilespmem:s12+$0x40] =	vst v6  }
0x4a9: {  	v35 =	vmul.f32 v32, v2;
	[tilespmem:s12+$0xC0] =	vst v5;
	v6 =	vld [tilespmem:s23+$0x50]  }
0x4aa: {  	v38 =	vmul.f32 v34, v1;
	[tilespmem:s12+$0xFFFFFF40] =	vst v16;
	v36 =	vld [tilespmem:s23+$0xD0]  }
0x4ab: {  	v7 =	vmul.f32 v31, v4;
	[tilespmem:s5+$0xFFFFFF50] =	vst v35;
	v16 =	vld [tilespmem:s23+$0xFFFFFF50]  }
0x4ac: {  	v40 =	vld [tilespmem:s14+$0xFFFFFF60];
	[tilespmem:s5+$0xD0] =	vst v38;
	v46 =	vmul.f32 v37, v3  }
0x4ad: {  	[tilespmem:s5+$0xFFFFFFD0] =	vst v7;
	v42 =	vld [tilespmem:s14+$0xE0];
	v41 =	vmul.f32 v13, v10  }
0x4ae: {  	v39 =	vld [tilespmem:s14+$0xFFFFFFE0];
	[tilespmem:s5+$0x60] =	vst v46;
	v6 =	vmul.f32 v6, v11  }
0x4af: {  	v51 =	vld [tilespmem:s14+$0x70];
	v45 =	vmul.f32 v36, v8;
	[tilespmem:s12+$0xFFFFFFD0] =	vst v41  }
0x4b0: {  	v43 =	vmul.f32 v16, v9;
	v47 =	vld [tilespmem:s23+$0xFFFFFFE0];
	[tilespmem:s12+$0x50] =	vst v6  }
0x4b1: {  	v49 =	vmul.f32 v40, v2;
	[tilespmem:s12+$0xD0] =	vst v45;
	v44 =	vld [tilespmem:s23+$0x60]  }
0x4b2: {  	v52 =	vmul.f32 v42, v1;
	[tilespmem:s12+$0xFFFFFF50] =	vst v43;
	v50 =	vld [tilespmem:s23+$0xE0]  }
0x4b3: {  	[tilespmem:s5+$0xFFFFFF60] =	vst v49;
	v5 =	vmul.f32 v39, v4;
	v48 =	vld [tilespmem:s23+$0xFFFFFF60]  }
0x4b4: {  	[tilespmem:s5+$0xE0] =	vst v52;
	v3 =	vmul.f32 v51, v3  }
0x4b5: {  	v55 =	vld [tilespmem:s14+$0xFFFFFF70];
	[tilespmem:s5+$0xFFFFFFE0] =	vst v5;
	v56 =	vmul.f32 v47, v10  }
0x4b6: {  	v57 =	vld [tilespmem:s14+$0xF0];
	[tilespmem:s5+$0x70] =	vst v3;
	v54 =	vmul.f32 v44, v11  }
0x4b7: {  	v53 =	vld [tilespmem:s14+$0xFFFFFFF0];
	v60 =	vmul.f32 v50, v8;
	[tilespmem:s12+$0xFFFFFFE0] =	vst v56  }
0x4b8: {  	v58 =	vmul.f32 v48, v9;
	v61 =	vld [tilespmem:s23+$0xFFFFFFF0];
	[tilespmem:s12+$0x60] =	vst v54  }
0x4b9: {  	[tilespmem:s12+$0xE0] =	vst v60;
	v59 =	vld [tilespmem:s23+$0x70]  }
0x4ba: {  	v2 =	vmul.f32 v55, v2;
	[tilespmem:s12+$0xFFFFFF60] =	vst v58;
	v3 =	vld [tilespmem:s23+$0xF0]  }
0x4bb: {  	[tilespmem:s13+$0x70] =	vst v18;
	v1 =	vmul.f32 v57, v1;
	v63 =	vld [tilespmem:s23+$0xFFFFFF70]  }
0x4bc: {  	[tilespmem:s5+$0xFFFFFF70] =	vst v2;
	v62 =	vmul.f32 v53, v4  }
0x4bd: {  	[tilespmem:s5+$0xF0] =	vst v1;
	v1 =	vmul.f32 v61, v10  }
0x4be: {  	[tilespmem:s5+$0xFFFFFFF0] =	vst v62;
	v2 =	vmul.f32 v59, v11  }
0x4bf: {  	[tilespmem:s12+$0xFFFFFFF0] =	vst v1;
	v1 =	vmul.f32 v3, v8  }
0x4c0: {  	[tilespmem:s12+$0x70] =	vst v2;
	v2 =	vmul.f32 v63, v9  }
0x4c1: {  	[tilespmem:s12+$0xF0] =	vst v1  }
0x4c2: {  	[tilespmem:s12+$0xFFFFFF70] =	vst v2  }
0x4c3: {  	[spmem:s4] =	stream.indirect.scatter.add.f32 [tilespmem:s25], [sflag:$0x5], $0x80, s16, s24, $0xb8;
	[tilespmem:$0x1DE80] =	vst v63  }
0x4c4: {  	_ =	swait.ge [sflag:s10], $0x2800  }
0x4c5: {  	[sflag:s10] =	ssyncset.done $0x0  }
0x4c6: {  	[sflag:s10] =	ssyncadd.s32 $0xFFFFD800  }
0x4c7: {  	_ =	swait.ge [sflag:s6], $0x2800  }
0x4c8: {  	[sflag:s6] =	ssyncset.done $0x0  }
0x4c9: {  	[sflag:s6] =	ssyncadd.s32 $0xFFFFD800  }
0x4ca: {  	[bflag:$0x0] =	sbarrier.arrive $0xFFFF  }
0x4cb: {  	s21 =	rddreg [dreg:$0x19]  }
0x4cc: {  	s23 =	rddreg [dreg:$0x1b]  }
0x4cd: {  	s31 =	sld @p1 [smem:$0x7EF]  }
0x4ce: {  	s11 =	sld @p1 [smem:$0x7F1]  }
0x4cf: {  	s14 =	rddreg [dreg:$0x1c]  }
0x4d0: {  	s5 =	rddreg @p1 [dreg:$0x11]  }
0x4d1: {  	[hbm:s5], [sflag:s31] =	dma.local @p1 [spmem:s11], $0x500  }
0x4d2: {  	s31 =	sld @!p1 [smem:$0x7EF]  }
0x4d3: {  	s11 =	sld @!p1 [smem:$0x7F1]  }
0x4d4: {  	s12 =	rddreg @p1 [dreg:$0x8]  }
0x4d5: {  	s5 =	rddreg @!p1 [dreg:$0x12]  }
0x4d6: {  	[hbm:s5], [sflag:s31] =	dma.local @!p1 [spmem:s11], $0x500  }
0x4d7: {  	s12 =	rddreg @!p1 [dreg:$0x7]  }
0x4d8: {  	s11 =	sld [smem:$0x7F0]  }
0x4d9: {  	s5 =	rddreg [dreg:$0x14]  }
0x4da: {  	s13 =	simm.s32 $0x7;
	s5 =	sadd.s32 s12, s5  }
0x4db: {  	[hbm:s5], [sflag:s31] =	dma.local [spmem:s11], $0x500  }
0x4dc: {  	_ =	swait.ge [sflag:s13], $0x500  }
0x4dd: {  	s18 =	rddreg [dreg:$0x16]  }
0x4de: {  	[sflag:s13] =	ssyncset.done $0x0;
	s5 =	sadd.s32 s12, s18;
	s18 =	rddreg [dreg:$0x17]  }
0x4df: {  	[sflag:s13] =	ssyncadd.s32 $0xFFFFFB00;
	s19 =	sshrl.u32 s18, $0x3  }
0x4e0: {  	[hbm:s5], [sflag:s31] =	dma.local [spmem:s19], $0x500  }
0x4e1: {  	_ =	swait.ge [sflag:s13], $0x500  }
0x4e2: {  	s19 =	rddreg [dreg:$0x1a]  }
0x4e3: {  	[sflag:s13] =	ssyncset.done $0x0;
	s5 =	sadd.s32 s12, s19;
	s19 =	rddreg [dreg:$0x18]  }
0x4e4: {  	[sflag:s13] =	ssyncadd.s32 $0xFFFFFB00;
	s11 =	sshrl.u32 s19, $0x3  }
0x4e5: {  	[hbm:s5], [sflag:s31] =	dma.local [spmem:s11], $0x500  }
0x4e6: {  	_ =	swait.ge [sflag:s13], $0x500  }
0x4e7: {  	[sflag:s13] =	ssyncset.done $0x0;
	s11 =	rddreg [dreg:$0x1d]  }
0x4e8: {  	[sflag:s13] =	ssyncadd.s32 $0xFFFFFB00;
	s5 =	sadd.s32 s12, s11;
	s11 =	sshrl.u32 s21, $0x3  }
0x4e9: {  	[hbm:s5], [sflag:s31] =	dma.local [spmem:s11], $0x500  }
0x4ea: {  	_ =	swait.ge [sflag:s13], $0x500  }
0x4eb: {  	[sflag:s13] =	ssyncset.done $0x0;
	s11 =	rddreg [dreg:$0x1e]  }
0x4ec: {  	[sflag:s13] =	ssyncadd.s32 $0xFFFFFB00;
	s5 =	sadd.s32 s12, s11;
	s11 =	sshrl.u32 s23, $0x3  }
0x4ed: {  	[hbm:s5], [sflag:s31] =	dma.local [spmem:s11], $0x500  }
0x4ee: {  	_ =	swait.ge [sflag:s13], $0x500  }
0x4ef: {  	s11 =	sld [smem:$0x7FA];
	_ =	sdelay $0x1  }
0x4f0: {  	s14 =	sshrl.u32 s14, $0x3;
	[sflag:s13] =	ssyncset.done $0x0  }
.Ltmp11:
0x4f1: {  	[sflag:s13] =	ssyncadd.s32 $0xFFFFFB00;
	s5 =	sadd.s32 s12, s11;
	(pc) =	sbr.rel @!p5 .LBB2_19-.Ltmp11, $4  }
0x4f2: {  	[hbm:s5], [sflag:s31] =	dma.local [spmem:s14], $0x500  }
0x4f3: {  	_ =	swait.ge [sflag:s13], $0x500  }
0x4f4: {  	[sflag:s13] =	ssyncset.done $0x0  }
0x4f5: {  	s5 =	smov.u32 s12;
	s14 =	rddreg [dreg:$0x6];
	[sflag:s13] =	ssyncadd.s32 $0xFFFFFB00  }
.Ltmp12:
0x4f6: {  	s11 =	sld [smem:$0x7FC];
	(pc) =	sbr.rel .LBB2_19-.Ltmp12, $4  }
0x4f7: {  	_ = 	snop  }
0x4f8: {  	s12 =	rddreg [dreg:$0x1f]  }
0x4f9: {  	s5 =	sadd.s32 s5, s11;
	s11 =	sshrl.u32 s12, $0x3  }
0x4fa: {  	[hbm:s5], [sflag:s31] =	dma.local [spmem:s11], $0x500  }
.LBB2_20:
0x4fb: {  	_ =	sfence.sel $0x180000  }
0x4fc: {  	[bflag:$0x0] =	sbarrier.arrive $0xFFFF  }
0x4fd: {  	_ =	strace $0x90000047  }
0x4fe: {  	s0 =	stileid.u32;
	[bflag:$0x2] =	sbarrier.arrive $0xFFFF  }
0x4ff: {  	p0 =	sne.s32 s0, $0x0;
	s0 =	rddreg [dreg:$0x5]  }
0x500: {  	s0 =	sadd.s32 @!p0 $0x100000, s0  }
0x501: {  	[sflag:s0] =	ssyncadd.tile.s32 @!p0 $0x1;
	_ =	shalt  }
.Lfunc_end2:
_tile_overlayer_lowered:
.L_overlay_start_2:
0x502: {  	(tag) =	ssettag $0x2  }
0x503: {  	s0 =	rddreg [dreg:$0x0];
	s2 =	stileid.u32  }
0x504: {  	s1 =	rddreg [dreg:$0x1];
	p0 =	sne.s32 s2, $0x0  }
0x505: {  	s3 =	rddreg [dreg:$0x2];
	[bflag:$0x3] =	sbarrier.arrive $0xFFFF;
	s2 =	simm.s32 @!p0 $0x1C08  }
0x506: {  	[timem:s3], [sflag:s2] =	dma.local @!p0 [hbm:s0], s1  }
0x507: {  	s0 =	simm.s32 @!p0 $0x8  }
0x508: {  	_ =	swait.ge @!p0 [sflag:s0], s1  }
0x509: {  	s1 =	ssub.s32 @!p0 $0x0, s1;
	[sflag:s0] =	ssyncset.done @!p0 $0x0  }
0x50a: {  	[sflag:s0] =	ssyncadd.s32 @!p0 s1  }
0x50b: {  	[bflag:$0x3] =	sbarrier.arrive $0xFFFF  }
0x50c: {  	_ =	shalt  }

// kernel: kernel.7.cloned.1.call-start
scs
__scs_entry_jumppad:
0x0: {  	(pc) =	sbr.rel $0x88, $3  }
0x1: {  	(tag) =	ssettag $0x0;
	lr =	simm.s32 $0x1  }
0x2: {  	[smem:$0x3F9A] =	sst lr;
	_ =	strace $0xD0000000  }
0x3: {  	_ = 	snop  }
0x4: {  	_ = 	snop  }
0x5: {  	_ = 	snop  }
0x6: {  	_ = 	snop  }
0x7: {  	_ = 	snop  }
__scs_overlays_trampoline_lowered:
0x8: {  	[smem:$0x3FA9] =	sst s0  }
0x9: {  	[smem:$0x3FAA] =	sst s1  }
0xa: {  	[smem:$0x3FAB] =	sst s2  }
0xb: {  	[smem:$0x3FAC] =	sst s3  }
0xc: {  	[smem:$0x3FAD] =	sst s4  }
0xd: {  	[smem:$0x3FAE] =	sst s5  }
0xe: {  	[smem:$0x3FAF] =	sst s6  }
0xf: {  	[smem:$0x3FB0] =	sst s7  }
0x10: {  	[smem:$0x3FB1] =	sst s8  }
0x11: {  	[smem:$0x3FB2] =	sst s9;
	s0 =	simm.s32 @!p0 $0x0  }
0x12: {  	s1 =	sld [smem:$0x3F98];
	s0 =	simm.s32 @p0 $0x1  }
0x13: {  	[smem:$0x3FB3] =	sst s0;
	s0 =	simm.s32 @!p1 $0x0  }
0x14: {  	s2 =	sld [smem:$0x3F97];
	s0 =	simm.s32 @p1 $0x1  }
0x15: {  	[smem:$0x3FB4] =	sst s0;
	s0 =	simm.s32 @!p2 $0x0  }
0x16: {  	s3 =	sld [smem:$0x3FDB];
	s0 =	simm.s32 @p2 $0x1  }
0x17: {  	s4 =	simm.s32 $0x1BF5;
	[smem:$0x3FB6] =	sst s0  }
0x18: {  	s0 =	sld [smem:$0x3F99];
	_ =	swait.ge [sflag:s4], $0x0  }
0x19: {  	s7 =	sld [smem:$0x3F9A]  }
0x1a: {  	s8 =	sadd.s32 $0xFFFFE003, lr  }
0x1b: {  	s9 =	sadd.s32 $0xFFFFFEF7, lr;
	s5 =	simm.s32 $0xFFFFFFFF;
	p2 =	slt.u32 s8, $0xFFFFF086  }
0x1c: {  	p1 =	slt.u32 s9, $0xF7A;
	s5 =	simm.s32 @!p2 $0x0  }
0x1d: {  	s5 =	simm.s32 @p1 $0x1;
	p0 =	seq.s32 s7, s2  }
0x1e: {  	s7 =	smul.u32 @!p0 $0xF7A, s2;
	p2 =	seq.s32 @!p0 s5, $0x0  }
0x1f: {  	s9 =	smul.u32 $0xF7A, s1;
	s8 =	simm.s32 @!p0 $0x1BF5;
	p2 =	por !p2, p0  }
0x20: {  	[sflag:s8] =	ssyncset.s32 @!p0 $0xFFFFF086;
	s6 =	sadd.s32 @!p0 s3, s7;
	s7 =	simm.s32 @!p0 $0x108  }
0x21: {  	s3 =	sadd.s32 s3, s9;
	s6 =	sadd.s32 @!p0 $0x88, s6;
	s7 =	simm.s32 @p2 $0x1082  }
0x22: {  	[simem:s7], [sflag:s8] =	dma.local @!p0 [hbm:s6], $0xF7A  }
0x23: {  	s9 =	sor.u32 $0xD0000000, s2;
	s6 =	simm.s32 $0x108;
	_ =	swait.ge @!p0 [sflag:s8], $0x0  }
0x24: {  	s3 =	sadd.s32 $0x88, s3;
	s6 =	simm.s32 @!p1 $0x1082;
	[sflag:s4] =	ssyncset.s32 $0xFFFFF086  }
0x25: {  	[simem:s6], [sflag:s4] =	dma.local [hbm:s3], $0xF7A  }
0x26: {  	[smem:$0x3F9A] =	sst s1;
	(tag) =	ssettag s2;
	_ =	strace s9  }
0x27: {  	s1 =	sld [smem:$0x3FAA]  }
0x28: {  	s2 =	sld [smem:$0x3FAB]  }
0x29: {  	s4 =	sld [smem:$0x3FAD]  }
0x2a: {  	p0 =	seq.s32 s5, $0x0;
	s5 =	sld [smem:$0x3FAE]  }
0x2b: {  	s6 =	sld [smem:$0x3FAF]  }
0x2c: {  	s7 =	sld [smem:$0x3FB0]  }
0x2d: {  	s3 =	simm.s32 $0x108;
	s8 =	sld [smem:$0x3FB1]  }
0x2e: {  	s3 =	simm.s32 @!p0 $0x1082;
	s9 =	sld [smem:$0x3FB2]  }
0x2f: {  	lr =	sadd.s32 s0, s3;
	s0 =	sld [smem:$0x3FA9]  }
0x30: {  	s3 =	sld [smem:$0x3FAC]  }
0x31: {  	[smem:$0x3FB5] =	sst s10  }
0x32: {  	s10 =	sld [smem:$0x3FB3];
	_ =	sdelay $0x3  }
0x33: {  	p0 =	seq.s32 s10, $0x1;
	s10 =	sld [smem:$0x3FB5];
	_ =	sdelay $0x3  }
0x34: {  	[smem:$0x3FB5] =	sst s10  }
0x35: {  	s10 =	sld [smem:$0x3FB4];
	_ =	sdelay $0x3  }
0x36: {  	p1 =	seq.s32 s10, $0x1;
	s10 =	sld [smem:$0x3FB5];
	_ =	sdelay $0x3  }
0x37: {  	[smem:$0x3FB5] =	sst s10  }
0x38: {  	s10 =	sld [smem:$0x3FB6]  }
0x39: {  	_ = 	snop;
	(pc) =	sbr.ind lr, $3  }
0x3a: {  	_ = 	snop  }
0x3b: {  	_ = 	snop  }
0x3c: {  	p2 =	seq.s32 s10, $0x1;
	s10 =	sld [smem:$0x3FB5]  }
0x3d: {  	_ =	shalt  }
0x3e: {  	_ =	shalt  }
0x3f: {  	_ =	shalt  }
0x40: {  	_ =	shalt  }
0x41: {  	_ =	shalt  }
0x42: {  	_ =	shalt  }
0x43: {  	_ =	shalt  }
0x44: {  	_ =	shalt  }
0x45: {  	_ =	shalt  }
0x46: {  	_ =	shalt  }
0x47: {  	_ =	shalt  }
0x48: {  	_ =	shalt  }
0x49: {  	_ =	shalt  }
0x4a: {  	_ =	shalt  }
0x4b: {  	_ =	shalt  }
0x4c: {  	_ =	shalt  }
0x4d: {  	_ =	shalt  }
0x4e: {  	_ =	shalt  }
0x4f: {  	_ =	shalt  }
0x50: {  	_ =	shalt  }
0x51: {  	_ =	shalt  }
0x52: {  	_ =	shalt  }
0x53: {  	_ =	shalt  }
0x54: {  	_ =	shalt  }
0x55: {  	_ =	shalt  }
0x56: {  	_ =	shalt  }
0x57: {  	_ =	shalt  }
0x58: {  	_ =	shalt  }
0x59: {  	_ =	shalt  }
0x5a: {  	_ =	shalt  }
0x5b: {  	_ =	shalt  }
0x5c: {  	_ =	shalt  }
0x5d: {  	_ =	shalt  }
0x5e: {  	_ =	shalt  }
0x5f: {  	_ =	shalt  }
0x60: {  	_ =	shalt  }
0x61: {  	_ =	shalt  }
0x62: {  	_ =	shalt  }
0x63: {  	_ =	shalt  }
0x64: {  	_ =	shalt  }
0x65: {  	_ =	shalt  }
0x66: {  	_ =	shalt  }
0x67: {  	_ =	shalt  }
0x68: {  	_ =	shalt  }
0x69: {  	_ =	shalt  }
0x6a: {  	_ =	shalt  }
0x6b: {  	_ =	shalt  }
0x6c: {  	_ =	shalt  }
0x6d: {  	_ =	shalt  }
0x6e: {  	_ =	shalt  }
0x6f: {  	_ =	shalt  }
0x70: {  	_ =	shalt  }
0x71: {  	_ =	shalt  }
0x72: {  	_ =	shalt  }
0x73: {  	_ =	shalt  }
0x74: {  	_ =	shalt  }
0x75: {  	_ =	shalt  }
0x76: {  	_ =	shalt  }
0x77: {  	_ =	shalt  }
0x78: {  	_ =	shalt  }
0x79: {  	_ =	shalt  }
0x7a: {  	_ =	shalt  }
0x7b: {  	_ =	shalt  }
0x7c: {  	_ =	shalt  }
0x7d: {  	_ =	shalt  }
0x7e: {  	_ =	shalt  }
0x7f: {  	_ =	shalt  }
0x80: {  	_ =	shalt  }
0x81: {  	_ =	shalt  }
0x82: {  	_ =	shalt  }
0x83: {  	_ =	shalt  }
0x84: {  	_ =	shalt  }
0x85: {  	_ =	shalt  }
0x86: {  	_ =	shalt  }
0x87: {  	_ =	shalt  }
.Lfunc_end0:
.L_simem_size_0:
called_computation.1_lowered:
.L_overlay_start_0:
0x88: {  	s2 =	sld [smem:$0x3FD9]  }
0x89: {  	s3 =	sld [smem:$0x3FFE];
	_ =	sdelay $0x1  }
0x8a: {  	s1 =	srdreg.scid  }
0x8b: {  	s0 =	sand.u32 $0x1, s1  }
0x8c: {  	s17 =	sshll.u32 s0, $0xA;
	s2 =	sadd.s32 s3, s2  }
0x8d: {  	s2 =	sadd.s32 s2, s17  }
0x8e: {  	[smem:$0x3FC1] =	sst s2  }
0x8f: {  	_ = 	snop  }
0x90: {  	s2 =	sld [smem:$0x3FC9]  }
0x91: {  	s18 =	sld [smem:$0x3FC8]  }
0x92: {  	s4 =	sld [smem:$0x3FD0];
	(tm) =	ssettm $0x1  }
0x93: {  	s5 =	sld [smem:$0x3FFB];
	_ =	sdelay $0x3  }
0x94: {  	_ =	strace s5  }
0x95: {  	s5 =	sld [smem:$0x3FFC];
	_ =	sdelay $0x3  }
0x96: {  	_ =	strace s5  }
0x97: {  	s5 =	sld [smem:$0x3FFD];
	_ =	sdelay $0x3  }
0x98: {  	_ =	strace s5  }
0x99: {  	_ =	strace $0x8FFFFFFF  }
0x9a: {  	s19 =	sld [smem:$0x3FDB];
	_ =	sdelay $0x1  }
0x9b: {  	s6 =	simm.s32 $_scs_section_size  }
0x9c: {  	s7 =	simm.s32 $_size__tile_overlayer_lowered;
	s8 =	simm.s32 $_tile_overlayer_lowered  }
0x9d: {  	s22 =	simm.s32 $0x1BFF;
	s21 =	sshll.u32 s8, $0x1;
	s5 =	sadd.s32 s6, s19  }
0x9e: {  	s9 =	simm.s32 $0x0;
	s20 =	sshll.u32 s7, $0x1;
	s7 =	sadd.s32 s21, s5  }
0x9f: {  	[timem:s9], [sflag:s22] =	dma.local [hbm:s7], s20  }
0xa0: {  	_ =	swait.ge [sflag:s22], s20  }
0xa1: {  	s6 =	ssub.s32 $0x0, s20;
	[sflag:s22] =	ssyncset.done $0x0  }
0xa2: {  	[sflag:s22] =	ssyncadd.s32 s6;
	_ =	sdelay $0x1  }
0xa3: {  	s23 =	simm.s32 $0x1B8B  }
0xa4: {  	_ =	swait.ge [sflag:s23], $0x1  }
0xa5: {  	[sflag:s23] =	ssyncset.done $0x0  }
0xa6: {  	s25 =	simm.s32 $0x1B8E;
	s24 =	sld [smem:$0x3FFE];
	[sflag:s23] =	ssyncadd.s32 $0xFFFFFFFF  }
0xa7: {  	s26 =	simm.s32 $execute0_lowered;
	[smem:$0x3FD2] =	sst s25  }
0xa8: {  	s7 =	sshll.u32 s26, $0x1;
	_ =	strace $0x80000049;
	[dreg:$0x1] =	wrdreg $0xFFFFFFFF  }
0xa9: {  	s28 =	simm.s32 $_size_execute0_lowered;
	s5 =	sadd.s32 s5, s7;
	[dreg:$0x0] =	wrdreg $0x0  }
0xaa: {  	s7 =	sshll.u32 s28, $0x1;
	[dreg:$0x2] =	wrdreg s5  }
0xab: {  	[dreg:$0x3] =	wrdreg s7  }
0xac: {  	[dreg:$0x4] =	wrdreg $0xC0  }
0xad: {  	_ =	task [dreg:s9], $0x5FFFF  }
0xae: {  	[dreg:$0x1] =	wrdreg $0xFFFFFFFF  }
0xaf: {  	[dreg:$0x0] =	wrdreg $0x60  }
0xb0: {  	[dreg:$0x2] =	wrdreg s2  }
0xb1: {  	[dreg:$0x3] =	wrdreg s18  }
0xb2: {  	[dreg:$0x4] =	wrdreg s24  }
0xb3: {  	[dreg:$0x5] =	wrdreg s4  }
0xb4: {  	[dreg:$0x6] =	wrdreg $0x9  }
0xb5: {  	_ =	task.clear_ibuf [dreg:s9], $0x7FFFF;
	_ =	strace $0x90000049  }
0xb6: {  	s29 =	simm.s32 $0x9;
	_ =	strace $0x8000004B  }
0xb7: {  	_ =	swait.ge [sflag:s29], $0x1  }
0xb8: {  	[sflag:s29] =	ssyncadd.s32 $0xFFFFFFFF  }
0xb9: {  	_ =	strace $0x9000004B  }
0xba: {  	_ =	sfence  }
0xbb: {  	s30 =	sld [smem:$0x0];
	_ =	sdelay $0x2  }
0xbc: {  	s31 =	sshll.u32 s1, $0xD;
	s1 =	sshrl.u32 s1, $0x2  }
0xbd: {  	s3 =	sand.u32 $0x4000, s31;
	s1 =	sadd.s32 s1, s30  }
0xbe: {  	s0 =	sor.u32 s3, s0;
	s1 =	sshll.u32 s1, $0x11  }
0xbf: {  	s0 =	sor.u32 s1, s0  }
0xc0: {  	s0 =	sadd.s32 $0x8F2B, s0  }
0xc1: {  	[sflag:s0] =	ssyncadd.remote.s32 $0x1  }
0xc2: {  	_ =	sfence.sel $0xFFFF  }
0xc3: {  	[dreg:$0x0] =	wrdreg $0xFFFFFFFF;
	(pc) =	sbr.abs _section_cstart, $3  }
0xc4: {  	[dreg:$0x1] =	wrdreg $0xFFFFFFFF  }
0xc5: {  	_ =	task.clear_ibuf [dreg:s9], $0x2FFFF;
	_ =	strace $0x9FFFFFFF  }
0xc6: {  	(tm) =	ssettm $0x7FFFFFFF  }
0xc7: {  	_ =	shalt  }
tec
execute0_lowered:
.L_overlay_start_1:
0x0: {  	(tag) =	ssettag $0x1  }
0x1: {  	s0 =	rddreg [dreg:$0x0]  }
0x2: {  	s2 =	rddreg [dreg:$0x1]  }
0x3: {  	s4 =	rddreg [dreg:$0x2]  }
0x4: {  	s7 =	rddreg [dreg:$0x3];
	s1 =	simm.s32 $0x0;
	s3 =	srdreg.scid  }
0x5: {  	s9 =	stileid.u32;
	s10 =	simm.s32 $0x200;
	s11 =	simm.s32 $0x40  }
0x6: {  	s16 =	simm.s32 $0x2400;
	s17 =	simm.s32 $0x6400;
	s18 =	simm.s32 $0x240  }
0x7: {  	s19 =	simm.s32 $0xA400;
	s20 =	simm.s32 $0xE400;
	s21 =	simm.s32 $0x1  }
0x8: {  	s22 =	simm.s32 $0x10400;
	s23 =	simm.s32 $0x2;
	s24 =	simm.s32 $0x10C00  }
0x9: {  	s25 =	simm.s32 $0x0;
	[smem:$0x7FF] =	sst s1;
	s5 =	sand.u32 $0x1, s3  }
.Ltmp0:
0xa: {  	s3 =	sadd.s32 $0x27E00, s4;
	s9 =	sshll.u32 s9, $0x6;
	(pc) =	sbr.rel .LBB2_1-.Ltmp0, $4  }
0xb: {  	s4 =	sadd.s32 $0x4F000, s4;
	s6 =	ssub.s32 $0x2, s5;
	s5 =	sshll.u32 s5, $0xA  }
0xc: {  	_ =	strace $0x8000004A;
	s8 =	sshrl.u32 s6, $0x1;
	s9 =	sor.u32 s9, s5  }
0xd: {  	v0 =	vlaneseq.u32;
	s8 =	ssub.s32 s6, s8;
	s5 =	sadd.s32 s0, s9;
	s6 =	sadd.s32 s2, s9  }
0xe: {  	v0 =	vmul.u32 $0x80, v0;
	s7 =	sadd.s32 s7, s9;
	s9 =	simm.s32 $0x3;
	s8 =	smax.u32 s8, $0x1  }
.LBB2_18:
0xf: {  	s25 =	sadd.s32 $0x1, s25  }
0x10: {  	p0 =	sne.s32 s25, s8  }
.Ltmp1:
0x11: {  	_ = 	snop;
	(pc) =	sbr.rel @!p0 .LBB2_19-.Ltmp1, $4  }
0x12: {  	[hbm4b:s7+s1] =	stream.linear.scatter [tilespmem:s24], [sflag:$0x3], $0x200, $0x38;
	[tilespmem:$0x10E00] =	vst v63  }
0x13: {  	_ =	swait.ge [sflag:s9], $0x200  }
0x14: {  	[sflag:s9] =	ssyncset.done $0x0  }
0x15: {  	[sflag:s9] =	ssyncadd.s32 $0xFFFFFE00  }
.LBB2_1:
0x16: {  	[tilespmem:s1], [sflag:$0x3] =	stream.linear.gather [hbm4b:s5+s1], $0x200, $0x38;
	[tilespmem:$0x10E00] =	vst v63  }
0x17: {  	_ =	swait.ge [sflag:s9], $0x200  }
0x18: {  	[sflag:s9] =	ssyncset.done $0x0  }
0x19: {  	[sflag:s9] =	ssyncadd.s32 $0xFFFFFE00  }
0x1a: {  	[tilespmem:s10], [sflag:$0x3] =	stream.linear.gather [hbm4b:s6+s1], $0x200, $0x38;
	[tilespmem:$0x10E00] =	vst v63  }
0x1b: {  	_ =	swait.ge [sflag:s9], $0x200  }
0x1c: {  	[sflag:s9] =	ssyncset.done $0x0  }
0x1d: {  	s2 =	simm.s32 $0x220;
	[sflag:s9] =	ssyncadd.s32 $0xFFFFFE00  }
0x1e: {  	v1 =	vld [tilespmem:s2+$0xFFFFFFE0]  }
0x1f: {  	v3 =	vld [tilespmem:s2+$0x0]  }
0x20: {  	v2 =	vld [tilespmem:s2+$0x10]  }
0x21: {  	v4 =	vld [tilespmem:s2+$0xFFFFFFF0];
	_ =	sdelay $0x1  }
0x22: {  	s0 =	simm.s32 $0x260;
	v5 =	vadd.s32 $0x1388, v1  }
0x23: {  	v1 =	vld [tilespmem:s0+$0xFFFFFFE0];
	v6 =	vadd.s32 $0x1388, v3;
	[tilespmem:s2+$0xFFFFFFE0] =	vst v5  }
0x24: {  	v3 =	vld [tilespmem:s0+$0x0];
	v5 =	vadd.s32 $0x1388, v2;
	[tilespmem:s2+$0x0] =	vst v6  }
0x25: {  	s12 =	simm.s32 $0x4;
	v4 =	vadd.s32 $0x1388, v4;
	v2 =	vld [tilespmem:s0+$0x10];
	[tilespmem:s2+$0x10] =	vst v5  }
.LBB2_2:
0x26: {  	s12 =	sadd.s32 $0x4, s12  }
0x27: {  	v5 =	vld [tilespmem:s0+$0xFFFFFFF0];
	[tilespmem:s2+$0xFFFFFFF0] =	vst v4;
	s2 =	smov.u32 s0;
	p0 =	slt.u32 s12, $0x1C  }
.Ltmp2:
0x28: {  	(pc) =	sbr.rel @p0 .LBB2_2-.Ltmp2, $4  }
0x29: {  	s0 =	sadd.s32 $0x40, s0;
	v4 =	vadd.s32 $0x1388, v1  }
0x2a: {  	v1 =	vld [tilespmem:s0+$0xFFFFFFE0];
	[tilespmem:s2+$0xFFFFFFE0] =	vst v4;
	v4 =	vadd.s32 $0x1388, v2  }
0x2b: {  	v2 =	vld [tilespmem:s0+$0x10];
	v6 =	vadd.s32 $0x1388, v3;
	[tilespmem:s2+$0x10] =	vst v4  }
0x2c: {  	v3 =	vld [tilespmem:s0+$0x0];
	v4 =	vadd.s32 $0x1388, v5;
	[tilespmem:s2+$0x0] =	vst v6  }
0x2d: {  	v5 =	vld [tilespmem:s0+$0xFFFFFFF0];
	_ =	sdelay $0x1  }
0x2e: {  	[tilespmem:s2+$0xFFFFFFF0] =	vst v4;
	v1 =	vadd.s32 $0x1388, v1  }
0x2f: {  	[tilespmem:s0+$0xFFFFFFE0] =	vst v1;
	v1 =	vadd.s32 $0x1388, v2  }
0x30: {  	v2 =	vadd.s32 $0x1388, v3;
	[tilespmem:s0+$0x10] =	vst v1  }
0x31: {  	v1 =	vadd.s32 $0x1388, v5;
	[tilespmem:s0+$0x0] =	vst v2  }
0x32: {  	s26 =	simm.s32 $0x0;
	s28 =	simm.s32 $0x400;
	[tilespmem:s0+$0xFFFFFFF0] =	vst v1  }
0x33: {  	[tilespmem:s28], [sflag:$0x1] =	stream.indirect.gather [hbm4b:s3+s11], $0x80, s26, s11, $0xb8;
	[tilespmem:$0x10E00] =	vst v63  }
0x34: {  	s29 =	simm.s32 $0x4400  }
0x35: {  	[tilespmem:s29], [sflag:$0x1] =	stream.indirect.gather [hbm4b:s4+s11], $0x80, s26, s11, $0xb8;
	[tilespmem:$0x10E00] =	vst v63  }
0x36: {  	s30 =	simm.s32 $0x8400  }
0x37: {  	[tilespmem:s30], [sflag:$0x1] =	stream.indirect.gather [hbm4b:s3+s11], $0x80, s10, s11, $0xb8;
	[tilespmem:$0x10E00] =	vst v63  }
0x38: {  	s31 =	simm.s32 $0xC400  }
0x39: {  	[tilespmem:s31], [sflag:$0x1] =	stream.indirect.gather [hbm4b:s4+s11], $0x80, s10, s11, $0xb8;
	[tilespmem:$0x10E00] =	vst v63  }
0x3a: {  	_ = 	snop  }
0x3b: {  	[tilespmem:s16], [sflag:$0x2] =	stream.indirect.gather [hbm4b:s3+s11], $0x80, s11, s11, $0xb8;
	[tilespmem:$0x10E00] =	vst v63  }
0x3c: {  	_ = 	snop  }
0x3d: {  	[tilespmem:s17], [sflag:$0x2] =	stream.indirect.gather [hbm4b:s4+s11], $0x80, s11, s11, $0xb8;
	[tilespmem:$0x10E00] =	vst v63  }
0x3e: {  	_ = 	snop  }
0x3f: {  	[tilespmem:s19], [sflag:$0x2] =	stream.indirect.gather [hbm4b:s3+s11], $0x80, s18, s11, $0xb8;
	[tilespmem:$0x10E00] =	vst v63  }
0x40: {  	_ = 	snop  }
0x41: {  	[tilespmem:s20], [sflag:$0x2] =	stream.indirect.gather [hbm4b:s4+s11], $0x80, s18, s11, $0xb8;
	[tilespmem:$0x10E00] =	vst v63  }
.LBB2_4:
0x42: {  	_ =	swait.ge [sflag:s21], $0x2000  }
0x43: {  	[sflag:s21] =	ssyncset.done $0x0  }
0x44: {  	[sflag:s21] =	ssyncadd.s32 $0xFFFFE000  }
0x45: {  	_ =	swait.ge [sflag:s21], $0x2000  }
0x46: {  	[sflag:s21] =	ssyncset.done $0x0  }
0x47: {  	[sflag:s21] =	ssyncadd.s32 $0xFFFFE000  }
0x48: {  	_ =	swait.ge [sflag:s21], $0x2000  }
0x49: {  	[sflag:s21] =	ssyncset.done $0x0  }
0x4a: {  	s28 =	sshll.u32 s26, $0x7;
	s30 =	simm.s32 $0x440;
	[sflag:s21] =	ssyncadd.s32 $0xFFFFE000  }
0x4b: {  	s31 =	simm.s32 $0x4470;
	s29 =	sand.u32 $0x3FFFFF80, s28;
	_ =	swait.ge [sflag:s21], $0x2000  }
0x4c: {  	s0 =	simm.s32 $0x8470;
	s12 =	sadd.s32 $0x10C00, s29;
	[sflag:s21] =	ssyncset.done $0x0  }
0x4d: {  	s2 =	simm.s32 $0xC470;
	v1 =	vmov s12;
	s12 =	simm.s32 $0x0;
	[sflag:s21] =	ssyncadd.s32 $0xFFFFE000  }
.LBB2_5:
0x4e: {  	v8 =	vmov s30  }
0x4f: {  	v9 =	vmov s31;
	_ =	sdelay $0x2  }
0x50: {  	s13 =	simm.s32 $0x0  }
0x51: {  	v2 =	vld.idx.msk [tilespmem:v8+s13+$0x30 ss:$0x1], $0xffff  }
0x52: {  	v3 =	vld.idx.msk [tilespmem:v9+s13+$0x0 ss:$0x1], $0xffff  }
0x53: {  	v6 =	vld.idx.msk [tilespmem:v8+s13+$0x20 ss:$0x1], $0xffff  }
0x54: {  	v7 =	vld.idx.msk [tilespmem:v9+s13+$0xFFFFFFF0 ss:$0x1], $0xffff  }
0x55: {  	v10 =	vld.idx.msk [tilespmem:v8+s13+$0x10 ss:$0x1], $0xffff  }
0x56: {  	v11 =	vld.idx.msk [tilespmem:v9+s13+$0xFFFFFFE0 ss:$0x1], $0xffff  }
0x57: {  	v12 =	vld.idx.msk [tilespmem:v8+s13+$0x0 ss:$0x1], $0xffff  }
0x58: {  	v13 =	vld.idx.msk [tilespmem:v9+s13+$0xFFFFFFD0 ss:$0x1], $0xffff  }
0x59: {  	v14 =	vld.idx.msk [tilespmem:v8+s13+$0xFFFFFFF0 ss:$0x1], $0xffff  }
0x5a: {  	v15 =	vld.idx.msk [tilespmem:v9+s13+$0xFFFFFFC0 ss:$0x1], $0xffff  }
0x5b: {  	v16 =	vld.idx.msk [tilespmem:v8+s13+$0xFFFFFFE0 ss:$0x1], $0xffff  }
0x5c: {  	v4 =	vmov s0;
	v17 =	vld.idx.msk [tilespmem:v9+s13+$0xFFFFFFB0 ss:$0x1], $0xffff  }
0x5d: {  	v5 =	vmov s2;
	v18 =	vld.idx.msk [tilespmem:v8+s13+$0xFFFFFFD0 ss:$0x1], $0xffff  }
0x5e: {  	v19 =	vld.idx.msk [tilespmem:v9+s13+$0xFFFFFFA0 ss:$0x1], $0xffff  }
0x5f: {  	v20 =	vld.idx.msk [tilespmem:v9+s13+$0xFFFFFF90 ss:$0x1], $0xffff  }
0x60: {  	v21 =	vld.idx.msk [tilespmem:v8+s13+$0xFFFFFFC0 ss:$0x1], $0xffff  }
0x61: {  	s14 =	simm.s32 $0x0;
	s15 =	simm.s32 $0x200;
	v22 =	vld.idx.msk [tilespmem:v4+s13+$0xFFFFFF90 ss:$0x1], $0xffff  }
.LBB2_6:
0x62: {  	p0 =	sne.s32 s15, $0x1E00;
	v23 =	vld.idx.msk [tilespmem:v5+s13+$0xFFFFFF90 ss:$0x1], $0xffff  }
0x63: {  	v24 =	vld.idx.msk [tilespmem:v4+s13+$0xFFFFFFA0 ss:$0x1], $0xffff  }
0x64: {  	v25 =	vld.idx.msk [tilespmem:v5+s13+$0xFFFFFFA0 ss:$0x1], $0xffff  }
0x65: {  	v26 =	vld.idx.msk [tilespmem:v4+s13+$0xFFFFFFB0 ss:$0x1], $0xffff  }
0x66: {  	v27 =	vld.idx.msk [tilespmem:v5+s13+$0xFFFFFFB0 ss:$0x1], $0xffff  }
0x67: {  	v28 =	vld.idx.msk [tilespmem:v4+s13+$0xFFFFFFC0 ss:$0x1], $0xffff  }
0x68: {  	v20 =	vadd.f32 v20, v21;
	v21 =	vadd.f32 v23, v22;
	v22 =	vld.idx.msk [tilespmem:v5+s13+$0xFFFFFFC0 ss:$0x1], $0xffff  }
0x69: {  	v23 =	vld.idx.msk [tilespmem:v4+s13+$0xFFFFFFD0 ss:$0x1], $0xffff  }
0x6a: {  	v18 =	vadd.f32 v19, v18;
	v20 =	vmul.f32 v21, v20;
	v19 =	vadd.f32 v25, v24;
	v21 =	vld.idx.msk [tilespmem:v5+s13+$0xFFFFFFD0 ss:$0x1], $0xffff  }
0x6b: {  	v16 =	vadd.f32 v17, v16;
	v17 =	vld.idx.msk [tilespmem:v4+s13+$0xFFFFFFE0 ss:$0x1], $0xffff  }
0x6c: {  	v20 =	vadd.f32 $0.0e+00, v20;
	v18 =	vmul.f32 v19, v18;
	v19 =	vadd.f32 v27, v26;
	v24 =	vld.idx.msk [tilespmem:v5+s13+$0xFFFFFFE0 ss:$0x1], $0xffff  }
0x6d: {  	v14 =	vadd.f32 v15, v14;
	v15 =	vld.idx.msk [tilespmem:v4+s13+$0xFFFFFFF0 ss:$0x1], $0xffff  }
0x6e: {  	v18 =	vadd.f32 v18, v20;
	v16 =	vmul.f32 v19, v16;
	v19 =	vadd.f32 v22, v28;
	v20 =	vld.idx.msk [tilespmem:v5+s13+$0xFFFFFFF0 ss:$0x1], $0xffff  }
0x6f: {  	v12 =	vadd.f32 v13, v12;
	v13 =	vld.idx.msk [tilespmem:v4+s13+$0x0 ss:$0x1], $0xffff  }
0x70: {  	v16 =	vadd.f32 v16, v18;
	v14 =	vmul.f32 v19, v14;
	v18 =	vadd.f32 v21, v23;
	v19 =	vld.idx.msk [tilespmem:v5+s13+$0x0 ss:$0x1], $0xffff  }
0x71: {  	v10 =	vadd.f32 v11, v10  }
0x72: {  	v11 =	vadd.f32 v14, v16;
	v12 =	vmul.f32 v18, v12;
	v14 =	vadd.f32 v24, v17  }
0x73: {  	v6 =	vadd.f32 v7, v6  }
0x74: {  	v7 =	vadd.f32 v12, v11;
	v10 =	vmul.f32 v14, v10;
	v11 =	vadd.f32 v20, v15  }
0x75: {  	v2 =	vadd.f32 v3, v2  }
0x76: {  	v3 =	vadd.f32 v10, v7;
	v6 =	vmul.f32 v11, v6;
	v7 =	vadd.f32 v19, v13;
	_ =	sdelay $0x1  }
0x77: {  	v3 =	vadd.f32 v6, v3;
	v2 =	vmul.f32 v7, v2;
	_ =	sdelay $0x1  }
0x78: {  	v2 =	vadd.f32 v2, v3;
	_ =	sdelay $0x1  }
0x79: {  	[tilespmem:s13+$0x10400] =	vst v2;
	s13 =	sshra.s32 s15, $0x2  }
0x7a: {  	v2 =	vld.idx.msk [tilespmem:v8+s13+$0x30 ss:$0x1], $0xffff  }
0x7b: {  	v3 =	vld.idx.msk [tilespmem:v9+s13+$0x0 ss:$0x1], $0xffff  }
0x7c: {  	v6 =	vld.idx.msk [tilespmem:v8+s13+$0x20 ss:$0x1], $0xffff  }
0x7d: {  	v7 =	vld.idx.msk [tilespmem:v9+s13+$0xFFFFFFF0 ss:$0x1], $0xffff  }
0x7e: {  	v10 =	vld.idx.msk [tilespmem:v8+s13+$0x10 ss:$0x1], $0xffff  }
0x7f: {  	v11 =	vld.idx.msk [tilespmem:v9+s13+$0xFFFFFFE0 ss:$0x1], $0xffff  }
0x80: {  	v12 =	vld.idx.msk [tilespmem:v8+s13+$0x0 ss:$0x1], $0xffff  }
0x81: {  	v13 =	vld.idx.msk [tilespmem:v9+s13+$0xFFFFFFD0 ss:$0x1], $0xffff  }
0x82: {  	v14 =	vld.idx.msk [tilespmem:v8+s13+$0xFFFFFFF0 ss:$0x1], $0xffff  }
0x83: {  	v15 =	vld.idx.msk [tilespmem:v9+s13+$0xFFFFFFC0 ss:$0x1], $0xffff  }
0x84: {  	v16 =	vld.idx.msk [tilespmem:v8+s13+$0xFFFFFFE0 ss:$0x1], $0xffff  }
0x85: {  	v17 =	vld.idx.msk [tilespmem:v9+s13+$0xFFFFFFB0 ss:$0x1], $0xffff  }
.Ltmp3:
0x86: {  	v18 =	vld.idx.msk [tilespmem:v8+s13+$0xFFFFFFD0 ss:$0x1], $0xffff;
	(pc) =	sbr.rel @p0 .LBB2_6-.Ltmp3, $4  }
0x87: {  	v19 =	vld.idx.msk [tilespmem:v9+s13+$0xFFFFFFA0 ss:$0x1], $0xffff  }
0x88: {  	v20 =	vld.idx.msk [tilespmem:v9+s13+$0xFFFFFF90 ss:$0x1], $0xffff  }
0x89: {  	v21 =	vld.idx.msk [tilespmem:v8+s13+$0xFFFFFFC0 ss:$0x1], $0xffff  }
0x8a: {  	s15 =	sadd.s32 $0x200, s15;
	v22 =	vld.idx.msk [tilespmem:v4+s13+$0xFFFFFF90 ss:$0x1], $0xffff  }
0x8b: {  	_ =	sdelay $0x3  }
0x8c: {  	v8 =	vld.idx.msk [tilespmem:v5+s13+$0xFFFFFF90 ss:$0x1], $0xffff  }
0x8d: {  	v9 =	vld.idx.msk [tilespmem:v4+s13+$0xFFFFFFA0 ss:$0x1], $0xffff  }
0x8e: {  	v23 =	vld.idx.msk [tilespmem:v5+s13+$0xFFFFFFA0 ss:$0x1], $0xffff  }
0x8f: {  	v24 =	vld.idx.msk [tilespmem:v4+s13+$0xFFFFFFB0 ss:$0x1], $0xffff  }
0x90: {  	v25 =	vld.idx.msk [tilespmem:v5+s13+$0xFFFFFFB0 ss:$0x1], $0xffff  }
0x91: {  	v26 =	vld.idx.msk [tilespmem:v4+s13+$0xFFFFFFC0 ss:$0x1], $0xffff  }
0x92: {  	v47 =	vld.idx.msk [tilespmem:v5+s13+$0xFFFFFFC0 ss:$0x1], $0xffff;
	v20 =	vadd.f32 v20, v21;
	v8 =	vadd.f32 v8, v22  }
0x93: {  	v48 =	vld.idx.msk [tilespmem:v4+s13+$0xFFFFFFD0 ss:$0x1], $0xffff  }
0x94: {  	v49 =	vld.idx.msk [tilespmem:v5+s13+$0xFFFFFFD0 ss:$0x1], $0xffff;
	v18 =	vadd.f32 v19, v18;
	v9 =	vadd.f32 v23, v9;
	v8 =	vmul.f32 v8, v20  }
0x95: {  	v16 =	vadd.f32 v17, v16;
	v50 =	vld.idx.msk [tilespmem:v4+s13+$0xFFFFFFE0 ss:$0x1], $0xffff  }
0x96: {  	v52 =	vld.idx.msk [tilespmem:v5+s13+$0xFFFFFFE0 ss:$0x1], $0xffff;
	v51 =	vadd.f32 v25, v24;
	v9 =	vmul.f32 v9, v18;
	v8 =	vadd.f32 $0.0e+00, v8  }
0x97: {  	v14 =	vadd.f32 v15, v14;
	v55 =	vld.idx.msk [tilespmem:v4+s13+$0xFFFFFFF0 ss:$0x1], $0xffff  }
0x98: {  	v56 =	vld.idx.msk [tilespmem:v5+s13+$0xFFFFFFF0 ss:$0x1], $0xffff;
	v54 =	vadd.f32 v47, v26;
	v53 =	vmul.f32 v51, v16;
	v8 =	vadd.f32 v9, v8  }
0x99: {  	v12 =	vadd.f32 v13, v12;
	v4 =	vld.idx.msk [tilespmem:v4+s13+$0x0 ss:$0x1], $0xffff  }
0x9a: {  	v5 =	vld.idx.msk [tilespmem:v5+s13+$0x0 ss:$0x1], $0xffff;
	v58 =	vadd.f32 v49, v48;
	v57 =	vmul.f32 v54, v14;
	v8 =	vadd.f32 v53, v8  }
0x9b: {  	v10 =	vadd.f32 v11, v10  }
0x9c: {  	v60 =	vadd.f32 v52, v50;
	v59 =	vmul.f32 v58, v12;
	v8 =	vadd.f32 v57, v8  }
0x9d: {  	v6 =	vadd.f32 v7, v6;
	v62 =	vmov s14  }
0x9e: {  	v7 =	vadd.f32 v56, v55;
	v61 =	vmul.f32 v60, v10;
	v8 =	vadd.f32 v59, v8  }
0x9f: {  	v2 =	vadd.f32 v3, v2;
	v63 =	vand.u32 $0x7F, v62;
	v4 =	vadd.f32 v5, v4  }
0xa0: {  	v5 =	vbroadcast v63, $0x0;
	v6 =	vmul.f32 v7, v6;
	v3 =	vadd.f32 v61, v8;
	_ =	sdelay $0x1  }
0xa1: {  	s15 =	simm.s32 $0x1;
	v2 =	vmul.f32 v4, v2;
	v4 =	vor.u32 v0, v5;
	v3 =	vadd.f32 v6, v3  }
0xa2: {  	v5 =	vmov s15  }
0xa3: {  	v2 =	vadd.f32 v2, v3;
	v3 =	vand.u32 $0x7F, v5  }
0xa4: {  	v5 =	vbroadcast v3, $0x0  }
0xa5: {  	[tilespmem:s13+$0x10400] =	vst v2  }
0xa6: {  	v2 =	vimm.f32 $0.0e+00;
	s13 =	simm.s32 $0x2;
	v3 =	vld.idx.msk [tilespmem:v4+s22+$0x0], $0xffff;
	v4 =	vor.u32 v0, v5  }
.LBB2_8:
0xa7: {  	p0 =	sne.s32 s13, $0xF  }
.Ltmp4:
0xa8: {  	v5 =	vmov s13;
	s13 =	sadd.s32 $0x1, s13;
	(pc) =	sbr.rel @p0 .LBB2_8-.Ltmp4, $4  }
0xa9: {  	v5 =	vand.u32 $0x7F, v5  }
0xaa: {  	v5 =	vbroadcast v5, $0x0  }
0xab: {  	v2 =	vadd.f32 v3, v2;
	v3 =	vld.idx.msk [tilespmem:v4+s22+$0x0], $0xffff  }
0xac: {  	v4 =	vor.u32 v0, v5  }
0xad: {  	_ =	sdelay $0x3  }
0xae: {  	v4 =	vld.idx.msk [tilespmem:v4+s22+$0x0], $0xffff;
	_ =	sdelay $0x2  }
0xaf: {  	s13 =	sshll.u32 s12, $0x4;
	s12 =	sadd.s32 $0x1, s12;
	v2 =	vadd.f32 v3, v2  }
0xb0: {  	p0 =	sne.s32 s12, $0x4  }
.Ltmp5:
0xb1: {  	v2 =	vadd.f32 v4, v2;
	(pc) =	sbr.rel @p0 .LBB2_5-.Ltmp5, $4  }
0xb2: {  	_ = 	snop  }
0xb3: {  	v2 =	vmul.f32 $2.500000000e-01, v2  }
0xb4: {  	s30 =	sadd.s32 $0x800, s30;
	s13 =	sand.u32 $0x3FFFFFF0, s13  }
0xb5: {  	s31 =	sadd.s32 $0x800, s31;
	s0 =	sadd.s32 $0x800, s0;
	s2 =	sadd.s32 $0x800, s2;
	[tilespmem:v1+s13+$0x0 ss:$0x1] =	vst.idx.msk $0xffff, v2  }
0xb6: {  	p0 =	seq.s32 s26, $0x3  }
0xb7: {  	s0 =	sadd.s32 @!p0 $0x80, s28;
	s2 =	simm.s32 @!p0 $0x40;
	s12 =	simm.s32 @!p0 $0x400  }
0xb8: {  	[tilespmem:s12], [sflag:$0x1] =	stream.indirect.gather @!p0 [hbm4b:s3+s2], $0x80, s0, s2, $0xb8;
	[tilespmem:$0x10E00] =	vst v63  }
0xb9: {  	s12 =	simm.s32 @!p0 $0x4400  }
0xba: {  	[tilespmem:s12], [sflag:$0x1] =	stream.indirect.gather @!p0 [hbm4b:s4+s2], $0x80, s0, s2, $0xb8;
	[tilespmem:$0x10E00] =	vst v63  }
0xbb: {  	s0 =	sadd.s32 @!p0 $0x280, s28;
	s12 =	simm.s32 @!p0 $0x8400  }
0xbc: {  	[tilespmem:s12], [sflag:$0x1] =	stream.indirect.gather @!p0 [hbm4b:s3+s2], $0x80, s0, s2, $0xb8;
	[tilespmem:$0x10E00] =	vst v63  }
0xbd: {  	s12 =	simm.s32 @!p0 $0xC400  }
0xbe: {  	[tilespmem:s12], [sflag:$0x1] =	stream.indirect.gather @!p0 [hbm4b:s4+s2], $0x80, s0, s2, $0xb8;
	[tilespmem:$0x10E00] =	vst v63  }
0xbf: {  	_ =	swait.ge [sflag:s23], $0x2000  }
0xc0: {  	[sflag:s23] =	ssyncset.done $0x0  }
0xc1: {  	[sflag:s23] =	ssyncadd.s32 $0xFFFFE000  }
0xc2: {  	_ =	swait.ge [sflag:s23], $0x2000  }
0xc3: {  	[sflag:s23] =	ssyncset.done $0x0  }
0xc4: {  	[sflag:s23] =	ssyncadd.s32 $0xFFFFE000  }
0xc5: {  	_ =	swait.ge [sflag:s23], $0x2000  }
0xc6: {  	[sflag:s23] =	ssyncset.done $0x0  }
0xc7: {  	[sflag:s23] =	ssyncadd.s32 $0xFFFFE000  }
0xc8: {  	s15 =	sadd.s32 $0x10C40, s29;
	s29 =	simm.s32 $0x0;
	_ =	swait.ge [sflag:s23], $0x2000  }
0xc9: {  	s30 =	simm.s32 $0x2470;
	s31 =	simm.s32 $0xE400;
	[sflag:s23] =	ssyncset.done $0x0  }
0xca: {  	v1 =	vmov s15;
	s0 =	simm.s32 $0x6400;
	s2 =	simm.s32 $0xA400;
	[sflag:s23] =	ssyncadd.s32 $0xFFFFE000  }
.LBB2_11:
0xcb: {  	v8 =	vmov s30  }
0xcc: {  	v9 =	vmov s0;
	_ =	sdelay $0x2  }
0xcd: {  	s12 =	simm.s32 $0x0  }
0xce: {  	v2 =	vld.idx.msk [tilespmem:v8+s12+$0x0 ss:$0x1], $0xffff  }
0xcf: {  	v3 =	vld.idx.msk [tilespmem:v9+s12+$0x70 ss:$0x1], $0xffff  }
0xd0: {  	v6 =	vld.idx.msk [tilespmem:v8+s12+$0xFFFFFFF0 ss:$0x1], $0xffff  }
0xd1: {  	v7 =	vld.idx.msk [tilespmem:v9+s12+$0x60 ss:$0x1], $0xffff  }
0xd2: {  	v10 =	vld.idx.msk [tilespmem:v8+s12+$0xFFFFFFE0 ss:$0x1], $0xffff  }
0xd3: {  	v11 =	vld.idx.msk [tilespmem:v9+s12+$0x50 ss:$0x1], $0xffff  }
0xd4: {  	v12 =	vld.idx.msk [tilespmem:v8+s12+$0xFFFFFFD0 ss:$0x1], $0xffff  }
0xd5: {  	v13 =	vld.idx.msk [tilespmem:v9+s12+$0x40 ss:$0x1], $0xffff  }
0xd6: {  	v14 =	vld.idx.msk [tilespmem:v8+s12+$0xFFFFFFC0 ss:$0x1], $0xffff  }
0xd7: {  	v15 =	vld.idx.msk [tilespmem:v9+s12+$0x30 ss:$0x1], $0xffff  }
0xd8: {  	v16 =	vld.idx.msk [tilespmem:v8+s12+$0xFFFFFFB0 ss:$0x1], $0xffff  }
0xd9: {  	v4 =	vmov s2;
	v17 =	vld.idx.msk [tilespmem:v9+s12+$0x20 ss:$0x1], $0xffff  }
0xda: {  	v5 =	vmov s31;
	v18 =	vld.idx.msk [tilespmem:v8+s12+$0xFFFFFFA0 ss:$0x1], $0xffff  }
0xdb: {  	v19 =	vld.idx.msk [tilespmem:v9+s12+$0x10 ss:$0x1], $0xffff  }
0xdc: {  	v20 =	vld.idx.msk [tilespmem:v9+s12+$0x0 ss:$0x1], $0xffff  }
0xdd: {  	v21 =	vld.idx.msk [tilespmem:v8+s12+$0xFFFFFF90 ss:$0x1], $0xffff  }
0xde: {  	s13 =	simm.s32 $0x200;
	v22 =	vld.idx.msk [tilespmem:v4+s12+$0x0 ss:$0x1], $0xffff  }
.LBB2_12:
0xdf: {  	p1 =	sne.s32 s13, $0x1E00;
	v23 =	vld.idx.msk [tilespmem:v5+s12+$0x0 ss:$0x1], $0xffff  }
0xe0: {  	v24 =	vld.idx.msk [tilespmem:v4+s12+$0x10 ss:$0x1], $0xffff  }
0xe1: {  	v25 =	vld.idx.msk [tilespmem:v5+s12+$0x10 ss:$0x1], $0xffff  }
0xe2: {  	v26 =	vld.idx.msk [tilespmem:v4+s12+$0x20 ss:$0x1], $0xffff  }
0xe3: {  	v27 =	vld.idx.msk [tilespmem:v5+s12+$0x20 ss:$0x1], $0xffff  }
0xe4: {  	v28 =	vld.idx.msk [tilespmem:v4+s12+$0x30 ss:$0x1], $0xffff  }
0xe5: {  	v20 =	vadd.f32 v20, v21;
	v21 =	vadd.f32 v23, v22;
	v22 =	vld.idx.msk [tilespmem:v5+s12+$0x30 ss:$0x1], $0xffff  }
0xe6: {  	v23 =	vld.idx.msk [tilespmem:v4+s12+$0x40 ss:$0x1], $0xffff  }
0xe7: {  	v18 =	vadd.f32 v19, v18;
	v20 =	vmul.f32 v21, v20;
	v19 =	vadd.f32 v25, v24;
	v21 =	vld.idx.msk [tilespmem:v5+s12+$0x40 ss:$0x1], $0xffff  }
0xe8: {  	v16 =	vadd.f32 v17, v16;
	v17 =	vld.idx.msk [tilespmem:v4+s12+$0x50 ss:$0x1], $0xffff  }
0xe9: {  	v20 =	vadd.f32 $0.0e+00, v20;
	v18 =	vmul.f32 v19, v18;
	v19 =	vadd.f32 v27, v26;
	v24 =	vld.idx.msk [tilespmem:v5+s12+$0x50 ss:$0x1], $0xffff  }
0xea: {  	v14 =	vadd.f32 v15, v14;
	v15 =	vld.idx.msk [tilespmem:v4+s12+$0x60 ss:$0x1], $0xffff  }
0xeb: {  	v18 =	vadd.f32 v18, v20;
	v16 =	vmul.f32 v19, v16;
	v19 =	vadd.f32 v22, v28;
	v20 =	vld.idx.msk [tilespmem:v5+s12+$0x60 ss:$0x1], $0xffff  }
0xec: {  	v12 =	vadd.f32 v13, v12;
	v13 =	vld.idx.msk [tilespmem:v4+s12+$0x70 ss:$0x1], $0xffff  }
0xed: {  	v16 =	vadd.f32 v16, v18;
	v14 =	vmul.f32 v19, v14;
	v18 =	vadd.f32 v21, v23;
	v19 =	vld.idx.msk [tilespmem:v5+s12+$0x70 ss:$0x1], $0xffff  }
0xee: {  	v10 =	vadd.f32 v11, v10  }
0xef: {  	v11 =	vadd.f32 v14, v16;
	v12 =	vmul.f32 v18, v12;
	v14 =	vadd.f32 v24, v17  }
0xf0: {  	v6 =	vadd.f32 v7, v6  }
0xf1: {  	v7 =	vadd.f32 v12, v11;
	v10 =	vmul.f32 v14, v10;
	v11 =	vadd.f32 v20, v15  }
0xf2: {  	v2 =	vadd.f32 v3, v2  }
0xf3: {  	v3 =	vadd.f32 v10, v7;
	v6 =	vmul.f32 v11, v6;
	v7 =	vadd.f32 v19, v13;
	_ =	sdelay $0x1  }
0xf4: {  	v3 =	vadd.f32 v6, v3;
	v2 =	vmul.f32 v7, v2;
	_ =	sdelay $0x1  }
0xf5: {  	v2 =	vadd.f32 v2, v3;
	_ =	sdelay $0x1  }
0xf6: {  	[tilespmem:s12+$0x10400] =	vst v2;
	s12 =	sshra.s32 s13, $0x2  }
0xf7: {  	v2 =	vld.idx.msk [tilespmem:v8+s12+$0x0 ss:$0x1], $0xffff  }
0xf8: {  	v3 =	vld.idx.msk [tilespmem:v9+s12+$0x70 ss:$0x1], $0xffff  }
0xf9: {  	v6 =	vld.idx.msk [tilespmem:v8+s12+$0xFFFFFFF0 ss:$0x1], $0xffff  }
0xfa: {  	v7 =	vld.idx.msk [tilespmem:v9+s12+$0x60 ss:$0x1], $0xffff  }
0xfb: {  	v10 =	vld.idx.msk [tilespmem:v8+s12+$0xFFFFFFE0 ss:$0x1], $0xffff  }
0xfc: {  	v11 =	vld.idx.msk [tilespmem:v9+s12+$0x50 ss:$0x1], $0xffff  }
0xfd: {  	v12 =	vld.idx.msk [tilespmem:v8+s12+$0xFFFFFFD0 ss:$0x1], $0xffff  }
0xfe: {  	v13 =	vld.idx.msk [tilespmem:v9+s12+$0x40 ss:$0x1], $0xffff  }
0xff: {  	v14 =	vld.idx.msk [tilespmem:v8+s12+$0xFFFFFFC0 ss:$0x1], $0xffff  }
0x100: {  	v15 =	vld.idx.msk [tilespmem:v9+s12+$0x30 ss:$0x1], $0xffff  }
0x101: {  	v16 =	vld.idx.msk [tilespmem:v8+s12+$0xFFFFFFB0 ss:$0x1], $0xffff  }
0x102: {  	v17 =	vld.idx.msk [tilespmem:v9+s12+$0x20 ss:$0x1], $0xffff  }
.Ltmp6:
0x103: {  	v18 =	vld.idx.msk [tilespmem:v8+s12+$0xFFFFFFA0 ss:$0x1], $0xffff;
	(pc) =	sbr.rel @p1 .LBB2_12-.Ltmp6, $4  }
0x104: {  	v19 =	vld.idx.msk [tilespmem:v9+s12+$0x10 ss:$0x1], $0xffff  }
0x105: {  	v20 =	vld.idx.msk [tilespmem:v9+s12+$0x0 ss:$0x1], $0xffff  }
0x106: {  	v21 =	vld.idx.msk [tilespmem:v8+s12+$0xFFFFFF90 ss:$0x1], $0xffff  }
0x107: {  	s13 =	sadd.s32 $0x200, s13;
	v22 =	vld.idx.msk [tilespmem:v4+s12+$0x0 ss:$0x1], $0xffff  }
0x108: {  	_ =	sdelay $0x3  }
0x109: {  	v8 =	vld.idx.msk [tilespmem:v5+s12+$0x0 ss:$0x1], $0xffff  }
0x10a: {  	v9 =	vld.idx.msk [tilespmem:v4+s12+$0x10 ss:$0x1], $0xffff  }
0x10b: {  	v23 =	vld.idx.msk [tilespmem:v5+s12+$0x10 ss:$0x1], $0xffff  }
0x10c: {  	v24 =	vld.idx.msk [tilespmem:v4+s12+$0x20 ss:$0x1], $0xffff  }
0x10d: {  	v25 =	vld.idx.msk [tilespmem:v5+s12+$0x20 ss:$0x1], $0xffff  }
0x10e: {  	v26 =	vld.idx.msk [tilespmem:v4+s12+$0x30 ss:$0x1], $0xffff  }
0x10f: {  	v47 =	vld.idx.msk [tilespmem:v5+s12+$0x30 ss:$0x1], $0xffff;
	v20 =	vadd.f32 v20, v21;
	v8 =	vadd.f32 v8, v22  }
0x110: {  	v48 =	vld.idx.msk [tilespmem:v4+s12+$0x40 ss:$0x1], $0xffff  }
0x111: {  	v49 =	vld.idx.msk [tilespmem:v5+s12+$0x40 ss:$0x1], $0xffff;
	v18 =	vadd.f32 v19, v18;
	v9 =	vadd.f32 v23, v9;
	v8 =	vmul.f32 v8, v20  }
0x112: {  	v16 =	vadd.f32 v17, v16;
	v50 =	vld.idx.msk [tilespmem:v4+s12+$0x50 ss:$0x1], $0xffff  }
0x113: {  	v52 =	vld.idx.msk [tilespmem:v5+s12+$0x50 ss:$0x1], $0xffff;
	v51 =	vadd.f32 v25, v24;
	v9 =	vmul.f32 v9, v18;
	v8 =	vadd.f32 $0.0e+00, v8  }
0x114: {  	v14 =	vadd.f32 v15, v14;
	v55 =	vld.idx.msk [tilespmem:v4+s12+$0x60 ss:$0x1], $0xffff  }
0x115: {  	v56 =	vld.idx.msk [tilespmem:v5+s12+$0x60 ss:$0x1], $0xffff;
	v54 =	vadd.f32 v47, v26;
	v53 =	vmul.f32 v51, v16;
	v8 =	vadd.f32 v9, v8  }
0x116: {  	v12 =	vadd.f32 v13, v12;
	v4 =	vld.idx.msk [tilespmem:v4+s12+$0x70 ss:$0x1], $0xffff  }
0x117: {  	v5 =	vld.idx.msk [tilespmem:v5+s12+$0x70 ss:$0x1], $0xffff;
	v58 =	vadd.f32 v49, v48;
	v57 =	vmul.f32 v54, v14;
	v8 =	vadd.f32 v53, v8  }
0x118: {  	v10 =	vadd.f32 v11, v10  }
0x119: {  	s13 =	simm.s32 $0x0;
	v60 =	vadd.f32 v52, v50;
	v59 =	vmul.f32 v58, v12;
	v8 =	vadd.f32 v57, v8  }
0x11a: {  	v6 =	vadd.f32 v7, v6;
	v62 =	vmov s13  }
0x11b: {  	v7 =	vadd.f32 v56, v55;
	v61 =	vmul.f32 v60, v10;
	v8 =	vadd.f32 v59, v8  }
0x11c: {  	v2 =	vadd.f32 v3, v2;
	v63 =	vand.u32 $0x7F, v62;
	v4 =	vadd.f32 v5, v4  }
0x11d: {  	v5 =	vbroadcast v63, $0x0;
	v6 =	vmul.f32 v7, v6;
	v3 =	vadd.f32 v61, v8;
	_ =	sdelay $0x1  }
0x11e: {  	s15 =	simm.s32 $0x1;
	v2 =	vmul.f32 v4, v2;
	v4 =	vor.u32 v0, v5;
	v3 =	vadd.f32 v6, v3  }
0x11f: {  	v5 =	vmov s15  }
0x120: {  	v2 =	vadd.f32 v2, v3;
	v3 =	vand.u32 $0x7F, v5  }
0x121: {  	v5 =	vbroadcast v3, $0x0  }
0x122: {  	[tilespmem:s12+$0x10400] =	vst v2  }
0x123: {  	v2 =	vimm.f32 $0.0e+00;
	s12 =	simm.s32 $0x2;
	v3 =	vld.idx.msk [tilespmem:v4+s22+$0x0], $0xffff;
	v4 =	vor.u32 v0, v5  }
.LBB2_14:
0x124: {  	p1 =	sne.s32 s12, $0xF  }
.Ltmp7:
0x125: {  	v5 =	vmov s12;
	s12 =	sadd.s32 $0x1, s12;
	(pc) =	sbr.rel @p1 .LBB2_14-.Ltmp7, $4  }
0x126: {  	v5 =	vand.u32 $0x7F, v5  }
0x127: {  	v5 =	vbroadcast v5, $0x0  }
0x128: {  	v2 =	vadd.f32 v3, v2;
	v3 =	vld.idx.msk [tilespmem:v4+s22+$0x0], $0xffff  }
0x129: {  	v4 =	vor.u32 v0, v5  }
0x12a: {  	_ =	sdelay $0x3  }
0x12b: {  	v4 =	vld.idx.msk [tilespmem:v4+s22+$0x0], $0xffff;
	_ =	sdelay $0x2  }
0x12c: {  	s12 =	sshll.u32 s29, $0x4;
	s29 =	sadd.s32 $0x1, s29;
	v2 =	vadd.f32 v3, v2  }
0x12d: {  	p1 =	sne.s32 s29, $0x4  }
.Ltmp8:
0x12e: {  	v2 =	vadd.f32 v4, v2;
	(pc) =	sbr.rel @p1 .LBB2_11-.Ltmp8, $4  }
0x12f: {  	_ = 	snop  }
0x130: {  	v2 =	vmul.f32 $2.500000000e-01, v2  }
0x131: {  	s30 =	sadd.s32 $0x800, s30;
	s12 =	sand.u32 $0x3FFFFFF0, s12  }
0x132: {  	s0 =	sadd.s32 $0x800, s0;
	s2 =	sadd.s32 $0x800, s2;
	s31 =	sadd.s32 $0x800, s31;
	[tilespmem:v1+s12+$0x0 ss:$0x1] =	vst.idx.msk $0xffff, v2  }
.Ltmp9:
0x133: {  	(pc) =	sbr.rel @p0 .LBB2_18-.Ltmp9, $1  }
0x134: {  	_ =	sdelay $0x3  }
0x135: {  	s0 =	sadd.s32 $0xC0, s28  }
0x136: {  	[tilespmem:s16], [sflag:$0x2] =	stream.indirect.gather [hbm4b:s3+s11], $0x80, s0, s11, $0xb8;
	[tilespmem:$0x10E00] =	vst v63  }
0x137: {  	_ = 	snop  }
0x138: {  	[tilespmem:s17], [sflag:$0x2] =	stream.indirect.gather [hbm4b:s4+s11], $0x80, s0, s11, $0xb8;
	[tilespmem:$0x10E00] =	vst v63  }
.Ltmp10:
0x139: {  	_ = 	snop;
	(pc) =	sbr.rel .LBB2_4-.Ltmp10, $4  }
0x13a: {  	s31 =	sadd.s32 $0x2C0, s28  }
0x13b: {  	[tilespmem:s19], [sflag:$0x2] =	stream.indirect.gather [hbm4b:s3+s11], $0x80, s31, s11, $0xb8;
	[tilespmem:$0x10E00] =	vst v63  }
0x13c: {  	s26 =	sadd.s32 $0x1, s26  }
0x13d: {  	[tilespmem:s20], [sflag:$0x2] =	stream.indirect.gather [hbm4b:s4+s11], $0x80, s31, s11, $0xb8;
	[tilespmem:$0x10E00] =	vst v63  }
.LBB2_19:
0x13e: {  	_ =	sfence.sel $0x180000  }
0x13f: {  	[bflag:$0x0] =	sbarrier.arrive $0xFFFF  }
0x140: {  	_ =	strace $0x9000004A  }
0x141: {  	s0 =	stileid.u32;
	[bflag:$0x2] =	sbarrier.arrive $0xFFFF  }
0x142: {  	p0 =	sne.s32 s0, $0x0;
	s0 =	rddreg [dreg:$0x4]  }
0x143: {  	s0 =	sadd.s32 @!p0 $0x100000, s0  }
0x144: {  	[sflag:s0] =	ssyncadd.tile.s32 @!p0 $0x1;
	_ =	shalt  }
.Lfunc_end2:
_tile_overlayer_lowered:
.L_overlay_start_2:
0x145: {  	(tag) =	ssettag $0x2  }
0x146: {  	s0 =	rddreg [dreg:$0x0];
	s2 =	stileid.u32  }
0x147: {  	s1 =	rddreg [dreg:$0x1];
	p0 =	sne.s32 s2, $0x0  }
0x148: {  	s3 =	rddreg [dreg:$0x2];
	[bflag:$0x3] =	sbarrier.arrive $0xFFFF;
	s2 =	simm.s32 @!p0 $0x1C03  }
0x149: {  	[timem:s3], [sflag:s2] =	dma.local @!p0 [hbm:s0], s1  }
0x14a: {  	s0 =	simm.s32 @!p0 $0x3  }
0x14b: {  	_ =	swait.ge @!p0 [sflag:s0], s1  }
0x14c: {  	s1 =	ssub.s32 @!p0 $0x0, s1;
	[sflag:s0] =	ssyncset.done @!p0 $0x0  }
0x14d: {  	[sflag:s0] =	ssyncadd.s32 @!p0 s1  }
0x14e: {  	[bflag:$0x3] =	sbarrier.arrive $0xFFFF  }
0x14f: {  	_ =	shalt  }

</sc_bundles>
